<compile_context>
chip_gen: v7x
topology: tpu7x:2x2x1
jax: 0.10.2.dev20260603
libtpu: 0.0.44.dev20260713+nightly
codegen_flags: <defaults>
</compile_context>

<pallas_src>
import functools

import jax
import jax.numpy as jnp
from jax import lax
from jax.experimental import pallas as pl
from jax.experimental.pallas import tpu as pltpu
from jax.experimental.pallas import tpu_sc as plsc

N = 10000
E = 320000
D = 128

NC = 2
NS = 16
L = 16
NW = NC * NS
EW = E // NW
CH = 80
NCH = EW // CH
RPT = N // NS

_mesh = plsc.VectorSubcoreMesh(core_axis_name="c", subcore_axis_name="s")
_sc_params = pltpu.CompilerParams(
    needs_layout_passes=False, use_tc_tiling_on_sc=False)


@functools.partial(
    pl.kernel,
    out_type=jax.ShapeDtypeStruct((2, NW, N), jnp.float32),
    mesh=_mesh,
    scratch_types=[
        pltpu.VMEM((EW,), jnp.int32),
        pltpu.VMEM((EW,), jnp.int32),
        pltpu.VMEM((N,), jnp.float32),
        pltpu.VMEM((N,), jnp.float32),
    ],
    compiler_params=_sc_params,
)
def _degrees_sc(eidx_hbm, out_hbm, sidx, didx, dego, degi):
    c = lax.axis_index("c")
    s = lax.axis_index("s")
    wid = c * NS + s
    pltpu.sync_copy(eidx_hbm.at[0, wid], sidx)
    pltpu.sync_copy(eidx_hbm.at[1, wid], didx)

    zero16 = jnp.zeros((L,), jnp.float32)

    def zb(g, carry):
        dego[pl.ds(g * L, L)] = zero16
        degi[pl.ds(g * L, L)] = zero16
        return carry

    lax.fori_loop(0, N // L, zb, 0)

    one16 = jnp.ones((L,), jnp.float32)

    def cb(g, carry):
        plsc.addupdate_scatter(dego, [sidx[pl.ds(g * L, L)]], one16)
        plsc.addupdate_scatter(degi, [didx[pl.ds(g * L, L)]], one16)
        return carry

    lax.fori_loop(0, EW // L, cb, 0)

    pltpu.sync_copy(dego, out_hbm.at[0, wid])
    pltpu.sync_copy(degi, out_hbm.at[1, wid])


def _norms_body(degp_ref, out_ref):
    deg = jnp.sum(degp_ref[...], axis=1)
    out_ref[...] = lax.rsqrt(jnp.clip(deg, 1.0, None))


def _norms_tc(degp):
    return pl.pallas_call(
        _norms_body,
        out_shape=jax.ShapeDtypeStruct((2, N), jnp.float32),
    )(degp)


def _feat_body(x_ref, ns_ref, feat_ref):
    feat_ref[...] = x_ref[...] * ns_ref[...]


def _feat_tc(x, nsrc):
    return pl.pallas_call(
        _feat_body,
        out_shape=jax.ShapeDtypeStruct((N, D), jnp.float32),
    )(x, nsrc)


RING = 4


@functools.partial(
    pl.kernel,
    out_type=jax.ShapeDtypeStruct((NC, N, D), jnp.float32),
    mesh=_mesh,
    scratch_types=(
        [pltpu.VMEM_SHARED((N, D), jnp.float32)]
        + [pltpu.VMEM((CH, D), jnp.float32)] * RING
        + [pltpu.VMEM((1, CH), jnp.int32)] * RING
        + [pltpu.VMEM((1, CH), jnp.int32)] * RING
        + [pltpu.VMEM((CH,), jnp.float32)] * RING
        + [pltpu.SemaphoreType.DMA] * (5 * RING)
    ),
    compiler_params=_sc_params,
)
def _scatter_sc(x_hbm, eidx_hbm, w_hbm, out_hbm, agg, *ring):
    rows = ring[:RING]
    sr = ring[RING:2 * RING]
    dr = ring[2 * RING:3 * RING]
    wr = ring[3 * RING:4 * RING]
    semg = ring[4 * RING:5 * RING]
    sems = ring[5 * RING:6 * RING]
    sem_s = ring[6 * RING:7 * RING]
    sem_d = ring[7 * RING:8 * RING]
    sem_w = ring[8 * RING:9 * RING]
    c = lax.axis_index("c")
    s = lax.axis_index("s")
    wid = c * NS + s

    zero16 = jnp.zeros((L,), jnp.float32)

    def zrows(i, carry):
        j = i // (D // L)
        q = i % (D // L)
        rows[0][j, pl.ds(q * L, L)] = zero16
        return carry

    lax.fori_loop(0, CH * (D // L), zrows, 0)

    base = s * RPT
    for k in range(RPT // CH):
        pltpu.sync_copy(rows[0], agg.at[pl.ds(base + k * CH, CH)])
    pltpu.sync_copy(rows[0].at[pl.ds(0, RPT % CH)],
                    agg.at[pl.ds(base + (RPT // CH) * CH, RPT % CH)])

    def fill_edges(k, j):
        pltpu.async_copy(eidx_hbm.at[0, wid, k], sr[j], sem_s[j])
        pltpu.async_copy(eidx_hbm.at[1, wid, k], dr[j], sem_d[j])
        pltpu.async_copy(w_hbm.at[wid, k], wr[j], sem_w[j])

    for j in range(2):
        fill_edges(j, j)
    pltpu.make_async_copy(eidx_hbm.at[0, wid, 0], sr[0], sem_s[0]).wait()
    pltpu.async_copy(x_hbm.at[sr[0].at[0]], rows[0], semg[0])

    plsc.subcore_barrier()

    lane0 = jnp.zeros((L,), jnp.int32)

    def process(k, j):
        pltpu.make_async_copy(x_hbm.at[sr[j].at[0]], rows[j], semg[j]).wait()
        pltpu.make_async_copy(w_hbm.at[wid, k], wr[j], sem_w[j]).wait()

        def scale_row(r4, inner, j=j):
            for u in range(4):
                r = r4 * 4 + u
                sv = plsc.load_gather(wr[j], [lane0 + r])
                for q in range(D // L):
                    rows[j][r, pl.ds(q * L, L)] = (
                        rows[j][r, pl.ds(q * L, L)] * sv)
            return inner

        lax.fori_loop(0, CH // 4, scale_row, 0)
        pltpu.make_async_copy(eidx_hbm.at[1, wid, k], dr[j], sem_d[j]).wait()
        pltpu.async_copy(rows[j], agg.at[dr[j].at[0]], sems[j], add=True)

    def outer(i, carry):
        for j in range(RING):
            k = i * RING + j
            process(k, j)

            j2 = (j + 2) % RING
            j1 = (j + 1) % RING

            @pl.when(k >= 2)
            def _():
                pltpu.make_async_copy(
                    rows[j2], agg.at[dr[j2].at[0]], sems[j2]).wait()

            @pl.when(k + 2 < NCH)
            def _():
                fill_edges(k + 2, j2)

            @pl.when(k + 1 < NCH)
            def _():
                pltpu.make_async_copy(
                    eidx_hbm.at[0, wid, k + 1], sr[j1], sem_s[j1]).wait()
                pltpu.async_copy(x_hbm.at[sr[j1].at[0]], rows[j1], semg[j1])
        return carry

    lax.fori_loop(0, NCH // RING, outer, 0)
    process(NCH - 1, 0)
    for k in (NCH - 3, NCH - 2, NCH - 1):
        j = k % RING
        pltpu.make_async_copy(rows[j], agg.at[dr[j].at[0]], sems[j]).wait()
    plsc.subcore_barrier()
    pltpu.sync_copy(agg.at[pl.ds(base, RPT)], out_hbm.at[c, pl.ds(base, RPT)])


BLK = 1000


def _final_body(agg_ref, w_ref, nd_ref, b_ref, out_ref):
    a = agg_ref[0] + agg_ref[1]
    acc = jnp.dot(a, w_ref[...], preferred_element_type=jnp.float32)
    out_ref[...] = acc * nd_ref[...] + b_ref[...]


def _final_tc(aggp, W, ndst, b):
    return pl.pallas_call(
        _final_body,
        grid=(N // BLK,),
        in_specs=[
            pl.BlockSpec((2, BLK, D), lambda i: (0, i, 0)),
            pl.BlockSpec((D, D), lambda i: (0, 0)),
            pl.BlockSpec((BLK, 1), lambda i: (i, 0)),
            pl.BlockSpec((1, D), lambda i: (0, 0)),
        ],
        out_specs=pl.BlockSpec((BLK, D), lambda i: (i, 0)),
        out_shape=jax.ShapeDtypeStruct((N, D), jnp.float32),
    )(aggp, W, ndst, b.reshape(1, D))


def kernel(node_embedding, edge_embedding, edge_index, W, b):
    eidx = edge_index.astype(jnp.int32)
    w3 = edge_embedding.astype(jnp.float32).reshape(NW, NCH, CH)

    degp = _degrees_sc(eidx.reshape(2, NW, EW))
    norms = _norms_tc(degp)
    feat = _feat_tc(node_embedding, norms[0].reshape(N, 1))
    aggp = _scatter_sc(feat, eidx.reshape(2, NW, NCH, 1, CH), w3)
    return _final_tc(aggp, W, norms[1].reshape(N, 1), b)

# --- scband reference (transcript-rebuilt; emitter-appended) ---
"""Pipeline reference for scband-egatnode-conv-16621523435922 (READ-ONLY COPY).

The authoritative reference and input builder live on the scoring server;
editing this copy changes nothing except your own understanding.
"""

import jax, jax.numpy as jnp
import numpy as np

N = 10000
E = 320000
D = 128

def setup_inputs(seed: int = 0) -> dict:
    key = jax.random.key(seed)
    k1, k2, k3, k4 = jax.random.split(key, 4)
    node_embedding = jax.random.normal(k1, (N, D), dtype=jnp.float32)
    edge_embedding = jax.random.uniform(k2, (E, 1), dtype=jnp.float32)
    edge_index = jax.random.randint(k3, (2, E), 0, N)
    W = jax.random.normal(k4, (D, D), dtype=jnp.float32) * (1.0 / np.sqrt(D))
    b = jnp.zeros((D,), dtype=jnp.float32)
    return {"node_embedding": node_embedding, "edge_embedding": edge_embedding, "edge_index": edge_index, "W": W, "b": b}

def reference(node_embedding, edge_embedding, edge_index, W, b):
    # DGL GraphConv(norm='both') with edge_weight, in_feats == out_feats -> aggregate first, then matmul.
    src = edge_index[0]
    dst = edge_index[1]
    n = node_embedding.shape[0]
    # out-degree normalization on source side (unweighted degrees, clamped to 1)
    deg_out = jnp.clip(jnp.bincount(src, length=n).astype(jnp.float32), 1.0, None)
    norm_src = jnp.power(deg_out, -0.5)
    feat = node_embedding * norm_src[:, None]
    # message = u_mul_e: gather src features, multiply by edge weight
    m = feat[src] * edge_embedding
    # scatter-add to destination nodes
    agg = jnp.zeros((n, node_embedding.shape[1]), dtype=jnp.float32).at[dst].add(m)
    # linear transform
    rst = agg @ W
    # in-degree normalization on destination side
    deg_in = jnp.clip(jnp.bincount(dst, length=n).astype(jnp.float32), 1.0, None)
    norm_dst = jnp.power(deg_in, -0.5)
    rst = rst * norm_dst[:, None]
    rst = rst + b
    return rst

if __name__ == "__main__":
    import jax
    _d = setup_inputs()
    print(jax.jit(kernel)(*tuple(_d.values())))

</pallas_src>

<mosaic_0001>
#map = affine_map<(d0, d1) -> (0, 0)>
#map1 = affine_map<(d0, d1) -> (0, 0, 0, 0, 0)>
#map2 = affine_map<(d0, d1) -> (0, 0, 0)>
module attributes {stable_mosaic.version = 14 : i64} {
  func.func @_scatter_sc(%arg0: i32, %arg1: i32, %arg2: memref<10000x128xf32, #tpu.memory_space<hbm>>, %arg3: memref<2x32x125x1x80xi32, #tpu.memory_space<hbm>>, %arg4: memref<32x125x80xf32, #tpu.memory_space<hbm>>, %arg5: memref<2x10000x128xf32, #tpu.memory_space<hbm>>, %arg6: memref<10000x128xf32, #tpu.memory_space<vmem_shared>>, %arg7: memref<80x128xf32, #tpu.memory_space<vmem>>, %arg8: memref<80x128xf32, #tpu.memory_space<vmem>>, %arg9: memref<80x128xf32, #tpu.memory_space<vmem>>, %arg10: memref<80x128xf32, #tpu.memory_space<vmem>>, %arg11: memref<1x80xi32, #tpu.memory_space<vmem>>, %arg12: memref<1x80xi32, #tpu.memory_space<vmem>>, %arg13: memref<1x80xi32, #tpu.memory_space<vmem>>, %arg14: memref<1x80xi32, #tpu.memory_space<vmem>>, %arg15: memref<1x80xi32, #tpu.memory_space<vmem>>, %arg16: memref<1x80xi32, #tpu.memory_space<vmem>>, %arg17: memref<1x80xi32, #tpu.memory_space<vmem>>, %arg18: memref<1x80xi32, #tpu.memory_space<vmem>>, %arg19: memref<80xf32, #tpu.memory_space<vmem>>, %arg20: memref<80xf32, #tpu.memory_space<vmem>>, %arg21: memref<80xf32, #tpu.memory_space<vmem>>, %arg22: memref<80xf32, #tpu.memory_space<vmem>>, %arg23: memref<!tpu.dma_semaphore, #tpu.memory_space<semaphore_mem>>, %arg24: memref<!tpu.dma_semaphore, #tpu.memory_space<semaphore_mem>>, %arg25: memref<!tpu.dma_semaphore, #tpu.memory_space<semaphore_mem>>, %arg26: memref<!tpu.dma_semaphore, #tpu.memory_space<semaphore_mem>>, %arg27: memref<!tpu.dma_semaphore, #tpu.memory_space<semaphore_mem>>, %arg28: memref<!tpu.dma_semaphore, #tpu.memory_space<semaphore_mem>>, %arg29: memref<!tpu.dma_semaphore, #tpu.memory_space<semaphore_mem>>, %arg30: memref<!tpu.dma_semaphore, #tpu.memory_space<semaphore_mem>>, %arg31: memref<!tpu.dma_semaphore, #tpu.memory_space<semaphore_mem>>, %arg32: memref<!tpu.dma_semaphore, #tpu.memory_space<semaphore_mem>>, %arg33: memref<!tpu.dma_semaphore, #tpu.memory_space<semaphore_mem>>, %arg34: memref<!tpu.dma_semaphore, #tpu.memory_space<semaphore_mem>>, %arg35: memref<!tpu.dma_semaphore, #tpu.memory_space<semaphore_mem>>, %arg36: memref<!tpu.dma_semaphore, #tpu.memory_space<semaphore_mem>>, %arg37: memref<!tpu.dma_semaphore, #tpu.memory_space<semaphore_mem>>, %arg38: memref<!tpu.dma_semaphore, #tpu.memory_space<semaphore_mem>>, %arg39: memref<!tpu.dma_semaphore, #tpu.memory_space<semaphore_mem>>, %arg40: memref<!tpu.dma_semaphore, #tpu.memory_space<semaphore_mem>>, %arg41: memref<!tpu.dma_semaphore, #tpu.memory_space<semaphore_mem>>, %arg42: memref<!tpu.dma_semaphore, #tpu.memory_space<semaphore_mem>>) attributes {dimension_semantics = [#tpu.dimension_semantics<core_parallel>, #tpu.dimension_semantics<subcore_parallel>], iteration_bounds = array<i64: 2, 16>, scalar_prefetch = 0 : i64, scratch_operands = 37 : i64, tpu.core_type = #tpu.core_type<sc_vector_subcore>, window_params = [{transform_indices = #map}, {transform_indices = #map1}, {transform_indices = #map2}, {transform_indices = #map2}]} {
    %mul3A = arith.constant 16 : i32
    %mul3A_0 = arith.muli %arg0, %mul3A : i32
    %add3A = arith.addi %mul3A_0, %arg1 : i32
    %broadcast_in_dim3A = arith.constant 0.000000e+00 : f32
    %broadcast_in_dim3A_1 = vector.broadcast %broadcast_in_dim3A : f32 to vector<16xf32>
    %scan3A = arith.constant 0 : i32
    %scan3A_2 = arith.constant 0 : i32
    %scan3A_3 = arith.constant 640 : i32
    %scan3A_4 = arith.addi %scan3A_2, %scan3A_3 : i32
    %scan3A_5 = arith.constant 1 : i32
    scf.for %scan3A_161 = %scan3A_2 to %scan3A_4 step %scan3A_5  : i32 {
      %jit3A = arith.constant 8 : i32
      %div3A = arith.divsi %scan3A_161, %jit3A : i32
      %sign3A = arith.constant 0 : i32
      %sign3A_162 = arith.cmpi sgt, %scan3A_161, %sign3A : i32
      %sign3A_163 = arith.extui %sign3A_162 : i1 to i32
      %sign3A_164 = arith.constant 0 : i32
      %sign3A_165 = arith.cmpi slt, %scan3A_161, %sign3A_164 : i32
      %sign3A_166 = arith.extui %sign3A_165 : i1 to i32
      %sign3A_167 = arith.subi %sign3A_163, %sign3A_166 : i32
      %sign3A_168 = arith.constant 0 : i32
      %sign3A_169 = arith.cmpi sgt, %jit3A, %sign3A_168 : i32
      %sign3A_170 = arith.extui %sign3A_169 : i1 to i32
      %sign3A_171 = arith.constant 0 : i32
      %sign3A_172 = arith.cmpi slt, %jit3A, %sign3A_171 : i32
      %sign3A_173 = arith.extui %sign3A_172 : i1 to i32
      %sign3A_174 = arith.subi %sign3A_170, %sign3A_173 : i32
      %ne3A = arith.cmpi ne, %sign3A_167, %sign3A_174 : i32
      %rem3A = arith.remsi %scan3A_161, %jit3A : i32
      %ne3A_175 = arith.constant 0 : i32
      %ne3A_176 = arith.cmpi ne, %rem3A, %ne3A_175 : i32
      %and3A = arith.andi %ne3A, %ne3A_176 : i1
      %sub3A = arith.constant 1 : i32
      %sub3A_177 = arith.subi %div3A, %sub3A : i32
      %select_n3A = arith.select %and3A, %sub3A_177, %div3A : i32
      %jit3A_178 = arith.constant 8 : i32
      %eq3A = arith.constant 0 : i32
      %eq3A_179 = arith.cmpi eq, %jit3A_178, %eq3A : i32
      %jit3A_180 = arith.constant 1 : i32
      %select_n3A_181 = arith.select %eq3A_179, %jit3A_180, %jit3A_178 : i32
      %rem3A_182 = arith.remsi %scan3A_161, %select_n3A_181 : i32
      %ne3A_183 = arith.constant 0 : i32
      %ne3A_184 = arith.cmpi ne, %rem3A_182, %ne3A_183 : i32
      %lt3A = arith.constant 0 : i32
      %lt3A_185 = arith.cmpi slt, %rem3A_182, %lt3A : i32
      %lt3A_186 = arith.constant 0 : i32
      %lt3A_187 = arith.cmpi slt, %select_n3A_181, %lt3A_186 : i32
      %ne3A_188 = arith.xori %lt3A_185, %lt3A_187 : i1
      %and3A_189 = arith.andi %ne3A_188, %ne3A_184 : i1
      %add3A_190 = arith.addi %rem3A_182, %select_n3A_181 : i32
      %select_n3A_191 = arith.select %and3A_189, %add3A_190, %rem3A_182 : i32
      %mul3A_192 = arith.constant 16 : i32
      %mul3A_193 = arith.muli %select_n3A_191, %mul3A_192 : i32
      %swap3A = arith.index_cast %select_n3A : i32 to index
      %swap3A_194 = arith.index_cast %mul3A_193 : i32 to index
      %swap3A_195 = tpu.vector_load %arg7[%swap3A, %swap3A_194] {strides = array<i32>} : memref<80x128xf32, #tpu.memory_space<vmem>>, vector<16xf32>,
      tpu.vector_store %arg7[%swap3A, %swap3A_194], %broadcast_in_dim3A_1 {strides = array<i32>} : memref<80x128xf32, #tpu.memory_space<vmem>>, vector<16xf32>,
    }
    %scan3A_6 = arith.constant 640 : i32
    %mul3A_7 = arith.constant 625 : i32
    %mul3A_8 = arith.muli %arg1, %mul3A_7 : i32
    %add3A_9 = arith.constant 0 : i32
    %add3A_10 = arith.addi %mul3A_8, %add3A_9 : i32
    "tpu.region"() ({
      %run_scoped3A = tpu.sem_alloc : memref<!tpu.dma_semaphore, #tpu.memory_space<semaphore_mem>>
      %dma_start3A_161 = arith.constant 0 : i32
      %dma_start3A_162 = tpu.memref_slice %arg6[%add3A_10, %dma_start3A_161] : memref<10000x128xf32, #tpu.memory_space<vmem_shared>> -> memref<80x128xf32, #tpu.memory_space<vmem_shared>>
      %dma_start3A_163 = arith.constant 0 : i32
      %dma_start3A_164 = tpu.memref_slice %arg6[%add3A_10, %dma_start3A_163] : memref<10000x128xf32, #tpu.memory_space<vmem_shared>> -> memref<80x128xf32, #tpu.memory_space<vmem_shared>>
      tpu.enqueue_dma source(%arg7 : memref<80x128xf32, #tpu.memory_space<vmem>>) target(%dma_start3A_164 : memref<80x128xf32, #tpu.memory_space<vmem_shared>>) target_semaphore(%run_scoped3A : memref<!tpu.dma_semaphore, #tpu.memory_space<semaphore_mem>>)
      %dma_wait3A_165 = arith.constant 0 : i32
      %dma_wait3A_166 = tpu.memref_slice %arg6[%add3A_10, %dma_wait3A_165] : memref<10000x128xf32, #tpu.memory_space<vmem_shared>> -> memref<80x128xf32, #tpu.memory_space<vmem_shared>>
      %dma_wait3A_167 = arith.constant 0 : i32
      %dma_wait3A_168 = tpu.memref_slice %arg6[%add3A_10, %dma_wait3A_167] : memref<10000x128xf32, #tpu.memory_space<vmem_shared>> -> memref<80x128xf32, #tpu.memory_space<vmem_shared>>
      tpu.wait_dma2 semaphore(%run_scoped3A : memref<!tpu.dma_semaphore, #tpu.memory_space<semaphore_mem>>) src(%arg7 : memref<80x128xf32, #tpu.memory_space<vmem>>) dst(%dma_wait3A_168 : memref<80x128xf32, #tpu.memory_space<vmem_shared>>)
      tpu.yield
    }) : () -> ()
    %add3A_11 = arith.constant 80 : i32
    %add3A_12 = arith.addi %mul3A_8, %add3A_11 : i32
    "tpu.region"() ({
      %run_scoped3A = tpu.sem_alloc : memref<!tpu.dma_semaphore, #tpu.memory_space<semaphore_mem>>
      %dma_start3A_161 = arith.constant 0 : i32
      %dma_start3A_162 = tpu.memref_slice %arg6[%add3A_12, %dma_start3A_161] : memref<10000x128xf32, #tpu.memory_space<vmem_shared>> -> memref<80x128xf32, #tpu.memory_space<vmem_shared>>
      %dma_start3A_163 = arith.constant 0 : i32
      %dma_start3A_164 = tpu.memref_slice %arg6[%add3A_12, %dma_start3A_163] : memref<10000x128xf32, #tpu.memory_space<vmem_shared>> -> memref<80x128xf32, #tpu.memory_space<vmem_shared>>
      tpu.enqueue_dma source(%arg7 : memref<80x128xf32, #tpu.memory_space<vmem>>) target(%dma_start3A_164 : memref<80x128xf32, #tpu.memory_space<vmem_shared>>) target_semaphore(%run_scoped3A : memref<!tpu.dma_semaphore, #tpu.memory_space<semaphore_mem>>)
      %dma_wait3A_165 = arith.constant 0 : i32
      %dma_wait3A_166 = tpu.memref_slice %arg6[%add3A_12, %dma_wait3A_165] : memref<10000x128xf32, #tpu.memory_space<vmem_shared>> -> memref<80x128xf32, #tpu.memory_space<vmem_shared>>
      %dma_wait3A_167 = arith.constant 0 : i32
      %dma_wait3A_168 = tpu.memref_slice %arg6[%add3A_12, %dma_wait3A_167] : memref<10000x128xf32, #tpu.memory_space<vmem_shared>> -> memref<80x128xf32, #tpu.memory_space<vmem_shared>>
      tpu.wait_dma2 semaphore(%run_scoped3A : memref<!tpu.dma_semaphore, #tpu.memory_space<semaphore_mem>>) src(%arg7 : memref<80x128xf32, #tpu.memory_space<vmem>>) dst(%dma_wait3A_168 : memref<80x128xf32, #tpu.memory_space<vmem_shared>>)
      tpu.yield
    }) : () -> ()
    %add3A_13 = arith.constant 160 : i32
    %add3A_14 = arith.addi %mul3A_8, %add3A_13 : i32
    "tpu.region"() ({
      %run_scoped3A = tpu.sem_alloc : memref<!tpu.dma_semaphore, #tpu.memory_space<semaphore_mem>>
      %dma_start3A_161 = arith.constant 0 : i32
      %dma_start3A_162 = tpu.memref_slice %arg6[%add3A_14, %dma_start3A_161] : memref<10000x128xf32, #tpu.memory_space<vmem_shared>> -> memref<80x128xf32, #tpu.memory_space<vmem_shared>>
      %dma_start3A_163 = arith.constant 0 : i32
      %dma_start3A_164 = tpu.memref_slice %arg6[%add3A_14, %dma_start3A_163] : memref<10000x128xf32, #tpu.memory_space<vmem_shared>> -> memref<80x128xf32, #tpu.memory_space<vmem_shared>>
      tpu.enqueue_dma source(%arg7 : memref<80x128xf32, #tpu.memory_space<vmem>>) target(%dma_start3A_164 : memref<80x128xf32, #tpu.memory_space<vmem_shared>>) target_semaphore(%run_scoped3A : memref<!tpu.dma_semaphore, #tpu.memory_space<semaphore_mem>>)
      %dma_wait3A_165 = arith.constant 0 : i32
      %dma_wait3A_166 = tpu.memref_slice %arg6[%add3A_14, %dma_wait3A_165] : memref<10000x128xf32, #tpu.memory_space<vmem_shared>> -> memref<80x128xf32, #tpu.memory_space<vmem_shared>>
      %dma_wait3A_167 = arith.constant 0 : i32
      %dma_wait3A_168 = tpu.memref_slice %arg6[%add3A_14, %dma_wait3A_167] : memref<10000x128xf32, #tpu.memory_space<vmem_shared>> -> memref<80x128xf32, #tpu.memory_space<vmem_shared>>
      tpu.wait_dma2 semaphore(%run_scoped3A : memref<!tpu.dma_semaphore, #tpu.memory_space<semaphore_mem>>) src(%arg7 : memref<80x128xf32, #tpu.memory_space<vmem>>) dst(%dma_wait3A_168 : memref<80x128xf32, #tpu.memory_space<vmem_shared>>)
      tpu.yield
    }) : () -> ()
    %add3A_15 = arith.constant 240 : i32
    %add3A_16 = arith.addi %mul3A_8, %add3A_15 : i32
    "tpu.region"() ({
      %run_scoped3A = tpu.sem_alloc : memref<!tpu.dma_semaphore, #tpu.memory_space<semaphore_mem>>
      %dma_start3A_161 = arith.constant 0 : i32
      %dma_start3A_162 = tpu.memref_slice %arg6[%add3A_16, %dma_start3A_161] : memref<10000x128xf32, #tpu.memory_space<vmem_shared>> -> memref<80x128xf32, #tpu.memory_space<vmem_shared>>
      %dma_start3A_163 = arith.constant 0 : i32
      %dma_start3A_164 = tpu.memref_slice %arg6[%add3A_16, %dma_start3A_163] : memref<10000x128xf32, #tpu.memory_space<vmem_shared>> -> memref<80x128xf32, #tpu.memory_space<vmem_shared>>
      tpu.enqueue_dma source(%arg7 : memref<80x128xf32, #tpu.memory_space<vmem>>) target(%dma_start3A_164 : memref<80x128xf32, #tpu.memory_space<vmem_shared>>) target_semaphore(%run_scoped3A : memref<!tpu.dma_semaphore, #tpu.memory_space<semaphore_mem>>)
      %dma_wait3A_165 = arith.constant 0 : i32
      %dma_wait3A_166 = tpu.memref_slice %arg6[%add3A_16, %dma_wait3A_165] : memref<10000x128xf32, #tpu.memory_space<vmem_shared>> -> memref<80x128xf32, #tpu.memory_space<vmem_shared>>
      %dma_wait3A_167 = arith.constant 0 : i32
      %dma_wait3A_168 = tpu.memref_slice %arg6[%add3A_16, %dma_wait3A_167] : memref<10000x128xf32, #tpu.memory_space<vmem_shared>> -> memref<80x128xf32, #tpu.memory_space<vmem_shared>>
      tpu.wait_dma2 semaphore(%run_scoped3A : memref<!tpu.dma_semaphore, #tpu.memory_space<semaphore_mem>>) src(%arg7 : memref<80x128xf32, #tpu.memory_space<vmem>>) dst(%dma_wait3A_168 : memref<80x128xf32, #tpu.memory_space<vmem_shared>>)
      tpu.yield
    }) : () -> ()
    %add3A_17 = arith.constant 320 : i32
    %add3A_18 = arith.addi %mul3A_8, %add3A_17 : i32
    "tpu.region"() ({
      %run_scoped3A = tpu.sem_alloc : memref<!tpu.dma_semaphore, #tpu.memory_space<semaphore_mem>>
      %dma_start3A_161 = arith.constant 0 : i32
      %dma_start3A_162 = tpu.memref_slice %arg6[%add3A_18, %dma_start3A_161] : memref<10000x128xf32, #tpu.memory_space<vmem_shared>> -> memref<80x128xf32, #tpu.memory_space<vmem_shared>>
      %dma_start3A_163 = arith.constant 0 : i32
      %dma_start3A_164 = tpu.memref_slice %arg6[%add3A_18, %dma_start3A_163] : memref<10000x128xf32, #tpu.memory_space<vmem_shared>> -> memref<80x128xf32, #tpu.memory_space<vmem_shared>>
      tpu.enqueue_dma source(%arg7 : memref<80x128xf32, #tpu.memory_space<vmem>>) target(%dma_start3A_164 : memref<80x128xf32, #tpu.memory_space<vmem_shared>>) target_semaphore(%run_scoped3A : memref<!tpu.dma_semaphore, #tpu.memory_space<semaphore_mem>>)
      %dma_wait3A_165 = arith.constant 0 : i32
      %dma_wait3A_166 = tpu.memref_slice %arg6[%add3A_18, %dma_wait3A_165] : memref<10000x128xf32, #tpu.memory_space<vmem_shared>> -> memref<80x128xf32, #tpu.memory_space<vmem_shared>>
      %dma_wait3A_167 = arith.constant 0 : i32
      %dma_wait3A_168 = tpu.memref_slice %arg6[%add3A_18, %dma_wait3A_167] : memref<10000x128xf32, #tpu.memory_space<vmem_shared>> -> memref<80x128xf32, #tpu.memory_space<vmem_shared>>
      tpu.wait_dma2 semaphore(%run_scoped3A : memref<!tpu.dma_semaphore, #tpu.memory_space<semaphore_mem>>) src(%arg7 : memref<80x128xf32, #tpu.memory_space<vmem>>) dst(%dma_wait3A_168 : memref<80x128xf32, #tpu.memory_space<vmem_shared>>)
      tpu.yield
    }) : () -> ()
    %add3A_19 = arith.constant 400 : i32
    %add3A_20 = arith.addi %mul3A_8, %add3A_19 : i32
    "tpu.region"() ({
      %run_scoped3A = tpu.sem_alloc : memref<!tpu.dma_semaphore, #tpu.memory_space<semaphore_mem>>
      %dma_start3A_161 = arith.constant 0 : i32
      %dma_start3A_162 = tpu.memref_slice %arg6[%add3A_20, %dma_start3A_161] : memref<10000x128xf32, #tpu.memory_space<vmem_shared>> -> memref<80x128xf32, #tpu.memory_space<vmem_shared>>
      %dma_start3A_163 = arith.constant 0 : i32
      %dma_start3A_164 = tpu.memref_slice %arg6[%add3A_20, %dma_start3A_163] : memref<10000x128xf32, #tpu.memory_space<vmem_shared>> -> memref<80x128xf32, #tpu.memory_space<vmem_shared>>
      tpu.enqueue_dma source(%arg7 : memref<80x128xf32, #tpu.memory_space<vmem>>) target(%dma_start3A_164 : memref<80x128xf32, #tpu.memory_space<vmem_shared>>) target_semaphore(%run_scoped3A : memref<!tpu.dma_semaphore, #tpu.memory_space<semaphore_mem>>)
      %dma_wait3A_165 = arith.constant 0 : i32
      %dma_wait3A_166 = tpu.memref_slice %arg6[%add3A_20, %dma_wait3A_165] : memref<10000x128xf32, #tpu.memory_space<vmem_shared>> -> memref<80x128xf32, #tpu.memory_space<vmem_shared>>
      %dma_wait3A_167 = arith.constant 0 : i32
      %dma_wait3A_168 = tpu.memref_slice %arg6[%add3A_20, %dma_wait3A_167] : memref<10000x128xf32, #tpu.memory_space<vmem_shared>> -> memref<80x128xf32, #tpu.memory_space<vmem_shared>>
      tpu.wait_dma2 semaphore(%run_scoped3A : memref<!tpu.dma_semaphore, #tpu.memory_space<semaphore_mem>>) src(%arg7 : memref<80x128xf32, #tpu.memory_space<vmem>>) dst(%dma_wait3A_168 : memref<80x128xf32, #tpu.memory_space<vmem_shared>>)
      tpu.yield
    }) : () -> ()
    %add3A_21 = arith.constant 480 : i32
    %add3A_22 = arith.addi %mul3A_8, %add3A_21 : i32
    "tpu.region"() ({
      %run_scoped3A = tpu.sem_alloc : memref<!tpu.dma_semaphore, #tpu.memory_space<semaphore_mem>>
      %dma_start3A_161 = arith.constant 0 : i32
      %dma_start3A_162 = tpu.memref_slice %arg6[%add3A_22, %dma_start3A_161] : memref<10000x128xf32, #tpu.memory_space<vmem_shared>> -> memref<80x128xf32, #tpu.memory_space<vmem_shared>>
      %dma_start3A_163 = arith.constant 0 : i32
      %dma_start3A_164 = tpu.memref_slice %arg6[%add3A_22, %dma_start3A_163] : memref<10000x128xf32, #tpu.memory_space<vmem_shared>> -> memref<80x128xf32, #tpu.memory_space<vmem_shared>>
      tpu.enqueue_dma source(%arg7 : memref<80x128xf32, #tpu.memory_space<vmem>>) target(%dma_start3A_164 : memref<80x128xf32, #tpu.memory_space<vmem_shared>>) target_semaphore(%run_scoped3A : memref<!tpu.dma_semaphore, #tpu.memory_space<semaphore_mem>>)
      %dma_wait3A_165 = arith.constant 0 : i32
      %dma_wait3A_166 = tpu.memref_slice %arg6[%add3A_22, %dma_wait3A_165] : memref<10000x128xf32, #tpu.memory_space<vmem_shared>> -> memref<80x128xf32, #tpu.memory_space<vmem_shared>>
      %dma_wait3A_167 = arith.constant 0 : i32
      %dma_wait3A_168 = tpu.memref_slice %arg6[%add3A_22, %dma_wait3A_167] : memref<10000x128xf32, #tpu.memory_space<vmem_shared>> -> memref<80x128xf32, #tpu.memory_space<vmem_shared>>
      tpu.wait_dma2 semaphore(%run_scoped3A : memref<!tpu.dma_semaphore, #tpu.memory_space<semaphore_mem>>) src(%arg7 : memref<80x128xf32, #tpu.memory_space<vmem>>) dst(%dma_wait3A_168 : memref<80x128xf32, #tpu.memory_space<vmem_shared>>)
      tpu.yield
    }) : () -> ()
    %add3A_23 = arith.constant 560 : i32
    %add3A_24 = arith.addi %mul3A_8, %add3A_23 : i32
    "tpu.region"() ({
      %run_scoped3A = tpu.sem_alloc : memref<!tpu.dma_semaphore, #tpu.memory_space<semaphore_mem>>
      %dma_start3A_161 = arith.constant 0 : i32
      %dma_start3A_162 = arith.constant 0 : i32
      %dma_start3A_163 = tpu.memref_slice %arg7[%dma_start3A_161, %dma_start3A_162] : memref<80x128xf32, #tpu.memory_space<vmem>> -> memref<65x128xf32, #tpu.memory_space<vmem>>
      %dma_start3A_164 = arith.constant 0 : i32
      %dma_start3A_165 = tpu.memref_slice %arg6[%add3A_24, %dma_start3A_164] : memref<10000x128xf32, #tpu.memory_space<vmem_shared>> -> memref<65x128xf32, #tpu.memory_space<vmem_shared>>
      %dma_start3A_166 = arith.constant 0 : i32
      %dma_start3A_167 = tpu.memref_slice %arg6[%add3A_24, %dma_start3A_166] : memref<10000x128xf32, #tpu.memory_space<vmem_shared>> -> memref<65x128xf32, #tpu.memory_space<vmem_shared>>
      %dma_start3A_168 = arith.constant 0 : i32
      %dma_start3A_169 = arith.constant 0 : i32
      %dma_start3A_170 = tpu.memref_slice %arg7[%dma_start3A_168, %dma_start3A_169] : memref<80x128xf32, #tpu.memory_space<vmem>> -> memref<65x128xf32, #tpu.memory_space<vmem>>
      tpu.enqueue_dma source(%dma_start3A_170 : memref<65x128xf32, #tpu.memory_space<vmem>>) target(%dma_start3A_167 : memref<65x128xf32, #tpu.memory_space<vmem_shared>>) target_semaphore(%run_scoped3A : memref<!tpu.dma_semaphore, #tpu.memory_space<semaphore_mem>>)
      %dma_wait3A_171 = arith.constant 0 : i32
      %dma_wait3A_172 = arith.constant 0 : i32
      %dma_wait3A_173 = tpu.memref_slice %arg7[%dma_wait3A_171, %dma_wait3A_172] : memref<80x128xf32, #tpu.memory_space<vmem>> -> memref<65x128xf32, #tpu.memory_space<vmem>>
      %dma_wait3A_174 = arith.constant 0 : i32
      %dma_wait3A_175 = tpu.memref_slice %arg6[%add3A_24, %dma_wait3A_174] : memref<10000x128xf32, #tpu.memory_space<vmem_shared>> -> memref<65x128xf32, #tpu.memory_space<vmem_shared>>
      %dma_wait3A_176 = arith.constant 0 : i32
      %dma_wait3A_177 = tpu.memref_slice %arg6[%add3A_24, %dma_wait3A_176] : memref<10000x128xf32, #tpu.memory_space<vmem_shared>> -> memref<65x128xf32, #tpu.memory_space<vmem_shared>>
      %dma_wait3A_178 = arith.constant 0 : i32
      %dma_wait3A_179 = arith.constant 0 : i32
      %dma_wait3A_180 = tpu.memref_slice %arg7[%dma_wait3A_178, %dma_wait3A_179] : memref<80x128xf32, #tpu.memory_space<vmem>> -> memref<65x128xf32, #tpu.memory_space<vmem>>
      tpu.wait_dma2 semaphore(%run_scoped3A : memref<!tpu.dma_semaphore, #tpu.memory_space<semaphore_mem>>) src(%dma_wait3A_180 : memref<65x128xf32, #tpu.memory_space<vmem>>) dst(%dma_wait3A_177 : memref<65x128xf32, #tpu.memory_space<vmem_shared>>)
      tpu.yield
    }) : () -> ()
    %dma_start3A = arith.constant 0 : i32
    %dma_start3A_25 = arith.constant 0 : i32
    %dma_start3A_26 = arith.constant 0 : i32
    %dma_start3A_27 = arith.constant 0 : i32
    %dma_start3A_28 = tpu.memref_slice %arg3[%dma_start3A, %add3A, %dma_start3A_25, %dma_start3A_26, %dma_start3A_27] : memref<2x32x125x1x80xi32, #tpu.memory_space<hbm>> -> memref<1x1x1x1x80xi32, #tpu.memory_space<hbm>>
    %dma_start3A_29 = tpu.memref_squeeze %dma_start3A_28 : memref<1x1x1x1x80xi32, #tpu.memory_space<hbm>> -> memref<1x80xi32, #tpu.memory_space<hbm>>
    %dma_start3A_30 = arith.constant 0 : i32
    %dma_start3A_31 = arith.constant 0 : i32
    %dma_start3A_32 = tpu.memref_slice %arg3[%dma_start3A, %add3A, %dma_start3A_25, %dma_start3A_30, %dma_start3A_31] : memref<2x32x125x1x80xi32, #tpu.memory_space<hbm>> -> memref<1x1x1x1x80xi32, #tpu.memory_space<hbm>>
    %dma_start3A_33 = tpu.memref_squeeze %dma_start3A_32 : memref<1x1x1x1x80xi32, #tpu.memory_space<hbm>> -> memref<1x80xi32, #tpu.memory_space<hbm>>
    tpu.enqueue_dma source(%dma_start3A_33 : memref<1x80xi32, #tpu.memory_space<hbm>>) target(%arg11 : memref<1x80xi32, #tpu.memory_space<vmem>>) target_semaphore(%arg31 : memref<!tpu.dma_semaphore, #tpu.memory_space<semaphore_mem>>)
    %dma_start3A_34 = arith.constant 1 : i32
    %dma_start3A_35 = arith.constant 0 : i32
    %dma_start3A_36 = arith.constant 0 : i32
    %dma_start3A_37 = arith.constant 0 : i32
    %dma_start3A_38 = tpu.memref_slice %arg3[%dma_start3A_34, %add3A, %dma_start3A_35, %dma_start3A_36, %dma_start3A_37] : memref<2x32x125x1x80xi32, #tpu.memory_space<hbm>> -> memref<1x1x1x1x80xi32, #tpu.memory_space<hbm>>
    %dma_start3A_39 = tpu.memref_squeeze %dma_start3A_38 : memref<1x1x1x1x80xi32, #tpu.memory_space<hbm>> -> memref<1x80xi32, #tpu.memory_space<hbm>>
    %dma_start3A_40 = arith.constant 0 : i32
    %dma_start3A_41 = arith.constant 0 : i32
    %dma_start3A_42 = tpu.memref_slice %arg3[%dma_start3A_34, %add3A, %dma_start3A_35, %dma_start3A_40, %dma_start3A_41] : memref<2x32x125x1x80xi32, #tpu.memory_space<hbm>> -> memref<1x1x1x1x80xi32, #tpu.memory_space<hbm>>
    %dma_start3A_43 = tpu.memref_squeeze %dma_start3A_42 : memref<1x1x1x1x80xi32, #tpu.memory_space<hbm>> -> memref<1x80xi32, #tpu.memory_space<hbm>>
    tpu.enqueue_dma source(%dma_start3A_43 : memref<1x80xi32, #tpu.memory_space<hbm>>) target(%arg15 : memref<1x80xi32, #tpu.memory_space<vmem>>) target_semaphore(%arg35 : memref<!tpu.dma_semaphore, #tpu.memory_space<semaphore_mem>>)
    %dma_start3A_44 = arith.constant 0 : i32
    %dma_start3A_45 = arith.constant 0 : i32
    %dma_start3A_46 = tpu.memref_slice %arg4[%add3A, %dma_start3A_44, %dma_start3A_45] : memref<32x125x80xf32, #tpu.memory_space<hbm>> -> memref<1x1x80xf32, #tpu.memory_space<hbm>>
    %dma_start3A_47 = tpu.memref_squeeze %dma_start3A_46 : memref<1x1x80xf32, #tpu.memory_space<hbm>> -> memref<80xf32, #tpu.memory_space<hbm>>
    %dma_start3A_48 = arith.constant 0 : i32
    %dma_start3A_49 = tpu.memref_slice %arg4[%add3A, %dma_start3A_44, %dma_start3A_48] : memref<32x125x80xf32, #tpu.memory_space<hbm>> -> memref<1x1x80xf32, #tpu.memory_space<hbm>>
    %dma_start3A_50 = tpu.memref_squeeze %dma_start3A_49 : memref<1x1x80xf32, #tpu.memory_space<hbm>> -> memref<80xf32, #tpu.memory_space<hbm>>
    tpu.enqueue_dma source(%dma_start3A_50 : memref<80xf32, #tpu.memory_space<hbm>>) target(%arg19 : memref<80xf32, #tpu.memory_space<vmem>>) target_semaphore(%arg39 : memref<!tpu.dma_semaphore, #tpu.memory_space<semaphore_mem>>)
    %dma_start3A_51 = arith.constant 0 : i32
    %dma_start3A_52 = arith.constant 1 : i32
    %dma_start3A_53 = arith.constant 0 : i32
    %dma_start3A_54 = arith.constant 0 : i32
    %dma_start3A_55 = tpu.memref_slice %arg3[%dma_start3A_51, %add3A, %dma_start3A_52, %dma_start3A_53, %dma_start3A_54] : memref<2x32x125x1x80xi32, #tpu.memory_space<hbm>> -> memref<1x1x1x1x80xi32, #tpu.memory_space<hbm>>
    %dma_start3A_56 = tpu.memref_squeeze %dma_start3A_55 : memref<1x1x1x1x80xi32, #tpu.memory_space<hbm>> -> memref<1x80xi32, #tpu.memory_space<hbm>>
    %dma_start3A_57 = arith.constant 0 : i32
    %dma_start3A_58 = arith.constant 0 : i32
    %dma_start3A_59 = tpu.memref_slice %arg3[%dma_start3A_51, %add3A, %dma_start3A_52, %dma_start3A_57, %dma_start3A_58] : memref<2x32x125x1x80xi32, #tpu.memory_space<hbm>> -> memref<1x1x1x1x80xi32, #tpu.memory_space<hbm>>
    %dma_start3A_60 = tpu.memref_squeeze %dma_start3A_59 : memref<1x1x1x1x80xi32, #tpu.memory_space<hbm>> -> memref<1x80xi32, #tpu.memory_space<hbm>>
    tpu.enqueue_dma source(%dma_start3A_60 : memref<1x80xi32, #tpu.memory_space<hbm>>) target(%arg12 : memref<1x80xi32, #tpu.memory_space<vmem>>) target_semaphore(%arg32 : memref<!tpu.dma_semaphore, #tpu.memory_space<semaphore_mem>>)
    %dma_start3A_61 = arith.constant 1 : i32
    %dma_start3A_62 = arith.constant 1 : i32
    %dma_start3A_63 = arith.constant 0 : i32
    %dma_start3A_64 = arith.constant 0 : i32
    %dma_start3A_65 = tpu.memref_slice %arg3[%dma_start3A_61, %add3A, %dma_start3A_62, %dma_start3A_63, %dma_start3A_64] : memref<2x32x125x1x80xi32, #tpu.memory_space<hbm>> -> memref<1x1x1x1x80xi32, #tpu.memory_space<hbm>>
    %dma_start3A_66 = tpu.memref_squeeze %dma_start3A_65 : memref<1x1x1x1x80xi32, #tpu.memory_space<hbm>> -> memref<1x80xi32, #tpu.memory_space<hbm>>
    %dma_start3A_67 = arith.constant 0 : i32
    %dma_start3A_68 = arith.constant 0 : i32
    %dma_start3A_69 = tpu.memref_slice %arg3[%dma_start3A_61, %add3A, %dma_start3A_62, %dma_start3A_67, %dma_start3A_68] : memref<2x32x125x1x80xi32, #tpu.memory_space<hbm>> -> memref<1x1x1x1x80xi32, #tpu.memory_space<hbm>>
    %dma_start3A_70 = tpu.memref_squeeze %dma_start3A_69 : memref<1x1x1x1x80xi32, #tpu.memory_space<hbm>> -> memref<1x80xi32, #tpu.memory_space<hbm>>
    tpu.enqueue_dma source(%dma_start3A_70 : memref<1x80xi32, #tpu.memory_space<hbm>>) target(%arg16 : memref<1x80xi32, #tpu.memory_space<vmem>>) target_semaphore(%arg36 : memref<!tpu.dma_semaphore, #tpu.memory_space<semaphore_mem>>)
    %dma_start3A_71 = arith.constant 1 : i32
    %dma_start3A_72 = arith.constant 0 : i32
    %dma_start3A_73 = tpu.memref_slice %arg4[%add3A, %dma_start3A_71, %dma_start3A_72] : memref<32x125x80xf32, #tpu.memory_space<hbm>> -> memref<1x1x80xf32, #tpu.memory_space<hbm>>
    %dma_start3A_74 = tpu.memref_squeeze %dma_start3A_73 : memref<1x1x80xf32, #tpu.memory_space<hbm>> -> memref<80xf32, #tpu.memory_space<hbm>>
    %dma_start3A_75 = arith.constant 0 : i32
    %dma_start3A_76 = tpu.memref_slice %arg4[%add3A, %dma_start3A_71, %dma_start3A_75] : memref<32x125x80xf32, #tpu.memory_space<hbm>> -> memref<1x1x80xf32, #tpu.memory_space<hbm>>
    %dma_start3A_77 = tpu.memref_squeeze %dma_start3A_76 : memref<1x1x80xf32, #tpu.memory_space<hbm>> -> memref<80xf32, #tpu.memory_space<hbm>>
    tpu.enqueue_dma source(%dma_start3A_77 : memref<80xf32, #tpu.memory_space<hbm>>) target(%arg20 : memref<80xf32, #tpu.memory_space<vmem>>) target_semaphore(%arg40 : memref<!tpu.dma_semaphore, #tpu.memory_space<semaphore_mem>>)
    %dma_wait3A = arith.constant 0 : i32
    %dma_wait3A_78 = arith.constant 0 : i32
    %dma_wait3A_79 = arith.constant 0 : i32
    %dma_wait3A_80 = arith.constant 0 : i32
    %dma_wait3A_81 = tpu.memref_slice %arg3[%dma_wait3A, %add3A, %dma_wait3A_78, %dma_wait3A_79, %dma_wait3A_80] : memref<2x32x125x1x80xi32, #tpu.memory_space<hbm>> -> memref<1x1x1x1x80xi32, #tpu.memory_space<hbm>>
    %dma_wait3A_82 = tpu.memref_squeeze %dma_wait3A_81 : memref<1x1x1x1x80xi32, #tpu.memory_space<hbm>> -> memref<1x80xi32, #tpu.memory_space<hbm>>
    %dma_wait3A_83 = arith.constant 0 : i32
    %dma_wait3A_84 = arith.constant 0 : i32
    %dma_wait3A_85 = tpu.memref_slice %arg3[%dma_wait3A, %add3A, %dma_wait3A_78, %dma_wait3A_83, %dma_wait3A_84] : memref<2x32x125x1x80xi32, #tpu.memory_space<hbm>> -> memref<1x1x1x1x80xi32, #tpu.memory_space<hbm>>
    %dma_wait3A_86 = tpu.memref_squeeze %dma_wait3A_85 : memref<1x1x1x1x80xi32, #tpu.memory_space<hbm>> -> memref<1x80xi32, #tpu.memory_space<hbm>>
    tpu.wait_dma2 semaphore(%arg31 : memref<!tpu.dma_semaphore, #tpu.memory_space<semaphore_mem>>) src(%dma_wait3A_86 : memref<1x80xi32, #tpu.memory_space<hbm>>) dst(%arg11 : memref<1x80xi32, #tpu.memory_space<vmem>>)
    %dma_start3A_87 = arith.constant 0 : i32
    %dma_start3A_88 = arith.constant 0 : i32
    %dma_start3A_89 = tpu.memref_slice %arg11[%dma_start3A_87, %dma_start3A_88] : memref<1x80xi32, #tpu.memory_space<vmem>> -> memref<1x80xi32, #tpu.memory_space<vmem>>
    %dma_start3A_90 = tpu.memref_squeeze %dma_start3A_89 : memref<1x80xi32, #tpu.memory_space<vmem>> -> memref<80xi32, #tpu.memory_space<vmem>>
    %dma_start3A_91 = arith.constant 0 : i32
    %dma_start3A_92 = arith.constant 0 : i32
    %dma_start3A_93 = tpu.memref_slice %arg2[%dma_start3A_91, %dma_start3A_92] : memref<10000x128xf32, #tpu.memory_space<hbm>> -> memref<10000x128xf32, #tpu.memory_space<hbm>>
    tpu.enqueue_indirect_dma source(%dma_start3A_93 : memref<10000x128xf32, #tpu.memory_space<hbm>>) target(%arg7 : memref<80x128xf32, #tpu.memory_space<vmem>>) offsets(%dma_start3A_90 : memref<80xi32, #tpu.memory_space<vmem>>) semaphore(%arg23 : memref<!tpu.dma_semaphore, #tpu.memory_space<semaphore_mem>>)
    %barrier3A = arith.constant 0 : index
    tpu.barrier barrier_id(%barrier3A)
    %broadcast_in_dim3A_94 = arith.constant 0 : i32
    %broadcast_in_dim3A_95 = vector.broadcast %broadcast_in_dim3A_94 : i32 to vector<16xi32>
    %scan3A_96 = arith.constant 0 : i32
    %scan3A_97 = arith.constant 0 : i32
    %scan3A_98 = arith.constant 31 : i32
    %scan3A_99 = arith.addi %scan3A_97, %scan3A_98 : i32
    %scan3A_100 = arith.constant 1 : i32
    scf.for %scan3A_161 = %scan3A_97 to %scan3A_99 step %scan3A_100  : i32 {
      %mul3A_162 = arith.constant 4 : i32
      %mul3A_163 = arith.muli %scan3A_161, %mul3A_162 : i32
      %add3A_164 = arith.constant 0 : i32
      %add3A_165 = arith.addi %mul3A_163, %add3A_164 : i32
      %dma_wait3A_166 = arith.constant 0 : i32
      %dma_wait3A_167 = arith.constant 0 : i32
      %dma_wait3A_168 = tpu.memref_slice %arg11[%dma_wait3A_166, %dma_wait3A_167] : memref<1x80xi32, #tpu.memory_space<vmem>> -> memref<1x80xi32, #tpu.memory_space<vmem>>
      %dma_wait3A_169 = tpu.memref_squeeze %dma_wait3A_168 : memref<1x80xi32, #tpu.memory_space<vmem>> -> memref<80xi32, #tpu.memory_space<vmem>>
      %dma_wait3A_170 = arith.constant 0 : i32
      %dma_wait3A_171 = arith.constant 0 : i32
      %dma_wait3A_172 = tpu.memref_slice %arg2[%dma_wait3A_170, %dma_wait3A_171] : memref<10000x128xf32, #tpu.memory_space<hbm>> -> memref<10000x128xf32, #tpu.memory_space<hbm>>
      tpu.wait_indirect_dma semaphore(%arg23 : memref<!tpu.dma_semaphore, #tpu.memory_space<semaphore_mem>>) src(%dma_wait3A_172 : memref<10000x128xf32, #tpu.memory_space<hbm>>) dst(%arg7 : memref<80x128xf32, #tpu.memory_space<vmem>>)
      %dma_wait3A_173 = arith.constant 0 : i32
      %dma_wait3A_174 = tpu.memref_slice %arg4[%add3A, %add3A_165, %dma_wait3A_173] : memref<32x125x80xf32, #tpu.memory_space<hbm>> -> memref<1x1x80xf32, #tpu.memory_space<hbm>>
      %dma_wait3A_175 = tpu.memref_squeeze %dma_wait3A_174 : memref<1x1x80xf32, #tpu.memory_space<hbm>> -> memref<80xf32, #tpu.memory_space<hbm>>
      %dma_wait3A_176 = arith.constant 0 : i32
      %dma_wait3A_177 = tpu.memref_slice %arg4[%add3A, %add3A_165, %dma_wait3A_176] : memref<32x125x80xf32, #tpu.memory_space<hbm>> -> memref<1x1x80xf32, #tpu.memory_space<hbm>>
      %dma_wait3A_178 = tpu.memref_squeeze %dma_wait3A_177 : memref<1x1x80xf32, #tpu.memory_space<hbm>> -> memref<80xf32, #tpu.memory_space<hbm>>
      tpu.wait_dma2 semaphore(%arg39 : memref<!tpu.dma_semaphore, #tpu.memory_space<semaphore_mem>>) src(%dma_wait3A_178 : memref<80xf32, #tpu.memory_space<hbm>>) dst(%arg19 : memref<80xf32, #tpu.memory_space<vmem>>)
      %scan3A_179 = arith.constant 0 : i32
      %scan3A_180 = arith.constant 0 : i32
      %scan3A_181 = arith.constant 20 : i32
      %scan3A_182 = arith.addi %scan3A_180, %scan3A_181 : i32
      %scan3A_183 = arith.constant 1 : i32
      scf.for %scan3A_390 = %scan3A_180 to %scan3A_182 step %scan3A_183  : i32 {
        %mul3A_391 = arith.constant 4 : i32
        %mul3A_392 = arith.muli %scan3A_390, %mul3A_391 : i32
        %add3A_393 = arith.constant 0 : i32
        %add3A_394 = arith.addi %mul3A_392, %add3A_393 : i32
        %add3A_395 = vector.broadcast %add3A_394 : i32 to vector<16xi32>
        %add3A_396 = arith.addi %broadcast_in_dim3A_95, %add3A_395 : vector<16xi32>
        %gather3A = tpu.vector_load_idx %arg19[%add3A_396] : memref<80xf32, #tpu.memory_space<vmem>>[vector<16xi32>], vector<16xf32>,
        %get3A = arith.index_cast %add3A_394 : i32 to index
        %get3A_397 = arith.constant 0 : index
        %get3A_398 = tpu.vector_load %arg7[%get3A, %get3A_397] {strides = array<i32>} : memref<80x128xf32, #tpu.memory_space<vmem>>, vector<16xf32>,
        %mul3A_399 = arith.mulf %get3A_398, %gather3A : vector<16xf32>
        %swap3A = arith.index_cast %add3A_394 : i32 to index
        %swap3A_400 = arith.constant 0 : index
        %swap3A_401 = tpu.vector_load %arg7[%swap3A, %swap3A_400] {strides = array<i32>} : memref<80x128xf32, #tpu.memory_space<vmem>>, vector<16xf32>,
        tpu.vector_store %arg7[%swap3A, %swap3A_400], %mul3A_399 {strides = array<i32>} : memref<80x128xf32, #tpu.memory_space<vmem>>, vector<16xf32>,
        %get3A_402 = arith.index_cast %add3A_394 : i32 to index
        %get3A_403 = arith.constant 16 : index
        %get3A_404 = tpu.vector_load %arg7[%get3A_402, %get3A_403] {strides = array<i32>} : memref<80x128xf32, #tpu.memory_space<vmem>>, vector<16xf32>,
        %mul3A_405 = arith.mulf %get3A_404, %gather3A : vector<16xf32>
        %swap3A_406 = arith.index_cast %add3A_394 : i32 to index
        %swap3A_407 = arith.constant 16 : index
        %swap3A_408 = tpu.vector_load %arg7[%swap3A_406, %swap3A_407] {strides = array<i32>} : memref<80x128xf32, #tpu.memory_space<vmem>>, vector<16xf32>,
        tpu.vector_store %arg7[%swap3A_406, %swap3A_407], %mul3A_405 {strides = array<i32>} : memref<80x128xf32, #tpu.memory_space<vmem>>, vector<16xf32>,
        %get3A_409 = arith.index_cast %add3A_394 : i32 to index
        %get3A_410 = arith.constant 32 : index
        %get3A_411 = tpu.vector_load %arg7[%get3A_409, %get3A_410] {strides = array<i32>} : memref<80x128xf32, #tpu.memory_space<vmem>>, vector<16xf32>,
        %mul3A_412 = arith.mulf %get3A_411, %gather3A : vector<16xf32>
        %swap3A_413 = arith.index_cast %add3A_394 : i32 to index
        %swap3A_414 = arith.constant 32 : index
        %swap3A_415 = tpu.vector_load %arg7[%swap3A_413, %swap3A_414] {strides = array<i32>} : memref<80x128xf32, #tpu.memory_space<vmem>>, vector<16xf32>,
        tpu.vector_store %arg7[%swap3A_413, %swap3A_414], %mul3A_412 {strides = array<i32>} : memref<80x128xf32, #tpu.memory_space<vmem>>, vector<16xf32>,
        %get3A_416 = arith.index_cast %add3A_394 : i32 to index
        %get3A_417 = arith.constant 48 : index
        %get3A_418 = tpu.vector_load %arg7[%get3A_416, %get3A_417] {strides = array<i32>} : memref<80x128xf32, #tpu.memory_space<vmem>>, vector<16xf32>,
        %mul3A_419 = arith.mulf %get3A_418, %gather3A : vector<16xf32>
        %swap3A_420 = arith.index_cast %add3A_394 : i32 to index
        %swap3A_421 = arith.constant 48 : index
        %swap3A_422 = tpu.vector_load %arg7[%swap3A_420, %swap3A_421] {strides = array<i32>} : memref<80x128xf32, #tpu.memory_space<vmem>>, vector<16xf32>,
        tpu.vector_store %arg7[%swap3A_420, %swap3A_421], %mul3A_419 {strides = array<i32>} : memref<80x128xf32, #tpu.memory_space<vmem>>, vector<16xf32>,
        %get3A_423 = arith.index_cast %add3A_394 : i32 to index
        %get3A_424 = arith.constant 64 : index
        %get3A_425 = tpu.vector_load %arg7[%get3A_423, %get3A_424] {strides = array<i32>} : memref<80x128xf32, #tpu.memory_space<vmem>>, vector<16xf32>,
        %mul3A_426 = arith.mulf %get3A_425, %gather3A : vector<16xf32>
        %swap3A_427 = arith.index_cast %add3A_394 : i32 to index
        %swap3A_428 = arith.constant 64 : index
        %swap3A_429 = tpu.vector_load %arg7[%swap3A_427, %swap3A_428] {strides = array<i32>} : memref<80x128xf32, #tpu.memory_space<vmem>>, vector<16xf32>,
        tpu.vector_store %arg7[%swap3A_427, %swap3A_428], %mul3A_426 {strides = array<i32>} : memref<80x128xf32, #tpu.memory_space<vmem>>, vector<16xf32>,
        %get3A_430 = arith.index_cast %add3A_394 : i32 to index
        %get3A_431 = arith.constant 80 : index
        %get3A_432 = tpu.vector_load %arg7[%get3A_430, %get3A_431] {strides = array<i32>} : memref<80x128xf32, #tpu.memory_space<vmem>>, vector<16xf32>,
        %mul3A_433 = arith.mulf %get3A_432, %gather3A : vector<16xf32>
        %swap3A_434 = arith.index_cast %add3A_394 : i32 to index
        %swap3A_435 = arith.constant 80 : index
        %swap3A_436 = tpu.vector_load %arg7[%swap3A_434, %swap3A_435] {strides = array<i32>} : memref<80x128xf32, #tpu.memory_space<vmem>>, vector<16xf32>,
        tpu.vector_store %arg7[%swap3A_434, %swap3A_435], %mul3A_433 {strides = array<i32>} : memref<80x128xf32, #tpu.memory_space<vmem>>, vector<16xf32>,
        %get3A_437 = arith.index_cast %add3A_394 : i32 to index
        %get3A_438 = arith.constant 96 : index
        %get3A_439 = tpu.vector_load %arg7[%get3A_437, %get3A_438] {strides = array<i32>} : memref<80x128xf32, #tpu.memory_space<vmem>>, vector<16xf32>,
        %mul3A_440 = arith.mulf %get3A_439, %gather3A : vector<16xf32>
        %swap3A_441 = arith.index_cast %add3A_394 : i32 to index
        %swap3A_442 = arith.constant 96 : index
        %swap3A_443 = tpu.vector_load %arg7[%swap3A_441, %swap3A_442] {strides = array<i32>} : memref<80x128xf32, #tpu.memory_space<vmem>>, vector<16xf32>,
        tpu.vector_store %arg7[%swap3A_441, %swap3A_442], %mul3A_440 {strides = array<i32>} : memref<80x128xf32, #tpu.memory_space<vmem>>, vector<16xf32>,
        %get3A_444 = arith.index_cast %add3A_394 : i32 to index
        %get3A_445 = arith.constant 112 : index
        %get3A_446 = tpu.vector_load %arg7[%get3A_444, %get3A_445] {strides = array<i32>} : memref<80x128xf32, #tpu.memory_space<vmem>>, vector<16xf32>,
        %mul3A_447 = arith.mulf %get3A_446, %gather3A : vector<16xf32>
        %swap3A_448 = arith.index_cast %add3A_394 : i32 to index
        %swap3A_449 = arith.constant 112 : index
        %swap3A_450 = tpu.vector_load %arg7[%swap3A_448, %swap3A_449] {strides = array<i32>} : memref<80x128xf32, #tpu.memory_space<vmem>>, vector<16xf32>,
        tpu.vector_store %arg7[%swap3A_448, %swap3A_449], %mul3A_447 {strides = array<i32>} : memref<80x128xf32, #tpu.memory_space<vmem>>, vector<16xf32>,
        %mul3A_451 = arith.constant 4 : i32
        %mul3A_452 = arith.muli %scan3A_390, %mul3A_451 : i32
        %add3A_453 = arith.constant 1 : i32
        %add3A_454 = arith.addi %mul3A_452, %add3A_453 : i32
        %add3A_455 = vector.broadcast %add3A_454 : i32 to vector<16xi32>
        %add3A_456 = arith.addi %broadcast_in_dim3A_95, %add3A_455 : vector<16xi32>
        %gather3A_457 = tpu.vector_load_idx %arg19[%add3A_456] : memref<80xf32, #tpu.memory_space<vmem>>[vector<16xi32>], vector<16xf32>,
        %get3A_458 = arith.index_cast %add3A_454 : i32 to index
        %get3A_459 = arith.constant 0 : index
        %get3A_460 = tpu.vector_load %arg7[%get3A_458, %get3A_459] {strides = array<i32>} : memref<80x128xf32, #tpu.memory_space<vmem>>, vector<16xf32>,
        %mul3A_461 = arith.mulf %get3A_460, %gather3A_457 : vector<16xf32>
        %swap3A_462 = arith.index_cast %add3A_454 : i32 to index
        %swap3A_463 = arith.constant 0 : index
        %swap3A_464 = tpu.vector_load %arg7[%swap3A_462, %swap3A_463] {strides = array<i32>} : memref<80x128xf32, #tpu.memory_space<vmem>>, vector<16xf32>,
        tpu.vector_store %arg7[%swap3A_462, %swap3A_463], %mul3A_461 {strides = array<i32>} : memref<80x128xf32, #tpu.memory_space<vmem>>, vector<16xf32>,
        %get3A_465 = arith.index_cast %add3A_454 : i32 to index
        %get3A_466 = arith.constant 16 : index
        %get3A_467 = tpu.vector_load %arg7[%get3A_465, %get3A_466] {strides = array<i32>} : memref<80x128xf32, #tpu.memory_space<vmem>>, vector<16xf32>,
        %mul3A_468 = arith.mulf %get3A_467, %gather3A_457 : vector<16xf32>
        %swap3A_469 = arith.index_cast %add3A_454 : i32 to index
        %swap3A_470 = arith.constant 16 : index
        %swap3A_471 = tpu.vector_load %arg7[%swap3A_469, %swap3A_470] {strides = array<i32>} : memref<80x128xf32, #tpu.memory_space<vmem>>, vector<16xf32>,
        tpu.vector_store %arg7[%swap3A_469, %swap3A_470], %mul3A_468 {strides = array<i32>} : memref<80x128xf32, #tpu.memory_space<vmem>>, vector<16xf32>,
        %get3A_472 = arith.index_cast %add3A_454 : i32 to index
        %get3A_473 = arith.constant 32 : index
        %get3A_474 = tpu.vector_load %arg7[%get3A_472, %get3A_473] {strides = array<i32>} : memref<80x128xf32, #tpu.memory_space<vmem>>, vector<16xf32>,
        %mul3A_475 = arith.mulf %get3A_474, %gather3A_457 : vector<16xf32>
        %swap3A_476 = arith.index_cast %add3A_454 : i32 to index
        %swap3A_477 = arith.constant 32 : index
        %swap3A_478 = tpu.vector_load %arg7[%swap3A_476, %swap3A_477] {strides = array<i32>} : memref<80x128xf32, #tpu.memory_space<vmem>>, vector<16xf32>,
        tpu.vector_store %arg7[%swap3A_476, %swap3A_477], %mul3A_475 {strides = array<i32>} : memref<80x128xf32, #tpu.memory_space<vmem>>, vector<16xf32>,
        %get3A_479 = arith.index_cast %add3A_454 : i32 to index
        %get3A_480 = arith.constant 48 : index
        %get3A_481 = tpu.vector_load %arg7[%get3A_479, %get3A_480] {strides = array<i32>} : memref<80x128xf32, #tpu.memory_space<vmem>>, vector<16xf32>,
        %mul3A_482 = arith.mulf %get3A_481, %gather3A_457 : vector<16xf32>
        %swap3A_483 = arith.index_cast %add3A_454 : i32 to index
        %swap3A_484 = arith.constant 48 : index
        %swap3A_485 = tpu.vector_load %arg7[%swap3A_483, %swap3A_484] {strides = array<i32>} : memref<80x128xf32, #tpu.memory_space<vmem>>, vector<16xf32>,
        tpu.vector_store %arg7[%swap3A_483, %swap3A_484], %mul3A_482 {strides = array<i32>} : memref<80x128xf32, #tpu.memory_space<vmem>>, vector<16xf32>,
        %get3A_486 = arith.index_cast %add3A_454 : i32 to index
        %get3A_487 = arith.constant 64 : index
        %get3A_488 = tpu.vector_load %arg7[%get3A_486, %get3A_487] {strides = array<i32>} : memref<80x128xf32, #tpu.memory_space<vmem>>, vector<16xf32>,
        %mul3A_489 = arith.mulf %get3A_488, %gather3A_457 : vector<16xf32>
        %swap3A_490 = arith.index_cast %add3A_454 : i32 to index
        %swap3A_491 = arith.constant 64 : index
        %swap3A_492 = tpu.vector_load %arg7[%swap3A_490, %swap3A_491] {strides = array<i32>} : memref<80x128xf32, #tpu.memory_space<vmem>>, vector<16xf32>,
        tpu.vector_store %arg7[%swap3A_490, %swap3A_491], %mul3A_489 {strides = array<i32>} : memref<80x128xf32, #tpu.memory_space<vmem>>, vector<16xf32>,
        %get3A_493 = arith.index_cast %add3A_454 : i32 to index
        %get3A_494 = arith.constant 80 : index
        %get3A_495 = tpu.vector_load %arg7[%get3A_493, %get3A_494] {strides = array<i32>} : memref<80x128xf32, #tpu.memory_space<vmem>>, vector<16xf32>,
        %mul3A_496 = arith.mulf %get3A_495, %gather3A_457 : vector<16xf32>
        %swap3A_497 = arith.index_cast %add3A_454 : i32 to index
        %swap3A_498 = arith.constant 80 : index
        %swap3A_499 = tpu.vector_load %arg7[%swap3A_497, %swap3A_498] {strides = array<i32>} : memref<80x128xf32, #tpu.memory_space<vmem>>, vector<16xf32>,
        tpu.vector_store %arg7[%swap3A_497, %swap3A_498], %mul3A_496 {strides = array<i32>} : memref<80x128xf32, #tpu.memory_space<vmem>>, vector<16xf32>,
        %get3A_500 = arith.index_cast %add3A_454 : i32 to index
        %get3A_501 = arith.constant 96 : index
        %get3A_502 = tpu.vector_load %arg7[%get3A_500, %get3A_501] {strides = array<i32>} : memref<80x128xf32, #tpu.memory_space<vmem>>, vector<16xf32>,
        %mul3A_503 = arith.mulf %get3A_502, %gather3A_457 : vector<16xf32>
        %swap3A_504 = arith.index_cast %add3A_454 : i32 to index
        %swap3A_505 = arith.constant 96 : index
        %swap3A_506 = tpu.vector_load %arg7[%swap3A_504, %swap3A_505] {strides = array<i32>} : memref<80x128xf32, #tpu.memory_space<vmem>>, vector<16xf32>,
        tpu.vector_store %arg7[%swap3A_504, %swap3A_505], %mul3A_503 {strides = array<i32>} : memref<80x128xf32, #tpu.memory_space<vmem>>, vector<16xf32>,
        %get3A_507 = arith.index_cast %add3A_454 : i32 to index
        %get3A_508 = arith.constant 112 : index
        %get3A_509 = tpu.vector_load %arg7[%get3A_507, %get3A_508] {strides = array<i32>} : memref<80x128xf32, #tpu.memory_space<vmem>>, vector<16xf32>,
        %mul3A_510 = arith.mulf %get3A_509, %gather3A_457 : vector<16xf32>
        %swap3A_511 = arith.index_cast %add3A_454 : i32 to index
        %swap3A_512 = arith.constant 112 : index
        %swap3A_513 = tpu.vector_load %arg7[%swap3A_511, %swap3A_512] {strides = array<i32>} : memref<80x128xf32, #tpu.memory_space<vmem>>, vector<16xf32>,
        tpu.vector_store %arg7[%swap3A_511, %swap3A_512], %mul3A_510 {strides = array<i32>} : memref<80x128xf32, #tpu.memory_space<vmem>>, vector<16xf32>,
        %mul3A_514 = arith.constant 4 : i32
        %mul3A_515 = arith.muli %scan3A_390, %mul3A_514 : i32
        %add3A_516 = arith.constant 2 : i32
        %add3A_517 = arith.addi %mul3A_515, %add3A_516 : i32
        %add3A_518 = vector.broadcast %add3A_517 : i32 to vector<16xi32>
        %add3A_519 = arith.addi %broadcast_in_dim3A_95, %add3A_518 : vector<16xi32>
        %gather3A_520 = tpu.vector_load_idx %arg19[%add3A_519] : memref<80xf32, #tpu.memory_space<vmem>>[vector<16xi32>], vector<16xf32>,
        %get3A_521 = arith.index_cast %add3A_517 : i32 to index
        %get3A_522 = arith.constant 0 : index
        %get3A_523 = tpu.vector_load %arg7[%get3A_521, %get3A_522] {strides = array<i32>} : memref<80x128xf32, #tpu.memory_space<vmem>>, vector<16xf32>,
        %mul3A_524 = arith.mulf %get3A_523, %gather3A_520 : vector<16xf32>
        %swap3A_525 = arith.index_cast %add3A_517 : i32 to index
        %swap3A_526 = arith.constant 0 : index
        %swap3A_527 = tpu.vector_load %arg7[%swap3A_525, %swap3A_526] {strides = array<i32>} : memref<80x128xf32, #tpu.memory_space<vmem>>, vector<16xf32>,
        tpu.vector_store %arg7[%swap3A_525, %swap3A_526], %mul3A_524 {strides = array<i32>} : memref<80x128xf32, #tpu.memory_space<vmem>>, vector<16xf32>,
        %get3A_528 = arith.index_cast %add3A_517 : i32 to index
        %get3A_529 = arith.constant 16 : index
        %get3A_530 = tpu.vector_load %arg7[%get3A_528, %get3A_529] {strides = array<i32>} : memref<80x128xf32, #tpu.memory_space<vmem>>, vector<16xf32>,
        %mul3A_531 = arith.mulf %get3A_530, %gather3A_520 : vector<16xf32>
        %swap3A_532 = arith.index_cast %add3A_517 : i32 to index
        %swap3A_533 = arith.constant 16 : index
        %swap3A_534 = tpu.vector_load %arg7[%swap3A_532, %swap3A_533] {strides = array<i32>} : memref<80x128xf32, #tpu.memory_space<vmem>>, vector<16xf32>,
        tpu.vector_store %arg7[%swap3A_532, %swap3A_533], %mul3A_531 {strides = array<i32>} : memref<80x128xf32, #tpu.memory_space<vmem>>, vector<16xf32>,
        %get3A_535 = arith.index_cast %add3A_517 : i32 to index
        %get3A_536 = arith.constant 32 : index
        %get3A_537 = tpu.vector_load %arg7[%get3A_535, %get3A_536] {strides = array<i32>} : memref<80x128xf32, #tpu.memory_space<vmem>>, vector<16xf32>,
        %mul3A_538 = arith.mulf %get3A_537, %gather3A_520 : vector<16xf32>
        %swap3A_539 = arith.index_cast %add3A_517 : i32 to index
        %swap3A_540 = arith.constant 32 : index
        %swap3A_541 = tpu.vector_load %arg7[%swap3A_539, %swap3A_540] {strides = array<i32>} : memref<80x128xf32, #tpu.memory_space<vmem>>, vector<16xf32>,
        tpu.vector_store %arg7[%swap3A_539, %swap3A_540], %mul3A_538 {strides = array<i32>} : memref<80x128xf32, #tpu.memory_space<vmem>>, vector<16xf32>,
        %get3A_542 = arith.index_cast %add3A_517 : i32 to index
        %get3A_543 = arith.constant 48 : index
        %get3A_544 = tpu.vector_load %arg7[%get3A_542, %get3A_543] {strides = array<i32>} : memref<80x128xf32, #tpu.memory_space<vmem>>, vector<16xf32>,
        %mul3A_545 = arith.mulf %get3A_544, %gather3A_520 : vector<16xf32>
        %swap3A_546 = arith.index_cast %add3A_517 : i32 to index
        %swap3A_547 = arith.constant 48 : index
        %swap3A_548 = tpu.vector_load %arg7[%swap3A_546, %swap3A_547] {strides = array<i32>} : memref<80x128xf32, #tpu.memory_space<vmem>>, vector<16xf32>,
        tpu.vector_store %arg7[%swap3A_546, %swap3A_547], %mul3A_545 {strides = array<i32>} : memref<80x128xf32, #tpu.memory_space<vmem>>, vector<16xf32>,
        %get3A_549 = arith.index_cast %add3A_517 : i32 to index
        %get3A_550 = arith.constant 64 : index
        %get3A_551 = tpu.vector_load %arg7[%get3A_549, %get3A_550] {strides = array<i32>} : memref<80x128xf32, #tpu.memory_space<vmem>>, vector<16xf32>,
        %mul3A_552 = arith.mulf %get3A_551, %gather3A_520 : vector<16xf32>
        %swap3A_553 = arith.index_cast %add3A_517 : i32 to index
        %swap3A_554 = arith.constant 64 : index
        %swap3A_555 = tpu.vector_load %arg7[%swap3A_553, %swap3A_554] {strides = array<i32>} : memref<80x128xf32, #tpu.memory_space<vmem>>, vector<16xf32>,
        tpu.vector_store %arg7[%swap3A_553, %swap3A_554], %mul3A_552 {strides = array<i32>} : memref<80x128xf32, #tpu.memory_space<vmem>>, vector<16xf32>,
        %get3A_556 = arith.index_cast %add3A_517 : i32 to index
        %get3A_557 = arith.constant 80 : index
        %get3A_558 = tpu.vector_load %arg7[%get3A_556, %get3A_557] {strides = array<i32>} : memref<80x128xf32, #tpu.memory_space<vmem>>, vector<16xf32>,
        %mul3A_559 = arith.mulf %get3A_558, %gather3A_520 : vector<16xf32>
        %swap3A_560 = arith.index_cast %add3A_517 : i32 to index
        %swap3A_561 = arith.constant 80 : index
        %swap3A_562 = tpu.vector_load %arg7[%swap3A_560, %swap3A_561] {strides = array<i32>} : memref<80x128xf32, #tpu.memory_space<vmem>>, vector<16xf32>,
        tpu.vector_store %arg7[%swap3A_560, %swap3A_561], %mul3A_559 {strides = array<i32>} : memref<80x128xf32, #tpu.memory_space<vmem>>, vector<16xf32>,
        %get3A_563 = arith.index_cast %add3A_517 : i32 to index
        %get3A_564 = arith.constant 96 : index
        %get3A_565 = tpu.vector_load %arg7[%get3A_563, %get3A_564] {strides = array<i32>} : memref<80x128xf32, #tpu.memory_space<vmem>>, vector<16xf32>,
        %mul3A_566 = arith.mulf %get3A_565, %gather3A_520 : vector<16xf32>
        %swap3A_567 = arith.index_cast %add3A_517 : i32 to index
        %swap3A_568 = arith.constant 96 : index
        %swap3A_569 = tpu.vector_load %arg7[%swap3A_567, %swap3A_568] {strides = array<i32>} : memref<80x128xf32, #tpu.memory_space<vmem>>, vector<16xf32>,
        tpu.vector_store %arg7[%swap3A_567, %swap3A_568], %mul3A_566 {strides = array<i32>} : memref<80x128xf32, #tpu.memory_space<vmem>>, vector<16xf32>,
        %get3A_570 = arith.index_cast %add3A_517 : i32 to index
        %get3A_571 = arith.constant 112 : index
        %get3A_572 = tpu.vector_load %arg7[%get3A_570, %get3A_571] {strides = array<i32>} : memref<80x128xf32, #tpu.memory_space<vmem>>, vector<16xf32>,
        %mul3A_573 = arith.mulf %get3A_572, %gather3A_520 : vector<16xf32>
        %swap3A_574 = arith.index_cast %add3A_517 : i32 to index
        %swap3A_575 = arith.constant 112 : index
        %swap3A_576 = tpu.vector_load %arg7[%swap3A_574, %swap3A_575] {strides = array<i32>} : memref<80x128xf32, #tpu.memory_space<vmem>>, vector<16xf32>,
        tpu.vector_store %arg7[%swap3A_574, %swap3A_575], %mul3A_573 {strides = array<i32>} : memref<80x128xf32, #tpu.memory_space<vmem>>, vector<16xf32>,
        %mul3A_577 = arith.constant 4 : i32
        %mul3A_578 = arith.muli %scan3A_390, %mul3A_577 : i32
        %add3A_579 = arith.constant 3 : i32
        %add3A_580 = arith.addi %mul3A_578, %add3A_579 : i32
        %add3A_581 = vector.broadcast %add3A_580 : i32 to vector<16xi32>
        %add3A_582 = arith.addi %broadcast_in_dim3A_95, %add3A_581 : vector<16xi32>
        %gather3A_583 = tpu.vector_load_idx %arg19[%add3A_582] : memref<80xf32, #tpu.memory_space<vmem>>[vector<16xi32>], vector<16xf32>,
        %get3A_584 = arith.index_cast %add3A_580 : i32 to index
        %get3A_585 = arith.constant 0 : index
        %get3A_586 = tpu.vector_load %arg7[%get3A_584, %get3A_585] {strides = array<i32>} : memref<80x128xf32, #tpu.memory_space<vmem>>, vector<16xf32>,
        %mul3A_587 = arith.mulf %get3A_586, %gather3A_583 : vector<16xf32>
        %swap3A_588 = arith.index_cast %add3A_580 : i32 to index
        %swap3A_589 = arith.constant 0 : index
        %swap3A_590 = tpu.vector_load %arg7[%swap3A_588, %swap3A_589] {strides = array<i32>} : memref<80x128xf32, #tpu.memory_space<vmem>>, vector<16xf32>,
        tpu.vector_store %arg7[%swap3A_588, %swap3A_589], %mul3A_587 {strides = array<i32>} : memref<80x128xf32, #tpu.memory_space<vmem>>, vector<16xf32>,
        %get3A_591 = arith.index_cast %add3A_580 : i32 to index
        %get3A_592 = arith.constant 16 : index
        %get3A_593 = tpu.vector_load %arg7[%get3A_591, %get3A_592] {strides = array<i32>} : memref<80x128xf32, #tpu.memory_space<vmem>>, vector<16xf32>,
        %mul3A_594 = arith.mulf %get3A_593, %gather3A_583 : vector<16xf32>
        %swap3A_595 = arith.index_cast %add3A_580 : i32 to index
        %swap3A_596 = arith.constant 16 : index
        %swap3A_597 = tpu.vector_load %arg7[%swap3A_595, %swap3A_596] {strides = array<i32>} : memref<80x128xf32, #tpu.memory_space<vmem>>, vector<16xf32>,
        tpu.vector_store %arg7[%swap3A_595, %swap3A_596], %mul3A_594 {strides = array<i32>} : memref<80x128xf32, #tpu.memory_space<vmem>>, vector<16xf32>,
        %get3A_598 = arith.index_cast %add3A_580 : i32 to index
        %get3A_599 = arith.constant 32 : index
        %get3A_600 = tpu.vector_load %arg7[%get3A_598, %get3A_599] {strides = array<i32>} : memref<80x128xf32, #tpu.memory_space<vmem>>, vector<16xf32>,
        %mul3A_601 = arith.mulf %get3A_600, %gather3A_583 : vector<16xf32>
        %swap3A_602 = arith.index_cast %add3A_580 : i32 to index
        %swap3A_603 = arith.constant 32 : index
        %swap3A_604 = tpu.vector_load %arg7[%swap3A_602, %swap3A_603] {strides = array<i32>} : memref<80x128xf32, #tpu.memory_space<vmem>>, vector<16xf32>,
        tpu.vector_store %arg7[%swap3A_602, %swap3A_603], %mul3A_601 {strides = array<i32>} : memref<80x128xf32, #tpu.memory_space<vmem>>, vector<16xf32>,
        %get3A_605 = arith.index_cast %add3A_580 : i32 to index
        %get3A_606 = arith.constant 48 : index
        %get3A_607 = tpu.vector_load %arg7[%get3A_605, %get3A_606] {strides = array<i32>} : memref<80x128xf32, #tpu.memory_space<vmem>>, vector<16xf32>,
        %mul3A_608 = arith.mulf %get3A_607, %gather3A_583 : vector<16xf32>
        %swap3A_609 = arith.index_cast %add3A_580 : i32 to index
        %swap3A_610 = arith.constant 48 : index
        %swap3A_611 = tpu.vector_load %arg7[%swap3A_609, %swap3A_610] {strides = array<i32>} : memref<80x128xf32, #tpu.memory_space<vmem>>, vector<16xf32>,
        tpu.vector_store %arg7[%swap3A_609, %swap3A_610], %mul3A_608 {strides = array<i32>} : memref<80x128xf32, #tpu.memory_space<vmem>>, vector<16xf32>,
        %get3A_612 = arith.index_cast %add3A_580 : i32 to index
        %get3A_613 = arith.constant 64 : index
        %get3A_614 = tpu.vector_load %arg7[%get3A_612, %get3A_613] {strides = array<i32>} : memref<80x128xf32, #tpu.memory_space<vmem>>, vector<16xf32>,
        %mul3A_615 = arith.mulf %get3A_614, %gather3A_583 : vector<16xf32>
        %swap3A_616 = arith.index_cast %add3A_580 : i32 to index
        %swap3A_617 = arith.constant 64 : index
        %swap3A_618 = tpu.vector_load %arg7[%swap3A_616, %swap3A_617] {strides = array<i32>} : memref<80x128xf32, #tpu.memory_space<vmem>>, vector<16xf32>,
        tpu.vector_store %arg7[%swap3A_616, %swap3A_617], %mul3A_615 {strides = array<i32>} : memref<80x128xf32, #tpu.memory_space<vmem>>, vector<16xf32>,
        %get3A_619 = arith.index_cast %add3A_580 : i32 to index
        %get3A_620 = arith.constant 80 : index
        %get3A_621 = tpu.vector_load %arg7[%get3A_619, %get3A_620] {strides = array<i32>} : memref<80x128xf32, #tpu.memory_space<vmem>>, vector<16xf32>,
        %mul3A_622 = arith.mulf %get3A_621, %gather3A_583 : vector<16xf32>
        %swap3A_623 = arith.index_cast %add3A_580 : i32 to index
        %swap3A_624 = arith.constant 80 : index
        %swap3A_625 = tpu.vector_load %arg7[%swap3A_623, %swap3A_624] {strides = array<i32>} : memref<80x128xf32, #tpu.memory_space<vmem>>, vector<16xf32>,
        tpu.vector_store %arg7[%swap3A_623, %swap3A_624], %mul3A_622 {strides = array<i32>} : memref<80x128xf32, #tpu.memory_space<vmem>>, vector<16xf32>,
        %get3A_626 = arith.index_cast %add3A_580 : i32 to index
        %get3A_627 = arith.constant 96 : index
        %get3A_628 = tpu.vector_load %arg7[%get3A_626, %get3A_627] {strides = array<i32>} : memref<80x128xf32, #tpu.memory_space<vmem>>, vector<16xf32>,
        %mul3A_629 = arith.mulf %get3A_628, %gather3A_583 : vector<16xf32>
        %swap3A_630 = arith.index_cast %add3A_580 : i32 to index
        %swap3A_631 = arith.constant 96 : index
        %swap3A_632 = tpu.vector_load %arg7[%swap3A_630, %swap3A_631] {strides = array<i32>} : memref<80x128xf32, #tpu.memory_space<vmem>>, vector<16xf32>,
        tpu.vector_store %arg7[%swap3A_630, %swap3A_631], %mul3A_629 {strides = array<i32>} : memref<80x128xf32, #tpu.memory_space<vmem>>, vector<16xf32>,
        %get3A_633 = arith.index_cast %add3A_580 : i32 to index
        %get3A_634 = arith.constant 112 : index
        %get3A_635 = tpu.vector_load %arg7[%get3A_633, %get3A_634] {strides = array<i32>} : memref<80x128xf32, #tpu.memory_space<vmem>>, vector<16xf32>,
        %mul3A_636 = arith.mulf %get3A_635, %gather3A_583 : vector<16xf32>
        %swap3A_637 = arith.index_cast %add3A_580 : i32 to index
        %swap3A_638 = arith.constant 112 : index
        %swap3A_639 = tpu.vector_load %arg7[%swap3A_637, %swap3A_638] {strides = array<i32>} : memref<80x128xf32, #tpu.memory_space<vmem>>, vector<16xf32>,
        tpu.vector_store %arg7[%swap3A_637, %swap3A_638], %mul3A_636 {strides = array<i32>} : memref<80x128xf32, #tpu.memory_space<vmem>>, vector<16xf32>,
      }
      %scan3A_184 = arith.constant 20 : i32
      %dma_wait3A_185 = arith.constant 1 : i32
      %dma_wait3A_186 = arith.constant 0 : i32
      %dma_wait3A_187 = arith.constant 0 : i32
      %dma_wait3A_188 = tpu.memref_slice %arg3[%dma_wait3A_185, %add3A, %add3A_165, %dma_wait3A_186, %dma_wait3A_187] : memref<2x32x125x1x80xi32, #tpu.memory_space<hbm>> -> memref<1x1x1x1x80xi32, #tpu.memory_space<hbm>>
      %dma_wait3A_189 = tpu.memref_squeeze %dma_wait3A_188 : memref<1x1x1x1x80xi32, #tpu.memory_space<hbm>> -> memref<1x80xi32, #tpu.memory_space<hbm>>
      %dma_wait3A_190 = arith.constant 0 : i32
      %dma_wait3A_191 = arith.constant 0 : i32
      %dma_wait3A_192 = tpu.memref_slice %arg3[%dma_wait3A_185, %add3A, %add3A_165, %dma_wait3A_190, %dma_wait3A_191] : memref<2x32x125x1x80xi32, #tpu.memory_space<hbm>> -> memref<1x1x1x1x80xi32, #tpu.memory_space<hbm>>
      %dma_wait3A_193 = tpu.memref_squeeze %dma_wait3A_192 : memref<1x1x1x1x80xi32, #tpu.memory_space<hbm>> -> memref<1x80xi32, #tpu.memory_space<hbm>>
      tpu.wait_dma2 semaphore(%arg35 : memref<!tpu.dma_semaphore, #tpu.memory_space<semaphore_mem>>) src(%dma_wait3A_193 : memref<1x80xi32, #tpu.memory_space<hbm>>) dst(%arg15 : memref<1x80xi32, #tpu.memory_space<vmem>>)
      %dma_start3A_194 = arith.constant 0 : i32
      %dma_start3A_195 = arith.constant 0 : i32
      %dma_start3A_196 = tpu.memref_slice %arg15[%dma_start3A_194, %dma_start3A_195] : memref<1x80xi32, #tpu.memory_space<vmem>> -> memref<1x80xi32, #tpu.memory_space<vmem>>
      %dma_start3A_197 = tpu.memref_squeeze %dma_start3A_196 : memref<1x80xi32, #tpu.memory_space<vmem>> -> memref<80xi32, #tpu.memory_space<vmem>>
      %dma_start3A_198 = arith.constant 0 : i32
      %dma_start3A_199 = arith.constant 0 : i32
      %dma_start3A_200 = tpu.memref_slice %arg6[%dma_start3A_198, %dma_start3A_199] : memref<10000x128xf32, #tpu.memory_space<vmem_shared>> -> memref<10000x128xf32, #tpu.memory_space<vmem_shared>>
      tpu.enqueue_indirect_dma source(%arg7 : memref<80x128xf32, #tpu.memory_space<vmem>>) target(%dma_start3A_200 : memref<10000x128xf32, #tpu.memory_space<vmem_shared>>) offsets(%dma_start3A_197 : memref<80xi32, #tpu.memory_space<vmem>>) semaphore(%arg27 : memref<!tpu.dma_semaphore, #tpu.memory_space<semaphore_mem>>) {add = true}
      %ge3A = arith.constant 2 : i32
      %ge3A_201 = arith.cmpi sge, %add3A_165, %ge3A : i32
      %convert_element_type3A = arith.extui %ge3A_201 : i1 to i32
      %cond3A = arith.constant 0 : i32
      %cond3A_202 = arith.cmpi ne, %convert_element_type3A, %cond3A : i32
      scf.if %cond3A_202 {
        %dma_wait3A_390 = arith.constant 0 : i32
        %dma_wait3A_391 = arith.constant 0 : i32
        %dma_wait3A_392 = tpu.memref_slice %arg17[%dma_wait3A_390, %dma_wait3A_391] : memref<1x80xi32, #tpu.memory_space<vmem>> -> memref<1x80xi32, #tpu.memory_space<vmem>>
        %dma_wait3A_393 = tpu.memref_squeeze %dma_wait3A_392 : memref<1x80xi32, #tpu.memory_space<vmem>> -> memref<80xi32, #tpu.memory_space<vmem>>
        %dma_wait3A_394 = arith.constant 0 : i32
        %dma_wait3A_395 = arith.constant 0 : i32
        %dma_wait3A_396 = tpu.memref_slice %arg6[%dma_wait3A_394, %dma_wait3A_395] : memref<10000x128xf32, #tpu.memory_space<vmem_shared>> -> memref<10000x128xf32, #tpu.memory_space<vmem_shared>>
        tpu.wait_indirect_dma semaphore(%arg29 : memref<!tpu.dma_semaphore, #tpu.memory_space<semaphore_mem>>) src(%arg9 : memref<80x128xf32, #tpu.memory_space<vmem>>) dst(%dma_wait3A_396 : memref<10000x128xf32, #tpu.memory_space<vmem_shared>>)
      } else {
      }
      %add3A_203 = arith.constant 2 : i32
      %add3A_204 = arith.addi %add3A_165, %add3A_203 : i32
      %lt3A = arith.constant 125 : i32
      %lt3A_205 = arith.cmpi slt, %add3A_204, %lt3A : i32
      %convert_element_type3A_206 = arith.extui %lt3A_205 : i1 to i32
      %cond3A_207 = arith.constant 0 : i32
      %cond3A_208 = arith.cmpi ne, %convert_element_type3A_206, %cond3A_207 : i32
      scf.if %cond3A_208 {
        %add3A_390 = arith.constant 2 : i32
        %add3A_391 = arith.addi %add3A_165, %add3A_390 : i32
        %dma_start3A_392 = arith.constant 0 : i32
        %dma_start3A_393 = arith.constant 0 : i32
        %dma_start3A_394 = arith.constant 0 : i32
        %dma_start3A_395 = tpu.memref_slice %arg3[%dma_start3A_392, %add3A, %add3A_391, %dma_start3A_393, %dma_start3A_394] : memref<2x32x125x1x80xi32, #tpu.memory_space<hbm>> -> memref<1x1x1x1x80xi32, #tpu.memory_space<hbm>>
        %dma_start3A_396 = tpu.memref_squeeze %dma_start3A_395 : memref<1x1x1x1x80xi32, #tpu.memory_space<hbm>> -> memref<1x80xi32, #tpu.memory_space<hbm>>
        %dma_start3A_397 = arith.constant 0 : i32
        %dma_start3A_398 = arith.constant 0 : i32
        %dma_start3A_399 = tpu.memref_slice %arg3[%dma_start3A_392, %add3A, %add3A_391, %dma_start3A_397, %dma_start3A_398] : memref<2x32x125x1x80xi32, #tpu.memory_space<hbm>> -> memref<1x1x1x1x80xi32, #tpu.memory_space<hbm>>
        %dma_start3A_400 = tpu.memref_squeeze %dma_start3A_399 : memref<1x1x1x1x80xi32, #tpu.memory_space<hbm>> -> memref<1x80xi32, #tpu.memory_space<hbm>>
        tpu.enqueue_dma source(%dma_start3A_400 : memref<1x80xi32, #tpu.memory_space<hbm>>) target(%arg13 : memref<1x80xi32, #tpu.memory_space<vmem>>) target_semaphore(%arg33 : memref<!tpu.dma_semaphore, #tpu.memory_space<semaphore_mem>>)
        %dma_start3A_401 = arith.constant 1 : i32
        %dma_start3A_402 = arith.constant 0 : i32
        %dma_start3A_403 = arith.constant 0 : i32
        %dma_start3A_404 = tpu.memref_slice %arg3[%dma_start3A_401, %add3A, %add3A_391, %dma_start3A_402, %dma_start3A_403] : memref<2x32x125x1x80xi32, #tpu.memory_space<hbm>> -> memref<1x1x1x1x80xi32, #tpu.memory_space<hbm>>
        %dma_start3A_405 = tpu.memref_squeeze %dma_start3A_404 : memref<1x1x1x1x80xi32, #tpu.memory_space<hbm>> -> memref<1x80xi32, #tpu.memory_space<hbm>>
        %dma_start3A_406 = arith.constant 0 : i32
        %dma_start3A_407 = arith.constant 0 : i32
        %dma_start3A_408 = tpu.memref_slice %arg3[%dma_start3A_401, %add3A, %add3A_391, %dma_start3A_406, %dma_start3A_407] : memref<2x32x125x1x80xi32, #tpu.memory_space<hbm>> -> memref<1x1x1x1x80xi32, #tpu.memory_space<hbm>>
        %dma_start3A_409 = tpu.memref_squeeze %dma_start3A_408 : memref<1x1x1x1x80xi32, #tpu.memory_space<hbm>> -> memref<1x80xi32, #tpu.memory_space<hbm>>
        tpu.enqueue_dma source(%dma_start3A_409 : memref<1x80xi32, #tpu.memory_space<hbm>>) target(%arg17 : memref<1x80xi32, #tpu.memory_space<vmem>>) target_semaphore(%arg37 : memref<!tpu.dma_semaphore, #tpu.memory_space<semaphore_mem>>)
        %dma_start3A_410 = arith.constant 0 : i32
        %dma_start3A_411 = tpu.memref_slice %arg4[%add3A, %add3A_391, %dma_start3A_410] : memref<32x125x80xf32, #tpu.memory_space<hbm>> -> memref<1x1x80xf32, #tpu.memory_space<hbm>>
        %dma_start3A_412 = tpu.memref_squeeze %dma_start3A_411 : memref<1x1x80xf32, #tpu.memory_space<hbm>> -> memref<80xf32, #tpu.memory_space<hbm>>
        %dma_start3A_413 = arith.constant 0 : i32
        %dma_start3A_414 = tpu.memref_slice %arg4[%add3A, %add3A_391, %dma_start3A_413] : memref<32x125x80xf32, #tpu.memory_space<hbm>> -> memref<1x1x80xf32, #tpu.memory_space<hbm>>
        %dma_start3A_415 = tpu.memref_squeeze %dma_start3A_414 : memref<1x1x80xf32, #tpu.memory_space<hbm>> -> memref<80xf32, #tpu.memory_space<hbm>>
        tpu.enqueue_dma source(%dma_start3A_415 : memref<80xf32, #tpu.memory_space<hbm>>) target(%arg21 : memref<80xf32, #tpu.memory_space<vmem>>) target_semaphore(%arg41 : memref<!tpu.dma_semaphore, #tpu.memory_space<semaphore_mem>>)
      } else {
      }
      %add3A_209 = arith.constant 1 : i32
      %add3A_210 = arith.addi %add3A_165, %add3A_209 : i32
      %lt3A_211 = arith.constant 125 : i32
      %lt3A_212 = arith.cmpi slt, %add3A_210, %lt3A_211 : i32
      %convert_element_type3A_213 = arith.extui %lt3A_212 : i1 to i32
      %cond3A_214 = arith.constant 0 : i32
      %cond3A_215 = arith.cmpi ne, %convert_element_type3A_213, %cond3A_214 : i32
      scf.if %cond3A_215 {
        %add3A_390 = arith.constant 1 : i32
        %add3A_391 = arith.addi %add3A_165, %add3A_390 : i32
        %dma_wait3A_392 = arith.constant 0 : i32
        %dma_wait3A_393 = arith.constant 0 : i32
        %dma_wait3A_394 = arith.constant 0 : i32
        %dma_wait3A_395 = tpu.memref_slice %arg3[%dma_wait3A_392, %add3A, %add3A_391, %dma_wait3A_393, %dma_wait3A_394] : memref<2x32x125x1x80xi32, #tpu.memory_space<hbm>> -> memref<1x1x1x1x80xi32, #tpu.memory_space<hbm>>
        %dma_wait3A_396 = tpu.memref_squeeze %dma_wait3A_395 : memref<1x1x1x1x80xi32, #tpu.memory_space<hbm>> -> memref<1x80xi32, #tpu.memory_space<hbm>>
        %dma_wait3A_397 = arith.constant 0 : i32
        %dma_wait3A_398 = arith.constant 0 : i32
        %dma_wait3A_399 = tpu.memref_slice %arg3[%dma_wait3A_392, %add3A, %add3A_391, %dma_wait3A_397, %dma_wait3A_398] : memref<2x32x125x1x80xi32, #tpu.memory_space<hbm>> -> memref<1x1x1x1x80xi32, #tpu.memory_space<hbm>>
        %dma_wait3A_400 = tpu.memref_squeeze %dma_wait3A_399 : memref<1x1x1x1x80xi32, #tpu.memory_space<hbm>> -> memref<1x80xi32, #tpu.memory_space<hbm>>
        tpu.wait_dma2 semaphore(%arg32 : memref<!tpu.dma_semaphore, #tpu.memory_space<semaphore_mem>>) src(%dma_wait3A_400 : memref<1x80xi32, #tpu.memory_space<hbm>>) dst(%arg12 : memref<1x80xi32, #tpu.memory_space<vmem>>)
        %dma_start3A_401 = arith.constant 0 : i32
        %dma_start3A_402 = arith.constant 0 : i32
        %dma_start3A_403 = tpu.memref_slice %arg12[%dma_start3A_401, %dma_start3A_402] : memref<1x80xi32, #tpu.memory_space<vmem>> -> memref<1x80xi32, #tpu.memory_space<vmem>>
        %dma_start3A_404 = tpu.memref_squeeze %dma_start3A_403 : memref<1x80xi32, #tpu.memory_space<vmem>> -> memref<80xi32, #tpu.memory_space<vmem>>
        %dma_start3A_405 = arith.constant 0 : i32
        %dma_start3A_406 = arith.constant 0 : i32
        %dma_start3A_407 = tpu.memref_slice %arg2[%dma_start3A_405, %dma_start3A_406] : memref<10000x128xf32, #tpu.memory_space<hbm>> -> memref<10000x128xf32, #tpu.memory_space<hbm>>
        tpu.enqueue_indirect_dma source(%dma_start3A_407 : memref<10000x128xf32, #tpu.memory_space<hbm>>) target(%arg8 : memref<80x128xf32, #tpu.memory_space<vmem>>) offsets(%dma_start3A_404 : memref<80xi32, #tpu.memory_space<vmem>>) semaphore(%arg24 : memref<!tpu.dma_semaphore, #tpu.memory_space<semaphore_mem>>)
      } else {
      }
      %mul3A_216 = arith.constant 4 : i32
      %mul3A_217 = arith.muli %scan3A_161, %mul3A_216 : i32
      %add3A_218 = arith.constant 1 : i32
      %add3A_219 = arith.addi %mul3A_217, %add3A_218 : i32
      %dma_wait3A_220 = arith.constant 0 : i32
      %dma_wait3A_221 = arith.constant 0 : i32
      %dma_wait3A_222 = tpu.memref_slice %arg12[%dma_wait3A_220, %dma_wait3A_221] : memref<1x80xi32, #tpu.memory_space<vmem>> -> memref<1x80xi32, #tpu.memory_space<vmem>>
      %dma_wait3A_223 = tpu.memref_squeeze %dma_wait3A_222 : memref<1x80xi32, #tpu.memory_space<vmem>> -> memref<80xi32, #tpu.memory_space<vmem>>
      %dma_wait3A_224 = arith.constant 0 : i32
      %dma_wait3A_225 = arith.constant 0 : i32
      %dma_wait3A_226 = tpu.memref_slice %arg2[%dma_wait3A_224, %dma_wait3A_225] : memref<10000x128xf32, #tpu.memory_space<hbm>> -> memref<10000x128xf32, #tpu.memory_space<hbm>>
      tpu.wait_indirect_dma semaphore(%arg24 : memref<!tpu.dma_semaphore, #tpu.memory_space<semaphore_mem>>) src(%dma_wait3A_226 : memref<10000x128xf32, #tpu.memory_space<hbm>>) dst(%arg8 : memref<80x128xf32, #tpu.memory_space<vmem>>)
      %dma_wait3A_227 = arith.constant 0 : i32
      %dma_wait3A_228 = tpu.memref_slice %arg4[%add3A, %add3A_219, %dma_wait3A_227] : memref<32x125x80xf32, #tpu.memory_space<hbm>> -> memref<1x1x80xf32, #tpu.memory_space<hbm>>
      %dma_wait3A_229 = tpu.memref_squeeze %dma_wait3A_228 : memref<1x1x80xf32, #tpu.memory_space<hbm>> -> memref<80xf32, #tpu.memory_space<hbm>>
      %dma_wait3A_230 = arith.constant 0 : i32
      %dma_wait3A_231 = tpu.memref_slice %arg4[%add3A, %add3A_219, %dma_wait3A_230] : memref<32x125x80xf32, #tpu.memory_space<hbm>> -> memref<1x1x80xf32, #tpu.memory_space<hbm>>
      %dma_wait3A_232 = tpu.memref_squeeze %dma_wait3A_231 : memref<1x1x80xf32, #tpu.memory_space<hbm>> -> memref<80xf32, #tpu.memory_space<hbm>>
      tpu.wait_dma2 semaphore(%arg40 : memref<!tpu.dma_semaphore, #tpu.memory_space<semaphore_mem>>) src(%dma_wait3A_232 : memref<80xf32, #tpu.memory_space<hbm>>) dst(%arg20 : memref<80xf32, #tpu.memory_space<vmem>>)
      %scan3A_233 = arith.constant 0 : i32
      %scan3A_234 = arith.constant 0 : i32
      %scan3A_235 = arith.constant 20 : i32
      %scan3A_236 = arith.addi %scan3A_234, %scan3A_235 : i32
      %scan3A_237 = arith.constant 1 : i32
      scf.for %scan3A_390 = %scan3A_234 to %scan3A_236 step %scan3A_237  : i32 {
        %mul3A_391 = arith.constant 4 : i32
        %mul3A_392 = arith.muli %scan3A_390, %mul3A_391 : i32
        %add3A_393 = arith.constant 0 : i32
        %add3A_394 = arith.addi %mul3A_392, %add3A_393 : i32
        %add3A_395 = vector.broadcast %add3A_394 : i32 to vector<16xi32>
        %add3A_396 = arith.addi %broadcast_in_dim3A_95, %add3A_395 : vector<16xi32>
        %gather3A = tpu.vector_load_idx %arg20[%add3A_396] : memref<80xf32, #tpu.memory_space<vmem>>[vector<16xi32>], vector<16xf32>,
        %get3A = arith.index_cast %add3A_394 : i32 to index
        %get3A_397 = arith.constant 0 : index
        %get3A_398 = tpu.vector_load %arg8[%get3A, %get3A_397] {strides = array<i32>} : memref<80x128xf32, #tpu.memory_space<vmem>>, vector<16xf32>,
        %mul3A_399 = arith.mulf %get3A_398, %gather3A : vector<16xf32>
        %swap3A = arith.index_cast %add3A_394 : i32 to index
        %swap3A_400 = arith.constant 0 : index
        %swap3A_401 = tpu.vector_load %arg8[%swap3A, %swap3A_400] {strides = array<i32>} : memref<80x128xf32, #tpu.memory_space<vmem>>, vector<16xf32>,
        tpu.vector_store %arg8[%swap3A, %swap3A_400], %mul3A_399 {strides = array<i32>} : memref<80x128xf32, #tpu.memory_space<vmem>>, vector<16xf32>,
        %get3A_402 = arith.index_cast %add3A_394 : i32 to index
        %get3A_403 = arith.constant 16 : index
        %get3A_404 = tpu.vector_load %arg8[%get3A_402, %get3A_403] {strides = array<i32>} : memref<80x128xf32, #tpu.memory_space<vmem>>, vector<16xf32>,
        %mul3A_405 = arith.mulf %get3A_404, %gather3A : vector<16xf32>
        %swap3A_406 = arith.index_cast %add3A_394 : i32 to index
        %swap3A_407 = arith.constant 16 : index
        %swap3A_408 = tpu.vector_load %arg8[%swap3A_406, %swap3A_407] {strides = array<i32>} : memref<80x128xf32, #tpu.memory_space<vmem>>, vector<16xf32>,
        tpu.vector_store %arg8[%swap3A_406, %swap3A_407], %mul3A_405 {strides = array<i32>} : memref<80x128xf32, #tpu.memory_space<vmem>>, vector<16xf32>,
        %get3A_409 = arith.index_cast %add3A_394 : i32 to index
        %get3A_410 = arith.constant 32 : index
        %get3A_411 = tpu.vector_load %arg8[%get3A_409, %get3A_410] {strides = array<i32>} : memref<80x128xf32, #tpu.memory_space<vmem>>, vector<16xf32>,
        %mul3A_412 = arith.mulf %get3A_411, %gather3A : vector<16xf32>
        %swap3A_413 = arith.index_cast %add3A_394 : i32 to index
        %swap3A_414 = arith.constant 32 : index
        %swap3A_415 = tpu.vector_load %arg8[%swap3A_413, %swap3A_414] {strides = array<i32>} : memref<80x128xf32, #tpu.memory_space<vmem>>, vector<16xf32>,
        tpu.vector_store %arg8[%swap3A_413, %swap3A_414], %mul3A_412 {strides = array<i32>} : memref<80x128xf32, #tpu.memory_space<vmem>>, vector<16xf32>,
        %get3A_416 = arith.index_cast %add3A_394 : i32 to index
        %get3A_417 = arith.constant 48 : index
        %get3A_418 = tpu.vector_load %arg8[%get3A_416, %get3A_417] {strides = array<i32>} : memref<80x128xf32, #tpu.memory_space<vmem>>, vector<16xf32>,
        %mul3A_419 = arith.mulf %get3A_418, %gather3A : vector<16xf32>
        %swap3A_420 = arith.index_cast %add3A_394 : i32 to index
        %swap3A_421 = arith.constant 48 : index
        %swap3A_422 = tpu.vector_load %arg8[%swap3A_420, %swap3A_421] {strides = array<i32>} : memref<80x128xf32, #tpu.memory_space<vmem>>, vector<16xf32>,
        tpu.vector_store %arg8[%swap3A_420, %swap3A_421], %mul3A_419 {strides = array<i32>} : memref<80x128xf32, #tpu.memory_space<vmem>>, vector<16xf32>,
        %get3A_423 = arith.index_cast %add3A_394 : i32 to index
        %get3A_424 = arith.constant 64 : index
        %get3A_425 = tpu.vector_load %arg8[%get3A_423, %get3A_424] {strides = array<i32>} : memref<80x128xf32, #tpu.memory_space<vmem>>, vector<16xf32>,
        %mul3A_426 = arith.mulf %get3A_425, %gather3A : vector<16xf32>
        %swap3A_427 = arith.index_cast %add3A_394 : i32 to index
        %swap3A_428 = arith.constant 64 : index
        %swap3A_429 = tpu.vector_load %arg8[%swap3A_427, %swap3A_428] {strides = array<i32>} : memref<80x128xf32, #tpu.memory_space<vmem>>, vector<16xf32>,
        tpu.vector_store %arg8[%swap3A_427, %swap3A_428], %mul3A_426 {strides = array<i32>} : memref<80x128xf32, #tpu.memory_space<vmem>>, vector<16xf32>,
        %get3A_430 = arith.index_cast %add3A_394 : i32 to index
        %get3A_431 = arith.constant 80 : index
        %get3A_432 = tpu.vector_load %arg8[%get3A_430, %get3A_431] {strides = array<i32>} : memref<80x128xf32, #tpu.memory_space<vmem>>, vector<16xf32>,
        %mul3A_433 = arith.mulf %get3A_432, %gather3A : vector<16xf32>
        %swap3A_434 = arith.index_cast %add3A_394 : i32 to index
        %swap3A_435 = arith.constant 80 : index
        %swap3A_436 = tpu.vector_load %arg8[%swap3A_434, %swap3A_435] {strides = array<i32>} : memref<80x128xf32, #tpu.memory_space<vmem>>, vector<16xf32>,
        tpu.vector_store %arg8[%swap3A_434, %swap3A_435], %mul3A_433 {strides = array<i32>} : memref<80x128xf32, #tpu.memory_space<vmem>>, vector<16xf32>,
        %get3A_437 = arith.index_cast %add3A_394 : i32 to index
        %get3A_438 = arith.constant 96 : index
        %get3A_439 = tpu.vector_load %arg8[%get3A_437, %get3A_438] {strides = array<i32>} : memref<80x128xf32, #tpu.memory_space<vmem>>, vector<16xf32>,
        %mul3A_440 = arith.mulf %get3A_439, %gather3A : vector<16xf32>
        %swap3A_441 = arith.index_cast %add3A_394 : i32 to index
        %swap3A_442 = arith.constant 96 : index
        %swap3A_443 = tpu.vector_load %arg8[%swap3A_441, %swap3A_442] {strides = array<i32>} : memref<80x128xf32, #tpu.memory_space<vmem>>, vector<16xf32>,
        tpu.vector_store %arg8[%swap3A_441, %swap3A_442], %mul3A_440 {strides = array<i32>} : memref<80x128xf32, #tpu.memory_space<vmem>>, vector<16xf32>,
        %get3A_444 = arith.index_cast %add3A_394 : i32 to index
        %get3A_445 = arith.constant 112 : index
        %get3A_446 = tpu.vector_load %arg8[%get3A_444, %get3A_445] {strides = array<i32>} : memref<80x128xf32, #tpu.memory_space<vmem>>, vector<16xf32>,
        %mul3A_447 = arith.mulf %get3A_446, %gather3A : vector<16xf32>
        %swap3A_448 = arith.index_cast %add3A_394 : i32 to index
        %swap3A_449 = arith.constant 112 : index
        %swap3A_450 = tpu.vector_load %arg8[%swap3A_448, %swap3A_449] {strides = array<i32>} : memref<80x128xf32, #tpu.memory_space<vmem>>, vector<16xf32>,
        tpu.vector_store %arg8[%swap3A_448, %swap3A_449], %mul3A_447 {strides = array<i32>} : memref<80x128xf32, #tpu.memory_space<vmem>>, vector<16xf32>,
        %mul3A_451 = arith.constant 4 : i32
        %mul3A_452 = arith.muli %scan3A_390, %mul3A_451 : i32
        %add3A_453 = arith.constant 1 : i32
        %add3A_454 = arith.addi %mul3A_452, %add3A_453 : i32
        %add3A_455 = vector.broadcast %add3A_454 : i32 to vector<16xi32>
        %add3A_456 = arith.addi %broadcast_in_dim3A_95, %add3A_455 : vector<16xi32>
        %gather3A_457 = tpu.vector_load_idx %arg20[%add3A_456] : memref<80xf32, #tpu.memory_space<vmem>>[vector<16xi32>], vector<16xf32>,
        %get3A_458 = arith.index_cast %add3A_454 : i32 to index
        %get3A_459 = arith.constant 0 : index
        %get3A_460 = tpu.vector_load %arg8[%get3A_458, %get3A_459] {strides = array<i32>} : memref<80x128xf32, #tpu.memory_space<vmem>>, vector<16xf32>,
        %mul3A_461 = arith.mulf %get3A_460, %gather3A_457 : vector<16xf32>
        %swap3A_462 = arith.index_cast %add3A_454 : i32 to index
        %swap3A_463 = arith.constant 0 : index
        %swap3A_464 = tpu.vector_load %arg8[%swap3A_462, %swap3A_463] {strides = array<i32>} : memref<80x128xf32, #tpu.memory_space<vmem>>, vector<16xf32>,
        tpu.vector_store %arg8[%swap3A_462, %swap3A_463], %mul3A_461 {strides = array<i32>} : memref<80x128xf32, #tpu.memory_space<vmem>>, vector<16xf32>,
        %get3A_465 = arith.index_cast %add3A_454 : i32 to index
        %get3A_466 = arith.constant 16 : index
        %get3A_467 = tpu.vector_load %arg8[%get3A_465, %get3A_466] {strides = array<i32>} : memref<80x128xf32, #tpu.memory_space<vmem>>, vector<16xf32>,
        %mul3A_468 = arith.mulf %get3A_467, %gather3A_457 : vector<16xf32>
        %swap3A_469 = arith.index_cast %add3A_454 : i32 to index
        %swap3A_470 = arith.constant 16 : index
        %swap3A_471 = tpu.vector_load %arg8[%swap3A_469, %swap3A_470] {strides = array<i32>} : memref<80x128xf32, #tpu.memory_space<vmem>>, vector<16xf32>,
        tpu.vector_store %arg8[%swap3A_469, %swap3A_470], %mul3A_468 {strides = array<i32>} : memref<80x128xf32, #tpu.memory_space<vmem>>, vector<16xf32>,
        %get3A_472 = arith.index_cast %add3A_454 : i32 to index
        %get3A_473 = arith.constant 32 : index
        %get3A_474 = tpu.vector_load %arg8[%get3A_472, %get3A_473] {strides = array<i32>} : memref<80x128xf32, #tpu.memory_space<vmem>>, vector<16xf32>,
        %mul3A_475 = arith.mulf %get3A_474, %gather3A_457 : vector<16xf32>
        %swap3A_476 = arith.index_cast %add3A_454 : i32 to index
        %swap3A_477 = arith.constant 32 : index
        %swap3A_478 = tpu.vector_load %arg8[%swap3A_476, %swap3A_477] {strides = array<i32>} : memref<80x128xf32, #tpu.memory_space<vmem>>, vector<16xf32>,
        tpu.vector_store %arg8[%swap3A_476, %swap3A_477], %mul3A_475 {strides = array<i32>} : memref<80x128xf32, #tpu.memory_space<vmem>>, vector<16xf32>,
        %get3A_479 = arith.index_cast %add3A_454 : i32 to index
        %get3A_480 = arith.constant 48 : index
        %get3A_481 = tpu.vector_load %arg8[%get3A_479, %get3A_480] {strides = array<i32>} : memref<80x128xf32, #tpu.memory_space<vmem>>, vector<16xf32>,
        %mul3A_482 = arith.mulf %get3A_481, %gather3A_457 : vector<16xf32>
        %swap3A_483 = arith.index_cast %add3A_454 : i32 to index
        %swap3A_484 = arith.constant 48 : index
        %swap3A_485 = tpu.vector_load %arg8[%swap3A_483, %swap3A_484] {strides = array<i32>} : memref<80x128xf32, #tpu.memory_space<vmem>>, vector<16xf32>,
        tpu.vector_store %arg8[%swap3A_483, %swap3A_484], %mul3A_482 {strides = array<i32>} : memref<80x128xf32, #tpu.memory_space<vmem>>, vector<16xf32>,
        %get3A_486 = arith.index_cast %add3A_454 : i32 to index
        %get3A_487 = arith.constant 64 : index
        %get3A_488 = tpu.vector_load %arg8[%get3A_486, %get3A_487] {strides = array<i32>} : memref<80x128xf32, #tpu.memory_space<vmem>>, vector<16xf32>,
        %mul3A_489 = arith.mulf %get3A_488, %gather3A_457 : vector<16xf32>
        %swap3A_490 = arith.index_cast %add3A_454 : i32 to index
        %swap3A_491 = arith.constant 64 : index
        %swap3A_492 = tpu.vector_load %arg8[%swap3A_490, %swap3A_491] {strides = array<i32>} : memref<80x128xf32, #tpu.memory_space<vmem>>, vector<16xf32>,
        tpu.vector_store %arg8[%swap3A_490, %swap3A_491], %mul3A_489 {strides = array<i32>} : memref<80x128xf32, #tpu.memory_space<vmem>>, vector<16xf32>,
        %get3A_493 = arith.index_cast %add3A_454 : i32 to index
        %get3A_494 = arith.constant 80 : index
        %get3A_495 = tpu.vector_load %arg8[%get3A_493, %get3A_494] {strides = array<i32>} : memref<80x128xf32, #tpu.memory_space<vmem>>, vector<16xf32>,
        %mul3A_496 = arith.mulf %get3A_495, %gather3A_457 : vector<16xf32>
        %swap3A_497 = arith.index_cast %add3A_454 : i32 to index
        %swap3A_498 = arith.constant 80 : index
        %swap3A_499 = tpu.vector_load %arg8[%swap3A_497, %swap3A_498] {strides = array<i32>} : memref<80x128xf32, #tpu.memory_space<vmem>>, vector<16xf32>,
        tpu.vector_store %arg8[%swap3A_497, %swap3A_498], %mul3A_496 {strides = array<i32>} : memref<80x128xf32, #tpu.memory_space<vmem>>, vector<16xf32>,
        %get3A_500 = arith.index_cast %add3A_454 : i32 to index
        %get3A_501 = arith.constant 96 : index
        %get3A_502 = tpu.vector_load %arg8[%get3A_500, %get3A_501] {strides = array<i32>} : memref<80x128xf32, #tpu.memory_space<vmem>>, vector<16xf32>,
        %mul3A_503 = arith.mulf %get3A_502, %gather3A_457 : vector<16xf32>
        %swap3A_504 = arith.index_cast %add3A_454 : i32 to index
        %swap3A_505 = arith.constant 96 : index
        %swap3A_506 = tpu.vector_load %arg8[%swap3A_504, %swap3A_505] {strides = array<i32>} : memref<80x128xf32, #tpu.memory_space<vmem>>, vector<16xf32>,
        tpu.vector_store %arg8[%swap3A_504, %swap3A_505], %mul3A_503 {strides = array<i32>} : memref<80x128xf32, #tpu.memory_space<vmem>>, vector<16xf32>,
        %get3A_507 = arith.index_cast %add3A_454 : i32 to index
        %get3A_508 = arith.constant 112 : index
        %get3A_509 = tpu.vector_load %arg8[%get3A_507, %get3A_508] {strides = array<i32>} : memref<80x128xf32, #tpu.memory_space<vmem>>, vector<16xf32>,
        %mul3A_510 = arith.mulf %get3A_509, %gather3A_457 : vector<16xf32>
        %swap3A_511 = arith.index_cast %add3A_454 : i32 to index
        %swap3A_512 = arith.constant 112 : index
        %swap3A_513 = tpu.vector_load %arg8[%swap3A_511, %swap3A_512] {strides = array<i32>} : memref<80x128xf32, #tpu.memory_space<vmem>>, vector<16xf32>,
        tpu.vector_store %arg8[%swap3A_511, %swap3A_512], %mul3A_510 {strides = array<i32>} : memref<80x128xf32, #tpu.memory_space<vmem>>, vector<16xf32>,
        %mul3A_514 = arith.constant 4 : i32
        %mul3A_515 = arith.muli %scan3A_390, %mul3A_514 : i32
        %add3A_516 = arith.constant 2 : i32
        %add3A_517 = arith.addi %mul3A_515, %add3A_516 : i32
        %add3A_518 = vector.broadcast %add3A_517 : i32 to vector<16xi32>
        %add3A_519 = arith.addi %broadcast_in_dim3A_95, %add3A_518 : vector<16xi32>
        %gather3A_520 = tpu.vector_load_idx %arg20[%add3A_519] : memref<80xf32, #tpu.memory_space<vmem>>[vector<16xi32>], vector<16xf32>,
        %get3A_521 = arith.index_cast %add3A_517 : i32 to index
        %get3A_522 = arith.constant 0 : index
        %get3A_523 = tpu.vector_load %arg8[%get3A_521, %get3A_522] {strides = array<i32>} : memref<80x128xf32, #tpu.memory_space<vmem>>, vector<16xf32>,
        %mul3A_524 = arith.mulf %get3A_523, %gather3A_520 : vector<16xf32>
        %swap3A_525 = arith.index_cast %add3A_517 : i32 to index
        %swap3A_526 = arith.constant 0 : index
        %swap3A_527 = tpu.vector_load %arg8[%swap3A_525, %swap3A_526] {strides = array<i32>} : memref<80x128xf32, #tpu.memory_space<vmem>>, vector<16xf32>,
        tpu.vector_store %arg8[%swap3A_525, %swap3A_526], %mul3A_524 {strides = array<i32>} : memref<80x128xf32, #tpu.memory_space<vmem>>, vector<16xf32>,
        %get3A_528 = arith.index_cast %add3A_517 : i32 to index
        %get3A_529 = arith.constant 16 : index
        %get3A_530 = tpu.vector_load %arg8[%get3A_528, %get3A_529] {strides = array<i32>} : memref<80x128xf32, #tpu.memory_space<vmem>>, vector<16xf32>,
        %mul3A_531 = arith.mulf %get3A_530, %gather3A_520 : vector<16xf32>
        %swap3A_532 = arith.index_cast %add3A_517 : i32 to index
        %swap3A_533 = arith.constant 16 : index
        %swap3A_534 = tpu.vector_load %arg8[%swap3A_532, %swap3A_533] {strides = array<i32>} : memref<80x128xf32, #tpu.memory_space<vmem>>, vector<16xf32>,
        tpu.vector_store %arg8[%swap3A_532, %swap3A_533], %mul3A_531 {strides = array<i32>} : memref<80x128xf32, #tpu.memory_space<vmem>>, vector<16xf32>,
        %get3A_535 = arith.index_cast %add3A_517 : i32 to index
        %get3A_536 = arith.constant 32 : index
        %get3A_537 = tpu.vector_load %arg8[%get3A_535, %get3A_536] {strides = array<i32>} : memref<80x128xf32, #tpu.memory_space<vmem>>, vector<16xf32>,
        %mul3A_538 = arith.mulf %get3A_537, %gather3A_520 : vector<16xf32>
        %swap3A_539 = arith.index_cast %add3A_517 : i32 to index
        %swap3A_540 = arith.constant 32 : index
        %swap3A_541 = tpu.vector_load %arg8[%swap3A_539, %swap3A_540] {strides = array<i32>} : memref<80x128xf32, #tpu.memory_space<vmem>>, vector<16xf32>,
        tpu.vector_store %arg8[%swap3A_539, %swap3A_540], %mul3A_538 {strides = array<i32>} : memref<80x128xf32, #tpu.memory_space<vmem>>, vector<16xf32>,
        %get3A_542 = arith.index_cast %add3A_517 : i32 to index
        %get3A_543 = arith.constant 48 : index
        %get3A_544 = tpu.vector_load %arg8[%get3A_542, %get3A_543] {strides = array<i32>} : memref<80x128xf32, #tpu.memory_space<vmem>>, vector<16xf32>,
        %mul3A_545 = arith.mulf %get3A_544, %gather3A_520 : vector<16xf32>
        %swap3A_546 = arith.index_cast %add3A_517 : i32 to index
        %swap3A_547 = arith.constant 48 : index
        %swap3A_548 = tpu.vector_load %arg8[%swap3A_546, %swap3A_547] {strides = array<i32>} : memref<80x128xf32, #tpu.memory_space<vmem>>, vector<16xf32>,
        tpu.vector_store %arg8[%swap3A_546, %swap3A_547], %mul3A_545 {strides = array<i32>} : memref<80x128xf32, #tpu.memory_space<vmem>>, vector<16xf32>,
        %get3A_549 = arith.index_cast %add3A_517 : i32 to index
        %get3A_550 = arith.constant 64 : index
        %get3A_551 = tpu.vector_load %arg8[%get3A_549, %get3A_550] {strides = array<i32>} : memref<80x128xf32, #tpu.memory_space<vmem>>, vector<16xf32>,
        %mul3A_552 = arith.mulf %get3A_551, %gather3A_520 : vector<16xf32>
        %swap3A_553 = arith.index_cast %add3A_517 : i32 to index
        %swap3A_554 = arith.constant 64 : index
        %swap3A_555 = tpu.vector_load %arg8[%swap3A_553, %swap3A_554] {strides = array<i32>} : memref<80x128xf32, #tpu.memory_space<vmem>>, vector<16xf32>,
        tpu.vector_store %arg8[%swap3A_553, %swap3A_554], %mul3A_552 {strides = array<i32>} : memref<80x128xf32, #tpu.memory_space<vmem>>, vector<16xf32>,
        %get3A_556 = arith.index_cast %add3A_517 : i32 to index
        %get3A_557 = arith.constant 80 : index
        %get3A_558 = tpu.vector_load %arg8[%get3A_556, %get3A_557] {strides = array<i32>} : memref<80x128xf32, #tpu.memory_space<vmem>>, vector<16xf32>,
        %mul3A_559 = arith.mulf %get3A_558, %gather3A_520 : vector<16xf32>
        %swap3A_560 = arith.index_cast %add3A_517 : i32 to index
        %swap3A_561 = arith.constant 80 : index
        %swap3A_562 = tpu.vector_load %arg8[%swap3A_560, %swap3A_561] {strides = array<i32>} : memref<80x128xf32, #tpu.memory_space<vmem>>, vector<16xf32>,
        tpu.vector_store %arg8[%swap3A_560, %swap3A_561], %mul3A_559 {strides = array<i32>} : memref<80x128xf32, #tpu.memory_space<vmem>>, vector<16xf32>,
        %get3A_563 = arith.index_cast %add3A_517 : i32 to index
        %get3A_564 = arith.constant 96 : index
        %get3A_565 = tpu.vector_load %arg8[%get3A_563, %get3A_564] {strides = array<i32>} : memref<80x128xf32, #tpu.memory_space<vmem>>, vector<16xf32>,
        %mul3A_566 = arith.mulf %get3A_565, %gather3A_520 : vector<16xf32>
        %swap3A_567 = arith.index_cast %add3A_517 : i32 to index
        %swap3A_568 = arith.constant 96 : index
        %swap3A_569 = tpu.vector_load %arg8[%swap3A_567, %swap3A_568] {strides = array<i32>} : memref<80x128xf32, #tpu.memory_space<vmem>>, vector<16xf32>,
        tpu.vector_store %arg8[%swap3A_567, %swap3A_568], %mul3A_566 {strides = array<i32>} : memref<80x128xf32, #tpu.memory_space<vmem>>, vector<16xf32>,
        %get3A_570 = arith.index_cast %add3A_517 : i32 to index
        %get3A_571 = arith.constant 112 : index
        %get3A_572 = tpu.vector_load %arg8[%get3A_570, %get3A_571] {strides = array<i32>} : memref<80x128xf32, #tpu.memory_space<vmem>>, vector<16xf32>,
        %mul3A_573 = arith.mulf %get3A_572, %gather3A_520 : vector<16xf32>
        %swap3A_574 = arith.index_cast %add3A_517 : i32 to index
        %swap3A_575 = arith.constant 112 : index
        %swap3A_576 = tpu.vector_load %arg8[%swap3A_574, %swap3A_575] {strides = array<i32>} : memref<80x128xf32, #tpu.memory_space<vmem>>, vector<16xf32>,
        tpu.vector_store %arg8[%swap3A_574, %swap3A_575], %mul3A_573 {strides = array<i32>} : memref<80x128xf32, #tpu.memory_space<vmem>>, vector<16xf32>,
        %mul3A_577 = arith.constant 4 : i32
        %mul3A_578 = arith.muli %scan3A_390, %mul3A_577 : i32
        %add3A_579 = arith.constant 3 : i32
        %add3A_580 = arith.addi %mul3A_578, %add3A_579 : i32
        %add3A_581 = vector.broadcast %add3A_580 : i32 to vector<16xi32>
        %add3A_582 = arith.addi %broadcast_in_dim3A_95, %add3A_581 : vector<16xi32>
        %gather3A_583 = tpu.vector_load_idx %arg20[%add3A_582] : memref<80xf32, #tpu.memory_space<vmem>>[vector<16xi32>], vector<16xf32>,
        %get3A_584 = arith.index_cast %add3A_580 : i32 to index
        %get3A_585 = arith.constant 0 : index
        %get3A_586 = tpu.vector_load %arg8[%get3A_584, %get3A_585] {strides = array<i32>} : memref<80x128xf32, #tpu.memory_space<vmem>>, vector<16xf32>,
        %mul3A_587 = arith.mulf %get3A_586, %gather3A_583 : vector<16xf32>
        %swap3A_588 = arith.index_cast %add3A_580 : i32 to index
        %swap3A_589 = arith.constant 0 : index
        %swap3A_590 = tpu.vector_load %arg8[%swap3A_588, %swap3A_589] {strides = array<i32>} : memref<80x128xf32, #tpu.memory_space<vmem>>, vector<16xf32>,
        tpu.vector_store %arg8[%swap3A_588, %swap3A_589], %mul3A_587 {strides = array<i32>} : memref<80x128xf32, #tpu.memory_space<vmem>>, vector<16xf32>,
        %get3A_591 = arith.index_cast %add3A_580 : i32 to index
        %get3A_592 = arith.constant 16 : index
        %get3A_593 = tpu.vector_load %arg8[%get3A_591, %get3A_592] {strides = array<i32>} : memref<80x128xf32, #tpu.memory_space<vmem>>, vector<16xf32>,
        %mul3A_594 = arith.mulf %get3A_593, %gather3A_583 : vector<16xf32>
        %swap3A_595 = arith.index_cast %add3A_580 : i32 to index
        %swap3A_596 = arith.constant 16 : index
        %swap3A_597 = tpu.vector_load %arg8[%swap3A_595, %swap3A_596] {strides = array<i32>} : memref<80x128xf32, #tpu.memory_space<vmem>>, vector<16xf32>,
        tpu.vector_store %arg8[%swap3A_595, %swap3A_596], %mul3A_594 {strides = array<i32>} : memref<80x128xf32, #tpu.memory_space<vmem>>, vector<16xf32>,
        %get3A_598 = arith.index_cast %add3A_580 : i32 to index
        %get3A_599 = arith.constant 32 : index
        %get3A_600 = tpu.vector_load %arg8[%get3A_598, %get3A_599] {strides = array<i32>} : memref<80x128xf32, #tpu.memory_space<vmem>>, vector<16xf32>,
        %mul3A_601 = arith.mulf %get3A_600, %gather3A_583 : vector<16xf32>
        %swap3A_602 = arith.index_cast %add3A_580 : i32 to index
        %swap3A_603 = arith.constant 32 : index
        %swap3A_604 = tpu.vector_load %arg8[%swap3A_602, %swap3A_603] {strides = array<i32>} : memref<80x128xf32, #tpu.memory_space<vmem>>, vector<16xf32>,
        tpu.vector_store %arg8[%swap3A_602, %swap3A_603], %mul3A_601 {strides = array<i32>} : memref<80x128xf32, #tpu.memory_space<vmem>>, vector<16xf32>,
        %get3A_605 = arith.index_cast %add3A_580 : i32 to index
        %get3A_606 = arith.constant 48 : index
        %get3A_607 = tpu.vector_load %arg8[%get3A_605, %get3A_606] {strides = array<i32>} : memref<80x128xf32, #tpu.memory_space<vmem>>, vector<16xf32>,
        %mul3A_608 = arith.mulf %get3A_607, %gather3A_583 : vector<16xf32>
        %swap3A_609 = arith.index_cast %add3A_580 : i32 to index
        %swap3A_610 = arith.constant 48 : index
        %swap3A_611 = tpu.vector_load %arg8[%swap3A_609, %swap3A_610] {strides = array<i32>} : memref<80x128xf32, #tpu.memory_space<vmem>>, vector<16xf32>,
        tpu.vector_store %arg8[%swap3A_609, %swap3A_610], %mul3A_608 {strides = array<i32>} : memref<80x128xf32, #tpu.memory_space<vmem>>, vector<16xf32>,
        %get3A_612 = arith.index_cast %add3A_580 : i32 to index
        %get3A_613 = arith.constant 64 : index
        %get3A_614 = tpu.vector_load %arg8[%get3A_612, %get3A_613] {strides = array<i32>} : memref<80x128xf32, #tpu.memory_space<vmem>>, vector<16xf32>,
        %mul3A_615 = arith.mulf %get3A_614, %gather3A_583 : vector<16xf32>
        %swap3A_616 = arith.index_cast %add3A_580 : i32 to index
        %swap3A_617 = arith.constant 64 : index
        %swap3A_618 = tpu.vector_load %arg8[%swap3A_616, %swap3A_617] {strides = array<i32>} : memref<80x128xf32, #tpu.memory_space<vmem>>, vector<16xf32>,
        tpu.vector_store %arg8[%swap3A_616, %swap3A_617], %mul3A_615 {strides = array<i32>} : memref<80x128xf32, #tpu.memory_space<vmem>>, vector<16xf32>,
        %get3A_619 = arith.index_cast %add3A_580 : i32 to index
        %get3A_620 = arith.constant 80 : index
        %get3A_621 = tpu.vector_load %arg8[%get3A_619, %get3A_620] {strides = array<i32>} : memref<80x128xf32, #tpu.memory_space<vmem>>, vector<16xf32>,
        %mul3A_622 = arith.mulf %get3A_621, %gather3A_583 : vector<16xf32>
        %swap3A_623 = arith.index_cast %add3A_580 : i32 to index
        %swap3A_624 = arith.constant 80 : index
        %swap3A_625 = tpu.vector_load %arg8[%swap3A_623, %swap3A_624] {strides = array<i32>} : memref<80x128xf32, #tpu.memory_space<vmem>>, vector<16xf32>,
        tpu.vector_store %arg8[%swap3A_623, %swap3A_624], %mul3A_622 {strides = array<i32>} : memref<80x128xf32, #tpu.memory_space<vmem>>, vector<16xf32>,
        %get3A_626 = arith.index_cast %add3A_580 : i32 to index
        %get3A_627 = arith.constant 96 : index
        %get3A_628 = tpu.vector_load %arg8[%get3A_626, %get3A_627] {strides = array<i32>} : memref<80x128xf32, #tpu.memory_space<vmem>>, vector<16xf32>,
        %mul3A_629 = arith.mulf %get3A_628, %gather3A_583 : vector<16xf32>
        %swap3A_630 = arith.index_cast %add3A_580 : i32 to index
        %swap3A_631 = arith.constant 96 : index
        %swap3A_632 = tpu.vector_load %arg8[%swap3A_630, %swap3A_631] {strides = array<i32>} : memref<80x128xf32, #tpu.memory_space<vmem>>, vector<16xf32>,
        tpu.vector_store %arg8[%swap3A_630, %swap3A_631], %mul3A_629 {strides = array<i32>} : memref<80x128xf32, #tpu.memory_space<vmem>>, vector<16xf32>,
        %get3A_633 = arith.index_cast %add3A_580 : i32 to index
        %get3A_634 = arith.constant 112 : index
        %get3A_635 = tpu.vector_load %arg8[%get3A_633, %get3A_634] {strides = array<i32>} : memref<80x128xf32, #tpu.memory_space<vmem>>, vector<16xf32>,
        %mul3A_636 = arith.mulf %get3A_635, %gather3A_583 : vector<16xf32>
        %swap3A_637 = arith.index_cast %add3A_580 : i32 to index
        %swap3A_638 = arith.constant 112 : index
        %swap3A_639 = tpu.vector_load %arg8[%swap3A_637, %swap3A_638] {strides = array<i32>} : memref<80x128xf32, #tpu.memory_space<vmem>>, vector<16xf32>,
        tpu.vector_store %arg8[%swap3A_637, %swap3A_638], %mul3A_636 {strides = array<i32>} : memref<80x128xf32, #tpu.memory_space<vmem>>, vector<16xf32>,
      }
      %scan3A_238 = arith.constant 20 : i32
      %dma_wait3A_239 = arith.constant 1 : i32
      %dma_wait3A_240 = arith.constant 0 : i32
      %dma_wait3A_241 = arith.constant 0 : i32
      %dma_wait3A_242 = tpu.memref_slice %arg3[%dma_wait3A_239, %add3A, %add3A_219, %dma_wait3A_240, %dma_wait3A_241] : memref<2x32x125x1x80xi32, #tpu.memory_space<hbm>> -> memref<1x1x1x1x80xi32, #tpu.memory_space<hbm>>
      %dma_wait3A_243 = tpu.memref_squeeze %dma_wait3A_242 : memref<1x1x1x1x80xi32, #tpu.memory_space<hbm>> -> memref<1x80xi32, #tpu.memory_space<hbm>>
      %dma_wait3A_244 = arith.constant 0 : i32
      %dma_wait3A_245 = arith.constant 0 : i32
      %dma_wait3A_246 = tpu.memref_slice %arg3[%dma_wait3A_239, %add3A, %add3A_219, %dma_wait3A_244, %dma_wait3A_245] : memref<2x32x125x1x80xi32, #tpu.memory_space<hbm>> -> memref<1x1x1x1x80xi32, #tpu.memory_space<hbm>>
      %dma_wait3A_247 = tpu.memref_squeeze %dma_wait3A_246 : memref<1x1x1x1x80xi32, #tpu.memory_space<hbm>> -> memref<1x80xi32, #tpu.memory_space<hbm>>
      tpu.wait_dma2 semaphore(%arg36 : memref<!tpu.dma_semaphore, #tpu.memory_space<semaphore_mem>>) src(%dma_wait3A_247 : memref<1x80xi32, #tpu.memory_space<hbm>>) dst(%arg16 : memref<1x80xi32, #tpu.memory_space<vmem>>)
      %dma_start3A_248 = arith.constant 0 : i32
      %dma_start3A_249 = arith.constant 0 : i32
      %dma_start3A_250 = tpu.memref_slice %arg16[%dma_start3A_248, %dma_start3A_249] : memref<1x80xi32, #tpu.memory_space<vmem>> -> memref<1x80xi32, #tpu.memory_space<vmem>>
      %dma_start3A_251 = tpu.memref_squeeze %dma_start3A_250 : memref<1x80xi32, #tpu.memory_space<vmem>> -> memref<80xi32, #tpu.memory_space<vmem>>
      %dma_start3A_252 = arith.constant 0 : i32
      %dma_start3A_253 = arith.constant 0 : i32
      %dma_start3A_254 = tpu.memref_slice %arg6[%dma_start3A_252, %dma_start3A_253] : memref<10000x128xf32, #tpu.memory_space<vmem_shared>> -> memref<10000x128xf32, #tpu.memory_space<vmem_shared>>
      tpu.enqueue_indirect_dma source(%arg8 : memref<80x128xf32, #tpu.memory_space<vmem>>) target(%dma_start3A_254 : memref<10000x128xf32, #tpu.memory_space<vmem_shared>>) offsets(%dma_start3A_251 : memref<80xi32, #tpu.memory_space<vmem>>) semaphore(%arg28 : memref<!tpu.dma_semaphore, #tpu.memory_space<semaphore_mem>>) {add = true}
      %ge3A_255 = arith.constant 2 : i32
      %ge3A_256 = arith.cmpi sge, %add3A_219, %ge3A_255 : i32
      %convert_element_type3A_257 = arith.extui %ge3A_256 : i1 to i32
      %cond3A_258 = arith.constant 0 : i32
      %cond3A_259 = arith.cmpi ne, %convert_element_type3A_257, %cond3A_258 : i32
      scf.if %cond3A_259 {
        %dma_wait3A_390 = arith.constant 0 : i32
        %dma_wait3A_391 = arith.constant 0 : i32
        %dma_wait3A_392 = tpu.memref_slice %arg18[%dma_wait3A_390, %dma_wait3A_391] : memref<1x80xi32, #tpu.memory_space<vmem>> -> memref<1x80xi32, #tpu.memory_space<vmem>>
        %dma_wait3A_393 = tpu.memref_squeeze %dma_wait3A_392 : memref<1x80xi32, #tpu.memory_space<vmem>> -> memref<80xi32, #tpu.memory_space<vmem>>
        %dma_wait3A_394 = arith.constant 0 : i32
        %dma_wait3A_395 = arith.constant 0 : i32
        %dma_wait3A_396 = tpu.memref_slice %arg6[%dma_wait3A_394, %dma_wait3A_395] : memref<10000x128xf32, #tpu.memory_space<vmem_shared>> -> memref<10000x128xf32, #tpu.memory_space<vmem_shared>>
        tpu.wait_indirect_dma semaphore(%arg30 : memref<!tpu.dma_semaphore, #tpu.memory_space<semaphore_mem>>) src(%arg10 : memref<80x128xf32, #tpu.memory_space<vmem>>) dst(%dma_wait3A_396 : memref<10000x128xf32, #tpu.memory_space<vmem_shared>>)
      } else {
      }
      %add3A_260 = arith.constant 2 : i32
      %add3A_261 = arith.addi %add3A_219, %add3A_260 : i32
      %lt3A_262 = arith.constant 125 : i32
      %lt3A_263 = arith.cmpi slt, %add3A_261, %lt3A_262 : i32
      %convert_element_type3A_264 = arith.extui %lt3A_263 : i1 to i32
      %cond3A_265 = arith.constant 0 : i32
      %cond3A_266 = arith.cmpi ne, %convert_element_type3A_264, %cond3A_265 : i32
      scf.if %cond3A_266 {
        %add3A_390 = arith.constant 2 : i32
        %add3A_391 = arith.addi %add3A_219, %add3A_390 : i32
        %dma_start3A_392 = arith.constant 0 : i32
        %dma_start3A_393 = arith.constant 0 : i32
        %dma_start3A_394 = arith.constant 0 : i32
        %dma_start3A_395 = tpu.memref_slice %arg3[%dma_start3A_392, %add3A, %add3A_391, %dma_start3A_393, %dma_start3A_394] : memref<2x32x125x1x80xi32, #tpu.memory_space<hbm>> -> memref<1x1x1x1x80xi32, #tpu.memory_space<hbm>>
        %dma_start3A_396 = tpu.memref_squeeze %dma_start3A_395 : memref<1x1x1x1x80xi32, #tpu.memory_space<hbm>> -> memref<1x80xi32, #tpu.memory_space<hbm>>
        %dma_start3A_397 = arith.constant 0 : i32
        %dma_start3A_398 = arith.constant 0 : i32
        %dma_start3A_399 = tpu.memref_slice %arg3[%dma_start3A_392, %add3A, %add3A_391, %dma_start3A_397, %dma_start3A_398] : memref<2x32x125x1x80xi32, #tpu.memory_space<hbm>> -> memref<1x1x1x1x80xi32, #tpu.memory_space<hbm>>
        %dma_start3A_400 = tpu.memref_squeeze %dma_start3A_399 : memref<1x1x1x1x80xi32, #tpu.memory_space<hbm>> -> memref<1x80xi32, #tpu.memory_space<hbm>>
        tpu.enqueue_dma source(%dma_start3A_400 : memref<1x80xi32, #tpu.memory_space<hbm>>) target(%arg14 : memref<1x80xi32, #tpu.memory_space<vmem>>) target_semaphore(%arg34 : memref<!tpu.dma_semaphore, #tpu.memory_space<semaphore_mem>>)
        %dma_start3A_401 = arith.constant 1 : i32
        %dma_start3A_402 = arith.constant 0 : i32
        %dma_start3A_403 = arith.constant 0 : i32
        %dma_start3A_404 = tpu.memref_slice %arg3[%dma_start3A_401, %add3A, %add3A_391, %dma_start3A_402, %dma_start3A_403] : memref<2x32x125x1x80xi32, #tpu.memory_space<hbm>> -> memref<1x1x1x1x80xi32, #tpu.memory_space<hbm>>
        %dma_start3A_405 = tpu.memref_squeeze %dma_start3A_404 : memref<1x1x1x1x80xi32, #tpu.memory_space<hbm>> -> memref<1x80xi32, #tpu.memory_space<hbm>>
        %dma_start3A_406 = arith.constant 0 : i32
        %dma_start3A_407 = arith.constant 0 : i32
        %dma_start3A_408 = tpu.memref_slice %arg3[%dma_start3A_401, %add3A, %add3A_391, %dma_start3A_406, %dma_start3A_407] : memref<2x32x125x1x80xi32, #tpu.memory_space<hbm>> -> memref<1x1x1x1x80xi32, #tpu.memory_space<hbm>>
        %dma_start3A_409 = tpu.memref_squeeze %dma_start3A_408 : memref<1x1x1x1x80xi32, #tpu.memory_space<hbm>> -> memref<1x80xi32, #tpu.memory_space<hbm>>
        tpu.enqueue_dma source(%dma_start3A_409 : memref<1x80xi32, #tpu.memory_space<hbm>>) target(%arg18 : memref<1x80xi32, #tpu.memory_space<vmem>>) target_semaphore(%arg38 : memref<!tpu.dma_semaphore, #tpu.memory_space<semaphore_mem>>)
        %dma_start3A_410 = arith.constant 0 : i32
        %dma_start3A_411 = tpu.memref_slice %arg4[%add3A, %add3A_391, %dma_start3A_410] : memref<32x125x80xf32, #tpu.memory_space<hbm>> -> memref<1x1x80xf32, #tpu.memory_space<hbm>>
        %dma_start3A_412 = tpu.memref_squeeze %dma_start3A_411 : memref<1x1x80xf32, #tpu.memory_space<hbm>> -> memref<80xf32, #tpu.memory_space<hbm>>
        %dma_start3A_413 = arith.constant 0 : i32
        %dma_start3A_414 = tpu.memref_slice %arg4[%add3A, %add3A_391, %dma_start3A_413] : memref<32x125x80xf32, #tpu.memory_space<hbm>> -> memref<1x1x80xf32, #tpu.memory_space<hbm>>
        %dma_start3A_415 = tpu.memref_squeeze %dma_start3A_414 : memref<1x1x80xf32, #tpu.memory_space<hbm>> -> memref<80xf32, #tpu.memory_space<hbm>>
        tpu.enqueue_dma source(%dma_start3A_415 : memref<80xf32, #tpu.memory_space<hbm>>) target(%arg22 : memref<80xf32, #tpu.memory_space<vmem>>) target_semaphore(%arg42 : memref<!tpu.dma_semaphore, #tpu.memory_space<semaphore_mem>>)
      } else {
      }
      %add3A_267 = arith.constant 1 : i32
      %add3A_268 = arith.addi %add3A_219, %add3A_267 : i32
      %lt3A_269 = arith.constant 125 : i32
      %lt3A_270 = arith.cmpi slt, %add3A_268, %lt3A_269 : i32
      %convert_element_type3A_271 = arith.extui %lt3A_270 : i1 to i32
      %cond3A_272 = arith.constant 0 : i32
      %cond3A_273 = arith.cmpi ne, %convert_element_type3A_271, %cond3A_272 : i32
      scf.if %cond3A_273 {
        %add3A_390 = arith.constant 1 : i32
        %add3A_391 = arith.addi %add3A_219, %add3A_390 : i32
        %dma_wait3A_392 = arith.constant 0 : i32
        %dma_wait3A_393 = arith.constant 0 : i32
        %dma_wait3A_394 = arith.constant 0 : i32
        %dma_wait3A_395 = tpu.memref_slice %arg3[%dma_wait3A_392, %add3A, %add3A_391, %dma_wait3A_393, %dma_wait3A_394] : memref<2x32x125x1x80xi32, #tpu.memory_space<hbm>> -> memref<1x1x1x1x80xi32, #tpu.memory_space<hbm>>
        %dma_wait3A_396 = tpu.memref_squeeze %dma_wait3A_395 : memref<1x1x1x1x80xi32, #tpu.memory_space<hbm>> -> memref<1x80xi32, #tpu.memory_space<hbm>>
        %dma_wait3A_397 = arith.constant 0 : i32
        %dma_wait3A_398 = arith.constant 0 : i32
        %dma_wait3A_399 = tpu.memref_slice %arg3[%dma_wait3A_392, %add3A, %add3A_391, %dma_wait3A_397, %dma_wait3A_398] : memref<2x32x125x1x80xi32, #tpu.memory_space<hbm>> -> memref<1x1x1x1x80xi32, #tpu.memory_space<hbm>>
        %dma_wait3A_400 = tpu.memref_squeeze %dma_wait3A_399 : memref<1x1x1x1x80xi32, #tpu.memory_space<hbm>> -> memref<1x80xi32, #tpu.memory_space<hbm>>
        tpu.wait_dma2 semaphore(%arg33 : memref<!tpu.dma_semaphore, #tpu.memory_space<semaphore_mem>>) src(%dma_wait3A_400 : memref<1x80xi32, #tpu.memory_space<hbm>>) dst(%arg13 : memref<1x80xi32, #tpu.memory_space<vmem>>)
        %dma_start3A_401 = arith.constant 0 : i32
        %dma_start3A_402 = arith.constant 0 : i32
        %dma_start3A_403 = tpu.memref_slice %arg13[%dma_start3A_401, %dma_start3A_402] : memref<1x80xi32, #tpu.memory_space<vmem>> -> memref<1x80xi32, #tpu.memory_space<vmem>>
        %dma_start3A_404 = tpu.memref_squeeze %dma_start3A_403 : memref<1x80xi32, #tpu.memory_space<vmem>> -> memref<80xi32, #tpu.memory_space<vmem>>
        %dma_start3A_405 = arith.constant 0 : i32
        %dma_start3A_406 = arith.constant 0 : i32
        %dma_start3A_407 = tpu.memref_slice %arg2[%dma_start3A_405, %dma_start3A_406] : memref<10000x128xf32, #tpu.memory_space<hbm>> -> memref<10000x128xf32, #tpu.memory_space<hbm>>
        tpu.enqueue_indirect_dma source(%dma_start3A_407 : memref<10000x128xf32, #tpu.memory_space<hbm>>) target(%arg9 : memref<80x128xf32, #tpu.memory_space<vmem>>) offsets(%dma_start3A_404 : memref<80xi32, #tpu.memory_space<vmem>>) semaphore(%arg25 : memref<!tpu.dma_semaphore, #tpu.memory_space<semaphore_mem>>)
      } else {
      }
      %mul3A_274 = arith.constant 4 : i32
      %mul3A_275 = arith.muli %scan3A_161, %mul3A_274 : i32
      %add3A_276 = arith.constant 2 : i32
      %add3A_277 = arith.addi %mul3A_275, %add3A_276 : i32
      %dma_wait3A_278 = arith.constant 0 : i32
      %dma_wait3A_279 = arith.constant 0 : i32
      %dma_wait3A_280 = tpu.memref_slice %arg13[%dma_wait3A_278, %dma_wait3A_279] : memref<1x80xi32, #tpu.memory_space<vmem>> -> memref<1x80xi32, #tpu.memory_space<vmem>>
      %dma_wait3A_281 = tpu.memref_squeeze %dma_wait3A_280 : memref<1x80xi32, #tpu.memory_space<vmem>> -> memref<80xi32, #tpu.memory_space<vmem>>
      %dma_wait3A_282 = arith.constant 0 : i32
      %dma_wait3A_283 = arith.constant 0 : i32
      %dma_wait3A_284 = tpu.memref_slice %arg2[%dma_wait3A_282, %dma_wait3A_283] : memref<10000x128xf32, #tpu.memory_space<hbm>> -> memref<10000x128xf32, #tpu.memory_space<hbm>>
      tpu.wait_indirect_dma semaphore(%arg25 : memref<!tpu.dma_semaphore, #tpu.memory_space<semaphore_mem>>) src(%dma_wait3A_284 : memref<10000x128xf32, #tpu.memory_space<hbm>>) dst(%arg9 : memref<80x128xf32, #tpu.memory_space<vmem>>)
      %dma_wait3A_285 = arith.constant 0 : i32
      %dma_wait3A_286 = tpu.memref_slice %arg4[%add3A, %add3A_277, %dma_wait3A_285] : memref<32x125x80xf32, #tpu.memory_space<hbm>> -> memref<1x1x80xf32, #tpu.memory_space<hbm>>
      %dma_wait3A_287 = tpu.memref_squeeze %dma_wait3A_286 : memref<1x1x80xf32, #tpu.memory_space<hbm>> -> memref<80xf32, #tpu.memory_space<hbm>>
      %dma_wait3A_288 = arith.constant 0 : i32
      %dma_wait3A_289 = tpu.memref_slice %arg4[%add3A, %add3A_277, %dma_wait3A_288] : memref<32x125x80xf32, #tpu.memory_space<hbm>> -> memref<1x1x80xf32, #tpu.memory_space<hbm>>
      %dma_wait3A_290 = tpu.memref_squeeze %dma_wait3A_289 : memref<1x1x80xf32, #tpu.memory_space<hbm>> -> memref<80xf32, #tpu.memory_space<hbm>>
      tpu.wait_dma2 semaphore(%arg41 : memref<!tpu.dma_semaphore, #tpu.memory_space<semaphore_mem>>) src(%dma_wait3A_290 : memref<80xf32, #tpu.memory_space<hbm>>) dst(%arg21 : memref<80xf32, #tpu.memory_space<vmem>>)
      %scan3A_291 = arith.constant 0 : i32
      %scan3A_292 = arith.constant 0 : i32
      %scan3A_293 = arith.constant 20 : i32
      %scan3A_294 = arith.addi %scan3A_292, %scan3A_293 : i32
      %scan3A_295 = arith.constant 1 : i32
      scf.for %scan3A_390 = %scan3A_292 to %scan3A_294 step %scan3A_295  : i32 {
        %mul3A_391 = arith.constant 4 : i32
        %mul3A_392 = arith.muli %scan3A_390, %mul3A_391 : i32
        %add3A_393 = arith.constant 0 : i32
        %add3A_394 = arith.addi %mul3A_392, %add3A_393 : i32
        %add3A_395 = vector.broadcast %add3A_394 : i32 to vector<16xi32>
        %add3A_396 = arith.addi %broadcast_in_dim3A_95, %add3A_395 : vector<16xi32>
        %gather3A = tpu.vector_load_idx %arg21[%add3A_396] : memref<80xf32, #tpu.memory_space<vmem>>[vector<16xi32>], vector<16xf32>,
        %get3A = arith.index_cast %add3A_394 : i32 to index
        %get3A_397 = arith.constant 0 : index
        %get3A_398 = tpu.vector_load %arg9[%get3A, %get3A_397] {strides = array<i32>} : memref<80x128xf32, #tpu.memory_space<vmem>>, vector<16xf32>,
        %mul3A_399 = arith.mulf %get3A_398, %gather3A : vector<16xf32>
        %swap3A = arith.index_cast %add3A_394 : i32 to index
        %swap3A_400 = arith.constant 0 : index
        %swap3A_401 = tpu.vector_load %arg9[%swap3A, %swap3A_400] {strides = array<i32>} : memref<80x128xf32, #tpu.memory_space<vmem>>, vector<16xf32>,
        tpu.vector_store %arg9[%swap3A, %swap3A_400], %mul3A_399 {strides = array<i32>} : memref<80x128xf32, #tpu.memory_space<vmem>>, vector<16xf32>,
        %get3A_402 = arith.index_cast %add3A_394 : i32 to index
        %get3A_403 = arith.constant 16 : index
        %get3A_404 = tpu.vector_load %arg9[%get3A_402, %get3A_403] {strides = array<i32>} : memref<80x128xf32, #tpu.memory_space<vmem>>, vector<16xf32>,
        %mul3A_405 = arith.mulf %get3A_404, %gather3A : vector<16xf32>
        %swap3A_406 = arith.index_cast %add3A_394 : i32 to index
        %swap3A_407 = arith.constant 16 : index
        %swap3A_408 = tpu.vector_load %arg9[%swap3A_406, %swap3A_407] {strides = array<i32>} : memref<80x128xf32, #tpu.memory_space<vmem>>, vector<16xf32>,
        tpu.vector_store %arg9[%swap3A_406, %swap3A_407], %mul3A_405 {strides = array<i32>} : memref<80x128xf32, #tpu.memory_space<vmem>>, vector<16xf32>,
        %get3A_409 = arith.index_cast %add3A_394 : i32 to index
        %get3A_410 = arith.constant 32 : index
        %get3A_411 = tpu.vector_load %arg9[%get3A_409, %get3A_410] {strides = array<i32>} : memref<80x128xf32, #tpu.memory_space<vmem>>, vector<16xf32>,
        %mul3A_412 = arith.mulf %get3A_411, %gather3A : vector<16xf32>
        %swap3A_413 = arith.index_cast %add3A_394 : i32 to index
        %swap3A_414 = arith.constant 32 : index
        %swap3A_415 = tpu.vector_load %arg9[%swap3A_413, %swap3A_414] {strides = array<i32>} : memref<80x128xf32, #tpu.memory_space<vmem>>, vector<16xf32>,
        tpu.vector_store %arg9[%swap3A_413, %swap3A_414], %mul3A_412 {strides = array<i32>} : memref<80x128xf32, #tpu.memory_space<vmem>>, vector<16xf32>,
        %get3A_416 = arith.index_cast %add3A_394 : i32 to index
        %get3A_417 = arith.constant 48 : index
        %get3A_418 = tpu.vector_load %arg9[%get3A_416, %get3A_417] {strides = array<i32>} : memref<80x128xf32, #tpu.memory_space<vmem>>, vector<16xf32>,
        %mul3A_419 = arith.mulf %get3A_418, %gather3A : vector<16xf32>
        %swap3A_420 = arith.index_cast %add3A_394 : i32 to index
        %swap3A_421 = arith.constant 48 : index
        %swap3A_422 = tpu.vector_load %arg9[%swap3A_420, %swap3A_421] {strides = array<i32>} : memref<80x128xf32, #tpu.memory_space<vmem>>, vector<16xf32>,
        tpu.vector_store %arg9[%swap3A_420, %swap3A_421], %mul3A_419 {strides = array<i32>} : memref<80x128xf32, #tpu.memory_space<vmem>>, vector<16xf32>,
        %get3A_423 = arith.index_cast %add3A_394 : i32 to index
        %get3A_424 = arith.constant 64 : index
        %get3A_425 = tpu.vector_load %arg9[%get3A_423, %get3A_424] {strides = array<i32>} : memref<80x128xf32, #tpu.memory_space<vmem>>, vector<16xf32>,
        %mul3A_426 = arith.mulf %get3A_425, %gather3A : vector<16xf32>
        %swap3A_427 = arith.index_cast %add3A_394 : i32 to index
        %swap3A_428 = arith.constant 64 : index
        %swap3A_429 = tpu.vector_load %arg9[%swap3A_427, %swap3A_428] {strides = array<i32>} : memref<80x128xf32, #tpu.memory_space<vmem>>, vector<16xf32>,
        tpu.vector_store %arg9[%swap3A_427, %swap3A_428], %mul3A_426 {strides = array<i32>} : memref<80x128xf32, #tpu.memory_space<vmem>>, vector<16xf32>,
        %get3A_430 = arith.index_cast %add3A_394 : i32 to index
        %get3A_431 = arith.constant 80 : index
        %get3A_432 = tpu.vector_load %arg9[%get3A_430, %get3A_431] {strides = array<i32>} : memref<80x128xf32, #tpu.memory_space<vmem>>, vector<16xf32>,
        %mul3A_433 = arith.mulf %get3A_432, %gather3A : vector<16xf32>
        %swap3A_434 = arith.index_cast %add3A_394 : i32 to index
        %swap3A_435 = arith.constant 80 : index
        %swap3A_436 = tpu.vector_load %arg9[%swap3A_434, %swap3A_435] {strides = array<i32>} : memref<80x128xf32, #tpu.memory_space<vmem>>, vector<16xf32>,
        tpu.vector_store %arg9[%swap3A_434, %swap3A_435], %mul3A_433 {strides = array<i32>} : memref<80x128xf32, #tpu.memory_space<vmem>>, vector<16xf32>,
        %get3A_437 = arith.index_cast %add3A_394 : i32 to index
        %get3A_438 = arith.constant 96 : index
        %get3A_439 = tpu.vector_load %arg9[%get3A_437, %get3A_438] {strides = array<i32>} : memref<80x128xf32, #tpu.memory_space<vmem>>, vector<16xf32>,
        %mul3A_440 = arith.mulf %get3A_439, %gather3A : vector<16xf32>
        %swap3A_441 = arith.index_cast %add3A_394 : i32 to index
        %swap3A_442 = arith.constant 96 : index
        %swap3A_443 = tpu.vector_load %arg9[%swap3A_441, %swap3A_442] {strides = array<i32>} : memref<80x128xf32, #tpu.memory_space<vmem>>, vector<16xf32>,
        tpu.vector_store %arg9[%swap3A_441, %swap3A_442], %mul3A_440 {strides = array<i32>} : memref<80x128xf32, #tpu.memory_space<vmem>>, vector<16xf32>,
        %get3A_444 = arith.index_cast %add3A_394 : i32 to index
        %get3A_445 = arith.constant 112 : index
        %get3A_446 = tpu.vector_load %arg9[%get3A_444, %get3A_445] {strides = array<i32>} : memref<80x128xf32, #tpu.memory_space<vmem>>, vector<16xf32>,
        %mul3A_447 = arith.mulf %get3A_446, %gather3A : vector<16xf32>
        %swap3A_448 = arith.index_cast %add3A_394 : i32 to index
        %swap3A_449 = arith.constant 112 : index
        %swap3A_450 = tpu.vector_load %arg9[%swap3A_448, %swap3A_449] {strides = array<i32>} : memref<80x128xf32, #tpu.memory_space<vmem>>, vector<16xf32>,
        tpu.vector_store %arg9[%swap3A_448, %swap3A_449], %mul3A_447 {strides = array<i32>} : memref<80x128xf32, #tpu.memory_space<vmem>>, vector<16xf32>,
        %mul3A_451 = arith.constant 4 : i32
        %mul3A_452 = arith.muli %scan3A_390, %mul3A_451 : i32
        %add3A_453 = arith.constant 1 : i32
        %add3A_454 = arith.addi %mul3A_452, %add3A_453 : i32
        %add3A_455 = vector.broadcast %add3A_454 : i32 to vector<16xi32>
        %add3A_456 = arith.addi %broadcast_in_dim3A_95, %add3A_455 : vector<16xi32>
        %gather3A_457 = tpu.vector_load_idx %arg21[%add3A_456] : memref<80xf32, #tpu.memory_space<vmem>>[vector<16xi32>], vector<16xf32>,
        %get3A_458 = arith.index_cast %add3A_454 : i32 to index
        %get3A_459 = arith.constant 0 : index
        %get3A_460 = tpu.vector_load %arg9[%get3A_458, %get3A_459] {strides = array<i32>} : memref<80x128xf32, #tpu.memory_space<vmem>>, vector<16xf32>,
        %mul3A_461 = arith.mulf %get3A_460, %gather3A_457 : vector<16xf32>
        %swap3A_462 = arith.index_cast %add3A_454 : i32 to index
        %swap3A_463 = arith.constant 0 : index
        %swap3A_464 = tpu.vector_load %arg9[%swap3A_462, %swap3A_463] {strides = array<i32>} : memref<80x128xf32, #tpu.memory_space<vmem>>, vector<16xf32>,
        tpu.vector_store %arg9[%swap3A_462, %swap3A_463], %mul3A_461 {strides = array<i32>} : memref<80x128xf32, #tpu.memory_space<vmem>>, vector<16xf32>,
        %get3A_465 = arith.index_cast %add3A_454 : i32 to index
        %get3A_466 = arith.constant 16 : index
        %get3A_467 = tpu.vector_load %arg9[%get3A_465, %get3A_466] {strides = array<i32>} : memref<80x128xf32, #tpu.memory_space<vmem>>, vector<16xf32>,
        %mul3A_468 = arith.mulf %get3A_467, %gather3A_457 : vector<16xf32>
        %swap3A_469 = arith.index_cast %add3A_454 : i32 to index
        %swap3A_470 = arith.constant 16 : index
        %swap3A_471 = tpu.vector_load %arg9[%swap3A_469, %swap3A_470] {strides = array<i32>} : memref<80x128xf32, #tpu.memory_space<vmem>>, vector<16xf32>,
        tpu.vector_store %arg9[%swap3A_469, %swap3A_470], %mul3A_468 {strides = array<i32>} : memref<80x128xf32, #tpu.memory_space<vmem>>, vector<16xf32>,
        %get3A_472 = arith.index_cast %add3A_454 : i32 to index
        %get3A_473 = arith.constant 32 : index
        %get3A_474 = tpu.vector_load %arg9[%get3A_472, %get3A_473] {strides = array<i32>} : memref<80x128xf32, #tpu.memory_space<vmem>>, vector<16xf32>,
        %mul3A_475 = arith.mulf %get3A_474, %gather3A_457 : vector<16xf32>
        %swap3A_476 = arith.index_cast %add3A_454 : i32 to index
        %swap3A_477 = arith.constant 32 : index
        %swap3A_478 = tpu.vector_load %arg9[%swap3A_476, %swap3A_477] {strides = array<i32>} : memref<80x128xf32, #tpu.memory_space<vmem>>, vector<16xf32>,
        tpu.vector_store %arg9[%swap3A_476, %swap3A_477], %mul3A_475 {strides = array<i32>} : memref<80x128xf32, #tpu.memory_space<vmem>>, vector<16xf32>,
        %get3A_479 = arith.index_cast %add3A_454 : i32 to index
        %get3A_480 = arith.constant 48 : index
        %get3A_481 = tpu.vector_load %arg9[%get3A_479, %get3A_480] {strides = array<i32>} : memref<80x128xf32, #tpu.memory_space<vmem>>, vector<16xf32>,
        %mul3A_482 = arith.mulf %get3A_481, %gather3A_457 : vector<16xf32>
        %swap3A_483 = arith.index_cast %add3A_454 : i32 to index
        %swap3A_484 = arith.constant 48 : index
        %swap3A_485 = tpu.vector_load %arg9[%swap3A_483, %swap3A_484] {strides = array<i32>} : memref<80x128xf32, #tpu.memory_space<vmem>>, vector<16xf32>,
        tpu.vector_store %arg9[%swap3A_483, %swap3A_484], %mul3A_482 {strides = array<i32>} : memref<80x128xf32, #tpu.memory_space<vmem>>, vector<16xf32>,
        %get3A_486 = arith.index_cast %add3A_454 : i32 to index
        %get3A_487 = arith.constant 64 : index
        %get3A_488 = tpu.vector_load %arg9[%get3A_486, %get3A_487] {strides = array<i32>} : memref<80x128xf32, #tpu.memory_space<vmem>>, vector<16xf32>,
        %mul3A_489 = arith.mulf %get3A_488, %gather3A_457 : vector<16xf32>
        %swap3A_490 = arith.index_cast %add3A_454 : i32 to index
        %swap3A_491 = arith.constant 64 : index
        %swap3A_492 = tpu.vector_load %arg9[%swap3A_490, %swap3A_491] {strides = array<i32>} : memref<80x128xf32, #tpu.memory_space<vmem>>, vector<16xf32>,
        tpu.vector_store %arg9[%swap3A_490, %swap3A_491], %mul3A_489 {strides = array<i32>} : memref<80x128xf32, #tpu.memory_space<vmem>>, vector<16xf32>,
        %get3A_493 = arith.index_cast %add3A_454 : i32 to index
        %get3A_494 = arith.constant 80 : index
        %get3A_495 = tpu.vector_load %arg9[%get3A_493, %get3A_494] {strides = array<i32>} : memref<80x128xf32, #tpu.memory_space<vmem>>, vector<16xf32>,
        %mul3A_496 = arith.mulf %get3A_495, %gather3A_457 : vector<16xf32>
        %swap3A_497 = arith.index_cast %add3A_454 : i32 to index
        %swap3A_498 = arith.constant 80 : index
        %swap3A_499 = tpu.vector_load %arg9[%swap3A_497, %swap3A_498] {strides = array<i32>} : memref<80x128xf32, #tpu.memory_space<vmem>>, vector<16xf32>,
        tpu.vector_store %arg9[%swap3A_497, %swap3A_498], %mul3A_496 {strides = array<i32>} : memref<80x128xf32, #tpu.memory_space<vmem>>, vector<16xf32>,
        %get3A_500 = arith.index_cast %add3A_454 : i32 to index
        %get3A_501 = arith.constant 96 : index
        %get3A_502 = tpu.vector_load %arg9[%get3A_500, %get3A_501] {strides = array<i32>} : memref<80x128xf32, #tpu.memory_space<vmem>>, vector<16xf32>,
        %mul3A_503 = arith.mulf %get3A_502, %gather3A_457 : vector<16xf32>
        %swap3A_504 = arith.index_cast %add3A_454 : i32 to index
        %swap3A_505 = arith.constant 96 : index
        %swap3A_506 = tpu.vector_load %arg9[%swap3A_504, %swap3A_505] {strides = array<i32>} : memref<80x128xf32, #tpu.memory_space<vmem>>, vector<16xf32>,
        tpu.vector_store %arg9[%swap3A_504, %swap3A_505], %mul3A_503 {strides = array<i32>} : memref<80x128xf32, #tpu.memory_space<vmem>>, vector<16xf32>,
        %get3A_507 = arith.index_cast %add3A_454 : i32 to index
        %get3A_508 = arith.constant 112 : index
        %get3A_509 = tpu.vector_load %arg9[%get3A_507, %get3A_508] {strides = array<i32>} : memref<80x128xf32, #tpu.memory_space<vmem>>, vector<16xf32>,
        %mul3A_510 = arith.mulf %get3A_509, %gather3A_457 : vector<16xf32>
        %swap3A_511 = arith.index_cast %add3A_454 : i32 to index
        %swap3A_512 = arith.constant 112 : index
        %swap3A_513 = tpu.vector_load %arg9[%swap3A_511, %swap3A_512] {strides = array<i32>} : memref<80x128xf32, #tpu.memory_space<vmem>>, vector<16xf32>,
        tpu.vector_store %arg9[%swap3A_511, %swap3A_512], %mul3A_510 {strides = array<i32>} : memref<80x128xf32, #tpu.memory_space<vmem>>, vector<16xf32>,
        %mul3A_514 = arith.constant 4 : i32
        %mul3A_515 = arith.muli %scan3A_390, %mul3A_514 : i32
        %add3A_516 = arith.constant 2 : i32
        %add3A_517 = arith.addi %mul3A_515, %add3A_516 : i32
        %add3A_518 = vector.broadcast %add3A_517 : i32 to vector<16xi32>
        %add3A_519 = arith.addi %broadcast_in_dim3A_95, %add3A_518 : vector<16xi32>
        %gather3A_520 = tpu.vector_load_idx %arg21[%add3A_519] : memref<80xf32, #tpu.memory_space<vmem>>[vector<16xi32>], vector<16xf32>,
        %get3A_521 = arith.index_cast %add3A_517 : i32 to index
        %get3A_522 = arith.constant 0 : index
        %get3A_523 = tpu.vector_load %arg9[%get3A_521, %get3A_522] {strides = array<i32>} : memref<80x128xf32, #tpu.memory_space<vmem>>, vector<16xf32>,
        %mul3A_524 = arith.mulf %get3A_523, %gather3A_520 : vector<16xf32>
        %swap3A_525 = arith.index_cast %add3A_517 : i32 to index
        %swap3A_526 = arith.constant 0 : index
        %swap3A_527 = tpu.vector_load %arg9[%swap3A_525, %swap3A_526] {strides = array<i32>} : memref<80x128xf32, #tpu.memory_space<vmem>>, vector<16xf32>,
        tpu.vector_store %arg9[%swap3A_525, %swap3A_526], %mul3A_524 {strides = array<i32>} : memref<80x128xf32, #tpu.memory_space<vmem>>, vector<16xf32>,
        %get3A_528 = arith.index_cast %add3A_517 : i32 to index
        %get3A_529 = arith.constant 16 : index
        %get3A_530 = tpu.vector_load %arg9[%get3A_528, %get3A_529] {strides = array<i32>} : memref<80x128xf32, #tpu.memory_space<vmem>>, vector<16xf32>,
        %mul3A_531 = arith.mulf %get3A_530, %gather3A_520 : vector<16xf32>
        %swap3A_532 = arith.index_cast %add3A_517 : i32 to index
        %swap3A_533 = arith.constant 16 : index
        %swap3A_534 = tpu.vector_load %arg9[%swap3A_532, %swap3A_533] {strides = array<i32>} : memref<80x128xf32, #tpu.memory_space<vmem>>, vector<16xf32>,
        tpu.vector_store %arg9[%swap3A_532, %swap3A_533], %mul3A_531 {strides = array<i32>} : memref<80x128xf32, #tpu.memory_space<vmem>>, vector<16xf32>,
        %get3A_535 = arith.index_cast %add3A_517 : i32 to index
        %get3A_536 = arith.constant 32 : index
        %get3A_537 = tpu.vector_load %arg9[%get3A_535, %get3A_536] {strides = array<i32>} : memref<80x128xf32, #tpu.memory_space<vmem>>, vector<16xf32>,
        %mul3A_538 = arith.mulf %get3A_537, %gather3A_520 : vector<16xf32>
        %swap3A_539 = arith.index_cast %add3A_517 : i32 to index
        %swap3A_540 = arith.constant 32 : index
        %swap3A_541 = tpu.vector_load %arg9[%swap3A_539, %swap3A_540] {strides = array<i32>} : memref<80x128xf32, #tpu.memory_space<vmem>>, vector<16xf32>,
        tpu.vector_store %arg9[%swap3A_539, %swap3A_540], %mul3A_538 {strides = array<i32>} : memref<80x128xf32, #tpu.memory_space<vmem>>, vector<16xf32>,
        %get3A_542 = arith.index_cast %add3A_517 : i32 to index
        %get3A_543 = arith.constant 48 : index
        %get3A_544 = tpu.vector_load %arg9[%get3A_542, %get3A_543] {strides = array<i32>} : memref<80x128xf32, #tpu.memory_space<vmem>>, vector<16xf32>,
        %mul3A_545 = arith.mulf %get3A_544, %gather3A_520 : vector<16xf32>
        %swap3A_546 = arith.index_cast %add3A_517 : i32 to index
        %swap3A_547 = arith.constant 48 : index
        %swap3A_548 = tpu.vector_load %arg9[%swap3A_546, %swap3A_547] {strides = array<i32>} : memref<80x128xf32, #tpu.memory_space<vmem>>, vector<16xf32>,
        tpu.vector_store %arg9[%swap3A_546, %swap3A_547], %mul3A_545 {strides = array<i32>} : memref<80x128xf32, #tpu.memory_space<vmem>>, vector<16xf32>,
        %get3A_549 = arith.index_cast %add3A_517 : i32 to index
        %get3A_550 = arith.constant 64 : index
        %get3A_551 = tpu.vector_load %arg9[%get3A_549, %get3A_550] {strides = array<i32>} : memref<80x128xf32, #tpu.memory_space<vmem>>, vector<16xf32>,
        %mul3A_552 = arith.mulf %get3A_551, %gather3A_520 : vector<16xf32>
        %swap3A_553 = arith.index_cast %add3A_517 : i32 to index
        %swap3A_554 = arith.constant 64 : index
        %swap3A_555 = tpu.vector_load %arg9[%swap3A_553, %swap3A_554] {strides = array<i32>} : memref<80x128xf32, #tpu.memory_space<vmem>>, vector<16xf32>,
        tpu.vector_store %arg9[%swap3A_553, %swap3A_554], %mul3A_552 {strides = array<i32>} : memref<80x128xf32, #tpu.memory_space<vmem>>, vector<16xf32>,
        %get3A_556 = arith.index_cast %add3A_517 : i32 to index
        %get3A_557 = arith.constant 80 : index
        %get3A_558 = tpu.vector_load %arg9[%get3A_556, %get3A_557] {strides = array<i32>} : memref<80x128xf32, #tpu.memory_space<vmem>>, vector<16xf32>,
        %mul3A_559 = arith.mulf %get3A_558, %gather3A_520 : vector<16xf32>
        %swap3A_560 = arith.index_cast %add3A_517 : i32 to index
        %swap3A_561 = arith.constant 80 : index
        %swap3A_562 = tpu.vector_load %arg9[%swap3A_560, %swap3A_561] {strides = array<i32>} : memref<80x128xf32, #tpu.memory_space<vmem>>, vector<16xf32>,
        tpu.vector_store %arg9[%swap3A_560, %swap3A_561], %mul3A_559 {strides = array<i32>} : memref<80x128xf32, #tpu.memory_space<vmem>>, vector<16xf32>,
        %get3A_563 = arith.index_cast %add3A_517 : i32 to index
        %get3A_564 = arith.constant 96 : index
        %get3A_565 = tpu.vector_load %arg9[%get3A_563, %get3A_564] {strides = array<i32>} : memref<80x128xf32, #tpu.memory_space<vmem>>, vector<16xf32>,
        %mul3A_566 = arith.mulf %get3A_565, %gather3A_520 : vector<16xf32>
        %swap3A_567 = arith.index_cast %add3A_517 : i32 to index
        %swap3A_568 = arith.constant 96 : index
        %swap3A_569 = tpu.vector_load %arg9[%swap3A_567, %swap3A_568] {strides = array<i32>} : memref<80x128xf32, #tpu.memory_space<vmem>>, vector<16xf32>,
        tpu.vector_store %arg9[%swap3A_567, %swap3A_568], %mul3A_566 {strides = array<i32>} : memref<80x128xf32, #tpu.memory_space<vmem>>, vector<16xf32>,
        %get3A_570 = arith.index_cast %add3A_517 : i32 to index
        %get3A_571 = arith.constant 112 : index
        %get3A_572 = tpu.vector_load %arg9[%get3A_570, %get3A_571] {strides = array<i32>} : memref<80x128xf32, #tpu.memory_space<vmem>>, vector<16xf32>,
        %mul3A_573 = arith.mulf %get3A_572, %gather3A_520 : vector<16xf32>
        %swap3A_574 = arith.index_cast %add3A_517 : i32 to index
        %swap3A_575 = arith.constant 112 : index
        %swap3A_576 = tpu.vector_load %arg9[%swap3A_574, %swap3A_575] {strides = array<i32>} : memref<80x128xf32, #tpu.memory_space<vmem>>, vector<16xf32>,
        tpu.vector_store %arg9[%swap3A_574, %swap3A_575], %mul3A_573 {strides = array<i32>} : memref<80x128xf32, #tpu.memory_space<vmem>>, vector<16xf32>,
        %mul3A_577 = arith.constant 4 : i32
        %mul3A_578 = arith.muli %scan3A_390, %mul3A_577 : i32
        %add3A_579 = arith.constant 3 : i32
        %add3A_580 = arith.addi %mul3A_578, %add3A_579 : i32
        %add3A_581 = vector.broadcast %add3A_580 : i32 to vector<16xi32>
        %add3A_582 = arith.addi %broadcast_in_dim3A_95, %add3A_581 : vector<16xi32>
        %gather3A_583 = tpu.vector_load_idx %arg21[%add3A_582] : memref<80xf32, #tpu.memory_space<vmem>>[vector<16xi32>], vector<16xf32>,
        %get3A_584 = arith.index_cast %add3A_580 : i32 to index
        %get3A_585 = arith.constant 0 : index
        %get3A_586 = tpu.vector_load %arg9[%get3A_584, %get3A_585] {strides = array<i32>} : memref<80x128xf32, #tpu.memory_space<vmem>>, vector<16xf32>,
        %mul3A_587 = arith.mulf %get3A_586, %gather3A_583 : vector<16xf32>
        %swap3A_588 = arith.index_cast %add3A_580 : i32 to index
        %swap3A_589 = arith.constant 0 : index
        %swap3A_590 = tpu.vector_load %arg9[%swap3A_588, %swap3A_589] {strides = array<i32>} : memref<80x128xf32, #tpu.memory_space<vmem>>, vector<16xf32>,
        tpu.vector_store %arg9[%swap3A_588, %swap3A_589], %mul3A_587 {strides = array<i32>} : memref<80x128xf32, #tpu.memory_space<vmem>>, vector<16xf32>,
        %get3A_591 = arith.index_cast %add3A_580 : i32 to index
        %get3A_592 = arith.constant 16 : index
        %get3A_593 = tpu.vector_load %arg9[%get3A_591, %get3A_592] {strides = array<i32>} : memref<80x128xf32, #tpu.memory_space<vmem>>, vector<16xf32>,
        %mul3A_594 = arith.mulf %get3A_593, %gather3A_583 : vector<16xf32>
        %swap3A_595 = arith.index_cast %add3A_580 : i32 to index
        %swap3A_596 = arith.constant 16 : index
        %swap3A_597 = tpu.vector_load %arg9[%swap3A_595, %swap3A_596] {strides = array<i32>} : memref<80x128xf32, #tpu.memory_space<vmem>>, vector<16xf32>,
        tpu.vector_store %arg9[%swap3A_595, %swap3A_596], %mul3A_594 {strides = array<i32>} : memref<80x128xf32, #tpu.memory_space<vmem>>, vector<16xf32>,
        %get3A_598 = arith.index_cast %add3A_580 : i32 to index
        %get3A_599 = arith.constant 32 : index
        %get3A_600 = tpu.vector_load %arg9[%get3A_598, %get3A_599] {strides = array<i32>} : memref<80x128xf32, #tpu.memory_space<vmem>>, vector<16xf32>,
        %mul3A_601 = arith.mulf %get3A_600, %gather3A_583 : vector<16xf32>
        %swap3A_602 = arith.index_cast %add3A_580 : i32 to index
        %swap3A_603 = arith.constant 32 : index
        %swap3A_604 = tpu.vector_load %arg9[%swap3A_602, %swap3A_603] {strides = array<i32>} : memref<80x128xf32, #tpu.memory_space<vmem>>, vector<16xf32>,
        tpu.vector_store %arg9[%swap3A_602, %swap3A_603], %mul3A_601 {strides = array<i32>} : memref<80x128xf32, #tpu.memory_space<vmem>>, vector<16xf32>,
        %get3A_605 = arith.index_cast %add3A_580 : i32 to index
        %get3A_606 = arith.constant 48 : index
        %get3A_607 = tpu.vector_load %arg9[%get3A_605, %get3A_606] {strides = array<i32>} : memref<80x128xf32, #tpu.memory_space<vmem>>, vector<16xf32>,
        %mul3A_608 = arith.mulf %get3A_607, %gather3A_583 : vector<16xf32>
        %swap3A_609 = arith.index_cast %add3A_580 : i32 to index
        %swap3A_610 = arith.constant 48 : index
        %swap3A_611 = tpu.vector_load %arg9[%swap3A_609, %swap3A_610] {strides = array<i32>} : memref<80x128xf32, #tpu.memory_space<vmem>>, vector<16xf32>,
        tpu.vector_store %arg9[%swap3A_609, %swap3A_610], %mul3A_608 {strides = array<i32>} : memref<80x128xf32, #tpu.memory_space<vmem>>, vector<16xf32>,
        %get3A_612 = arith.index_cast %add3A_580 : i32 to index
        %get3A_613 = arith.constant 64 : index
        %get3A_614 = tpu.vector_load %arg9[%get3A_612, %get3A_613] {strides = array<i32>} : memref<80x128xf32, #tpu.memory_space<vmem>>, vector<16xf32>,
        %mul3A_615 = arith.mulf %get3A_614, %gather3A_583 : vector<16xf32>
        %swap3A_616 = arith.index_cast %add3A_580 : i32 to index
        %swap3A_617 = arith.constant 64 : index
        %swap3A_618 = tpu.vector_load %arg9[%swap3A_616, %swap3A_617] {strides = array<i32>} : memref<80x128xf32, #tpu.memory_space<vmem>>, vector<16xf32>,
        tpu.vector_store %arg9[%swap3A_616, %swap3A_617], %mul3A_615 {strides = array<i32>} : memref<80x128xf32, #tpu.memory_space<vmem>>, vector<16xf32>,
        %get3A_619 = arith.index_cast %add3A_580 : i32 to index
        %get3A_620 = arith.constant 80 : index
        %get3A_621 = tpu.vector_load %arg9[%get3A_619, %get3A_620] {strides = array<i32>} : memref<80x128xf32, #tpu.memory_space<vmem>>, vector<16xf32>,
        %mul3A_622 = arith.mulf %get3A_621, %gather3A_583 : vector<16xf32>
        %swap3A_623 = arith.index_cast %add3A_580 : i32 to index
        %swap3A_624 = arith.constant 80 : index
        %swap3A_625 = tpu.vector_load %arg9[%swap3A_623, %swap3A_624] {strides = array<i32>} : memref<80x128xf32, #tpu.memory_space<vmem>>, vector<16xf32>,
        tpu.vector_store %arg9[%swap3A_623, %swap3A_624], %mul3A_622 {strides = array<i32>} : memref<80x128xf32, #tpu.memory_space<vmem>>, vector<16xf32>,
        %get3A_626 = arith.index_cast %add3A_580 : i32 to index
        %get3A_627 = arith.constant 96 : index
        %get3A_628 = tpu.vector_load %arg9[%get3A_626, %get3A_627] {strides = array<i32>} : memref<80x128xf32, #tpu.memory_space<vmem>>, vector<16xf32>,
        %mul3A_629 = arith.mulf %get3A_628, %gather3A_583 : vector<16xf32>
        %swap3A_630 = arith.index_cast %add3A_580 : i32 to index
        %swap3A_631 = arith.constant 96 : index
        %swap3A_632 = tpu.vector_load %arg9[%swap3A_630, %swap3A_631] {strides = array<i32>} : memref<80x128xf32, #tpu.memory_space<vmem>>, vector<16xf32>,
        tpu.vector_store %arg9[%swap3A_630, %swap3A_631], %mul3A_629 {strides = array<i32>} : memref<80x128xf32, #tpu.memory_space<vmem>>, vector<16xf32>,
        %get3A_633 = arith.index_cast %add3A_580 : i32 to index
        %get3A_634 = arith.constant 112 : index
        %get3A_635 = tpu.vector_load %arg9[%get3A_633, %get3A_634] {strides = array<i32>} : memref<80x128xf32, #tpu.memory_space<vmem>>, vector<16xf32>,
        %mul3A_636 = arith.mulf %get3A_635, %gather3A_583 : vector<16xf32>
        %swap3A_637 = arith.index_cast %add3A_580 : i32 to index
        %swap3A_638 = arith.constant 112 : index
        %swap3A_639 = tpu.vector_load %arg9[%swap3A_637, %swap3A_638] {strides = array<i32>} : memref<80x128xf32, #tpu.memory_space<vmem>>, vector<16xf32>,
        tpu.vector_store %arg9[%swap3A_637, %swap3A_638], %mul3A_636 {strides = array<i32>} : memref<80x128xf32, #tpu.memory_space<vmem>>, vector<16xf32>,
      }
      %scan3A_296 = arith.constant 20 : i32
      %dma_wait3A_297 = arith.constant 1 : i32
      %dma_wait3A_298 = arith.constant 0 : i32
      %dma_wait3A_299 = arith.constant 0 : i32
      %dma_wait3A_300 = tpu.memref_slice %arg3[%dma_wait3A_297, %add3A, %add3A_277, %dma_wait3A_298, %dma_wait3A_299] : memref<2x32x125x1x80xi32, #tpu.memory_space<hbm>> -> memref<1x1x1x1x80xi32, #tpu.memory_space<hbm>>
      %dma_wait3A_301 = tpu.memref_squeeze %dma_wait3A_300 : memref<1x1x1x1x80xi32, #tpu.memory_space<hbm>> -> memref<1x80xi32, #tpu.memory_space<hbm>>
      %dma_wait3A_302 = arith.constant 0 : i32
      %dma_wait3A_303 = arith.constant 0 : i32
      %dma_wait3A_304 = tpu.memref_slice %arg3[%dma_wait3A_297, %add3A, %add3A_277, %dma_wait3A_302, %dma_wait3A_303] : memref<2x32x125x1x80xi32, #tpu.memory_space<hbm>> -> memref<1x1x1x1x80xi32, #tpu.memory_space<hbm>>
      %dma_wait3A_305 = tpu.memref_squeeze %dma_wait3A_304 : memref<1x1x1x1x80xi32, #tpu.memory_space<hbm>> -> memref<1x80xi32, #tpu.memory_space<hbm>>
      tpu.wait_dma2 semaphore(%arg37 : memref<!tpu.dma_semaphore, #tpu.memory_space<semaphore_mem>>) src(%dma_wait3A_305 : memref<1x80xi32, #tpu.memory_space<hbm>>) dst(%arg17 : memref<1x80xi32, #tpu.memory_space<vmem>>)
      %dma_start3A_306 = arith.constant 0 : i32
      %dma_start3A_307 = arith.constant 0 : i32
      %dma_start3A_308 = tpu.memref_slice %arg17[%dma_start3A_306, %dma_start3A_307] : memref<1x80xi32, #tpu.memory_space<vmem>> -> memref<1x80xi32, #tpu.memory_space<vmem>>
      %dma_start3A_309 = tpu.memref_squeeze %dma_start3A_308 : memref<1x80xi32, #tpu.memory_space<vmem>> -> memref<80xi32, #tpu.memory_space<vmem>>
      %dma_start3A_310 = arith.constant 0 : i32
      %dma_start3A_311 = arith.constant 0 : i32
      %dma_start3A_312 = tpu.memref_slice %arg6[%dma_start3A_310, %dma_start3A_311] : memref<10000x128xf32, #tpu.memory_space<vmem_shared>> -> memref<10000x128xf32, #tpu.memory_space<vmem_shared>>
      tpu.enqueue_indirect_dma source(%arg9 : memref<80x128xf32, #tpu.memory_space<vmem>>) target(%dma_start3A_312 : memref<10000x128xf32, #tpu.memory_space<vmem_shared>>) offsets(%dma_start3A_309 : memref<80xi32, #tpu.memory_space<vmem>>) semaphore(%arg29 : memref<!tpu.dma_semaphore, #tpu.memory_space<semaphore_mem>>) {add = true}
      %ge3A_313 = arith.constant 2 : i32
      %ge3A_314 = arith.cmpi sge, %add3A_277, %ge3A_313 : i32
      %convert_element_type3A_315 = arith.extui %ge3A_314 : i1 to i32
      %cond3A_316 = arith.constant 0 : i32
      %cond3A_317 = arith.cmpi ne, %convert_element_type3A_315, %cond3A_316 : i32
      scf.if %cond3A_317 {
        %dma_wait3A_390 = arith.constant 0 : i32
        %dma_wait3A_391 = arith.constant 0 : i32
        %dma_wait3A_392 = tpu.memref_slice %arg15[%dma_wait3A_390, %dma_wait3A_391] : memref<1x80xi32, #tpu.memory_space<vmem>> -> memref<1x80xi32, #tpu.memory_space<vmem>>
        %dma_wait3A_393 = tpu.memref_squeeze %dma_wait3A_392 : memref<1x80xi32, #tpu.memory_space<vmem>> -> memref<80xi32, #tpu.memory_space<vmem>>
        %dma_wait3A_394 = arith.constant 0 : i32
        %dma_wait3A_395 = arith.constant 0 : i32
        %dma_wait3A_396 = tpu.memref_slice %arg6[%dma_wait3A_394, %dma_wait3A_395] : memref<10000x128xf32, #tpu.memory_space<vmem_shared>> -> memref<10000x128xf32, #tpu.memory_space<vmem_shared>>
        tpu.wait_indirect_dma semaphore(%arg27 : memref<!tpu.dma_semaphore, #tpu.memory_space<semaphore_mem>>) src(%arg7 : memref<80x128xf32, #tpu.memory_space<vmem>>) dst(%dma_wait3A_396 : memref<10000x128xf32, #tpu.memory_space<vmem_shared>>)
      } else {
      }
      %add3A_318 = arith.constant 2 : i32
      %add3A_319 = arith.addi %add3A_277, %add3A_318 : i32
      %lt3A_320 = arith.constant 125 : i32
      %lt3A_321 = arith.cmpi slt, %add3A_319, %lt3A_320 : i32
      %convert_element_type3A_322 = arith.extui %lt3A_321 : i1 to i32
      %cond3A_323 = arith.constant 0 : i32
      %cond3A_324 = arith.cmpi ne, %convert_element_type3A_322, %cond3A_323 : i32
      scf.if %cond3A_324 {
        %add3A_390 = arith.constant 2 : i32
        %add3A_391 = arith.addi %add3A_277, %add3A_390 : i32
        %dma_start3A_392 = arith.constant 0 : i32
        %dma_start3A_393 = arith.constant 0 : i32
        %dma_start3A_394 = arith.constant 0 : i32
        %dma_start3A_395 = tpu.memref_slice %arg3[%dma_start3A_392, %add3A, %add3A_391, %dma_start3A_393, %dma_start3A_394] : memref<2x32x125x1x80xi32, #tpu.memory_space<hbm>> -> memref<1x1x1x1x80xi32, #tpu.memory_space<hbm>>
        %dma_start3A_396 = tpu.memref_squeeze %dma_start3A_395 : memref<1x1x1x1x80xi32, #tpu.memory_space<hbm>> -> memref<1x80xi32, #tpu.memory_space<hbm>>
        %dma_start3A_397 = arith.constant 0 : i32
        %dma_start3A_398 = arith.constant 0 : i32
        %dma_start3A_399 = tpu.memref_slice %arg3[%dma_start3A_392, %add3A, %add3A_391, %dma_start3A_397, %dma_start3A_398] : memref<2x32x125x1x80xi32, #tpu.memory_space<hbm>> -> memref<1x1x1x1x80xi32, #tpu.memory_space<hbm>>
        %dma_start3A_400 = tpu.memref_squeeze %dma_start3A_399 : memref<1x1x1x1x80xi32, #tpu.memory_space<hbm>> -> memref<1x80xi32, #tpu.memory_space<hbm>>
        tpu.enqueue_dma source(%dma_start3A_400 : memref<1x80xi32, #tpu.memory_space<hbm>>) target(%arg11 : memref<1x80xi32, #tpu.memory_space<vmem>>) target_semaphore(%arg31 : memref<!tpu.dma_semaphore, #tpu.memory_space<semaphore_mem>>)
        %dma_start3A_401 = arith.constant 1 : i32
        %dma_start3A_402 = arith.constant 0 : i32
        %dma_start3A_403 = arith.constant 0 : i32
        %dma_start3A_404 = tpu.memref_slice %arg3[%dma_start3A_401, %add3A, %add3A_391, %dma_start3A_402, %dma_start3A_403] : memref<2x32x125x1x80xi32, #tpu.memory_space<hbm>> -> memref<1x1x1x1x80xi32, #tpu.memory_space<hbm>>
        %dma_start3A_405 = tpu.memref_squeeze %dma_start3A_404 : memref<1x1x1x1x80xi32, #tpu.memory_space<hbm>> -> memref<1x80xi32, #tpu.memory_space<hbm>>
        %dma_start3A_406 = arith.constant 0 : i32
        %dma_start3A_407 = arith.constant 0 : i32
        %dma_start3A_408 = tpu.memref_slice %arg3[%dma_start3A_401, %add3A, %add3A_391, %dma_start3A_406, %dma_start3A_407] : memref<2x32x125x1x80xi32, #tpu.memory_space<hbm>> -> memref<1x1x1x1x80xi32, #tpu.memory_space<hbm>>
        %dma_start3A_409 = tpu.memref_squeeze %dma_start3A_408 : memref<1x1x1x1x80xi32, #tpu.memory_space<hbm>> -> memref<1x80xi32, #tpu.memory_space<hbm>>
        tpu.enqueue_dma source(%dma_start3A_409 : memref<1x80xi32, #tpu.memory_space<hbm>>) target(%arg15 : memref<1x80xi32, #tpu.memory_space<vmem>>) target_semaphore(%arg35 : memref<!tpu.dma_semaphore, #tpu.memory_space<semaphore_mem>>)
        %dma_start3A_410 = arith.constant 0 : i32
        %dma_start3A_411 = tpu.memref_slice %arg4[%add3A, %add3A_391, %dma_start3A_410] : memref<32x125x80xf32, #tpu.memory_space<hbm>> -> memref<1x1x80xf32, #tpu.memory_space<hbm>>
        %dma_start3A_412 = tpu.memref_squeeze %dma_start3A_411 : memref<1x1x80xf32, #tpu.memory_space<hbm>> -> memref<80xf32, #tpu.memory_space<hbm>>
        %dma_start3A_413 = arith.constant 0 : i32
        %dma_start3A_414 = tpu.memref_slice %arg4[%add3A, %add3A_391, %dma_start3A_413] : memref<32x125x80xf32, #tpu.memory_space<hbm>> -> memref<1x1x80xf32, #tpu.memory_space<hbm>>
        %dma_start3A_415 = tpu.memref_squeeze %dma_start3A_414 : memref<1x1x80xf32, #tpu.memory_space<hbm>> -> memref<80xf32, #tpu.memory_space<hbm>>
        tpu.enqueue_dma source(%dma_start3A_415 : memref<80xf32, #tpu.memory_space<hbm>>) target(%arg19 : memref<80xf32, #tpu.memory_space<vmem>>) target_semaphore(%arg39 : memref<!tpu.dma_semaphore, #tpu.memory_space<semaphore_mem>>)
      } else {
      }
      %add3A_325 = arith.constant 1 : i32
      %add3A_326 = arith.addi %add3A_277, %add3A_325 : i32
      %lt3A_327 = arith.constant 125 : i32
      %lt3A_328 = arith.cmpi slt, %add3A_326, %lt3A_327 : i32
      %convert_element_type3A_329 = arith.extui %lt3A_328 : i1 to i32
      %cond3A_330 = arith.constant 0 : i32
      %cond3A_331 = arith.cmpi ne, %convert_element_type3A_329, %cond3A_330 : i32
      scf.if %cond3A_331 {
        %add3A_390 = arith.constant 1 : i32
        %add3A_391 = arith.addi %add3A_277, %add3A_390 : i32
        %dma_wait3A_392 = arith.constant 0 : i32
        %dma_wait3A_393 = arith.constant 0 : i32
        %dma_wait3A_394 = arith.constant 0 : i32
        %dma_wait3A_395 = tpu.memref_slice %arg3[%dma_wait3A_392, %add3A, %add3A_391, %dma_wait3A_393, %dma_wait3A_394] : memref<2x32x125x1x80xi32, #tpu.memory_space<hbm>> -> memref<1x1x1x1x80xi32, #tpu.memory_space<hbm>>
        %dma_wait3A_396 = tpu.memref_squeeze %dma_wait3A_395 : memref<1x1x1x1x80xi32, #tpu.memory_space<hbm>> -> memref<1x80xi32, #tpu.memory_space<hbm>>
        %dma_wait3A_397 = arith.constant 0 : i32
        %dma_wait3A_398 = arith.constant 0 : i32
        %dma_wait3A_399 = tpu.memref_slice %arg3[%dma_wait3A_392, %add3A, %add3A_391, %dma_wait3A_397, %dma_wait3A_398] : memref<2x32x125x1x80xi32, #tpu.memory_space<hbm>> -> memref<1x1x1x1x80xi32, #tpu.memory_space<hbm>>
        %dma_wait3A_400 = tpu.memref_squeeze %dma_wait3A_399 : memref<1x1x1x1x80xi32, #tpu.memory_space<hbm>> -> memref<1x80xi32, #tpu.memory_space<hbm>>
        tpu.wait_dma2 semaphore(%arg34 : memref<!tpu.dma_semaphore, #tpu.memory_space<semaphore_mem>>) src(%dma_wait3A_400 : memref<1x80xi32, #tpu.memory_space<hbm>>) dst(%arg14 : memref<1x80xi32, #tpu.memory_space<vmem>>)
        %dma_start3A_401 = arith.constant 0 : i32
        %dma_start3A_402 = arith.constant 0 : i32
        %dma_start3A_403 = tpu.memref_slice %arg14[%dma_start3A_401, %dma_start3A_402] : memref<1x80xi32, #tpu.memory_space<vmem>> -> memref<1x80xi32, #tpu.memory_space<vmem>>
        %dma_start3A_404 = tpu.memref_squeeze %dma_start3A_403 : memref<1x80xi32, #tpu.memory_space<vmem>> -> memref<80xi32, #tpu.memory_space<vmem>>
        %dma_start3A_405 = arith.constant 0 : i32
        %dma_start3A_406 = arith.constant 0 : i32
        %dma_start3A_407 = tpu.memref_slice %arg2[%dma_start3A_405, %dma_start3A_406] : memref<10000x128xf32, #tpu.memory_space<hbm>> -> memref<10000x128xf32, #tpu.memory_space<hbm>>
        tpu.enqueue_indirect_dma source(%dma_start3A_407 : memref<10000x128xf32, #tpu.memory_space<hbm>>) target(%arg10 : memref<80x128xf32, #tpu.memory_space<vmem>>) offsets(%dma_start3A_404 : memref<80xi32, #tpu.memory_space<vmem>>) semaphore(%arg26 : memref<!tpu.dma_semaphore, #tpu.memory_space<semaphore_mem>>)
      } else {
      }
      %mul3A_332 = arith.constant 4 : i32
      %mul3A_333 = arith.muli %scan3A_161, %mul3A_332 : i32
      %add3A_334 = arith.constant 3 : i32
      %add3A_335 = arith.addi %mul3A_333, %add3A_334 : i32
      %dma_wait3A_336 = arith.constant 0 : i32
      %dma_wait3A_337 = arith.constant 0 : i32
      %dma_wait3A_338 = tpu.memref_slice %arg14[%dma_wait3A_336, %dma_wait3A_337] : memref<1x80xi32, #tpu.memory_space<vmem>> -> memref<1x80xi32, #tpu.memory_space<vmem>>
      %dma_wait3A_339 = tpu.memref_squeeze %dma_wait3A_338 : memref<1x80xi32, #tpu.memory_space<vmem>> -> memref<80xi32, #tpu.memory_space<vmem>>
      %dma_wait3A_340 = arith.constant 0 : i32
      %dma_wait3A_341 = arith.constant 0 : i32
      %dma_wait3A_342 = tpu.memref_slice %arg2[%dma_wait3A_340, %dma_wait3A_341] : memref<10000x128xf32, #tpu.memory_space<hbm>> -> memref<10000x128xf32, #tpu.memory_space<hbm>>
      tpu.wait_indirect_dma semaphore(%arg26 : memref<!tpu.dma_semaphore, #tpu.memory_space<semaphore_mem>>) src(%dma_wait3A_342 : memref<10000x128xf32, #tpu.memory_space<hbm>>) dst(%arg10 : memref<80x128xf32, #tpu.memory_space<vmem>>)
      %dma_wait3A_343 = arith.constant 0 : i32
      %dma_wait3A_344 = tpu.memref_slice %arg4[%add3A, %add3A_335, %dma_wait3A_343] : memref<32x125x80xf32, #tpu.memory_space<hbm>> -> memref<1x1x80xf32, #tpu.memory_space<hbm>>
      %dma_wait3A_345 = tpu.memref_squeeze %dma_wait3A_344 : memref<1x1x80xf32, #tpu.memory_space<hbm>> -> memref<80xf32, #tpu.memory_space<hbm>>
      %dma_wait3A_346 = arith.constant 0 : i32
      %dma_wait3A_347 = tpu.memref_slice %arg4[%add3A, %add3A_335, %dma_wait3A_346] : memref<32x125x80xf32, #tpu.memory_space<hbm>> -> memref<1x1x80xf32, #tpu.memory_space<hbm>>
      %dma_wait3A_348 = tpu.memref_squeeze %dma_wait3A_347 : memref<1x1x80xf32, #tpu.memory_space<hbm>> -> memref<80xf32, #tpu.memory_space<hbm>>
      tpu.wait_dma2 semaphore(%arg42 : memref<!tpu.dma_semaphore, #tpu.memory_space<semaphore_mem>>) src(%dma_wait3A_348 : memref<80xf32, #tpu.memory_space<hbm>>) dst(%arg22 : memref<80xf32, #tpu.memory_space<vmem>>)
      %scan3A_349 = arith.constant 0 : i32
      %scan3A_350 = arith.constant 0 : i32
      %scan3A_351 = arith.constant 20 : i32
      %scan3A_352 = arith.addi %scan3A_350, %scan3A_351 : i32
      %scan3A_353 = arith.constant 1 : i32
      scf.for %scan3A_390 = %scan3A_350 to %scan3A_352 step %scan3A_353  : i32 {
        %mul3A_391 = arith.constant 4 : i32
        %mul3A_392 = arith.muli %scan3A_390, %mul3A_391 : i32
        %add3A_393 = arith.constant 0 : i32
        %add3A_394 = arith.addi %mul3A_392, %add3A_393 : i32
        %add3A_395 = vector.broadcast %add3A_394 : i32 to vector<16xi32>
        %add3A_396 = arith.addi %broadcast_in_dim3A_95, %add3A_395 : vector<16xi32>
        %gather3A = tpu.vector_load_idx %arg22[%add3A_396] : memref<80xf32, #tpu.memory_space<vmem>>[vector<16xi32>], vector<16xf32>,
        %get3A = arith.index_cast %add3A_394 : i32 to index
        %get3A_397 = arith.constant 0 : index
        %get3A_398 = tpu.vector_load %arg10[%get3A, %get3A_397] {strides = array<i32>} : memref<80x128xf32, #tpu.memory_space<vmem>>, vector<16xf32>,
        %mul3A_399 = arith.mulf %get3A_398, %gather3A : vector<16xf32>
        %swap3A = arith.index_cast %add3A_394 : i32 to index
        %swap3A_400 = arith.constant 0 : index
        %swap3A_401 = tpu.vector_load %arg10[%swap3A, %swap3A_400] {strides = array<i32>} : memref<80x128xf32, #tpu.memory_space<vmem>>, vector<16xf32>,
        tpu.vector_store %arg10[%swap3A, %swap3A_400], %mul3A_399 {strides = array<i32>} : memref<80x128xf32, #tpu.memory_space<vmem>>, vector<16xf32>,
        %get3A_402 = arith.index_cast %add3A_394 : i32 to index
        %get3A_403 = arith.constant 16 : index
        %get3A_404 = tpu.vector_load %arg10[%get3A_402, %get3A_403] {strides = array<i32>} : memref<80x128xf32, #tpu.memory_space<vmem>>, vector<16xf32>,
        %mul3A_405 = arith.mulf %get3A_404, %gather3A : vector<16xf32>
        %swap3A_406 = arith.index_cast %add3A_394 : i32 to index
        %swap3A_407 = arith.constant 16 : index
        %swap3A_408 = tpu.vector_load %arg10[%swap3A_406, %swap3A_407] {strides = array<i32>} : memref<80x128xf32, #tpu.memory_space<vmem>>, vector<16xf32>,
        tpu.vector_store %arg10[%swap3A_406, %swap3A_407], %mul3A_405 {strides = array<i32>} : memref<80x128xf32, #tpu.memory_space<vmem>>, vector<16xf32>,
        %get3A_409 = arith.index_cast %add3A_394 : i32 to index
        %get3A_410 = arith.constant 32 : index
        %get3A_411 = tpu.vector_load %arg10[%get3A_409, %get3A_410] {strides = array<i32>} : memref<80x128xf32, #tpu.memory_space<vmem>>, vector<16xf32>,
        %mul3A_412 = arith.mulf %get3A_411, %gather3A : vector<16xf32>
        %swap3A_413 = arith.index_cast %add3A_394 : i32 to index
        %swap3A_414 = arith.constant 32 : index
        %swap3A_415 = tpu.vector_load %arg10[%swap3A_413, %swap3A_414] {strides = array<i32>} : memref<80x128xf32, #tpu.memory_space<vmem>>, vector<16xf32>,
        tpu.vector_store %arg10[%swap3A_413, %swap3A_414], %mul3A_412 {strides = array<i32>} : memref<80x128xf32, #tpu.memory_space<vmem>>, vector<16xf32>,
        %get3A_416 = arith.index_cast %add3A_394 : i32 to index
        %get3A_417 = arith.constant 48 : index
        %get3A_418 = tpu.vector_load %arg10[%get3A_416, %get3A_417] {strides = array<i32>} : memref<80x128xf32, #tpu.memory_space<vmem>>, vector<16xf32>,
        %mul3A_419 = arith.mulf %get3A_418, %gather3A : vector<16xf32>
        %swap3A_420 = arith.index_cast %add3A_394 : i32 to index
        %swap3A_421 = arith.constant 48 : index
        %swap3A_422 = tpu.vector_load %arg10[%swap3A_420, %swap3A_421] {strides = array<i32>} : memref<80x128xf32, #tpu.memory_space<vmem>>, vector<16xf32>,
        tpu.vector_store %arg10[%swap3A_420, %swap3A_421], %mul3A_419 {strides = array<i32>} : memref<80x128xf32, #tpu.memory_space<vmem>>, vector<16xf32>,
        %get3A_423 = arith.index_cast %add3A_394 : i32 to index
        %get3A_424 = arith.constant 64 : index
        %get3A_425 = tpu.vector_load %arg10[%get3A_423, %get3A_424] {strides = array<i32>} : memref<80x128xf32, #tpu.memory_space<vmem>>, vector<16xf32>,
        %mul3A_426 = arith.mulf %get3A_425, %gather3A : vector<16xf32>
        %swap3A_427 = arith.index_cast %add3A_394 : i32 to index
        %swap3A_428 = arith.constant 64 : index
        %swap3A_429 = tpu.vector_load %arg10[%swap3A_427, %swap3A_428] {strides = array<i32>} : memref<80x128xf32, #tpu.memory_space<vmem>>, vector<16xf32>,
        tpu.vector_store %arg10[%swap3A_427, %swap3A_428], %mul3A_426 {strides = array<i32>} : memref<80x128xf32, #tpu.memory_space<vmem>>, vector<16xf32>,
        %get3A_430 = arith.index_cast %add3A_394 : i32 to index
        %get3A_431 = arith.constant 80 : index
        %get3A_432 = tpu.vector_load %arg10[%get3A_430, %get3A_431] {strides = array<i32>} : memref<80x128xf32, #tpu.memory_space<vmem>>, vector<16xf32>,
        %mul3A_433 = arith.mulf %get3A_432, %gather3A : vector<16xf32>
        %swap3A_434 = arith.index_cast %add3A_394 : i32 to index
        %swap3A_435 = arith.constant 80 : index
        %swap3A_436 = tpu.vector_load %arg10[%swap3A_434, %swap3A_435] {strides = array<i32>} : memref<80x128xf32, #tpu.memory_space<vmem>>, vector<16xf32>,
        tpu.vector_store %arg10[%swap3A_434, %swap3A_435], %mul3A_433 {strides = array<i32>} : memref<80x128xf32, #tpu.memory_space<vmem>>, vector<16xf32>,
        %get3A_437 = arith.index_cast %add3A_394 : i32 to index
        %get3A_438 = arith.constant 96 : index
        %get3A_439 = tpu.vector_load %arg10[%get3A_437, %get3A_438] {strides = array<i32>} : memref<80x128xf32, #tpu.memory_space<vmem>>, vector<16xf32>,
        %mul3A_440 = arith.mulf %get3A_439, %gather3A : vector<16xf32>
        %swap3A_441 = arith.index_cast %add3A_394 : i32 to index
        %swap3A_442 = arith.constant 96 : index
        %swap3A_443 = tpu.vector_load %arg10[%swap3A_441, %swap3A_442] {strides = array<i32>} : memref<80x128xf32, #tpu.memory_space<vmem>>, vector<16xf32>,
        tpu.vector_store %arg10[%swap3A_441, %swap3A_442], %mul3A_440 {strides = array<i32>} : memref<80x128xf32, #tpu.memory_space<vmem>>, vector<16xf32>,
        %get3A_444 = arith.index_cast %add3A_394 : i32 to index
        %get3A_445 = arith.constant 112 : index
        %get3A_446 = tpu.vector_load %arg10[%get3A_444, %get3A_445] {strides = array<i32>} : memref<80x128xf32, #tpu.memory_space<vmem>>, vector<16xf32>,
        %mul3A_447 = arith.mulf %get3A_446, %gather3A : vector<16xf32>
        %swap3A_448 = arith.index_cast %add3A_394 : i32 to index
        %swap3A_449 = arith.constant 112 : index
        %swap3A_450 = tpu.vector_load %arg10[%swap3A_448, %swap3A_449] {strides = array<i32>} : memref<80x128xf32, #tpu.memory_space<vmem>>, vector<16xf32>,
        tpu.vector_store %arg10[%swap3A_448, %swap3A_449], %mul3A_447 {strides = array<i32>} : memref<80x128xf32, #tpu.memory_space<vmem>>, vector<16xf32>,
        %mul3A_451 = arith.constant 4 : i32
        %mul3A_452 = arith.muli %scan3A_390, %mul3A_451 : i32
        %add3A_453 = arith.constant 1 : i32
        %add3A_454 = arith.addi %mul3A_452, %add3A_453 : i32
        %add3A_455 = vector.broadcast %add3A_454 : i32 to vector<16xi32>
        %add3A_456 = arith.addi %broadcast_in_dim3A_95, %add3A_455 : vector<16xi32>
        %gather3A_457 = tpu.vector_load_idx %arg22[%add3A_456] : memref<80xf32, #tpu.memory_space<vmem>>[vector<16xi32>], vector<16xf32>,
        %get3A_458 = arith.index_cast %add3A_454 : i32 to index
        %get3A_459 = arith.constant 0 : index
        %get3A_460 = tpu.vector_load %arg10[%get3A_458, %get3A_459] {strides = array<i32>} : memref<80x128xf32, #tpu.memory_space<vmem>>, vector<16xf32>,
        %mul3A_461 = arith.mulf %get3A_460, %gather3A_457 : vector<16xf32>
        %swap3A_462 = arith.index_cast %add3A_454 : i32 to index
        %swap3A_463 = arith.constant 0 : index
        %swap3A_464 = tpu.vector_load %arg10[%swap3A_462, %swap3A_463] {strides = array<i32>} : memref<80x128xf32, #tpu.memory_space<vmem>>, vector<16xf32>,
        tpu.vector_store %arg10[%swap3A_462, %swap3A_463], %mul3A_461 {strides = array<i32>} : memref<80x128xf32, #tpu.memory_space<vmem>>, vector<16xf32>,
        %get3A_465 = arith.index_cast %add3A_454 : i32 to index
        %get3A_466 = arith.constant 16 : index
        %get3A_467 = tpu.vector_load %arg10[%get3A_465, %get3A_466] {strides = array<i32>} : memref<80x128xf32, #tpu.memory_space<vmem>>, vector<16xf32>,
        %mul3A_468 = arith.mulf %get3A_467, %gather3A_457 : vector<16xf32>
        %swap3A_469 = arith.index_cast %add3A_454 : i32 to index
        %swap3A_470 = arith.constant 16 : index
        %swap3A_471 = tpu.vector_load %arg10[%swap3A_469, %swap3A_470] {strides = array<i32>} : memref<80x128xf32, #tpu.memory_space<vmem>>, vector<16xf32>,
        tpu.vector_store %arg10[%swap3A_469, %swap3A_470], %mul3A_468 {strides = array<i32>} : memref<80x128xf32, #tpu.memory_space<vmem>>, vector<16xf32>,
        %get3A_472 = arith.index_cast %add3A_454 : i32 to index
        %get3A_473 = arith.constant 32 : index
        %get3A_474 = tpu.vector_load %arg10[%get3A_472, %get3A_473] {strides = array<i32>} : memref<80x128xf32, #tpu.memory_space<vmem>>, vector<16xf32>,
        %mul3A_475 = arith.mulf %get3A_474, %gather3A_457 : vector<16xf32>
        %swap3A_476 = arith.index_cast %add3A_454 : i32 to index
        %swap3A_477 = arith.constant 32 : index
        %swap3A_478 = tpu.vector_load %arg10[%swap3A_476, %swap3A_477] {strides = array<i32>} : memref<80x128xf32, #tpu.memory_space<vmem>>, vector<16xf32>,
        tpu.vector_store %arg10[%swap3A_476, %swap3A_477], %mul3A_475 {strides = array<i32>} : memref<80x128xf32, #tpu.memory_space<vmem>>, vector<16xf32>,
        %get3A_479 = arith.index_cast %add3A_454 : i32 to index
        %get3A_480 = arith.constant 48 : index
        %get3A_481 = tpu.vector_load %arg10[%get3A_479, %get3A_480] {strides = array<i32>} : memref<80x128xf32, #tpu.memory_space<vmem>>, vector<16xf32>,
        %mul3A_482 = arith.mulf %get3A_481, %gather3A_457 : vector<16xf32>
        %swap3A_483 = arith.index_cast %add3A_454 : i32 to index
        %swap3A_484 = arith.constant 48 : index
        %swap3A_485 = tpu.vector_load %arg10[%swap3A_483, %swap3A_484] {strides = array<i32>} : memref<80x128xf32, #tpu.memory_space<vmem>>, vector<16xf32>,
        tpu.vector_store %arg10[%swap3A_483, %swap3A_484], %mul3A_482 {strides = array<i32>} : memref<80x128xf32, #tpu.memory_space<vmem>>, vector<16xf32>,
        %get3A_486 = arith.index_cast %add3A_454 : i32 to index
        %get3A_487 = arith.constant 64 : index
        %get3A_488 = tpu.vector_load %arg10[%get3A_486, %get3A_487] {strides = array<i32>} : memref<80x128xf32, #tpu.memory_space<vmem>>, vector<16xf32>,
        %mul3A_489 = arith.mulf %get3A_488, %gather3A_457 : vector<16xf32>
        %swap3A_490 = arith.index_cast %add3A_454 : i32 to index
        %swap3A_491 = arith.constant 64 : index
        %swap3A_492 = tpu.vector_load %arg10[%swap3A_490, %swap3A_491] {strides = array<i32>} : memref<80x128xf32, #tpu.memory_space<vmem>>, vector<16xf32>,
        tpu.vector_store %arg10[%swap3A_490, %swap3A_491], %mul3A_489 {strides = array<i32>} : memref<80x128xf32, #tpu.memory_space<vmem>>, vector<16xf32>,
        %get3A_493 = arith.index_cast %add3A_454 : i32 to index
        %get3A_494 = arith.constant 80 : index
        %get3A_495 = tpu.vector_load %arg10[%get3A_493, %get3A_494] {strides = array<i32>} : memref<80x128xf32, #tpu.memory_space<vmem>>, vector<16xf32>,
        %mul3A_496 = arith.mulf %get3A_495, %gather3A_457 : vector<16xf32>
        %swap3A_497 = arith.index_cast %add3A_454 : i32 to index
        %swap3A_498 = arith.constant 80 : index
        %swap3A_499 = tpu.vector_load %arg10[%swap3A_497, %swap3A_498] {strides = array<i32>} : memref<80x128xf32, #tpu.memory_space<vmem>>, vector<16xf32>,
        tpu.vector_store %arg10[%swap3A_497, %swap3A_498], %mul3A_496 {strides = array<i32>} : memref<80x128xf32, #tpu.memory_space<vmem>>, vector<16xf32>,
        %get3A_500 = arith.index_cast %add3A_454 : i32 to index
        %get3A_501 = arith.constant 96 : index
        %get3A_502 = tpu.vector_load %arg10[%get3A_500, %get3A_501] {strides = array<i32>} : memref<80x128xf32, #tpu.memory_space<vmem>>, vector<16xf32>,
        %mul3A_503 = arith.mulf %get3A_502, %gather3A_457 : vector<16xf32>
        %swap3A_504 = arith.index_cast %add3A_454 : i32 to index
        %swap3A_505 = arith.constant 96 : index
        %swap3A_506 = tpu.vector_load %arg10[%swap3A_504, %swap3A_505] {strides = array<i32>} : memref<80x128xf32, #tpu.memory_space<vmem>>, vector<16xf32>,
        tpu.vector_store %arg10[%swap3A_504, %swap3A_505], %mul3A_503 {strides = array<i32>} : memref<80x128xf32, #tpu.memory_space<vmem>>, vector<16xf32>,
        %get3A_507 = arith.index_cast %add3A_454 : i32 to index
        %get3A_508 = arith.constant 112 : index
        %get3A_509 = tpu.vector_load %arg10[%get3A_507, %get3A_508] {strides = array<i32>} : memref<80x128xf32, #tpu.memory_space<vmem>>, vector<16xf32>,
        %mul3A_510 = arith.mulf %get3A_509, %gather3A_457 : vector<16xf32>
        %swap3A_511 = arith.index_cast %add3A_454 : i32 to index
        %swap3A_512 = arith.constant 112 : index
        %swap3A_513 = tpu.vector_load %arg10[%swap3A_511, %swap3A_512] {strides = array<i32>} : memref<80x128xf32, #tpu.memory_space<vmem>>, vector<16xf32>,
        tpu.vector_store %arg10[%swap3A_511, %swap3A_512], %mul3A_510 {strides = array<i32>} : memref<80x128xf32, #tpu.memory_space<vmem>>, vector<16xf32>,
        %mul3A_514 = arith.constant 4 : i32
        %mul3A_515 = arith.muli %scan3A_390, %mul3A_514 : i32
        %add3A_516 = arith.constant 2 : i32
        %add3A_517 = arith.addi %mul3A_515, %add3A_516 : i32
        %add3A_518 = vector.broadcast %add3A_517 : i32 to vector<16xi32>
        %add3A_519 = arith.addi %broadcast_in_dim3A_95, %add3A_518 : vector<16xi32>
        %gather3A_520 = tpu.vector_load_idx %arg22[%add3A_519] : memref<80xf32, #tpu.memory_space<vmem>>[vector<16xi32>], vector<16xf32>,
        %get3A_521 = arith.index_cast %add3A_517 : i32 to index
        %get3A_522 = arith.constant 0 : index
        %get3A_523 = tpu.vector_load %arg10[%get3A_521, %get3A_522] {strides = array<i32>} : memref<80x128xf32, #tpu.memory_space<vmem>>, vector<16xf32>,
        %mul3A_524 = arith.mulf %get3A_523, %gather3A_520 : vector<16xf32>
        %swap3A_525 = arith.index_cast %add3A_517 : i32 to index
        %swap3A_526 = arith.constant 0 : index
        %swap3A_527 = tpu.vector_load %arg10[%swap3A_525, %swap3A_526] {strides = array<i32>} : memref<80x128xf32, #tpu.memory_space<vmem>>, vector<16xf32>,
        tpu.vector_store %arg10[%swap3A_525, %swap3A_526], %mul3A_524 {strides = array<i32>} : memref<80x128xf32, #tpu.memory_space<vmem>>, vector<16xf32>,
        %get3A_528 = arith.index_cast %add3A_517 : i32 to index
        %get3A_529 = arith.constant 16 : index
        %get3A_530 = tpu.vector_load %arg10[%get3A_528, %get3A_529] {strides = array<i32>} : memref<80x128xf32, #tpu.memory_space<vmem>>, vector<16xf32>,
        %mul3A_531 = arith.mulf %get3A_530, %gather3A_520 : vector<16xf32>
        %swap3A_532 = arith.index_cast %add3A_517 : i32 to index
        %swap3A_533 = arith.constant 16 : index
        %swap3A_534 = tpu.vector_load %arg10[%swap3A_532, %swap3A_533] {strides = array<i32>} : memref<80x128xf32, #tpu.memory_space<vmem>>, vector<16xf32>,
        tpu.vector_store %arg10[%swap3A_532, %swap3A_533], %mul3A_531 {strides = array<i32>} : memref<80x128xf32, #tpu.memory_space<vmem>>, vector<16xf32>,
        %get3A_535 = arith.index_cast %add3A_517 : i32 to index
        %get3A_536 = arith.constant 32 : index
        %get3A_537 = tpu.vector_load %arg10[%get3A_535, %get3A_536] {strides = array<i32>} : memref<80x128xf32, #tpu.memory_space<vmem>>, vector<16xf32>,
        %mul3A_538 = arith.mulf %get3A_537, %gather3A_520 : vector<16xf32>
        %swap3A_539 = arith.index_cast %add3A_517 : i32 to index
        %swap3A_540 = arith.constant 32 : index
        %swap3A_541 = tpu.vector_load %arg10[%swap3A_539, %swap3A_540] {strides = array<i32>} : memref<80x128xf32, #tpu.memory_space<vmem>>, vector<16xf32>,
        tpu.vector_store %arg10[%swap3A_539, %swap3A_540], %mul3A_538 {strides = array<i32>} : memref<80x128xf32, #tpu.memory_space<vmem>>, vector<16xf32>,
        %get3A_542 = arith.index_cast %add3A_517 : i32 to index
        %get3A_543 = arith.constant 48 : index
        %get3A_544 = tpu.vector_load %arg10[%get3A_542, %get3A_543] {strides = array<i32>} : memref<80x128xf32, #tpu.memory_space<vmem>>, vector<16xf32>,
        %mul3A_545 = arith.mulf %get3A_544, %gather3A_520 : vector<16xf32>
        %swap3A_546 = arith.index_cast %add3A_517 : i32 to index
        %swap3A_547 = arith.constant 48 : index
        %swap3A_548 = tpu.vector_load %arg10[%swap3A_546, %swap3A_547] {strides = array<i32>} : memref<80x128xf32, #tpu.memory_space<vmem>>, vector<16xf32>,
        tpu.vector_store %arg10[%swap3A_546, %swap3A_547], %mul3A_545 {strides = array<i32>} : memref<80x128xf32, #tpu.memory_space<vmem>>, vector<16xf32>,
        %get3A_549 = arith.index_cast %add3A_517 : i32 to index
        %get3A_550 = arith.constant 64 : index
        %get3A_551 = tpu.vector_load %arg10[%get3A_549, %get3A_550] {strides = array<i32>} : memref<80x128xf32, #tpu.memory_space<vmem>>, vector<16xf32>,
        %mul3A_552 = arith.mulf %get3A_551, %gather3A_520 : vector<16xf32>
        %swap3A_553 = arith.index_cast %add3A_517 : i32 to index
        %swap3A_554 = arith.constant 64 : index
        %swap3A_555 = tpu.vector_load %arg10[%swap3A_553, %swap3A_554] {strides = array<i32>} : memref<80x128xf32, #tpu.memory_space<vmem>>, vector<16xf32>,
        tpu.vector_store %arg10[%swap3A_553, %swap3A_554], %mul3A_552 {strides = array<i32>} : memref<80x128xf32, #tpu.memory_space<vmem>>, vector<16xf32>,
        %get3A_556 = arith.index_cast %add3A_517 : i32 to index
        %get3A_557 = arith.constant 80 : index
        %get3A_558 = tpu.vector_load %arg10[%get3A_556, %get3A_557] {strides = array<i32>} : memref<80x128xf32, #tpu.memory_space<vmem>>, vector<16xf32>,
        %mul3A_559 = arith.mulf %get3A_558, %gather3A_520 : vector<16xf32>
        %swap3A_560 = arith.index_cast %add3A_517 : i32 to index
        %swap3A_561 = arith.constant 80 : index
        %swap3A_562 = tpu.vector_load %arg10[%swap3A_560, %swap3A_561] {strides = array<i32>} : memref<80x128xf32, #tpu.memory_space<vmem>>, vector<16xf32>,
        tpu.vector_store %arg10[%swap3A_560, %swap3A_561], %mul3A_559 {strides = array<i32>} : memref<80x128xf32, #tpu.memory_space<vmem>>, vector<16xf32>,
        %get3A_563 = arith.index_cast %add3A_517 : i32 to index
        %get3A_564 = arith.constant 96 : index
        %get3A_565 = tpu.vector_load %arg10[%get3A_563, %get3A_564] {strides = array<i32>} : memref<80x128xf32, #tpu.memory_space<vmem>>, vector<16xf32>,
        %mul3A_566 = arith.mulf %get3A_565, %gather3A_520 : vector<16xf32>
        %swap3A_567 = arith.index_cast %add3A_517 : i32 to index
        %swap3A_568 = arith.constant 96 : index
        %swap3A_569 = tpu.vector_load %arg10[%swap3A_567, %swap3A_568] {strides = array<i32>} : memref<80x128xf32, #tpu.memory_space<vmem>>, vector<16xf32>,
        tpu.vector_store %arg10[%swap3A_567, %swap3A_568], %mul3A_566 {strides = array<i32>} : memref<80x128xf32, #tpu.memory_space<vmem>>, vector<16xf32>,
        %get3A_570 = arith.index_cast %add3A_517 : i32 to index
        %get3A_571 = arith.constant 112 : index
        %get3A_572 = tpu.vector_load %arg10[%get3A_570, %get3A_571] {strides = array<i32>} : memref<80x128xf32, #tpu.memory_space<vmem>>, vector<16xf32>,
        %mul3A_573 = arith.mulf %get3A_572, %gather3A_520 : vector<16xf32>
        %swap3A_574 = arith.index_cast %add3A_517 : i32 to index
        %swap3A_575 = arith.constant 112 : index
        %swap3A_576 = tpu.vector_load %arg10[%swap3A_574, %swap3A_575] {strides = array<i32>} : memref<80x128xf32, #tpu.memory_space<vmem>>, vector<16xf32>,
        tpu.vector_store %arg10[%swap3A_574, %swap3A_575], %mul3A_573 {strides = array<i32>} : memref<80x128xf32, #tpu.memory_space<vmem>>, vector<16xf32>,
        %mul3A_577 = arith.constant 4 : i32
        %mul3A_578 = arith.muli %scan3A_390, %mul3A_577 : i32
        %add3A_579 = arith.constant 3 : i32
        %add3A_580 = arith.addi %mul3A_578, %add3A_579 : i32
        %add3A_581 = vector.broadcast %add3A_580 : i32 to vector<16xi32>
        %add3A_582 = arith.addi %broadcast_in_dim3A_95, %add3A_581 : vector<16xi32>
        %gather3A_583 = tpu.vector_load_idx %arg22[%add3A_582] : memref<80xf32, #tpu.memory_space<vmem>>[vector<16xi32>], vector<16xf32>,
        %get3A_584 = arith.index_cast %add3A_580 : i32 to index
        %get3A_585 = arith.constant 0 : index
        %get3A_586 = tpu.vector_load %arg10[%get3A_584, %get3A_585] {strides = array<i32>} : memref<80x128xf32, #tpu.memory_space<vmem>>, vector<16xf32>,
        %mul3A_587 = arith.mulf %get3A_586, %gather3A_583 : vector<16xf32>
        %swap3A_588 = arith.index_cast %add3A_580 : i32 to index
        %swap3A_589 = arith.constant 0 : index
        %swap3A_590 = tpu.vector_load %arg10[%swap3A_588, %swap3A_589] {strides = array<i32>} : memref<80x128xf32, #tpu.memory_space<vmem>>, vector<16xf32>,
        tpu.vector_store %arg10[%swap3A_588, %swap3A_589], %mul3A_587 {strides = array<i32>} : memref<80x128xf32, #tpu.memory_space<vmem>>, vector<16xf32>,
        %get3A_591 = arith.index_cast %add3A_580 : i32 to index
        %get3A_592 = arith.constant 16 : index
        %get3A_593 = tpu.vector_load %arg10[%get3A_591, %get3A_592] {strides = array<i32>} : memref<80x128xf32, #tpu.memory_space<vmem>>, vector<16xf32>,
        %mul3A_594 = arith.mulf %get3A_593, %gather3A_583 : vector<16xf32>
        %swap3A_595 = arith.index_cast %add3A_580 : i32 to index
        %swap3A_596 = arith.constant 16 : index
        %swap3A_597 = tpu.vector_load %arg10[%swap3A_595, %swap3A_596] {strides = array<i32>} : memref<80x128xf32, #tpu.memory_space<vmem>>, vector<16xf32>,
        tpu.vector_store %arg10[%swap3A_595, %swap3A_596], %mul3A_594 {strides = array<i32>} : memref<80x128xf32, #tpu.memory_space<vmem>>, vector<16xf32>,
        %get3A_598 = arith.index_cast %add3A_580 : i32 to index
        %get3A_599 = arith.constant 32 : index
        %get3A_600 = tpu.vector_load %arg10[%get3A_598, %get3A_599] {strides = array<i32>} : memref<80x128xf32, #tpu.memory_space<vmem>>, vector<16xf32>,
        %mul3A_601 = arith.mulf %get3A_600, %gather3A_583 : vector<16xf32>
        %swap3A_602 = arith.index_cast %add3A_580 : i32 to index
        %swap3A_603 = arith.constant 32 : index
        %swap3A_604 = tpu.vector_load %arg10[%swap3A_602, %swap3A_603] {strides = array<i32>} : memref<80x128xf32, #tpu.memory_space<vmem>>, vector<16xf32>,
        tpu.vector_store %arg10[%swap3A_602, %swap3A_603], %mul3A_601 {strides = array<i32>} : memref<80x128xf32, #tpu.memory_space<vmem>>, vector<16xf32>,
        %get3A_605 = arith.index_cast %add3A_580 : i32 to index
        %get3A_606 = arith.constant 48 : index
        %get3A_607 = tpu.vector_load %arg10[%get3A_605, %get3A_606] {strides = array<i32>} : memref<80x128xf32, #tpu.memory_space<vmem>>, vector<16xf32>,
        %mul3A_608 = arith.mulf %get3A_607, %gather3A_583 : vector<16xf32>
        %swap3A_609 = arith.index_cast %add3A_580 : i32 to index
        %swap3A_610 = arith.constant 48 : index
        %swap3A_611 = tpu.vector_load %arg10[%swap3A_609, %swap3A_610] {strides = array<i32>} : memref<80x128xf32, #tpu.memory_space<vmem>>, vector<16xf32>,
        tpu.vector_store %arg10[%swap3A_609, %swap3A_610], %mul3A_608 {strides = array<i32>} : memref<80x128xf32, #tpu.memory_space<vmem>>, vector<16xf32>,
        %get3A_612 = arith.index_cast %add3A_580 : i32 to index
        %get3A_613 = arith.constant 64 : index
        %get3A_614 = tpu.vector_load %arg10[%get3A_612, %get3A_613] {strides = array<i32>} : memref<80x128xf32, #tpu.memory_space<vmem>>, vector<16xf32>,
        %mul3A_615 = arith.mulf %get3A_614, %gather3A_583 : vector<16xf32>
        %swap3A_616 = arith.index_cast %add3A_580 : i32 to index
        %swap3A_617 = arith.constant 64 : index
        %swap3A_618 = tpu.vector_load %arg10[%swap3A_616, %swap3A_617] {strides = array<i32>} : memref<80x128xf32, #tpu.memory_space<vmem>>, vector<16xf32>,
        tpu.vector_store %arg10[%swap3A_616, %swap3A_617], %mul3A_615 {strides = array<i32>} : memref<80x128xf32, #tpu.memory_space<vmem>>, vector<16xf32>,
        %get3A_619 = arith.index_cast %add3A_580 : i32 to index
        %get3A_620 = arith.constant 80 : index
        %get3A_621 = tpu.vector_load %arg10[%get3A_619, %get3A_620] {strides = array<i32>} : memref<80x128xf32, #tpu.memory_space<vmem>>, vector<16xf32>,
        %mul3A_622 = arith.mulf %get3A_621, %gather3A_583 : vector<16xf32>
        %swap3A_623 = arith.index_cast %add3A_580 : i32 to index
        %swap3A_624 = arith.constant 80 : index
        %swap3A_625 = tpu.vector_load %arg10[%swap3A_623, %swap3A_624] {strides = array<i32>} : memref<80x128xf32, #tpu.memory_space<vmem>>, vector<16xf32>,
        tpu.vector_store %arg10[%swap3A_623, %swap3A_624], %mul3A_622 {strides = array<i32>} : memref<80x128xf32, #tpu.memory_space<vmem>>, vector<16xf32>,
        %get3A_626 = arith.index_cast %add3A_580 : i32 to index
        %get3A_627 = arith.constant 96 : index
        %get3A_628 = tpu.vector_load %arg10[%get3A_626, %get3A_627] {strides = array<i32>} : memref<80x128xf32, #tpu.memory_space<vmem>>, vector<16xf32>,
        %mul3A_629 = arith.mulf %get3A_628, %gather3A_583 : vector<16xf32>
        %swap3A_630 = arith.index_cast %add3A_580 : i32 to index
        %swap3A_631 = arith.constant 96 : index
        %swap3A_632 = tpu.vector_load %arg10[%swap3A_630, %swap3A_631] {strides = array<i32>} : memref<80x128xf32, #tpu.memory_space<vmem>>, vector<16xf32>,
        tpu.vector_store %arg10[%swap3A_630, %swap3A_631], %mul3A_629 {strides = array<i32>} : memref<80x128xf32, #tpu.memory_space<vmem>>, vector<16xf32>,
        %get3A_633 = arith.index_cast %add3A_580 : i32 to index
        %get3A_634 = arith.constant 112 : index
        %get3A_635 = tpu.vector_load %arg10[%get3A_633, %get3A_634] {strides = array<i32>} : memref<80x128xf32, #tpu.memory_space<vmem>>, vector<16xf32>,
        %mul3A_636 = arith.mulf %get3A_635, %gather3A_583 : vector<16xf32>
        %swap3A_637 = arith.index_cast %add3A_580 : i32 to index
        %swap3A_638 = arith.constant 112 : index
        %swap3A_639 = tpu.vector_load %arg10[%swap3A_637, %swap3A_638] {strides = array<i32>} : memref<80x128xf32, #tpu.memory_space<vmem>>, vector<16xf32>,
        tpu.vector_store %arg10[%swap3A_637, %swap3A_638], %mul3A_636 {strides = array<i32>} : memref<80x128xf32, #tpu.memory_space<vmem>>, vector<16xf32>,
      }
      %scan3A_354 = arith.constant 20 : i32
      %dma_wait3A_355 = arith.constant 1 : i32
      %dma_wait3A_356 = arith.constant 0 : i32
      %dma_wait3A_357 = arith.constant 0 : i32
      %dma_wait3A_358 = tpu.memref_slice %arg3[%dma_wait3A_355, %add3A, %add3A_335, %dma_wait3A_356, %dma_wait3A_357] : memref<2x32x125x1x80xi32, #tpu.memory_space<hbm>> -> memref<1x1x1x1x80xi32, #tpu.memory_space<hbm>>
      %dma_wait3A_359 = tpu.memref_squeeze %dma_wait3A_358 : memref<1x1x1x1x80xi32, #tpu.memory_space<hbm>> -> memref<1x80xi32, #tpu.memory_space<hbm>>
      %dma_wait3A_360 = arith.constant 0 : i32
      %dma_wait3A_361 = arith.constant 0 : i32
      %dma_wait3A_362 = tpu.memref_slice %arg3[%dma_wait3A_355, %add3A, %add3A_335, %dma_wait3A_360, %dma_wait3A_361] : memref<2x32x125x1x80xi32, #tpu.memory_space<hbm>> -> memref<1x1x1x1x80xi32, #tpu.memory_space<hbm>>
      %dma_wait3A_363 = tpu.memref_squeeze %dma_wait3A_362 : memref<1x1x1x1x80xi32, #tpu.memory_space<hbm>> -> memref<1x80xi32, #tpu.memory_space<hbm>>
      tpu.wait_dma2 semaphore(%arg38 : memref<!tpu.dma_semaphore, #tpu.memory_space<semaphore_mem>>) src(%dma_wait3A_363 : memref<1x80xi32, #tpu.memory_space<hbm>>) dst(%arg18 : memref<1x80xi32, #tpu.memory_space<vmem>>)
      %dma_start3A_364 = arith.constant 0 : i32
      %dma_start3A_365 = arith.constant 0 : i32
      %dma_start3A_366 = tpu.memref_slice %arg18[%dma_start3A_364, %dma_start3A_365] : memref<1x80xi32, #tpu.memory_space<vmem>> -> memref<1x80xi32, #tpu.memory_space<vmem>>
      %dma_start3A_367 = tpu.memref_squeeze %dma_start3A_366 : memref<1x80xi32, #tpu.memory_space<vmem>> -> memref<80xi32, #tpu.memory_space<vmem>>
      %dma_start3A_368 = arith.constant 0 : i32
      %dma_start3A_369 = arith.constant 0 : i32
      %dma_start3A_370 = tpu.memref_slice %arg6[%dma_start3A_368, %dma_start3A_369] : memref<10000x128xf32, #tpu.memory_space<vmem_shared>> -> memref<10000x128xf32, #tpu.memory_space<vmem_shared>>
      tpu.enqueue_indirect_dma source(%arg10 : memref<80x128xf32, #tpu.memory_space<vmem>>) target(%dma_start3A_370 : memref<10000x128xf32, #tpu.memory_space<vmem_shared>>) offsets(%dma_start3A_367 : memref<80xi32, #tpu.memory_space<vmem>>) semaphore(%arg30 : memref<!tpu.dma_semaphore, #tpu.memory_space<semaphore_mem>>) {add = true}
      %ge3A_371 = arith.constant 2 : i32
      %ge3A_372 = arith.cmpi sge, %add3A_335, %ge3A_371 : i32
      %convert_element_type3A_373 = arith.extui %ge3A_372 : i1 to i32
      %cond3A_374 = arith.constant 0 : i32
      %cond3A_375 = arith.cmpi ne, %convert_element_type3A_373, %cond3A_374 : i32
      scf.if %cond3A_375 {
        %dma_wait3A_390 = arith.constant 0 : i32
        %dma_wait3A_391 = arith.constant 0 : i32
        %dma_wait3A_392 = tpu.memref_slice %arg16[%dma_wait3A_390, %dma_wait3A_391] : memref<1x80xi32, #tpu.memory_space<vmem>> -> memref<1x80xi32, #tpu.memory_space<vmem>>
        %dma_wait3A_393 = tpu.memref_squeeze %dma_wait3A_392 : memref<1x80xi32, #tpu.memory_space<vmem>> -> memref<80xi32, #tpu.memory_space<vmem>>
        %dma_wait3A_394 = arith.constant 0 : i32
        %dma_wait3A_395 = arith.constant 0 : i32
        %dma_wait3A_396 = tpu.memref_slice %arg6[%dma_wait3A_394, %dma_wait3A_395] : memref<10000x128xf32, #tpu.memory_space<vmem_shared>> -> memref<10000x128xf32, #tpu.memory_space<vmem_shared>>
        tpu.wait_indirect_dma semaphore(%arg28 : memref<!tpu.dma_semaphore, #tpu.memory_space<semaphore_mem>>) src(%arg8 : memref<80x128xf32, #tpu.memory_space<vmem>>) dst(%dma_wait3A_396 : memref<10000x128xf32, #tpu.memory_space<vmem_shared>>)
      } else {
      }
      %add3A_376 = arith.constant 2 : i32
      %add3A_377 = arith.addi %add3A_335, %add3A_376 : i32
      %lt3A_378 = arith.constant 125 : i32
      %lt3A_379 = arith.cmpi slt, %add3A_377, %lt3A_378 : i32
      %convert_element_type3A_380 = arith.extui %lt3A_379 : i1 to i32
      %cond3A_381 = arith.constant 0 : i32
      %cond3A_382 = arith.cmpi ne, %convert_element_type3A_380, %cond3A_381 : i32
      scf.if %cond3A_382 {
        %add3A_390 = arith.constant 2 : i32
        %add3A_391 = arith.addi %add3A_335, %add3A_390 : i32
        %dma_start3A_392 = arith.constant 0 : i32
        %dma_start3A_393 = arith.constant 0 : i32
        %dma_start3A_394 = arith.constant 0 : i32
        %dma_start3A_395 = tpu.memref_slice %arg3[%dma_start3A_392, %add3A, %add3A_391, %dma_start3A_393, %dma_start3A_394] : memref<2x32x125x1x80xi32, #tpu.memory_space<hbm>> -> memref<1x1x1x1x80xi32, #tpu.memory_space<hbm>>
        %dma_start3A_396 = tpu.memref_squeeze %dma_start3A_395 : memref<1x1x1x1x80xi32, #tpu.memory_space<hbm>> -> memref<1x80xi32, #tpu.memory_space<hbm>>
        %dma_start3A_397 = arith.constant 0 : i32
        %dma_start3A_398 = arith.constant 0 : i32
        %dma_start3A_399 = tpu.memref_slice %arg3[%dma_start3A_392, %add3A, %add3A_391, %dma_start3A_397, %dma_start3A_398] : memref<2x32x125x1x80xi32, #tpu.memory_space<hbm>> -> memref<1x1x1x1x80xi32, #tpu.memory_space<hbm>>
        %dma_start3A_400 = tpu.memref_squeeze %dma_start3A_399 : memref<1x1x1x1x80xi32, #tpu.memory_space<hbm>> -> memref<1x80xi32, #tpu.memory_space<hbm>>
        tpu.enqueue_dma source(%dma_start3A_400 : memref<1x80xi32, #tpu.memory_space<hbm>>) target(%arg12 : memref<1x80xi32, #tpu.memory_space<vmem>>) target_semaphore(%arg32 : memref<!tpu.dma_semaphore, #tpu.memory_space<semaphore_mem>>)
        %dma_start3A_401 = arith.constant 1 : i32
        %dma_start3A_402 = arith.constant 0 : i32
        %dma_start3A_403 = arith.constant 0 : i32
        %dma_start3A_404 = tpu.memref_slice %arg3[%dma_start3A_401, %add3A, %add3A_391, %dma_start3A_402, %dma_start3A_403] : memref<2x32x125x1x80xi32, #tpu.memory_space<hbm>> -> memref<1x1x1x1x80xi32, #tpu.memory_space<hbm>>
        %dma_start3A_405 = tpu.memref_squeeze %dma_start3A_404 : memref<1x1x1x1x80xi32, #tpu.memory_space<hbm>> -> memref<1x80xi32, #tpu.memory_space<hbm>>
        %dma_start3A_406 = arith.constant 0 : i32
        %dma_start3A_407 = arith.constant 0 : i32
        %dma_start3A_408 = tpu.memref_slice %arg3[%dma_start3A_401, %add3A, %add3A_391, %dma_start3A_406, %dma_start3A_407] : memref<2x32x125x1x80xi32, #tpu.memory_space<hbm>> -> memref<1x1x1x1x80xi32, #tpu.memory_space<hbm>>
        %dma_start3A_409 = tpu.memref_squeeze %dma_start3A_408 : memref<1x1x1x1x80xi32, #tpu.memory_space<hbm>> -> memref<1x80xi32, #tpu.memory_space<hbm>>
        tpu.enqueue_dma source(%dma_start3A_409 : memref<1x80xi32, #tpu.memory_space<hbm>>) target(%arg16 : memref<1x80xi32, #tpu.memory_space<vmem>>) target_semaphore(%arg36 : memref<!tpu.dma_semaphore, #tpu.memory_space<semaphore_mem>>)
        %dma_start3A_410 = arith.constant 0 : i32
        %dma_start3A_411 = tpu.memref_slice %arg4[%add3A, %add3A_391, %dma_start3A_410] : memref<32x125x80xf32, #tpu.memory_space<hbm>> -> memref<1x1x80xf32, #tpu.memory_space<hbm>>
        %dma_start3A_412 = tpu.memref_squeeze %dma_start3A_411 : memref<1x1x80xf32, #tpu.memory_space<hbm>> -> memref<80xf32, #tpu.memory_space<hbm>>
        %dma_start3A_413 = arith.constant 0 : i32
        %dma_start3A_414 = tpu.memref_slice %arg4[%add3A, %add3A_391, %dma_start3A_413] : memref<32x125x80xf32, #tpu.memory_space<hbm>> -> memref<1x1x80xf32, #tpu.memory_space<hbm>>
        %dma_start3A_415 = tpu.memref_squeeze %dma_start3A_414 : memref<1x1x80xf32, #tpu.memory_space<hbm>> -> memref<80xf32, #tpu.memory_space<hbm>>
        tpu.enqueue_dma source(%dma_start3A_415 : memref<80xf32, #tpu.memory_space<hbm>>) target(%arg20 : memref<80xf32, #tpu.memory_space<vmem>>) target_semaphore(%arg40 : memref<!tpu.dma_semaphore, #tpu.memory_space<semaphore_mem>>)
      } else {
      }
      %add3A_383 = arith.constant 1 : i32
      %add3A_384 = arith.addi %add3A_335, %add3A_383 : i32
      %lt3A_385 = arith.constant 125 : i32
      %lt3A_386 = arith.cmpi slt, %add3A_384, %lt3A_385 : i32
      %convert_element_type3A_387 = arith.extui %lt3A_386 : i1 to i32
      %cond3A_388 = arith.constant 0 : i32
      %cond3A_389 = arith.cmpi ne, %convert_element_type3A_387, %cond3A_388 : i32
      scf.if %cond3A_389 {
        %add3A_390 = arith.constant 1 : i32
        %add3A_391 = arith.addi %add3A_335, %add3A_390 : i32
        %dma_wait3A_392 = arith.constant 0 : i32
        %dma_wait3A_393 = arith.constant 0 : i32
        %dma_wait3A_394 = arith.constant 0 : i32
        %dma_wait3A_395 = tpu.memref_slice %arg3[%dma_wait3A_392, %add3A, %add3A_391, %dma_wait3A_393, %dma_wait3A_394] : memref<2x32x125x1x80xi32, #tpu.memory_space<hbm>> -> memref<1x1x1x1x80xi32, #tpu.memory_space<hbm>>
        %dma_wait3A_396 = tpu.memref_squeeze %dma_wait3A_395 : memref<1x1x1x1x80xi32, #tpu.memory_space<hbm>> -> memref<1x80xi32, #tpu.memory_space<hbm>>
        %dma_wait3A_397 = arith.constant 0 : i32
        %dma_wait3A_398 = arith.constant 0 : i32
        %dma_wait3A_399 = tpu.memref_slice %arg3[%dma_wait3A_392, %add3A, %add3A_391, %dma_wait3A_397, %dma_wait3A_398] : memref<2x32x125x1x80xi32, #tpu.memory_space<hbm>> -> memref<1x1x1x1x80xi32, #tpu.memory_space<hbm>>
        %dma_wait3A_400 = tpu.memref_squeeze %dma_wait3A_399 : memref<1x1x1x1x80xi32, #tpu.memory_space<hbm>> -> memref<1x80xi32, #tpu.memory_space<hbm>>
        tpu.wait_dma2 semaphore(%arg31 : memref<!tpu.dma_semaphore, #tpu.memory_space<semaphore_mem>>) src(%dma_wait3A_400 : memref<1x80xi32, #tpu.memory_space<hbm>>) dst(%arg11 : memref<1x80xi32, #tpu.memory_space<vmem>>)
        %dma_start3A_401 = arith.constant 0 : i32
        %dma_start3A_402 = arith.constant 0 : i32
        %dma_start3A_403 = tpu.memref_slice %arg11[%dma_start3A_401, %dma_start3A_402] : memref<1x80xi32, #tpu.memory_space<vmem>> -> memref<1x80xi32, #tpu.memory_space<vmem>>
        %dma_start3A_404 = tpu.memref_squeeze %dma_start3A_403 : memref<1x80xi32, #tpu.memory_space<vmem>> -> memref<80xi32, #tpu.memory_space<vmem>>
        %dma_start3A_405 = arith.constant 0 : i32
        %dma_start3A_406 = arith.constant 0 : i32
        %dma_start3A_407 = tpu.memref_slice %arg2[%dma_start3A_405, %dma_start3A_406] : memref<10000x128xf32, #tpu.memory_space<hbm>> -> memref<10000x128xf32, #tpu.memory_space<hbm>>
        tpu.enqueue_indirect_dma source(%dma_start3A_407 : memref<10000x128xf32, #tpu.memory_space<hbm>>) target(%arg7 : memref<80x128xf32, #tpu.memory_space<vmem>>) offsets(%dma_start3A_404 : memref<80xi32, #tpu.memory_space<vmem>>) semaphore(%arg23 : memref<!tpu.dma_semaphore, #tpu.memory_space<semaphore_mem>>)
      } else {
      }
    }
    %scan3A_101 = arith.constant 31 : i32
    %dma_wait3A_102 = arith.constant 0 : i32
    %dma_wait3A_103 = arith.constant 0 : i32
    %dma_wait3A_104 = tpu.memref_slice %arg11[%dma_wait3A_102, %dma_wait3A_103] : memref<1x80xi32, #tpu.memory_space<vmem>> -> memref<1x80xi32, #tpu.memory_space<vmem>>
    %dma_wait3A_105 = tpu.memref_squeeze %dma_wait3A_104 : memref<1x80xi32, #tpu.memory_space<vmem>> -> memref<80xi32, #tpu.memory_space<vmem>>
    %dma_wait3A_106 = arith.constant 0 : i32
    %dma_wait3A_107 = arith.constant 0 : i32
    %dma_wait3A_108 = tpu.memref_slice %arg2[%dma_wait3A_106, %dma_wait3A_107] : memref<10000x128xf32, #tpu.memory_space<hbm>> -> memref<10000x128xf32, #tpu.memory_space<hbm>>
    tpu.wait_indirect_dma semaphore(%arg23 : memref<!tpu.dma_semaphore, #tpu.memory_space<semaphore_mem>>) src(%dma_wait3A_108 : memref<10000x128xf32, #tpu.memory_space<hbm>>) dst(%arg7 : memref<80x128xf32, #tpu.memory_space<vmem>>)
    %dma_wait3A_109 = arith.constant 124 : i32
    %dma_wait3A_110 = arith.constant 0 : i32
    %dma_wait3A_111 = tpu.memref_slice %arg4[%add3A, %dma_wait3A_109, %dma_wait3A_110] : memref<32x125x80xf32, #tpu.memory_space<hbm>> -> memref<1x1x80xf32, #tpu.memory_space<hbm>>
    %dma_wait3A_112 = tpu.memref_squeeze %dma_wait3A_111 : memref<1x1x80xf32, #tpu.memory_space<hbm>> -> memref<80xf32, #tpu.memory_space<hbm>>
    %dma_wait3A_113 = arith.constant 0 : i32
    %dma_wait3A_114 = tpu.memref_slice %arg4[%add3A, %dma_wait3A_109, %dma_wait3A_113] : memref<32x125x80xf32, #tpu.memory_space<hbm>> -> memref<1x1x80xf32, #tpu.memory_space<hbm>>
    %dma_wait3A_115 = tpu.memref_squeeze %dma_wait3A_114 : memref<1x1x80xf32, #tpu.memory_space<hbm>> -> memref<80xf32, #tpu.memory_space<hbm>>
    tpu.wait_dma2 semaphore(%arg39 : memref<!tpu.dma_semaphore, #tpu.memory_space<semaphore_mem>>) src(%dma_wait3A_115 : memref<80xf32, #tpu.memory_space<hbm>>) dst(%arg19 : memref<80xf32, #tpu.memory_space<vmem>>)
    %scan3A_116 = arith.constant 0 : i32
    %scan3A_117 = arith.constant 0 : i32
    %scan3A_118 = arith.constant 20 : i32
    %scan3A_119 = arith.addi %scan3A_117, %scan3A_118 : i32
    %scan3A_120 = arith.constant 1 : i32
    scf.for %scan3A_161 = %scan3A_117 to %scan3A_119 step %scan3A_120  : i32 {
      %mul3A_162 = arith.constant 4 : i32
      %mul3A_163 = arith.muli %scan3A_161, %mul3A_162 : i32
      %add3A_164 = arith.constant 0 : i32
      %add3A_165 = arith.addi %mul3A_163, %add3A_164 : i32
      %add3A_166 = vector.broadcast %add3A_165 : i32 to vector<16xi32>
      %add3A_167 = arith.addi %broadcast_in_dim3A_95, %add3A_166 : vector<16xi32>
      %gather3A = tpu.vector_load_idx %arg19[%add3A_167] : memref<80xf32, #tpu.memory_space<vmem>>[vector<16xi32>], vector<16xf32>,
      %get3A = arith.index_cast %add3A_165 : i32 to index
      %get3A_168 = arith.constant 0 : index
      %get3A_169 = tpu.vector_load %arg7[%get3A, %get3A_168] {strides = array<i32>} : memref<80x128xf32, #tpu.memory_space<vmem>>, vector<16xf32>,
      %mul3A_170 = arith.mulf %get3A_169, %gather3A : vector<16xf32>
      %swap3A = arith.index_cast %add3A_165 : i32 to index
      %swap3A_171 = arith.constant 0 : index
      %swap3A_172 = tpu.vector_load %arg7[%swap3A, %swap3A_171] {strides = array<i32>} : memref<80x128xf32, #tpu.memory_space<vmem>>, vector<16xf32>,
      tpu.vector_store %arg7[%swap3A, %swap3A_171], %mul3A_170 {strides = array<i32>} : memref<80x128xf32, #tpu.memory_space<vmem>>, vector<16xf32>,
      %get3A_173 = arith.index_cast %add3A_165 : i32 to index
      %get3A_174 = arith.constant 16 : index
      %get3A_175 = tpu.vector_load %arg7[%get3A_173, %get3A_174] {strides = array<i32>} : memref<80x128xf32, #tpu.memory_space<vmem>>, vector<16xf32>,
      %mul3A_176 = arith.mulf %get3A_175, %gather3A : vector<16xf32>
      %swap3A_177 = arith.index_cast %add3A_165 : i32 to index
      %swap3A_178 = arith.constant 16 : index
      %swap3A_179 = tpu.vector_load %arg7[%swap3A_177, %swap3A_178] {strides = array<i32>} : memref<80x128xf32, #tpu.memory_space<vmem>>, vector<16xf32>,
      tpu.vector_store %arg7[%swap3A_177, %swap3A_178], %mul3A_176 {strides = array<i32>} : memref<80x128xf32, #tpu.memory_space<vmem>>, vector<16xf32>,
      %get3A_180 = arith.index_cast %add3A_165 : i32 to index
      %get3A_181 = arith.constant 32 : index
      %get3A_182 = tpu.vector_load %arg7[%get3A_180, %get3A_181] {strides = array<i32>} : memref<80x128xf32, #tpu.memory_space<vmem>>, vector<16xf32>,
      %mul3A_183 = arith.mulf %get3A_182, %gather3A : vector<16xf32>
      %swap3A_184 = arith.index_cast %add3A_165 : i32 to index
      %swap3A_185 = arith.constant 32 : index
      %swap3A_186 = tpu.vector_load %arg7[%swap3A_184, %swap3A_185] {strides = array<i32>} : memref<80x128xf32, #tpu.memory_space<vmem>>, vector<16xf32>,
      tpu.vector_store %arg7[%swap3A_184, %swap3A_185], %mul3A_183 {strides = array<i32>} : memref<80x128xf32, #tpu.memory_space<vmem>>, vector<16xf32>,
      %get3A_187 = arith.index_cast %add3A_165 : i32 to index
      %get3A_188 = arith.constant 48 : index
      %get3A_189 = tpu.vector_load %arg7[%get3A_187, %get3A_188] {strides = array<i32>} : memref<80x128xf32, #tpu.memory_space<vmem>>, vector<16xf32>,
      %mul3A_190 = arith.mulf %get3A_189, %gather3A : vector<16xf32>
      %swap3A_191 = arith.index_cast %add3A_165 : i32 to index
      %swap3A_192 = arith.constant 48 : index
      %swap3A_193 = tpu.vector_load %arg7[%swap3A_191, %swap3A_192] {strides = array<i32>} : memref<80x128xf32, #tpu.memory_space<vmem>>, vector<16xf32>,
      tpu.vector_store %arg7[%swap3A_191, %swap3A_192], %mul3A_190 {strides = array<i32>} : memref<80x128xf32, #tpu.memory_space<vmem>>, vector<16xf32>,
      %get3A_194 = arith.index_cast %add3A_165 : i32 to index
      %get3A_195 = arith.constant 64 : index
      %get3A_196 = tpu.vector_load %arg7[%get3A_194, %get3A_195] {strides = array<i32>} : memref<80x128xf32, #tpu.memory_space<vmem>>, vector<16xf32>,
      %mul3A_197 = arith.mulf %get3A_196, %gather3A : vector<16xf32>
      %swap3A_198 = arith.index_cast %add3A_165 : i32 to index
      %swap3A_199 = arith.constant 64 : index
      %swap3A_200 = tpu.vector_load %arg7[%swap3A_198, %swap3A_199] {strides = array<i32>} : memref<80x128xf32, #tpu.memory_space<vmem>>, vector<16xf32>,
      tpu.vector_store %arg7[%swap3A_198, %swap3A_199], %mul3A_197 {strides = array<i32>} : memref<80x128xf32, #tpu.memory_space<vmem>>, vector<16xf32>,
      %get3A_201 = arith.index_cast %add3A_165 : i32 to index
      %get3A_202 = arith.constant 80 : index
      %get3A_203 = tpu.vector_load %arg7[%get3A_201, %get3A_202] {strides = array<i32>} : memref<80x128xf32, #tpu.memory_space<vmem>>, vector<16xf32>,
      %mul3A_204 = arith.mulf %get3A_203, %gather3A : vector<16xf32>
      %swap3A_205 = arith.index_cast %add3A_165 : i32 to index
      %swap3A_206 = arith.constant 80 : index
      %swap3A_207 = tpu.vector_load %arg7[%swap3A_205, %swap3A_206] {strides = array<i32>} : memref<80x128xf32, #tpu.memory_space<vmem>>, vector<16xf32>,
      tpu.vector_store %arg7[%swap3A_205, %swap3A_206], %mul3A_204 {strides = array<i32>} : memref<80x128xf32, #tpu.memory_space<vmem>>, vector<16xf32>,
      %get3A_208 = arith.index_cast %add3A_165 : i32 to index
      %get3A_209 = arith.constant 96 : index
      %get3A_210 = tpu.vector_load %arg7[%get3A_208, %get3A_209] {strides = array<i32>} : memref<80x128xf32, #tpu.memory_space<vmem>>, vector<16xf32>,
      %mul3A_211 = arith.mulf %get3A_210, %gather3A : vector<16xf32>
      %swap3A_212 = arith.index_cast %add3A_165 : i32 to index
      %swap3A_213 = arith.constant 96 : index
      %swap3A_214 = tpu.vector_load %arg7[%swap3A_212, %swap3A_213] {strides = array<i32>} : memref<80x128xf32, #tpu.memory_space<vmem>>, vector<16xf32>,
      tpu.vector_store %arg7[%swap3A_212, %swap3A_213], %mul3A_211 {strides = array<i32>} : memref<80x128xf32, #tpu.memory_space<vmem>>, vector<16xf32>,
      %get3A_215 = arith.index_cast %add3A_165 : i32 to index
      %get3A_216 = arith.constant 112 : index
      %get3A_217 = tpu.vector_load %arg7[%get3A_215, %get3A_216] {strides = array<i32>} : memref<80x128xf32, #tpu.memory_space<vmem>>, vector<16xf32>,
      %mul3A_218 = arith.mulf %get3A_217, %gather3A : vector<16xf32>
      %swap3A_219 = arith.index_cast %add3A_165 : i32 to index
      %swap3A_220 = arith.constant 112 : index
      %swap3A_221 = tpu.vector_load %arg7[%swap3A_219, %swap3A_220] {strides = array<i32>} : memref<80x128xf32, #tpu.memory_space<vmem>>, vector<16xf32>,
      tpu.vector_store %arg7[%swap3A_219, %swap3A_220], %mul3A_218 {strides = array<i32>} : memref<80x128xf32, #tpu.memory_space<vmem>>, vector<16xf32>,
      %mul3A_222 = arith.constant 4 : i32
      %mul3A_223 = arith.muli %scan3A_161, %mul3A_222 : i32
      %add3A_224 = arith.constant 1 : i32
      %add3A_225 = arith.addi %mul3A_223, %add3A_224 : i32
      %add3A_226 = vector.broadcast %add3A_225 : i32 to vector<16xi32>
      %add3A_227 = arith.addi %broadcast_in_dim3A_95, %add3A_226 : vector<16xi32>
      %gather3A_228 = tpu.vector_load_idx %arg19[%add3A_227] : memref<80xf32, #tpu.memory_space<vmem>>[vector<16xi32>], vector<16xf32>,
      %get3A_229 = arith.index_cast %add3A_225 : i32 to index
      %get3A_230 = arith.constant 0 : index
      %get3A_231 = tpu.vector_load %arg7[%get3A_229, %get3A_230] {strides = array<i32>} : memref<80x128xf32, #tpu.memory_space<vmem>>, vector<16xf32>,
      %mul3A_232 = arith.mulf %get3A_231, %gather3A_228 : vector<16xf32>
      %swap3A_233 = arith.index_cast %add3A_225 : i32 to index
      %swap3A_234 = arith.constant 0 : index
      %swap3A_235 = tpu.vector_load %arg7[%swap3A_233, %swap3A_234] {strides = array<i32>} : memref<80x128xf32, #tpu.memory_space<vmem>>, vector<16xf32>,
      tpu.vector_store %arg7[%swap3A_233, %swap3A_234], %mul3A_232 {strides = array<i32>} : memref<80x128xf32, #tpu.memory_space<vmem>>, vector<16xf32>,
      %get3A_236 = arith.index_cast %add3A_225 : i32 to index
      %get3A_237 = arith.constant 16 : index
      %get3A_238 = tpu.vector_load %arg7[%get3A_236, %get3A_237] {strides = array<i32>} : memref<80x128xf32, #tpu.memory_space<vmem>>, vector<16xf32>,
      %mul3A_239 = arith.mulf %get3A_238, %gather3A_228 : vector<16xf32>
      %swap3A_240 = arith.index_cast %add3A_225 : i32 to index
      %swap3A_241 = arith.constant 16 : index
      %swap3A_242 = tpu.vector_load %arg7[%swap3A_240, %swap3A_241] {strides = array<i32>} : memref<80x128xf32, #tpu.memory_space<vmem>>, vector<16xf32>,
      tpu.vector_store %arg7[%swap3A_240, %swap3A_241], %mul3A_239 {strides = array<i32>} : memref<80x128xf32, #tpu.memory_space<vmem>>, vector<16xf32>,
      %get3A_243 = arith.index_cast %add3A_225 : i32 to index
      %get3A_244 = arith.constant 32 : index
      %get3A_245 = tpu.vector_load %arg7[%get3A_243, %get3A_244] {strides = array<i32>} : memref<80x128xf32, #tpu.memory_space<vmem>>, vector<16xf32>,
      %mul3A_246 = arith.mulf %get3A_245, %gather3A_228 : vector<16xf32>
      %swap3A_247 = arith.index_cast %add3A_225 : i32 to index
      %swap3A_248 = arith.constant 32 : index
      %swap3A_249 = tpu.vector_load %arg7[%swap3A_247, %swap3A_248] {strides = array<i32>} : memref<80x128xf32, #tpu.memory_space<vmem>>, vector<16xf32>,
      tpu.vector_store %arg7[%swap3A_247, %swap3A_248], %mul3A_246 {strides = array<i32>} : memref<80x128xf32, #tpu.memory_space<vmem>>, vector<16xf32>,
      %get3A_250 = arith.index_cast %add3A_225 : i32 to index
      %get3A_251 = arith.constant 48 : index
      %get3A_252 = tpu.vector_load %arg7[%get3A_250, %get3A_251] {strides = array<i32>} : memref<80x128xf32, #tpu.memory_space<vmem>>, vector<16xf32>,
      %mul3A_253 = arith.mulf %get3A_252, %gather3A_228 : vector<16xf32>
      %swap3A_254 = arith.index_cast %add3A_225 : i32 to index
      %swap3A_255 = arith.constant 48 : index
      %swap3A_256 = tpu.vector_load %arg7[%swap3A_254, %swap3A_255] {strides = array<i32>} : memref<80x128xf32, #tpu.memory_space<vmem>>, vector<16xf32>,
      tpu.vector_store %arg7[%swap3A_254, %swap3A_255], %mul3A_253 {strides = array<i32>} : memref<80x128xf32, #tpu.memory_space<vmem>>, vector<16xf32>,
      %get3A_257 = arith.index_cast %add3A_225 : i32 to index
      %get3A_258 = arith.constant 64 : index
      %get3A_259 = tpu.vector_load %arg7[%get3A_257, %get3A_258] {strides = array<i32>} : memref<80x128xf32, #tpu.memory_space<vmem>>, vector<16xf32>,
      %mul3A_260 = arith.mulf %get3A_259, %gather3A_228 : vector<16xf32>
      %swap3A_261 = arith.index_cast %add3A_225 : i32 to index
      %swap3A_262 = arith.constant 64 : index
      %swap3A_263 = tpu.vector_load %arg7[%swap3A_261, %swap3A_262] {strides = array<i32>} : memref<80x128xf32, #tpu.memory_space<vmem>>, vector<16xf32>,
      tpu.vector_store %arg7[%swap3A_261, %swap3A_262], %mul3A_260 {strides = array<i32>} : memref<80x128xf32, #tpu.memory_space<vmem>>, vector<16xf32>,
      %get3A_264 = arith.index_cast %add3A_225 : i32 to index
      %get3A_265 = arith.constant 80 : index
      %get3A_266 = tpu.vector_load %arg7[%get3A_264, %get3A_265] {strides = array<i32>} : memref<80x128xf32, #tpu.memory_space<vmem>>, vector<16xf32>,
      %mul3A_267 = arith.mulf %get3A_266, %gather3A_228 : vector<16xf32>
      %swap3A_268 = arith.index_cast %add3A_225 : i32 to index
      %swap3A_269 = arith.constant 80 : index
      %swap3A_270 = tpu.vector_load %arg7[%swap3A_268, %swap3A_269] {strides = array<i32>} : memref<80x128xf32, #tpu.memory_space<vmem>>, vector<16xf32>,
      tpu.vector_store %arg7[%swap3A_268, %swap3A_269], %mul3A_267 {strides = array<i32>} : memref<80x128xf32, #tpu.memory_space<vmem>>, vector<16xf32>,
      %get3A_271 = arith.index_cast %add3A_225 : i32 to index
      %get3A_272 = arith.constant 96 : index
      %get3A_273 = tpu.vector_load %arg7[%get3A_271, %get3A_272] {strides = array<i32>} : memref<80x128xf32, #tpu.memory_space<vmem>>, vector<16xf32>,
      %mul3A_274 = arith.mulf %get3A_273, %gather3A_228 : vector<16xf32>
      %swap3A_275 = arith.index_cast %add3A_225 : i32 to index
      %swap3A_276 = arith.constant 96 : index
      %swap3A_277 = tpu.vector_load %arg7[%swap3A_275, %swap3A_276] {strides = array<i32>} : memref<80x128xf32, #tpu.memory_space<vmem>>, vector<16xf32>,
      tpu.vector_store %arg7[%swap3A_275, %swap3A_276], %mul3A_274 {strides = array<i32>} : memref<80x128xf32, #tpu.memory_space<vmem>>, vector<16xf32>,
      %get3A_278 = arith.index_cast %add3A_225 : i32 to index
      %get3A_279 = arith.constant 112 : index
      %get3A_280 = tpu.vector_load %arg7[%get3A_278, %get3A_279] {strides = array<i32>} : memref<80x128xf32, #tpu.memory_space<vmem>>, vector<16xf32>,
      %mul3A_281 = arith.mulf %get3A_280, %gather3A_228 : vector<16xf32>
      %swap3A_282 = arith.index_cast %add3A_225 : i32 to index
      %swap3A_283 = arith.constant 112 : index
      %swap3A_284 = tpu.vector_load %arg7[%swap3A_282, %swap3A_283] {strides = array<i32>} : memref<80x128xf32, #tpu.memory_space<vmem>>, vector<16xf32>,
      tpu.vector_store %arg7[%swap3A_282, %swap3A_283], %mul3A_281 {strides = array<i32>} : memref<80x128xf32, #tpu.memory_space<vmem>>, vector<16xf32>,
      %mul3A_285 = arith.constant 4 : i32
      %mul3A_286 = arith.muli %scan3A_161, %mul3A_285 : i32
      %add3A_287 = arith.constant 2 : i32
      %add3A_288 = arith.addi %mul3A_286, %add3A_287 : i32
      %add3A_289 = vector.broadcast %add3A_288 : i32 to vector<16xi32>
      %add3A_290 = arith.addi %broadcast_in_dim3A_95, %add3A_289 : vector<16xi32>
      %gather3A_291 = tpu.vector_load_idx %arg19[%add3A_290] : memref<80xf32, #tpu.memory_space<vmem>>[vector<16xi32>], vector<16xf32>,
      %get3A_292 = arith.index_cast %add3A_288 : i32 to index
      %get3A_293 = arith.constant 0 : index
      %get3A_294 = tpu.vector_load %arg7[%get3A_292, %get3A_293] {strides = array<i32>} : memref<80x128xf32, #tpu.memory_space<vmem>>, vector<16xf32>,
      %mul3A_295 = arith.mulf %get3A_294, %gather3A_291 : vector<16xf32>
      %swap3A_296 = arith.index_cast %add3A_288 : i32 to index
      %swap3A_297 = arith.constant 0 : index
      %swap3A_298 = tpu.vector_load %arg7[%swap3A_296, %swap3A_297] {strides = array<i32>} : memref<80x128xf32, #tpu.memory_space<vmem>>, vector<16xf32>,
      tpu.vector_store %arg7[%swap3A_296, %swap3A_297], %mul3A_295 {strides = array<i32>} : memref<80x128xf32, #tpu.memory_space<vmem>>, vector<16xf32>,
      %get3A_299 = arith.index_cast %add3A_288 : i32 to index
      %get3A_300 = arith.constant 16 : index
      %get3A_301 = tpu.vector_load %arg7[%get3A_299, %get3A_300] {strides = array<i32>} : memref<80x128xf32, #tpu.memory_space<vmem>>, vector<16xf32>,
      %mul3A_302 = arith.mulf %get3A_301, %gather3A_291 : vector<16xf32>
      %swap3A_303 = arith.index_cast %add3A_288 : i32 to index
      %swap3A_304 = arith.constant 16 : index
      %swap3A_305 = tpu.vector_load %arg7[%swap3A_303, %swap3A_304] {strides = array<i32>} : memref<80x128xf32, #tpu.memory_space<vmem>>, vector<16xf32>,
      tpu.vector_store %arg7[%swap3A_303, %swap3A_304], %mul3A_302 {strides = array<i32>} : memref<80x128xf32, #tpu.memory_space<vmem>>, vector<16xf32>,
      %get3A_306 = arith.index_cast %add3A_288 : i32 to index
      %get3A_307 = arith.constant 32 : index
      %get3A_308 = tpu.vector_load %arg7[%get3A_306, %get3A_307] {strides = array<i32>} : memref<80x128xf32, #tpu.memory_space<vmem>>, vector<16xf32>,
      %mul3A_309 = arith.mulf %get3A_308, %gather3A_291 : vector<16xf32>
      %swap3A_310 = arith.index_cast %add3A_288 : i32 to index
      %swap3A_311 = arith.constant 32 : index
      %swap3A_312 = tpu.vector_load %arg7[%swap3A_310, %swap3A_311] {strides = array<i32>} : memref<80x128xf32, #tpu.memory_space<vmem>>, vector<16xf32>,
      tpu.vector_store %arg7[%swap3A_310, %swap3A_311], %mul3A_309 {strides = array<i32>} : memref<80x128xf32, #tpu.memory_space<vmem>>, vector<16xf32>,
      %get3A_313 = arith.index_cast %add3A_288 : i32 to index
      %get3A_314 = arith.constant 48 : index
      %get3A_315 = tpu.vector_load %arg7[%get3A_313, %get3A_314] {strides = array<i32>} : memref<80x128xf32, #tpu.memory_space<vmem>>, vector<16xf32>,
      %mul3A_316 = arith.mulf %get3A_315, %gather3A_291 : vector<16xf32>
      %swap3A_317 = arith.index_cast %add3A_288 : i32 to index
      %swap3A_318 = arith.constant 48 : index
      %swap3A_319 = tpu.vector_load %arg7[%swap3A_317, %swap3A_318] {strides = array<i32>} : memref<80x128xf32, #tpu.memory_space<vmem>>, vector<16xf32>,
      tpu.vector_store %arg7[%swap3A_317, %swap3A_318], %mul3A_316 {strides = array<i32>} : memref<80x128xf32, #tpu.memory_space<vmem>>, vector<16xf32>,
      %get3A_320 = arith.index_cast %add3A_288 : i32 to index
      %get3A_321 = arith.constant 64 : index
      %get3A_322 = tpu.vector_load %arg7[%get3A_320, %get3A_321] {strides = array<i32>} : memref<80x128xf32, #tpu.memory_space<vmem>>, vector<16xf32>,
      %mul3A_323 = arith.mulf %get3A_322, %gather3A_291 : vector<16xf32>
      %swap3A_324 = arith.index_cast %add3A_288 : i32 to index
      %swap3A_325 = arith.constant 64 : index
      %swap3A_326 = tpu.vector_load %arg7[%swap3A_324, %swap3A_325] {strides = array<i32>} : memref<80x128xf32, #tpu.memory_space<vmem>>, vector<16xf32>,
      tpu.vector_store %arg7[%swap3A_324, %swap3A_325], %mul3A_323 {strides = array<i32>} : memref<80x128xf32, #tpu.memory_space<vmem>>, vector<16xf32>,
      %get3A_327 = arith.index_cast %add3A_288 : i32 to index
      %get3A_328 = arith.constant 80 : index
      %get3A_329 = tpu.vector_load %arg7[%get3A_327, %get3A_328] {strides = array<i32>} : memref<80x128xf32, #tpu.memory_space<vmem>>, vector<16xf32>,
      %mul3A_330 = arith.mulf %get3A_329, %gather3A_291 : vector<16xf32>
      %swap3A_331 = arith.index_cast %add3A_288 : i32 to index
      %swap3A_332 = arith.constant 80 : index
      %swap3A_333 = tpu.vector_load %arg7[%swap3A_331, %swap3A_332] {strides = array<i32>} : memref<80x128xf32, #tpu.memory_space<vmem>>, vector<16xf32>,
      tpu.vector_store %arg7[%swap3A_331, %swap3A_332], %mul3A_330 {strides = array<i32>} : memref<80x128xf32, #tpu.memory_space<vmem>>, vector<16xf32>,
      %get3A_334 = arith.index_cast %add3A_288 : i32 to index
      %get3A_335 = arith.constant 96 : index
      %get3A_336 = tpu.vector_load %arg7[%get3A_334, %get3A_335] {strides = array<i32>} : memref<80x128xf32, #tpu.memory_space<vmem>>, vector<16xf32>,
      %mul3A_337 = arith.mulf %get3A_336, %gather3A_291 : vector<16xf32>
      %swap3A_338 = arith.index_cast %add3A_288 : i32 to index
      %swap3A_339 = arith.constant 96 : index
      %swap3A_340 = tpu.vector_load %arg7[%swap3A_338, %swap3A_339] {strides = array<i32>} : memref<80x128xf32, #tpu.memory_space<vmem>>, vector<16xf32>,
      tpu.vector_store %arg7[%swap3A_338, %swap3A_339], %mul3A_337 {strides = array<i32>} : memref<80x128xf32, #tpu.memory_space<vmem>>, vector<16xf32>,
      %get3A_341 = arith.index_cast %add3A_288 : i32 to index
      %get3A_342 = arith.constant 112 : index
      %get3A_343 = tpu.vector_load %arg7[%get3A_341, %get3A_342] {strides = array<i32>} : memref<80x128xf32, #tpu.memory_space<vmem>>, vector<16xf32>,
      %mul3A_344 = arith.mulf %get3A_343, %gather3A_291 : vector<16xf32>
      %swap3A_345 = arith.index_cast %add3A_288 : i32 to index
      %swap3A_346 = arith.constant 112 : index
      %swap3A_347 = tpu.vector_load %arg7[%swap3A_345, %swap3A_346] {strides = array<i32>} : memref<80x128xf32, #tpu.memory_space<vmem>>, vector<16xf32>,
      tpu.vector_store %arg7[%swap3A_345, %swap3A_346], %mul3A_344 {strides = array<i32>} : memref<80x128xf32, #tpu.memory_space<vmem>>, vector<16xf32>,
      %mul3A_348 = arith.constant 4 : i32
      %mul3A_349 = arith.muli %scan3A_161, %mul3A_348 : i32
      %add3A_350 = arith.constant 3 : i32
      %add3A_351 = arith.addi %mul3A_349, %add3A_350 : i32
      %add3A_352 = vector.broadcast %add3A_351 : i32 to vector<16xi32>
      %add3A_353 = arith.addi %broadcast_in_dim3A_95, %add3A_352 : vector<16xi32>
      %gather3A_354 = tpu.vector_load_idx %arg19[%add3A_353] : memref<80xf32, #tpu.memory_space<vmem>>[vector<16xi32>], vector<16xf32>,
      %get3A_355 = arith.index_cast %add3A_351 : i32 to index
      %get3A_356 = arith.constant 0 : index
      %get3A_357 = tpu.vector_load %arg7[%get3A_355, %get3A_356] {strides = array<i32>} : memref<80x128xf32, #tpu.memory_space<vmem>>, vector<16xf32>,
      %mul3A_358 = arith.mulf %get3A_357, %gather3A_354 : vector<16xf32>
      %swap3A_359 = arith.index_cast %add3A_351 : i32 to index
      %swap3A_360 = arith.constant 0 : index
      %swap3A_361 = tpu.vector_load %arg7[%swap3A_359, %swap3A_360] {strides = array<i32>} : memref<80x128xf32, #tpu.memory_space<vmem>>, vector<16xf32>,
      tpu.vector_store %arg7[%swap3A_359, %swap3A_360], %mul3A_358 {strides = array<i32>} : memref<80x128xf32, #tpu.memory_space<vmem>>, vector<16xf32>,
      %get3A_362 = arith.index_cast %add3A_351 : i32 to index
      %get3A_363 = arith.constant 16 : index
      %get3A_364 = tpu.vector_load %arg7[%get3A_362, %get3A_363] {strides = array<i32>} : memref<80x128xf32, #tpu.memory_space<vmem>>, vector<16xf32>,
      %mul3A_365 = arith.mulf %get3A_364, %gather3A_354 : vector<16xf32>
      %swap3A_366 = arith.index_cast %add3A_351 : i32 to index
      %swap3A_367 = arith.constant 16 : index
      %swap3A_368 = tpu.vector_load %arg7[%swap3A_366, %swap3A_367] {strides = array<i32>} : memref<80x128xf32, #tpu.memory_space<vmem>>, vector<16xf32>,
      tpu.vector_store %arg7[%swap3A_366, %swap3A_367], %mul3A_365 {strides = array<i32>} : memref<80x128xf32, #tpu.memory_space<vmem>>, vector<16xf32>,
      %get3A_369 = arith.index_cast %add3A_351 : i32 to index
      %get3A_370 = arith.constant 32 : index
      %get3A_371 = tpu.vector_load %arg7[%get3A_369, %get3A_370] {strides = array<i32>} : memref<80x128xf32, #tpu.memory_space<vmem>>, vector<16xf32>,
      %mul3A_372 = arith.mulf %get3A_371, %gather3A_354 : vector<16xf32>
      %swap3A_373 = arith.index_cast %add3A_351 : i32 to index
      %swap3A_374 = arith.constant 32 : index
      %swap3A_375 = tpu.vector_load %arg7[%swap3A_373, %swap3A_374] {strides = array<i32>} : memref<80x128xf32, #tpu.memory_space<vmem>>, vector<16xf32>,
      tpu.vector_store %arg7[%swap3A_373, %swap3A_374], %mul3A_372 {strides = array<i32>} : memref<80x128xf32, #tpu.memory_space<vmem>>, vector<16xf32>,
      %get3A_376 = arith.index_cast %add3A_351 : i32 to index
      %get3A_377 = arith.constant 48 : index
      %get3A_378 = tpu.vector_load %arg7[%get3A_376, %get3A_377] {strides = array<i32>} : memref<80x128xf32, #tpu.memory_space<vmem>>, vector<16xf32>,
      %mul3A_379 = arith.mulf %get3A_378, %gather3A_354 : vector<16xf32>
      %swap3A_380 = arith.index_cast %add3A_351 : i32 to index
      %swap3A_381 = arith.constant 48 : index
      %swap3A_382 = tpu.vector_load %arg7[%swap3A_380, %swap3A_381] {strides = array<i32>} : memref<80x128xf32, #tpu.memory_space<vmem>>, vector<16xf32>,
      tpu.vector_store %arg7[%swap3A_380, %swap3A_381], %mul3A_379 {strides = array<i32>} : memref<80x128xf32, #tpu.memory_space<vmem>>, vector<16xf32>,
      %get3A_383 = arith.index_cast %add3A_351 : i32 to index
      %get3A_384 = arith.constant 64 : index
      %get3A_385 = tpu.vector_load %arg7[%get3A_383, %get3A_384] {strides = array<i32>} : memref<80x128xf32, #tpu.memory_space<vmem>>, vector<16xf32>,
      %mul3A_386 = arith.mulf %get3A_385, %gather3A_354 : vector<16xf32>
      %swap3A_387 = arith.index_cast %add3A_351 : i32 to index
      %swap3A_388 = arith.constant 64 : index
      %swap3A_389 = tpu.vector_load %arg7[%swap3A_387, %swap3A_388] {strides = array<i32>} : memref<80x128xf32, #tpu.memory_space<vmem>>, vector<16xf32>,
      tpu.vector_store %arg7[%swap3A_387, %swap3A_388], %mul3A_386 {strides = array<i32>} : memref<80x128xf32, #tpu.memory_space<vmem>>, vector<16xf32>,
      %get3A_390 = arith.index_cast %add3A_351 : i32 to index
      %get3A_391 = arith.constant 80 : index
      %get3A_392 = tpu.vector_load %arg7[%get3A_390, %get3A_391] {strides = array<i32>} : memref<80x128xf32, #tpu.memory_space<vmem>>, vector<16xf32>,
      %mul3A_393 = arith.mulf %get3A_392, %gather3A_354 : vector<16xf32>
      %swap3A_394 = arith.index_cast %add3A_351 : i32 to index
      %swap3A_395 = arith.constant 80 : index
      %swap3A_396 = tpu.vector_load %arg7[%swap3A_394, %swap3A_395] {strides = array<i32>} : memref<80x128xf32, #tpu.memory_space<vmem>>, vector<16xf32>,
      tpu.vector_store %arg7[%swap3A_394, %swap3A_395], %mul3A_393 {strides = array<i32>} : memref<80x128xf32, #tpu.memory_space<vmem>>, vector<16xf32>,
      %get3A_397 = arith.index_cast %add3A_351 : i32 to index
      %get3A_398 = arith.constant 96 : index
      %get3A_399 = tpu.vector_load %arg7[%get3A_397, %get3A_398] {strides = array<i32>} : memref<80x128xf32, #tpu.memory_space<vmem>>, vector<16xf32>,
      %mul3A_400 = arith.mulf %get3A_399, %gather3A_354 : vector<16xf32>
      %swap3A_401 = arith.index_cast %add3A_351 : i32 to index
      %swap3A_402 = arith.constant 96 : index
      %swap3A_403 = tpu.vector_load %arg7[%swap3A_401, %swap3A_402] {strides = array<i32>} : memref<80x128xf32, #tpu.memory_space<vmem>>, vector<16xf32>,
      tpu.vector_store %arg7[%swap3A_401, %swap3A_402], %mul3A_400 {strides = array<i32>} : memref<80x128xf32, #tpu.memory_space<vmem>>, vector<16xf32>,
      %get3A_404 = arith.index_cast %add3A_351 : i32 to index
      %get3A_405 = arith.constant 112 : index
      %get3A_406 = tpu.vector_load %arg7[%get3A_404, %get3A_405] {strides = array<i32>} : memref<80x128xf32, #tpu.memory_space<vmem>>, vector<16xf32>,
      %mul3A_407 = arith.mulf %get3A_406, %gather3A_354 : vector<16xf32>
      %swap3A_408 = arith.index_cast %add3A_351 : i32 to index
      %swap3A_409 = arith.constant 112 : index
      %swap3A_410 = tpu.vector_load %arg7[%swap3A_408, %swap3A_409] {strides = array<i32>} : memref<80x128xf32, #tpu.memory_space<vmem>>, vector<16xf32>,
      tpu.vector_store %arg7[%swap3A_408, %swap3A_409], %mul3A_407 {strides = array<i32>} : memref<80x128xf32, #tpu.memory_space<vmem>>, vector<16xf32>,
    }
    %scan3A_121 = arith.constant 20 : i32
    %dma_wait3A_122 = arith.constant 1 : i32
    %dma_wait3A_123 = arith.constant 124 : i32
    %dma_wait3A_124 = arith.constant 0 : i32
    %dma_wait3A_125 = arith.constant 0 : i32
    %dma_wait3A_126 = tpu.memref_slice %arg3[%dma_wait3A_122, %add3A, %dma_wait3A_123, %dma_wait3A_124, %dma_wait3A_125] : memref<2x32x125x1x80xi32, #tpu.memory_space<hbm>> -> memref<1x1x1x1x80xi32, #tpu.memory_space<hbm>>
    %dma_wait3A_127 = tpu.memref_squeeze %dma_wait3A_126 : memref<1x1x1x1x80xi32, #tpu.memory_space<hbm>> -> memref<1x80xi32, #tpu.memory_space<hbm>>
    %dma_wait3A_128 = arith.constant 0 : i32
    %dma_wait3A_129 = arith.constant 0 : i32
    %dma_wait3A_130 = tpu.memref_slice %arg3[%dma_wait3A_122, %add3A, %dma_wait3A_123, %dma_wait3A_128, %dma_wait3A_129] : memref<2x32x125x1x80xi32, #tpu.memory_space<hbm>> -> memref<1x1x1x1x80xi32, #tpu.memory_space<hbm>>
    %dma_wait3A_131 = tpu.memref_squeeze %dma_wait3A_130 : memref<1x1x1x1x80xi32, #tpu.memory_space<hbm>> -> memref<1x80xi32, #tpu.memory_space<hbm>>
    tpu.wait_dma2 semaphore(%arg35 : memref<!tpu.dma_semaphore, #tpu.memory_space<semaphore_mem>>) src(%dma_wait3A_131 : memref<1x80xi32, #tpu.memory_space<hbm>>) dst(%arg15 : memref<1x80xi32, #tpu.memory_space<vmem>>)
    %dma_start3A_132 = arith.constant 0 : i32
    %dma_start3A_133 = arith.constant 0 : i32
    %dma_start3A_134 = tpu.memref_slice %arg15[%dma_start3A_132, %dma_start3A_133] : memref<1x80xi32, #tpu.memory_space<vmem>> -> memref<1x80xi32, #tpu.memory_space<vmem>>
    %dma_start3A_135 = tpu.memref_squeeze %dma_start3A_134 : memref<1x80xi32, #tpu.memory_space<vmem>> -> memref<80xi32, #tpu.memory_space<vmem>>
    %dma_start3A_136 = arith.constant 0 : i32
    %dma_start3A_137 = arith.constant 0 : i32
    %dma_start3A_138 = tpu.memref_slice %arg6[%dma_start3A_136, %dma_start3A_137] : memref<10000x128xf32, #tpu.memory_space<vmem_shared>> -> memref<10000x128xf32, #tpu.memory_space<vmem_shared>>
    tpu.enqueue_indirect_dma source(%arg7 : memref<80x128xf32, #tpu.memory_space<vmem>>) target(%dma_start3A_138 : memref<10000x128xf32, #tpu.memory_space<vmem_shared>>) offsets(%dma_start3A_135 : memref<80xi32, #tpu.memory_space<vmem>>) semaphore(%arg27 : memref<!tpu.dma_semaphore, #tpu.memory_space<semaphore_mem>>) {add = true}
    %dma_wait3A_139 = arith.constant 0 : i32
    %dma_wait3A_140 = arith.constant 0 : i32
    %dma_wait3A_141 = tpu.memref_slice %arg17[%dma_wait3A_139, %dma_wait3A_140] : memref<1x80xi32, #tpu.memory_space<vmem>> -> memref<1x80xi32, #tpu.memory_space<vmem>>
    %dma_wait3A_142 = tpu.memref_squeeze %dma_wait3A_141 : memref<1x80xi32, #tpu.memory_space<vmem>> -> memref<80xi32, #tpu.memory_space<vmem>>
    %dma_wait3A_143 = arith.constant 0 : i32
    %dma_wait3A_144 = arith.constant 0 : i32
    %dma_wait3A_145 = tpu.memref_slice %arg6[%dma_wait3A_143, %dma_wait3A_144] : memref<10000x128xf32, #tpu.memory_space<vmem_shared>> -> memref<10000x128xf32, #tpu.memory_space<vmem_shared>>
    tpu.wait_indirect_dma semaphore(%arg29 : memref<!tpu.dma_semaphore, #tpu.memory_space<semaphore_mem>>) src(%arg9 : memref<80x128xf32, #tpu.memory_space<vmem>>) dst(%dma_wait3A_145 : memref<10000x128xf32, #tpu.memory_space<vmem_shared>>)
    %dma_wait3A_146 = arith.constant 0 : i32
    %dma_wait3A_147 = arith.constant 0 : i32
    %dma_wait3A_148 = tpu.memref_slice %arg18[%dma_wait3A_146, %dma_wait3A_147] : memref<1x80xi32, #tpu.memory_space<vmem>> -> memref<1x80xi32, #tpu.memory_space<vmem>>
    %dma_wait3A_149 = tpu.memref_squeeze %dma_wait3A_148 : memref<1x80xi32, #tpu.memory_space<vmem>> -> memref<80xi32, #tpu.memory_space<vmem>>
    %dma_wait3A_150 = arith.constant 0 : i32
    %dma_wait3A_151 = arith.constant 0 : i32
    %dma_wait3A_152 = tpu.memref_slice %arg6[%dma_wait3A_150, %dma_wait3A_151] : memref<10000x128xf32, #tpu.memory_space<vmem_shared>> -> memref<10000x128xf32, #tpu.memory_space<vmem_shared>>
    tpu.wait_indirect_dma semaphore(%arg30 : memref<!tpu.dma_semaphore, #tpu.memory_space<semaphore_mem>>) src(%arg10 : memref<80x128xf32, #tpu.memory_space<vmem>>) dst(%dma_wait3A_152 : memref<10000x128xf32, #tpu.memory_space<vmem_shared>>)
    %dma_wait3A_153 = arith.constant 0 : i32
    %dma_wait3A_154 = arith.constant 0 : i32
    %dma_wait3A_155 = tpu.memref_slice %arg15[%dma_wait3A_153, %dma_wait3A_154] : memref<1x80xi32, #tpu.memory_space<vmem>> -> memref<1x80xi32, #tpu.memory_space<vmem>>
    %dma_wait3A_156 = tpu.memref_squeeze %dma_wait3A_155 : memref<1x80xi32, #tpu.memory_space<vmem>> -> memref<80xi32, #tpu.memory_space<vmem>>
    %dma_wait3A_157 = arith.constant 0 : i32
    %dma_wait3A_158 = arith.constant 0 : i32
    %dma_wait3A_159 = tpu.memref_slice %arg6[%dma_wait3A_157, %dma_wait3A_158] : memref<10000x128xf32, #tpu.memory_space<vmem_shared>> -> memref<10000x128xf32, #tpu.memory_space<vmem_shared>>
    tpu.wait_indirect_dma semaphore(%arg27 : memref<!tpu.dma_semaphore, #tpu.memory_space<semaphore_mem>>) src(%arg7 : memref<80x128xf32, #tpu.memory_space<vmem>>) dst(%dma_wait3A_159 : memref<10000x128xf32, #tpu.memory_space<vmem_shared>>)
    %barrier3A_160 = arith.constant 0 : index
    tpu.barrier barrier_id(%barrier3A_160)
    "tpu.region"() ({
      %run_scoped3A = tpu.sem_alloc : memref<!tpu.dma_semaphore, #tpu.memory_space<semaphore_mem>>
      %dma_start3A_161 = arith.constant 0 : i32
      %dma_start3A_162 = tpu.memref_slice %arg5[%arg0, %mul3A_8, %dma_start3A_161] : memref<2x10000x128xf32, #tpu.memory_space<hbm>> -> memref<1x625x128xf32, #tpu.memory_space<hbm>>
      %dma_start3A_163 = tpu.memref_squeeze %dma_start3A_162 : memref<1x625x128xf32, #tpu.memory_space<hbm>> -> memref<625x128xf32, #tpu.memory_space<hbm>>
      %dma_start3A_164 = arith.constant 0 : i32
      %dma_start3A_165 = tpu.memref_slice %arg6[%mul3A_8, %dma_start3A_164] : memref<10000x128xf32, #tpu.memory_space<vmem_shared>> -> memref<625x128xf32, #tpu.memory_space<vmem_shared>>
      tpu.enqueue_dma source(%dma_start3A_165 : memref<625x128xf32, #tpu.memory_space<vmem_shared>>) target(%dma_start3A_163 : memref<625x128xf32, #tpu.memory_space<hbm>>) target_semaphore(%run_scoped3A : memref<!tpu.dma_semaphore, #tpu.memory_space<semaphore_mem>>)
      %dma_wait3A_166 = arith.constant 0 : i32
      %dma_wait3A_167 = tpu.memref_slice %arg5[%arg0, %mul3A_8, %dma_wait3A_166] : memref<2x10000x128xf32, #tpu.memory_space<hbm>> -> memref<1x625x128xf32, #tpu.memory_space<hbm>>
      %dma_wait3A_168 = tpu.memref_squeeze %dma_wait3A_167 : memref<1x625x128xf32, #tpu.memory_space<hbm>> -> memref<625x128xf32, #tpu.memory_space<hbm>>
      %dma_wait3A_169 = arith.constant 0 : i32
      %dma_wait3A_170 = tpu.memref_slice %arg6[%mul3A_8, %dma_wait3A_169] : memref<10000x128xf32, #tpu.memory_space<vmem_shared>> -> memref<625x128xf32, #tpu.memory_space<vmem_shared>>
      tpu.wait_dma2 semaphore(%run_scoped3A : memref<!tpu.dma_semaphore, #tpu.memory_space<semaphore_mem>>) src(%dma_wait3A_170 : memref<625x128xf32, #tpu.memory_space<vmem_shared>>) dst(%dma_wait3A_168 : memref<625x128xf32, #tpu.memory_space<hbm>>)
      tpu.yield
    }) : () -> ()
    return
  }
}

#map = affine_map<(d0, d1) -> (0, 0, 0)>
module attributes {stable_mosaic.version = 14 : i64} {
  func.func @_degrees_sc(%arg0: i32, %arg1: i32, %arg2: memref<2x32x10000xi32, #tpu.memory_space<hbm>>, %arg3: memref<2x32x10000xf32, #tpu.memory_space<hbm>>, %arg4: memref<10000xi32, #tpu.memory_space<vmem>>, %arg5: memref<10000xi32, #tpu.memory_space<vmem>>, %arg6: memref<10000xf32, #tpu.memory_space<vmem>>, %arg7: memref<10000xf32, #tpu.memory_space<vmem>>) attributes {dimension_semantics = [#tpu.dimension_semantics<core_parallel>, #tpu.dimension_semantics<subcore_parallel>], iteration_bounds = array<i64: 2, 16>, scalar_prefetch = 0 : i64, scratch_operands = 4 : i64, tpu.core_type = #tpu.core_type<sc_vector_subcore>, window_params = [{transform_indices = #map}, {transform_indices = #map}]} {
    %mul3A = arith.constant 16 : i32
    %mul3A_0 = arith.muli %arg0, %mul3A : i32
    %add3A = arith.addi %mul3A_0, %arg1 : i32
    %run_scoped3A = arith.constant 0 : i32
    "tpu.region"() ({
      %run_scoped3A_18 = tpu.sem_alloc : memref<!tpu.dma_semaphore, #tpu.memory_space<semaphore_mem>>
      %dma_start3A = arith.constant 0 : i32
      %dma_start3A_19 = tpu.memref_slice %arg2[%run_scoped3A, %add3A, %dma_start3A] : memref<2x32x10000xi32, #tpu.memory_space<hbm>> -> memref<1x1x10000xi32, #tpu.memory_space<hbm>>
      %dma_start3A_20 = tpu.memref_squeeze %dma_start3A_19 : memref<1x1x10000xi32, #tpu.memory_space<hbm>> -> memref<10000xi32, #tpu.memory_space<hbm>>
      %dma_start3A_21 = arith.constant 0 : i32
      %dma_start3A_22 = tpu.memref_slice %arg2[%run_scoped3A, %add3A, %dma_start3A_21] : memref<2x32x10000xi32, #tpu.memory_space<hbm>> -> memref<1x1x10000xi32, #tpu.memory_space<hbm>>
      %dma_start3A_23 = tpu.memref_squeeze %dma_start3A_22 : memref<1x1x10000xi32, #tpu.memory_space<hbm>> -> memref<10000xi32, #tpu.memory_space<hbm>>
      tpu.enqueue_dma source(%dma_start3A_23 : memref<10000xi32, #tpu.memory_space<hbm>>) target(%arg4 : memref<10000xi32, #tpu.memory_space<vmem>>) target_semaphore(%run_scoped3A_18 : memref<!tpu.dma_semaphore, #tpu.memory_space<semaphore_mem>>)
      %dma_wait3A = arith.constant 0 : i32
      %dma_wait3A_24 = tpu.memref_slice %arg2[%run_scoped3A, %add3A, %dma_wait3A] : memref<2x32x10000xi32, #tpu.memory_space<hbm>> -> memref<1x1x10000xi32, #tpu.memory_space<hbm>>
      %dma_wait3A_25 = tpu.memref_squeeze %dma_wait3A_24 : memref<1x1x10000xi32, #tpu.memory_space<hbm>> -> memref<10000xi32, #tpu.memory_space<hbm>>
      %dma_wait3A_26 = arith.constant 0 : i32
      %dma_wait3A_27 = tpu.memref_slice %arg2[%run_scoped3A, %add3A, %dma_wait3A_26] : memref<2x32x10000xi32, #tpu.memory_space<hbm>> -> memref<1x1x10000xi32, #tpu.memory_space<hbm>>
      %dma_wait3A_28 = tpu.memref_squeeze %dma_wait3A_27 : memref<1x1x10000xi32, #tpu.memory_space<hbm>> -> memref<10000xi32, #tpu.memory_space<hbm>>
      tpu.wait_dma2 semaphore(%run_scoped3A_18 : memref<!tpu.dma_semaphore, #tpu.memory_space<semaphore_mem>>) src(%dma_wait3A_28 : memref<10000xi32, #tpu.memory_space<hbm>>) dst(%arg4 : memref<10000xi32, #tpu.memory_space<vmem>>)
      tpu.yield
    }) : () -> ()
    %run_scoped3A_1 = arith.constant 1 : i32
    "tpu.region"() ({
      %run_scoped3A_18 = tpu.sem_alloc : memref<!tpu.dma_semaphore, #tpu.memory_space<semaphore_mem>>
      %dma_start3A = arith.constant 0 : i32
      %dma_start3A_19 = tpu.memref_slice %arg2[%run_scoped3A_1, %add3A, %dma_start3A] : memref<2x32x10000xi32, #tpu.memory_space<hbm>> -> memref<1x1x10000xi32, #tpu.memory_space<hbm>>
      %dma_start3A_20 = tpu.memref_squeeze %dma_start3A_19 : memref<1x1x10000xi32, #tpu.memory_space<hbm>> -> memref<10000xi32, #tpu.memory_space<hbm>>
      %dma_start3A_21 = arith.constant 0 : i32
      %dma_start3A_22 = tpu.memref_slice %arg2[%run_scoped3A_1, %add3A, %dma_start3A_21] : memref<2x32x10000xi32, #tpu.memory_space<hbm>> -> memref<1x1x10000xi32, #tpu.memory_space<hbm>>
      %dma_start3A_23 = tpu.memref_squeeze %dma_start3A_22 : memref<1x1x10000xi32, #tpu.memory_space<hbm>> -> memref<10000xi32, #tpu.memory_space<hbm>>
      tpu.enqueue_dma source(%dma_start3A_23 : memref<10000xi32, #tpu.memory_space<hbm>>) target(%arg5 : memref<10000xi32, #tpu.memory_space<vmem>>) target_semaphore(%run_scoped3A_18 : memref<!tpu.dma_semaphore, #tpu.memory_space<semaphore_mem>>)
      %dma_wait3A = arith.constant 0 : i32
      %dma_wait3A_24 = tpu.memref_slice %arg2[%run_scoped3A_1, %add3A, %dma_wait3A] : memref<2x32x10000xi32, #tpu.memory_space<hbm>> -> memref<1x1x10000xi32, #tpu.memory_space<hbm>>
      %dma_wait3A_25 = tpu.memref_squeeze %dma_wait3A_24 : memref<1x1x10000xi32, #tpu.memory_space<hbm>> -> memref<10000xi32, #tpu.memory_space<hbm>>
      %dma_wait3A_26 = arith.constant 0 : i32
      %dma_wait3A_27 = tpu.memref_slice %arg2[%run_scoped3A_1, %add3A, %dma_wait3A_26] : memref<2x32x10000xi32, #tpu.memory_space<hbm>> -> memref<1x1x10000xi32, #tpu.memory_space<hbm>>
      %dma_wait3A_28 = tpu.memref_squeeze %dma_wait3A_27 : memref<1x1x10000xi32, #tpu.memory_space<hbm>> -> memref<10000xi32, #tpu.memory_space<hbm>>
      tpu.wait_dma2 semaphore(%run_scoped3A_18 : memref<!tpu.dma_semaphore, #tpu.memory_space<semaphore_mem>>) src(%dma_wait3A_28 : memref<10000xi32, #tpu.memory_space<hbm>>) dst(%arg5 : memref<10000xi32, #tpu.memory_space<vmem>>)
      tpu.yield
    }) : () -> ()
    %broadcast_in_dim3A = arith.constant 0.000000e+00 : f32
    %broadcast_in_dim3A_2 = vector.broadcast %broadcast_in_dim3A : f32 to vector<16xf32>
    %scan3A = arith.constant 0 : i32
    %scan3A_3 = arith.constant 0 : i32
    %scan3A_4 = arith.constant 625 : i32
    %scan3A_5 = arith.addi %scan3A_3, %scan3A_4 : i32
    %scan3A_6 = arith.constant 1 : i32
    scf.for %scan3A_18 = %scan3A_3 to %scan3A_5 step %scan3A_6  : i32 {
      %mul3A_19 = arith.constant 16 : i32
      %mul3A_20 = arith.muli %scan3A_18, %mul3A_19 : i32
      %swap3A = arith.index_cast %mul3A_20 : i32 to index
      %swap3A_21 = tpu.vector_load %arg6[%swap3A] {strides = array<i32>} : memref<10000xf32, #tpu.memory_space<vmem>>, vector<16xf32>,
      tpu.vector_store %arg6[%swap3A], %broadcast_in_dim3A_2 {strides = array<i32>} : memref<10000xf32, #tpu.memory_space<vmem>>, vector<16xf32>,
      %mul3A_22 = arith.constant 16 : i32
      %mul3A_23 = arith.muli %scan3A_18, %mul3A_22 : i32
      %swap3A_24 = arith.index_cast %mul3A_23 : i32 to index
      %swap3A_25 = tpu.vector_load %arg7[%swap3A_24] {strides = array<i32>} : memref<10000xf32, #tpu.memory_space<vmem>>, vector<16xf32>,
      tpu.vector_store %arg7[%swap3A_24], %broadcast_in_dim3A_2 {strides = array<i32>} : memref<10000xf32, #tpu.memory_space<vmem>>, vector<16xf32>,
    }
    %scan3A_7 = arith.constant 625 : i32
    %broadcast_in_dim3A_8 = arith.constant 1.000000e+00 : f32
    %broadcast_in_dim3A_9 = vector.broadcast %broadcast_in_dim3A_8 : f32 to vector<16xf32>
    %scan3A_10 = arith.constant 0 : i32
    %scan3A_11 = arith.constant 0 : i32
    %scan3A_12 = arith.constant 625 : i32
    %scan3A_13 = arith.addi %scan3A_11, %scan3A_12 : i32
    %scan3A_14 = arith.constant 1 : i32
    scf.for %scan3A_18 = %scan3A_11 to %scan3A_13 step %scan3A_14  : i32 {
      %mul3A_19 = arith.constant 16 : i32
      %mul3A_20 = arith.muli %scan3A_18, %mul3A_19 : i32
      %get3A = arith.index_cast %mul3A_20 : i32 to index
      %get3A_21 = tpu.vector_load %arg4[%get3A] {strides = array<i32>} : memref<10000xi32, #tpu.memory_space<vmem>>, vector<16xi32>,
      tpu.vector_store_idx %arg6[%get3A_21], %broadcast_in_dim3A_9 {add = true} : memref<10000xf32, #tpu.memory_space<vmem>>[vector<16xi32>], vector<16xf32>,
      %mul3A_22 = arith.constant 16 : i32
      %mul3A_23 = arith.muli %scan3A_18, %mul3A_22 : i32
      %get3A_24 = arith.index_cast %mul3A_23 : i32 to index
      %get3A_25 = tpu.vector_load %arg5[%get3A_24] {strides = array<i32>} : memref<10000xi32, #tpu.memory_space<vmem>>, vector<16xi32>,
      tpu.vector_store_idx %arg7[%get3A_25], %broadcast_in_dim3A_9 {add = true} : memref<10000xf32, #tpu.memory_space<vmem>>[vector<16xi32>], vector<16xf32>,
    }
    %scan3A_15 = arith.constant 625 : i32
    %run_scoped3A_16 = arith.constant 0 : i32
    "tpu.region"() ({
      %run_scoped3A_18 = tpu.sem_alloc : memref<!tpu.dma_semaphore, #tpu.memory_space<semaphore_mem>>
      %dma_start3A = arith.constant 0 : i32
      %dma_start3A_19 = tpu.memref_slice %arg3[%run_scoped3A_16, %add3A, %dma_start3A] : memref<2x32x10000xf32, #tpu.memory_space<hbm>> -> memref<1x1x10000xf32, #tpu.memory_space<hbm>>
      %dma_start3A_20 = tpu.memref_squeeze %dma_start3A_19 : memref<1x1x10000xf32, #tpu.memory_space<hbm>> -> memref<10000xf32, #tpu.memory_space<hbm>>
      %dma_start3A_21 = arith.constant 0 : i32
      %dma_start3A_22 = tpu.memref_slice %arg3[%run_scoped3A_16, %add3A, %dma_start3A_21] : memref<2x32x10000xf32, #tpu.memory_space<hbm>> -> memref<1x1x10000xf32, #tpu.memory_space<hbm>>
      %dma_start3A_23 = tpu.memref_squeeze %dma_start3A_22 : memref<1x1x10000xf32, #tpu.memory_space<hbm>> -> memref<10000xf32, #tpu.memory_space<hbm>>
      tpu.enqueue_dma source(%arg6 : memref<10000xf32, #tpu.memory_space<vmem>>) target(%dma_start3A_23 : memref<10000xf32, #tpu.memory_space<hbm>>) target_semaphore(%run_scoped3A_18 : memref<!tpu.dma_semaphore, #tpu.memory_space<semaphore_mem>>)
      %dma_wait3A = arith.constant 0 : i32
      %dma_wait3A_24 = tpu.memref_slice %arg3[%run_scoped3A_16, %add3A, %dma_wait3A] : memref<2x32x10000xf32, #tpu.memory_space<hbm>> -> memref<1x1x10000xf32, #tpu.memory_space<hbm>>
      %dma_wait3A_25 = tpu.memref_squeeze %dma_wait3A_24 : memref<1x1x10000xf32, #tpu.memory_space<hbm>> -> memref<10000xf32, #tpu.memory_space<hbm>>
      %dma_wait3A_26 = arith.constant 0 : i32
      %dma_wait3A_27 = tpu.memref_slice %arg3[%run_scoped3A_16, %add3A, %dma_wait3A_26] : memref<2x32x10000xf32, #tpu.memory_space<hbm>> -> memref<1x1x10000xf32, #tpu.memory_space<hbm>>
      %dma_wait3A_28 = tpu.memref_squeeze %dma_wait3A_27 : memref<1x1x10000xf32, #tpu.memory_space<hbm>> -> memref<10000xf32, #tpu.memory_space<hbm>>
      tpu.wait_dma2 semaphore(%run_scoped3A_18 : memref<!tpu.dma_semaphore, #tpu.memory_space<semaphore_mem>>) src(%arg6 : memref<10000xf32, #tpu.memory_space<vmem>>) dst(%dma_wait3A_28 : memref<10000xf32, #tpu.memory_space<hbm>>)
      tpu.yield
    }) : () -> ()
    %run_scoped3A_17 = arith.constant 1 : i32
    "tpu.region"() ({
      %run_scoped3A_18 = tpu.sem_alloc : memref<!tpu.dma_semaphore, #tpu.memory_space<semaphore_mem>>
      %dma_start3A = arith.constant 0 : i32
      %dma_start3A_19 = tpu.memref_slice %arg3[%run_scoped3A_17, %add3A, %dma_start3A] : memref<2x32x10000xf32, #tpu.memory_space<hbm>> -> memref<1x1x10000xf32, #tpu.memory_space<hbm>>
      %dma_start3A_20 = tpu.memref_squeeze %dma_start3A_19 : memref<1x1x10000xf32, #tpu.memory_space<hbm>> -> memref<10000xf32, #tpu.memory_space<hbm>>
      %dma_start3A_21 = arith.constant 0 : i32
      %dma_start3A_22 = tpu.memref_slice %arg3[%run_scoped3A_17, %add3A, %dma_start3A_21] : memref<2x32x10000xf32, #tpu.memory_space<hbm>> -> memref<1x1x10000xf32, #tpu.memory_space<hbm>>
      %dma_start3A_23 = tpu.memref_squeeze %dma_start3A_22 : memref<1x1x10000xf32, #tpu.memory_space<hbm>> -> memref<10000xf32, #tpu.memory_space<hbm>>
      tpu.enqueue_dma source(%arg7 : memref<10000xf32, #tpu.memory_space<vmem>>) target(%dma_start3A_23 : memref<10000xf32, #tpu.memory_space<hbm>>) target_semaphore(%run_scoped3A_18 : memref<!tpu.dma_semaphore, #tpu.memory_space<semaphore_mem>>)
      %dma_wait3A = arith.constant 0 : i32
      %dma_wait3A_24 = tpu.memref_slice %arg3[%run_scoped3A_17, %add3A, %dma_wait3A] : memref<2x32x10000xf32, #tpu.memory_space<hbm>> -> memref<1x1x10000xf32, #tpu.memory_space<hbm>>
      %dma_wait3A_25 = tpu.memref_squeeze %dma_wait3A_24 : memref<1x1x10000xf32, #tpu.memory_space<hbm>> -> memref<10000xf32, #tpu.memory_space<hbm>>
      %dma_wait3A_26 = arith.constant 0 : i32
      %dma_wait3A_27 = tpu.memref_slice %arg3[%run_scoped3A_17, %add3A, %dma_wait3A_26] : memref<2x32x10000xf32, #tpu.memory_space<hbm>> -> memref<1x1x10000xf32, #tpu.memory_space<hbm>>
      %dma_wait3A_28 = tpu.memref_squeeze %dma_wait3A_27 : memref<1x1x10000xf32, #tpu.memory_space<hbm>> -> memref<10000xf32, #tpu.memory_space<hbm>>
      tpu.wait_dma2 semaphore(%run_scoped3A_18 : memref<!tpu.dma_semaphore, #tpu.memory_space<semaphore_mem>>) src(%arg7 : memref<10000xf32, #tpu.memory_space<vmem>>) dst(%dma_wait3A_28 : memref<10000xf32, #tpu.memory_space<hbm>>)
      tpu.yield
    }) : () -> ()
    return
  }
}

module attributes {stable_mosaic.version = 14 : i64} {
  func.func @_norms_body(%arg0: memref<2x32x10000xf32, #tpu.memory_space<vmem>>, %arg1: memref<2x10000xf32, #tpu.memory_space<vmem>>) attributes {dimension_semantics = [], scalar_prefetch = 0 : i64, scratch_operands = 0 : i64, tpu.core_type = #tpu.core_type<tc>} {
    %get3A = arith.constant 0 : index
    %get3A_0 = arith.constant 0 : index
    %get3A_1 = arith.constant 0 : index
    %get3A_2 = vector.load %arg0[%get3A, %get3A_0, %get3A_1] : memref<2x32x10000xf32, #tpu.memory_space<vmem>>, vector<2x32x10000xf32>
    %reduce_sum3A = arith.constant dense<0.000000e+00> : vector<2x10000xf32>
    %reduce_sum3A_3 = vector.multi_reduction <add>, %get3A_2, %reduce_sum3A [1] : vector<2x32x10000xf32> to vector<2x10000xf32>
    %jit3A = arith.constant 1.000000e+00 : f32
    %max3A = vector.broadcast %jit3A : f32 to vector<2x10000xf32>
    %max3A_4 = arith.maximumf %max3A, %reduce_sum3A_3 : vector<2x10000xf32>
    %rsqrt3A = math.rsqrt %max3A_4 : vector<2x10000xf32>
    %swap3A = arith.constant 0 : index
    %swap3A_5 = arith.constant 0 : index
    %swap3A_6 = vector.load %arg1[%swap3A, %swap3A_5] : memref<2x10000xf32, #tpu.memory_space<vmem>>, vector<2x10000xf32>
    tpu.vector_store %arg1[%swap3A, %swap3A_5], %rsqrt3A {strides = array<i32>} : memref<2x10000xf32, #tpu.memory_space<vmem>>, vector<2x10000xf32>,
    return
  }
}

module attributes {stable_mosaic.version = 14 : i64} {
  func.func @_feat_body(%arg0: memref<10000x128xf32, #tpu.memory_space<vmem>>, %arg1: memref<10000x1xf32, #tpu.memory_space<vmem>>, %arg2: memref<10000x128xf32, #tpu.memory_space<vmem>>) attributes {dimension_semantics = [], scalar_prefetch = 0 : i64, scratch_operands = 0 : i64, tpu.core_type = #tpu.core_type<tc>} {
    %get3A = arith.constant 0 : index
    %get3A_0 = arith.constant 0 : index
    %get3A_1 = vector.load %arg0[%get3A, %get3A_0] : memref<10000x128xf32, #tpu.memory_space<vmem>>, vector<10000x128xf32>
    %get3A_2 = arith.constant 0 : index
    %get3A_3 = arith.constant 0 : index
    %get3A_4 = vector.load %arg1[%get3A_2, %get3A_3] : memref<10000x1xf32, #tpu.memory_space<vmem>>, vector<10000x1xf32>
    %mul3A = vector.broadcast %get3A_4 : vector<10000x1xf32> to vector<10000x128xf32>
    %mul3A_5 = arith.mulf %get3A_1, %mul3A : vector<10000x128xf32>
    %swap3A = arith.constant 0 : index
    %swap3A_6 = arith.constant 0 : index
    %swap3A_7 = vector.load %arg2[%swap3A, %swap3A_6] : memref<10000x128xf32, #tpu.memory_space<vmem>>, vector<10000x128xf32>
    tpu.vector_store %arg2[%swap3A, %swap3A_6], %mul3A_5 {strides = array<i32>} : memref<10000x128xf32, #tpu.memory_space<vmem>>, vector<10000x128xf32>,
    return
  }
}

module attributes {stable_mosaic.version = 14 : i64} {
  func.func @_final_body(%arg0: i32, %arg1: memref<2x1000x128xf32, #tpu.memory_space<vmem>>, %arg2: memref<128x128xf32, #tpu.memory_space<vmem>>, %arg3: memref<1000x1xf32, #tpu.memory_space<vmem>>, %arg4: memref<1x128xf32, #tpu.memory_space<vmem>>, %arg5: memref<1000x128xf32, #tpu.memory_space<vmem>>) attributes {dimension_semantics = [#tpu.dimension_semantics<arbitrary>], iteration_bounds = array<i64: 10>, scalar_prefetch = 0 : i64, scratch_operands = 0 : i64, tpu.core_type = #tpu.core_type<tc>, window_params = [{transform_indices = @transform_0, window_bounds = array<i64: 2, 1000, 128>}, {pipeline_mode = #tpu.pipeline_mode<synchronous>, transform_indices = @transform_1, window_bounds = array<i64: 128, 128>}, {transform_indices = @transform_2, window_bounds = array<i64: 1000, 1>}, {pipeline_mode = #tpu.pipeline_mode<synchronous>, transform_indices = @transform_3, window_bounds = array<i64: 1, 128>}, {transform_indices = @transform_4, window_bounds = array<i64: 1000, 128>}]} {
    %get3A = arith.constant 0 : index
    %get3A_0 = arith.constant 0 : index
    %get3A_1 = arith.constant 0 : index
    %get3A_2 = vector.load %arg1[%get3A, %get3A_0, %get3A_1] : memref<2x1000x128xf32, #tpu.memory_space<vmem>>, vector<1x1000x128xf32>
    %get3A_3 = vector.shape_cast %get3A_2 : vector<1x1000x128xf32> to vector<1000x128xf32>
    %get3A_4 = arith.constant 1 : index
    %get3A_5 = arith.constant 0 : index
    %get3A_6 = arith.constant 0 : index
    %get3A_7 = vector.load %arg1[%get3A_4, %get3A_5, %get3A_6] : memref<2x1000x128xf32, #tpu.memory_space<vmem>>, vector<1x1000x128xf32>
    %get3A_8 = vector.shape_cast %get3A_7 : vector<1x1000x128xf32> to vector<1000x128xf32>
    %add3A = arith.addf %get3A_3, %get3A_8 : vector<1000x128xf32>
    %get3A_9 = arith.constant 0 : index
    %get3A_10 = arith.constant 0 : index
    %get3A_11 = vector.load %arg2[%get3A_9, %get3A_10] : memref<128x128xf32, #tpu.memory_space<vmem>>, vector<128x128xf32>
    %dot_general3A = arith.constant dense<0.000000e+00> : vector<1000x128xf32>
    %dot_general3A_12 = tpu.matmul %add3A, %get3A_11, %dot_general3A {dimension_numbers = #tpu.dot_dimension_numbers<[1], [0], [0], [1], [0, 0, 1, 1], [], []>, transpose_lhs_hint = false} : vector<1000x128xf32>, vector<128x128xf32>, vector<1000x128xf32> -> vector<1000x128xf32>
    %get3A_13 = arith.constant 0 : index
    %get3A_14 = arith.constant 0 : index
    %get3A_15 = vector.load %arg3[%get3A_13, %get3A_14] : memref<1000x1xf32, #tpu.memory_space<vmem>>, vector<1000x1xf32>
    %mul3A = vector.broadcast %get3A_15 : vector<1000x1xf32> to vector<1000x128xf32>
    %mul3A_16 = arith.mulf %dot_general3A_12, %mul3A : vector<1000x128xf32>
    %get3A_17 = arith.constant 0 : index
    %get3A_18 = arith.constant 0 : index
    %get3A_19 = vector.load %arg4[%get3A_17, %get3A_18] : memref<1x128xf32, #tpu.memory_space<vmem>>, vector<1x128xf32>
    %add3A_20 = vector.broadcast %get3A_19 : vector<1x128xf32> to vector<1000x128xf32>
    %add3A_21 = arith.addf %mul3A_16, %add3A_20 : vector<1000x128xf32>
    %swap3A = arith.constant 0 : index
    %swap3A_22 = arith.constant 0 : index
    %swap3A_23 = vector.load %arg5[%swap3A, %swap3A_22] : memref<1000x128xf32, #tpu.memory_space<vmem>>, vector<1000x128xf32>
    tpu.vector_store %arg5[%swap3A, %swap3A_22], %add3A_21 {strides = array<i32>} : memref<1000x128xf32, #tpu.memory_space<vmem>>, vector<1000x128xf32>,
    return
  }
  func.func @transform_0(%arg0: i32) -> (i32, i32, i32) {
    %c0_i32 = arith.constant 0 : i32
    %c0_i32_0 = arith.constant 0 : i32
    %c0_i32_1 = arith.constant 0 : i32
    return %c0_i32, %arg0, %c0_i32_0 : i32, i32, i32
  }
  func.func @transform_1(%arg0: i32) -> (i32, i32) {
    %c0_i32 = arith.constant 0 : i32
    %c0_i32_0 = arith.constant 0 : i32
    %c0_i32_1 = arith.constant 0 : i32
    return %c0_i32, %c0_i32_0 : i32, i32
  }
  func.func @transform_2(%arg0: i32) -> (i32, i32) {
    %c0_i32 = arith.constant 0 : i32
    %c0_i32_0 = arith.constant 0 : i32
    return %arg0, %c0_i32 : i32, i32
  }
  func.func @transform_3(%arg0: i32) -> (i32, i32) {
    %c0_i32 = arith.constant 0 : i32
    %c0_i32_0 = arith.constant 0 : i32
    %c0_i32_1 = arith.constant 0 : i32
    return %c0_i32, %c0_i32_0 : i32, i32
  }
  func.func @transform_4(%arg0: i32) -> (i32, i32) {
    %c0_i32 = arith.constant 0 : i32
    %c0_i32_0 = arith.constant 0 : i32
    return %arg0, %c0_i32 : i32, i32
  }
}

</mosaic_0001>

<sc_bundles>
// kernel: kernel.10.cloned.1.call-start
scs
__scs_entry_jumppad:
0x0: {  	(pc) =	sbr.rel $0x88, $3  }
0x1: {  	(tag) =	ssettag $0x0;
	lr =	simm.s32 $0x1  }
0x2: {  	[smem:$0x3F9C] =	sst lr;
	_ =	strace $0xD0000000  }
0x3: {  	_ = 	snop  }
0x4: {  	_ = 	snop  }
0x5: {  	_ = 	snop  }
0x6: {  	_ = 	snop  }
0x7: {  	_ = 	snop  }
__scs_overlays_trampoline_lowered:
0x8: {  	[smem:$0x3FAB] =	sst s0  }
0x9: {  	[smem:$0x3FAC] =	sst s1  }
0xa: {  	[smem:$0x3FAD] =	sst s2  }
0xb: {  	[smem:$0x3FAE] =	sst s3  }
0xc: {  	[smem:$0x3FAF] =	sst s4  }
0xd: {  	[smem:$0x3FB0] =	sst s5  }
0xe: {  	[smem:$0x3FB1] =	sst s6  }
0xf: {  	[smem:$0x3FB2] =	sst s7  }
0x10: {  	[smem:$0x3FB3] =	sst s8  }
0x11: {  	[smem:$0x3FB4] =	sst s9;
	s0 =	simm.s32 @!p0 $0x0  }
0x12: {  	s1 =	sld [smem:$0x3F9A];
	s0 =	simm.s32 @p0 $0x1  }
0x13: {  	[smem:$0x3FB5] =	sst s0;
	s0 =	simm.s32 @!p1 $0x0  }
0x14: {  	s2 =	sld [smem:$0x3F99];
	s0 =	simm.s32 @p1 $0x1  }
0x15: {  	[smem:$0x3FB6] =	sst s0;
	s0 =	simm.s32 @!p2 $0x0  }
0x16: {  	s3 =	sld [smem:$0x3FDB];
	s0 =	simm.s32 @p2 $0x1  }
0x17: {  	s4 =	simm.s32 $0x1BF5;
	[smem:$0x3FB8] =	sst s0  }
0x18: {  	s0 =	sld [smem:$0x3F9B];
	_ =	swait.ge [sflag:s4], $0x0  }
0x19: {  	s7 =	sld [smem:$0x3F9C]  }
0x1a: {  	s8 =	sadd.s32 $0xFFFFE003, lr  }
0x1b: {  	s9 =	sadd.s32 $0xFFFFFEF7, lr;
	s5 =	simm.s32 $0xFFFFFFFF;
	p2 =	slt.u32 s8, $0xFFFFF086  }
0x1c: {  	p1 =	slt.u32 s9, $0xF7A;
	s5 =	simm.s32 @!p2 $0x0  }
0x1d: {  	s5 =	simm.s32 @p1 $0x1;
	p0 =	seq.s32 s7, s2  }
0x1e: {  	s7 =	smul.u32 @!p0 $0xF7A, s2;
	p2 =	seq.s32 @!p0 s5, $0x0  }
0x1f: {  	s9 =	smul.u32 $0xF7A, s1;
	s8 =	simm.s32 @!p0 $0x1BF5;
	p2 =	por !p2, p0  }
0x20: {  	[sflag:s8] =	ssyncset.s32 @!p0 $0xFFFFF086;
	s6 =	sadd.s32 @!p0 s3, s7;
	s7 =	simm.s32 @!p0 $0x108  }
0x21: {  	s3 =	sadd.s32 s3, s9;
	s6 =	sadd.s32 @!p0 $0x88, s6;
	s7 =	simm.s32 @p2 $0x1082  }
0x22: {  	[simem:s7], [sflag:s8] =	dma.local @!p0 [hbm:s6], $0xF7A  }
0x23: {  	s9 =	sor.u32 $0xD0000000, s2;
	s6 =	simm.s32 $0x108;
	_ =	swait.ge @!p0 [sflag:s8], $0x0  }
0x24: {  	s3 =	sadd.s32 $0x88, s3;
	s6 =	simm.s32 @!p1 $0x1082;
	[sflag:s4] =	ssyncset.s32 $0xFFFFF086  }
0x25: {  	[simem:s6], [sflag:s4] =	dma.local [hbm:s3], $0xF7A  }
0x26: {  	[smem:$0x3F9C] =	sst s1;
	(tag) =	ssettag s2;
	_ =	strace s9  }
0x27: {  	s1 =	sld [smem:$0x3FAC]  }
0x28: {  	s2 =	sld [smem:$0x3FAD]  }
0x29: {  	s4 =	sld [smem:$0x3FAF]  }
0x2a: {  	p0 =	seq.s32 s5, $0x0;
	s5 =	sld [smem:$0x3FB0]  }
0x2b: {  	s6 =	sld [smem:$0x3FB1]  }
0x2c: {  	s7 =	sld [smem:$0x3FB2]  }
0x2d: {  	s3 =	simm.s32 $0x108;
	s8 =	sld [smem:$0x3FB3]  }
0x2e: {  	s3 =	simm.s32 @!p0 $0x1082;
	s9 =	sld [smem:$0x3FB4]  }
0x2f: {  	lr =	sadd.s32 s0, s3;
	s0 =	sld [smem:$0x3FAB]  }
0x30: {  	s3 =	sld [smem:$0x3FAE]  }
0x31: {  	[smem:$0x3FB7] =	sst s10  }
0x32: {  	s10 =	sld [smem:$0x3FB5];
	_ =	sdelay $0x3  }
0x33: {  	p0 =	seq.s32 s10, $0x1;
	s10 =	sld [smem:$0x3FB7];
	_ =	sdelay $0x3  }
0x34: {  	[smem:$0x3FB7] =	sst s10  }
0x35: {  	s10 =	sld [smem:$0x3FB6];
	_ =	sdelay $0x3  }
0x36: {  	p1 =	seq.s32 s10, $0x1;
	s10 =	sld [smem:$0x3FB7];
	_ =	sdelay $0x3  }
0x37: {  	[smem:$0x3FB7] =	sst s10  }
0x38: {  	s10 =	sld [smem:$0x3FB8]  }
0x39: {  	_ = 	snop;
	(pc) =	sbr.ind lr, $3  }
0x3a: {  	_ = 	snop  }
0x3b: {  	_ = 	snop  }
0x3c: {  	p2 =	seq.s32 s10, $0x1;
	s10 =	sld [smem:$0x3FB7]  }
0x3d: {  	_ =	shalt  }
0x3e: {  	_ =	shalt  }
0x3f: {  	_ =	shalt  }
0x40: {  	_ =	shalt  }
0x41: {  	_ =	shalt  }
0x42: {  	_ =	shalt  }
0x43: {  	_ =	shalt  }
0x44: {  	_ =	shalt  }
0x45: {  	_ =	shalt  }
0x46: {  	_ =	shalt  }
0x47: {  	_ =	shalt  }
0x48: {  	_ =	shalt  }
0x49: {  	_ =	shalt  }
0x4a: {  	_ =	shalt  }
0x4b: {  	_ =	shalt  }
0x4c: {  	_ =	shalt  }
0x4d: {  	_ =	shalt  }
0x4e: {  	_ =	shalt  }
0x4f: {  	_ =	shalt  }
0x50: {  	_ =	shalt  }
0x51: {  	_ =	shalt  }
0x52: {  	_ =	shalt  }
0x53: {  	_ =	shalt  }
0x54: {  	_ =	shalt  }
0x55: {  	_ =	shalt  }
0x56: {  	_ =	shalt  }
0x57: {  	_ =	shalt  }
0x58: {  	_ =	shalt  }
0x59: {  	_ =	shalt  }
0x5a: {  	_ =	shalt  }
0x5b: {  	_ =	shalt  }
0x5c: {  	_ =	shalt  }
0x5d: {  	_ =	shalt  }
0x5e: {  	_ =	shalt  }
0x5f: {  	_ =	shalt  }
0x60: {  	_ =	shalt  }
0x61: {  	_ =	shalt  }
0x62: {  	_ =	shalt  }
0x63: {  	_ =	shalt  }
0x64: {  	_ =	shalt  }
0x65: {  	_ =	shalt  }
0x66: {  	_ =	shalt  }
0x67: {  	_ =	shalt  }
0x68: {  	_ =	shalt  }
0x69: {  	_ =	shalt  }
0x6a: {  	_ =	shalt  }
0x6b: {  	_ =	shalt  }
0x6c: {  	_ =	shalt  }
0x6d: {  	_ =	shalt  }
0x6e: {  	_ =	shalt  }
0x6f: {  	_ =	shalt  }
0x70: {  	_ =	shalt  }
0x71: {  	_ =	shalt  }
0x72: {  	_ =	shalt  }
0x73: {  	_ =	shalt  }
0x74: {  	_ =	shalt  }
0x75: {  	_ =	shalt  }
0x76: {  	_ =	shalt  }
0x77: {  	_ =	shalt  }
0x78: {  	_ =	shalt  }
0x79: {  	_ =	shalt  }
0x7a: {  	_ =	shalt  }
0x7b: {  	_ =	shalt  }
0x7c: {  	_ =	shalt  }
0x7d: {  	_ =	shalt  }
0x7e: {  	_ =	shalt  }
0x7f: {  	_ =	shalt  }
0x80: {  	_ =	shalt  }
0x81: {  	_ =	shalt  }
0x82: {  	_ =	shalt  }
0x83: {  	_ =	shalt  }
0x84: {  	_ =	shalt  }
0x85: {  	_ =	shalt  }
0x86: {  	_ =	shalt  }
0x87: {  	_ =	shalt  }
.Lfunc_end0:
.L_simem_size_0:
called_computation.1_lowered:
.L_overlay_start_0:
0x88: {  	s2 =	sld [smem:$0x3FD9]  }
0x89: {  	s3 =	sld [smem:$0x3FFE];
	_ =	sdelay $0x1  }
0x8a: {  	s1 =	srdreg.scid  }
0x8b: {  	s0 =	sand.u32 $0x1, s1  }
0x8c: {  	s17 =	sshll.u32 s0, $0xA;
	s2 =	sadd.s32 s3, s2  }
0x8d: {  	s2 =	sadd.s32 s2, s17  }
0x8e: {  	[smem:$0x3FC3] =	sst s2  }
0x8f: {  	_ = 	snop  }
0x90: {  	s2 =	sld [smem:$0x3FD0];
	(tm) =	ssettm $0x1  }
0x91: {  	s18 =	sld [smem:$0x3FFB];
	_ =	sdelay $0x3  }
0x92: {  	_ =	strace s18  }
0x93: {  	s3 =	sld [smem:$0x3FFC];
	_ =	sdelay $0x3  }
0x94: {  	_ =	strace s3  }
0x95: {  	s3 =	sld [smem:$0x3FFD];
	_ =	sdelay $0x3  }
0x96: {  	_ =	strace s3  }
0x97: {  	_ =	strace $0x8FFFFFFF  }
0x98: {  	s19 =	sld [smem:$0x3FDB];
	_ =	sdelay $0x1  }
0x99: {  	s4 =	simm.s32 $_scs_section_size  }
0x9a: {  	s5 =	simm.s32 $_size__tile_overlayer_lowered;
	s6 =	simm.s32 $_tile_overlayer_lowered  }
0x9b: {  	s22 =	simm.s32 $0x1BFF;
	s21 =	sshll.u32 s6, $0x1;
	s3 =	sadd.s32 s4, s19  }
0x9c: {  	s7 =	simm.s32 $0x0;
	s20 =	sshll.u32 s5, $0x1;
	s5 =	sadd.s32 s21, s3  }
0x9d: {  	[timem:s7], [sflag:s22] =	dma.local [hbm:s5], s20  }
0x9e: {  	_ =	swait.ge [sflag:s22], s20  }
0x9f: {  	s4 =	ssub.s32 $0x0, s20;
	[sflag:s22] =	ssyncset.done $0x0  }
0xa0: {  	[sflag:s22] =	ssyncadd.s32 s4;
	_ =	sdelay $0x1  }
0xa1: {  	s23 =	simm.s32 $0x1B8B  }
0xa2: {  	_ =	swait.ge [sflag:s23], $0x1  }
0xa3: {  	[sflag:s23] =	ssyncset.done $0x0  }
0xa4: {  	s25 =	simm.s32 $0x1B8E;
	s24 =	sld [smem:$0x3FFE];
	[sflag:s23] =	ssyncadd.s32 $0xFFFFFFFF  }
0xa5: {  	s26 =	simm.s32 $execute0_lowered;
	[smem:$0x3FD2] =	sst s25  }
0xa6: {  	s5 =	sshll.u32 s26, $0x1;
	_ =	strace $0x80000049;
	[dreg:$0x1] =	wrdreg $0xFFFFFFFF  }
0xa7: {  	s28 =	simm.s32 $_size_execute0_lowered;
	s3 =	sadd.s32 s3, s5;
	[dreg:$0x0] =	wrdreg $0x0  }
0xa8: {  	s5 =	sshll.u32 s28, $0x1;
	[dreg:$0x2] =	wrdreg s3  }
0xa9: {  	[dreg:$0x3] =	wrdreg s5  }
0xaa: {  	[dreg:$0x4] =	wrdreg $0xC0  }
0xab: {  	_ =	task [dreg:s7], $0x5FFFF  }
0xac: {  	[dreg:$0x1] =	wrdreg $0xFFFFFFFF  }
0xad: {  	[dreg:$0x0] =	wrdreg $0x60  }
0xae: {  	[dreg:$0x2] =	wrdreg s2  }
0xaf: {  	[dreg:$0x3] =	wrdreg s24  }
0xb0: {  	[dreg:$0x4] =	wrdreg $0x0  }
0xb1: {  	[dreg:$0x5] =	wrdreg $0x9  }
0xb2: {  	_ =	task.clear_ibuf [dreg:s7], $0x6FFFF;
	_ =	strace $0x90000049  }
0xb3: {  	s29 =	simm.s32 $0x9;
	_ =	strace $0x8000004B  }
0xb4: {  	_ =	swait.ge [sflag:s29], $0x1  }
0xb5: {  	[sflag:s29] =	ssyncadd.s32 $0xFFFFFFFF  }
0xb6: {  	_ =	strace $0x9000004B  }
0xb7: {  	_ =	sfence  }
0xb8: {  	s30 =	sld [smem:$0x0];
	_ =	sdelay $0x2  }
0xb9: {  	s31 =	sshll.u32 s1, $0xD;
	s1 =	sshrl.u32 s1, $0x2  }
0xba: {  	s3 =	sand.u32 $0x4000, s31;
	s1 =	sadd.s32 s1, s30  }
0xbb: {  	s0 =	sor.u32 s3, s0;
	s1 =	sshll.u32 s1, $0x11  }
0xbc: {  	s0 =	sor.u32 s1, s0  }
0xbd: {  	s0 =	sadd.s32 $0x8F2B, s0  }
0xbe: {  	[sflag:s0] =	ssyncadd.remote.s32 $0x1  }
0xbf: {  	_ =	sfence.sel $0xFFFF  }
0xc0: {  	[dreg:$0x0] =	wrdreg $0xFFFFFFFF;
	(pc) =	sbr.abs _section_cstart, $3  }
0xc1: {  	[dreg:$0x1] =	wrdreg $0xFFFFFFFF  }
0xc2: {  	_ =	task.clear_ibuf [dreg:s7], $0x2FFFF;
	_ =	strace $0x9FFFFFFF  }
0xc3: {  	(tm) =	ssettm $0x7FFFFFFF  }
tec
execute0_lowered:
.L_overlay_start_1:
0x0: {  	(tag) =	ssettag $0x1  }
0x1: {  	s1 =	rddreg [dreg:$0x0]  }
0x2: {  	s0 =	rddreg [dreg:$0x1]  }
0x3: {  	s3 =	rddreg [dreg:$0x2]  }
0x4: {  	s2 =	srdreg.scid;
	s11 =	stileid.u32  }
0x5: {  	s4 =	simm.s32 $0x0;
	s29 =	simm.s32 $0x15;
	s31 =	simm.s32 $0x1DB00  }
0x6: {  	s28 =	simm.s32 $0x1DBF0;
	s2 =	sand.u32 $0x1, s2;
	s7 =	smul.u32 $0x13880, s11  }
0x7: {  	[smem:$0x7FF] =	sst s4;
	s5 =	sadd.s32 $0x1800, s0;
	s10 =	smul.u32 $0x4E200, s11  }
0x8: {  	s8 =	smul.u32 $0x138800, s2;
	s9 =	ssub.s32 $0x2, s2;
	s2 =	sshll.u32 s2, $0x4  }
0x9: {  	s6 =	sadd.s32 $0x15200, s0;
	s2 =	sor.u32 s11, s2;
	s11 =	sshrl.u32 s10, $0x2  }
0xa: {  	_ =	strace $0x8000004A;
	s25 =	sadd.s32 s7, s3;
	s12 =	sadd.s32 s11, s3  }
0xb: {  	s30 =	sshrl.u32 s9, $0x1;
	[dreg:$0x4] =	wrdreg s25;
	s13 =	sadd.s32 $0x2800, s12  }
0xc: {  	s10 =	simm.s32 $0x9;
	s14 =	sadd.s32 $0x5000, s12;
	[dreg:$0x5] =	wrdreg s13  }
0xd: {  	s8 =	sadd.s32 s7, s8;
	s15 =	sadd.s32 $0x7800, s12;
	[dreg:$0x6] =	wrdreg s14  }
0xe: {  	s9 =	ssub.s32 s9, s30;
	s16 =	sadd.s32 $0xA000, s12;
	[dreg:$0x7] =	wrdreg s15  }
0xf: {  	s11 =	simm.s32 $0x50;
	s17 =	sadd.s32 $0xC800, s12;
	[dreg:$0x8] =	wrdreg s16  }
0x10: {  	s8 =	sshrl.u32 s8, $0x3;
	s19 =	sadd.s32 $0xF000, s12;
	[dreg:$0x9] =	wrdreg s17  }
0x11: {  	s7 =	sadd.s32 $0x11800, s12;
	s30 =	smax.u32 s9, $0x1;
	[dreg:$0xa] =	wrdreg s19  }
0x12: {  	s9 =	simm.s32 $0x1DB50;
	s12 =	simm.s32 $0x1;
	[dreg:$0xb] =	wrdreg s7  }
0x13: {  	s0 =	sadd.s32 s8, s0;
	s8 =	smul.u32 $0x2710, s2;
	[dreg:$0x15] =	wrdreg s30  }
0x14: {  	s13 =	simm.s32 $0x11;
	s14 =	simm.s32 $0xD;
	s0 =	sadd.s32 $0x1F000, s0  }
0x15: {  	s15 =	simm.s32 $0x5;
	s24 =	sadd.s32 $0x140, s8;
	[dreg:$0x14] =	wrdreg s0  }
0x16: {  	s18 =	sshrl.u32 s8, $0x3;
	s26 =	sadd.s32 $0x190, s8;
	[dreg:$0x12] =	wrdreg s24  }
0x17: {  	s17 =	simm.s32 $0xC;
	s22 =	sadd.s32 s6, s18;
	[dreg:$0x13] =	wrdreg s26  }
0x18: {  	s16 =	simm.s32 $0x4;
	s20 =	sadd.s32 s5, s18;
	[dreg:$0xe] =	wrdreg s22  }
0x19: {  	s2 =	sadd.s32 $0xA, s18;
	s21 =	sadd.s32 $0x9C40, s20;
	[dreg:$0xc] =	wrdreg s20  }
0x1a: {  	s0 =	simm.s32 $0xB;
	s23 =	sadd.s32 s5, s2;
	[dreg:$0xd] =	wrdreg s21  }
0x1b: {  	s18 =	simm.s32 $0x1DBA0;
	s7 =	sadd.s32 $0x9C4A, s20;
	[dreg:$0xf] =	wrdreg s23  }
0x1c: {  	s2 =	sadd.s32 s6, s2;
	s22 =	simm.s32 $0x13;
	[dreg:$0x10] =	wrdreg s7  }
0x1d: {  	s20 =	simm.s32 $0x6;
	[dreg:$0x11] =	wrdreg s2;
	s23 =	simm.s32 $0xF  }
0x1e: {  	v0 =	vimm.f32 $0.0e+00;
	s7 =	simm.s32 $0x14;
	s2 =	simm.s32 $0x10;
	s21 =	simm.s32 $0x0  }
.LBB2_1:
0x1f: {  	s19 =	sand.u32 $0xFE00, s4  }
0x20: {  	[dreg:$0x16] =	wrdreg s21;
	s30 =	sand.u32 $0x70, s4;
	s24 =	sshrl.u32 s19, $0x2  }
0x21: {  	s21 =	simm.s32 $0x0;
	s19 =	simm.s32 $0x40;
	s24 =	sor.u32 s30, s24  }
.LBB2_2:
0x22: {  	p0 =	sne.s32 s19, $0x9FC0  }
0x23: {  	[tilespmem:s24+$0x13880] =	vst v0;
	s21 =	sadd.s32 $0x10, s21;
	s24 =	smov.u32 s19;
	s19 =	sadd.s32 $0x40, s19  }
.Ltmp0:
0x24: {  	(pc) =	sbr.rel @p0 .LBB2_2-.Ltmp0, $4  }
0x25: {  	_ = 	snop  }
0x26: {  	s24 =	sand.u32 $0xFE00, s24  }
0x27: {  	s26 =	sand.u32 $0x70, s21;
	s24 =	sshrl.u32 s24, $0x2  }
0x28: {  	s24 =	sor.u32 s26, s24  }
0x29: {  	[tilespmem:s24+$0x13880] =	vst v0;
	s21 =	simm.s32 $0x13880  }
0x2a: {  	[spmem:s25] =	stream.linear.scatter [tilespmem:s21], [sflag:$0x15], $0x2800, $0x38;
	[tilespmem:$0x1DC40] =	vst v63  }
0x2b: {  	_ =	swait.ge [sflag:s29], $0x2800  }
0x2c: {  	[sflag:s29] =	ssyncset.done $0x0  }
0x2d: {  	s19 =	rddreg [dreg:$0x5];
	[sflag:s29] =	ssyncadd.s32 $0xFFFFD800  }
0x2e: {  	[spmem:s19] =	stream.linear.scatter [tilespmem:s21], [sflag:$0x15], $0x2800, $0x38;
	[tilespmem:$0x1DC40] =	vst v63  }
0x2f: {  	_ =	swait.ge [sflag:s29], $0x2800  }
0x30: {  	[sflag:s29] =	ssyncset.done $0x0  }
0x31: {  	s30 =	rddreg [dreg:$0x6];
	[sflag:s29] =	ssyncadd.s32 $0xFFFFD800  }
0x32: {  	[spmem:s30] =	stream.linear.scatter [tilespmem:s21], [sflag:$0x15], $0x2800, $0x38;
	[tilespmem:$0x1DC40] =	vst v63  }
0x33: {  	_ =	swait.ge [sflag:s29], $0x2800  }
0x34: {  	[sflag:s29] =	ssyncset.done $0x0  }
0x35: {  	s24 =	rddreg [dreg:$0x7];
	[sflag:s29] =	ssyncadd.s32 $0xFFFFD800  }
0x36: {  	[spmem:s24] =	stream.linear.scatter [tilespmem:s21], [sflag:$0x15], $0x2800, $0x38;
	[tilespmem:$0x1DC40] =	vst v63  }
0x37: {  	_ =	swait.ge [sflag:s29], $0x2800  }
0x38: {  	[sflag:s29] =	ssyncset.done $0x0  }
0x39: {  	s25 =	rddreg [dreg:$0x8];
	[sflag:s29] =	ssyncadd.s32 $0xFFFFD800  }
0x3a: {  	[spmem:s25] =	stream.linear.scatter [tilespmem:s21], [sflag:$0x15], $0x2800, $0x38;
	[tilespmem:$0x1DC40] =	vst v63  }
0x3b: {  	_ =	swait.ge [sflag:s29], $0x2800  }
0x3c: {  	[sflag:s29] =	ssyncset.done $0x0  }
0x3d: {  	s26 =	rddreg [dreg:$0x9];
	[sflag:s29] =	ssyncadd.s32 $0xFFFFD800  }
0x3e: {  	[spmem:s26] =	stream.linear.scatter [tilespmem:s21], [sflag:$0x15], $0x2800, $0x38;
	[tilespmem:$0x1DC40] =	vst v63  }
0x3f: {  	_ =	swait.ge [sflag:s29], $0x2800  }
0x40: {  	[sflag:s29] =	ssyncset.done $0x0  }
0x41: {  	s30 =	rddreg [dreg:$0xa];
	[sflag:s29] =	ssyncadd.s32 $0xFFFFD800  }
0x42: {  	[spmem:s30] =	stream.linear.scatter [tilespmem:s21], [sflag:$0x15], $0x2800, $0x38;
	[tilespmem:$0x1DC40] =	vst v63  }
0x43: {  	_ =	swait.ge [sflag:s29], $0x2800  }
0x44: {  	[sflag:s29] =	ssyncset.done $0x0  }
0x45: {  	s24 =	rddreg [dreg:$0xb];
	[sflag:s29] =	ssyncadd.s32 $0xFFFFD800  }
0x46: {  	[spmem:s24] =	stream.linear.scatter [tilespmem:s21], [sflag:$0x15], $0x2080, $0x38;
	[tilespmem:$0x1DC40] =	vst v63  }
0x47: {  	_ =	swait.ge [sflag:s29], $0x2080  }
0x48: {  	s24 =	simm.s32 $0x1D880;
	[sflag:s29] =	ssyncset.done $0x0  }
0x49: {  	s25 =	rddreg [dreg:$0xc];
	[sflag:s29] =	ssyncadd.s32 $0xFFFFDF80;
	s29 =	simm.s32 $0x0  }
0x4a: {  	[tilespmem:s24], [sflag:$0x9] =	stream.linear.gather [hbm4b:s25+s29], $0x50, $0x38;
	[tilespmem:$0x1DC40] =	vst v63  }
0x4b: {  	s30 =	simm.s32 $0x1D9C0;
	s26 =	rddreg [dreg:$0xd]  }
0x4c: {  	[tilespmem:s30], [sflag:$0xD] =	stream.linear.gather [hbm4b:s26+s29], $0x50, $0x38;
	[tilespmem:$0x1DC40] =	vst v63  }
0x4d: {  	s25 =	rddreg [dreg:$0xe]  }
0x4e: {  	[tilespmem:s31], [sflag:$0x11] =	stream.linear.gather [hbm4b:s25+s29], $0x50, $0x38;
	[tilespmem:$0x1DC40] =	vst v63  }
0x4f: {  	s26 =	rddreg [dreg:$0xf];
	s30 =	simm.s32 $0x1D8D0  }
0x50: {  	[tilespmem:s30], [sflag:$0xA] =	stream.linear.gather [hbm4b:s26+s29], $0x50, $0x38;
	[tilespmem:$0x1DC40] =	vst v63  }
0x51: {  	s25 =	rddreg [dreg:$0x10];
	s26 =	simm.s32 $0x1DA10  }
0x52: {  	[tilespmem:s26], [sflag:$0xE] =	stream.linear.gather [hbm4b:s25+s29], $0x50, $0x38;
	[tilespmem:$0x1DC40] =	vst v63  }
0x53: {  	s30 =	rddreg [dreg:$0x11]  }
0x54: {  	[tilespmem:s9], [sflag:$0x12] =	stream.linear.gather [hbm4b:s30+s29], $0x50, $0x38;
	[tilespmem:$0x1DC40] =	vst v63  }
0x55: {  	_ =	swait.ge [sflag:s10], $0x50  }
0x56: {  	[sflag:s10] =	ssyncset.done $0x0  }
0x57: {  	[sflag:s10] =	ssyncadd.s32 $0xFFFFFFB0  }
0x58: {  	[tilespmem:s21], [sflag:$0x1] =	stream.indirect.gather [hbm4b:s1+s11], $0x80, s24, s11, $0xb8;
	[tilespmem:$0x1DC40] =	vst v63  }
0x59: {  	[bflag:$0x0] =	sbarrier.arrive $0xFFFF  }
.LBB2_4:
0x5a: {  	s19 =	simm.s32 $0x0  }
0x5b: {  	v1 =	vmov s19  }
0x5c: {  	_ =	swait.ge [sflag:s12], $0x2800;
	v1 =	vand.u32 $0xFFFFFFFC, v1  }
0x5d: {  	[sflag:s12] =	ssyncset.done $0x0;
	v1 =	vbroadcast v1, $0x0  }
0x5e: {  	[sflag:s12] =	ssyncadd.s32 $0xFFFFD800  }
0x5f: {  	_ =	swait.ge [sflag:s13], $0x50  }
0x60: {  	[sflag:s13] =	ssyncset.done $0x0  }
0x61: {  	s30 =	simm.s32 $0x13980;
	[sflag:s13] =	ssyncadd.s32 $0xFFFFFFB0  }
0x62: {  	v3 =	vld [tilespmem:s30+$0xFFFFFF70]  }
0x63: {  	v1 =	vld.idx.msk [tilespmem:v1+s31+$0x0], $0xffff  }
0x64: {  	v4 =	vld [tilespmem:s30+$0xFFFFFF00]  }
0x65: {  	v5 =	vld [tilespmem:s30+$0xFFFFFF20]  }
0x66: {  	v6 =	vld [tilespmem:s30+$0xFFFFFF30]  }
0x67: {  	v2 =	vld [tilespmem:s30+$0xFFFFFF50]  }
0x68: {  	v8 =	vld [tilespmem:s30+$0xFFFFFF10];
	v3 =	vmul.f32 v3, v1  }
0x69: {  	s25 =	simm.s32 $0x1;
	v7 =	vld [tilespmem:s30+$0xFFFFFF60];
	v4 =	vmul.f32 v4, v1  }
0x6a: {  	v9 =	vld [tilespmem:s30+$0xFFFFFF40];
	v5 =	vmul.f32 v5, v1;
	[tilespmem:s30+$0xFFFFFF70] =	vst v3;
	v3 =	vmov s25  }
0x6b: {  	v6 =	vmul.f32 v6, v1;
	[tilespmem:s30+$0xFFFFFF00] =	vst v4;
	v3 =	vand.u32 $0xFFFFFFFD, v3  }
0x6c: {  	v2 =	vmul.f32 v2, v1;
	[tilespmem:s30+$0xFFFFFF20] =	vst v5;
	v3 =	vbroadcast v3, $0x0  }
0x6d: {  	v4 =	vmul.f32 v8, v1;
	[tilespmem:s30+$0xFFFFFF30] =	vst v6  }
0x6e: {  	v5 =	vmul.f32 v7, v1;
	[tilespmem:s30+$0xFFFFFF50] =	vst v2  }
0x6f: {  	v1 =	vmul.f32 v9, v1;
	[tilespmem:s30+$0xFFFFFF10] =	vst v4  }
0x70: {  	[tilespmem:s30+$0xFFFFFF60] =	vst v5  }
0x71: {  	[tilespmem:s30+$0xFFFFFF40] =	vst v1;
	v1 =	vld [tilespmem:s30+$0xFFFFFF80]  }
0x72: {  	v3 =	vld.idx.msk [tilespmem:v3+s31+$0x0], $0xffff  }
0x73: {  	v2 =	vld [tilespmem:s30+$0xFFFFFFA0]  }
0x74: {  	v4 =	vld [tilespmem:s30+$0xFFFFFF90]  }
0x75: {  	v5 =	vld [tilespmem:s30+$0xFFFFFFD0]  }
0x76: {  	v6 =	vld [tilespmem:s30+$0xFFFFFFE0]  }
0x77: {  	v7 =	vld [tilespmem:s30+$0xFFFFFFF0];
	v1 =	vmul.f32 v1, v3  }
0x78: {  	s26 =	simm.s32 $0x2;
	v8 =	vld [tilespmem:s30+$0xFFFFFFB0];
	v2 =	vmul.f32 v2, v3  }
0x79: {  	v63 =	vld [tilespmem:s30+$0xFFFFFFC0];
	v4 =	vmul.f32 v4, v3;
	[tilespmem:s30+$0xFFFFFF80] =	vst v1;
	v1 =	vmov s26  }
0x7a: {  	v5 =	vmul.f32 v5, v3;
	[tilespmem:s30+$0xFFFFFFA0] =	vst v2;
	v1 =	vand.u32 $0xFFFFFFFE, v1  }
0x7b: {  	v2 =	vmul.f32 v6, v3;
	[tilespmem:s30+$0xFFFFFF90] =	vst v4;
	v4 =	vbroadcast v1, $0x0  }
0x7c: {  	v6 =	vmul.f32 v7, v3;
	[tilespmem:s30+$0xFFFFFFD0] =	vst v5;
	v7 =	vld [tilespmem:s30+$0x30]  }
0x7d: {  	v5 =	vmul.f32 v8, v3;
	v1 =	vld [tilespmem:s30+$0x40];
	[tilespmem:s30+$0xFFFFFFE0] =	vst v2  }
0x7e: {  	v3 =	vmul.f32 v63, v3;
	v2 =	vld [tilespmem:s30+$0x70];
	[tilespmem:s30+$0xFFFFFFF0] =	vst v6  }
0x7f: {  	[tilespmem:s30+$0xFFFFFFB0] =	vst v5;
	v5 =	vld [tilespmem:s30+$0x20]  }
0x80: {  	[tilespmem:s30+$0xFFFFFFC0] =	vst v3;
	v6 =	vld [tilespmem:s30+$0x0]  }
0x81: {  	v3 =	vld.idx.msk [tilespmem:v4+s31+$0x0], $0xffff  }
0x82: {  	s21 =	simm.s32 $0x13980;
	s19 =	simm.s32 $0x7;
	s26 =	simm.s32 $0x3;
	v4 =	vld [tilespmem:s30+$0x10]  }
.LBB2_5:
0x83: {  	p0 =	sne.s32 s19, $0x4F  }
0x84: {  	v8 =	vld [tilespmem:s30+$0x50];
	s21 =	sadd.s32 $0x200, s21;
	s24 =	smov.u32 s19;
	s19 =	sadd.s32 $0x4, s19  }
0x85: {  	v9 =	vld [tilespmem:s30+$0x60];
	_ =	sdelay $0x1  }
0x86: {  	v6 =	vmul.f32 v6, v3;
	v4 =	vmul.f32 v4, v3  }
0x87: {  	v5 =	vmul.f32 v5, v3;
	v7 =	vmul.f32 v7, v3  }
0x88: {  	v1 =	vmul.f32 v1, v3;
	v2 =	vmul.f32 v2, v3;
	[tilespmem:s30+$0x0] =	vst v6  }
0x89: {  	[tilespmem:s30+$0x20] =	vst v5;
	v5 =	vmul.f32 v8, v3;
	v3 =	vmul.f32 v9, v3  }
0x8a: {  	[tilespmem:s30+$0x30] =	vst v7;
	v6 =	vld [tilespmem:s30+$0x80]  }
0x8b: {  	[tilespmem:s30+$0x60] =	vst v3;
	v3 =	vmov s26;
	v7 =	vld [tilespmem:s30+$0xD0];
	s26 =	smov.u32 s24  }
0x8c: {  	[tilespmem:s30+$0x50] =	vst v5;
	v5 =	vld [tilespmem:s30+$0xE0]  }
0x8d: {  	[tilespmem:s30+$0x40] =	vst v1;
	v8 =	vld [tilespmem:s30+$0xB0]  }
0x8e: {  	v1 =	vld [tilespmem:s21+$0x40];
	[tilespmem:s30+$0x70] =	vst v2  }
0x8f: {  	v2 =	vld [tilespmem:s21+$0x70];
	[tilespmem:s30+$0x10] =	vst v4  }
0x90: {  	v3 =	vld.idx.msk [tilespmem:v3+s31+$0x0], $0xffff  }
0x91: {  	v4 =	vld [tilespmem:s30+$0x90]  }
0x92: {  	v9 =	vld [tilespmem:s30+$0xA0]  }
0x93: {  	v10 =	vld [tilespmem:s30+$0xC0]  }
0x94: {  	v11 =	vld [tilespmem:s30+$0xF0];
	_ =	sdelay $0x1  }
0x95: {  	v6 =	vmul.f32 v6, v3;
	v4 =	vmul.f32 v4, v3  }
0x96: {  	s24 =	sadd.s32 $0xFFFFFFFD, s26;
	v8 =	vmul.f32 v8, v3;
	v9 =	vmul.f32 v9, v3  }
0x97: {  	v12 =	vmov s24;
	v7 =	vmul.f32 v7, v3;
	[tilespmem:s30+$0x80] =	vst v6;
	v6 =	vmul.f32 v10, v3  }
0x98: {  	v10 =	vand.u32 $0xFFFFFFFC, v12;
	[tilespmem:s30+$0x90] =	vst v4;
	v4 =	vmul.f32 v5, v3;
	v3 =	vmul.f32 v11, v3  }
0x99: {  	v5 =	vbroadcast v10, $0x0;
	[tilespmem:s30+$0xA0] =	vst v9  }
0x9a: {  	[tilespmem:s30+$0xD0] =	vst v7  }
0x9b: {  	v7 =	vld [tilespmem:s21+$0xFFFFFF50];
	[tilespmem:s30+$0xB0] =	vst v8  }
0x9c: {  	v8 =	vld [tilespmem:s21+$0xFFFFFF30];
	[tilespmem:s30+$0xC0] =	vst v6  }
0x9d: {  	v6 =	vld [tilespmem:s21+$0xFFFFFF60];
	[tilespmem:s30+$0xE0] =	vst v4  }
0x9e: {  	v4 =	vld [tilespmem:s21+$0xFFFFFF70];
	[tilespmem:s30+$0xF0] =	vst v3;
	s30 =	smov.u32 s21  }
0x9f: {  	v3 =	vld.idx.msk [tilespmem:v5+s31+$0x0], $0xffff  }
0xa0: {  	v5 =	vld [tilespmem:s21+$0xFFFFFF00]  }
0xa1: {  	v9 =	vld [tilespmem:s21+$0xFFFFFF20]  }
0xa2: {  	v10 =	vld [tilespmem:s21+$0xFFFFFF10]  }
0xa3: {  	v11 =	vld [tilespmem:s21+$0xFFFFFF40];
	_ =	sdelay $0x1  }
0xa4: {  	v4 =	vmul.f32 v4, v3;
	v5 =	vmul.f32 v5, v3  }
0xa5: {  	s24 =	sadd.s32 $0xFFFFFFFE, s26;
	v6 =	vmul.f32 v6, v3;
	v9 =	vmul.f32 v9, v3  }
0xa6: {  	v8 =	vmul.f32 v8, v3;
	v10 =	vmul.f32 v10, v3;
	[tilespmem:s21+$0xFFFFFF70] =	vst v4;
	v4 =	vmov s24  }
0xa7: {  	[tilespmem:s21+$0xFFFFFF00] =	vst v5;
	v5 =	vmul.f32 v11, v3;
	v3 =	vmul.f32 v7, v3;
	v4 =	vand.u32 $0xFFFFFFFD, v4  }
0xa8: {  	[tilespmem:s21+$0xFFFFFF20] =	vst v9;
	v4 =	vbroadcast v4, $0x0  }
0xa9: {  	[tilespmem:s21+$0xFFFFFF30] =	vst v8  }
0xaa: {  	[tilespmem:s21+$0xFFFFFF50] =	vst v3;
	v3 =	vld [tilespmem:s21+$0xFFFFFFF0]  }
0xab: {  	[tilespmem:s21+$0xFFFFFF10] =	vst v10;
	v7 =	vld [tilespmem:s21+$0xFFFFFFD0]  }
0xac: {  	[tilespmem:s21+$0xFFFFFF60] =	vst v6;
	v6 =	vld [tilespmem:s21+$0xFFFFFFB0]  }
0xad: {  	[tilespmem:s21+$0xFFFFFF40] =	vst v5;
	v5 =	vld [tilespmem:s21+$0xFFFFFF90]  }
0xae: {  	v4 =	vld.idx.msk [tilespmem:v4+s31+$0x0], $0xffff  }
0xaf: {  	v8 =	vld [tilespmem:s21+$0xFFFFFF80]  }
0xb0: {  	v9 =	vld [tilespmem:s21+$0xFFFFFFA0]  }
0xb1: {  	v10 =	vld [tilespmem:s21+$0xFFFFFFC0]  }
0xb2: {  	v11 =	vld [tilespmem:s21+$0xFFFFFFE0];
	_ =	sdelay $0x1  }
0xb3: {  	v5 =	vmul.f32 v5, v4;
	v8 =	vmul.f32 v8, v4  }
0xb4: {  	s24 =	sadd.s32 $0xFFFFFFFF, s26;
	v6 =	vmul.f32 v6, v4;
	v9 =	vmul.f32 v9, v4  }
0xb5: {  	v7 =	vmul.f32 v7, v4;
	[tilespmem:s21+$0xFFFFFF80] =	vst v8;
	v8 =	vmul.f32 v10, v4;
	v10 =	vmov s24  }
0xb6: {  	v3 =	vmul.f32 v3, v4;
	[tilespmem:s21+$0xFFFFFFA0] =	vst v9;
	v9 =	vmul.f32 v11, v4;
	v4 =	vand.u32 $0xFFFFFFFE, v10  }
0xb7: {  	[tilespmem:s21+$0xFFFFFF90] =	vst v5;
	v4 =	vbroadcast v4, $0x0  }
0xb8: {  	[tilespmem:s21+$0xFFFFFFD0] =	vst v7  }
0xb9: {  	[tilespmem:s21+$0xFFFFFFE0] =	vst v9  }
0xba: {  	[tilespmem:s21+$0xFFFFFFB0] =	vst v6  }
.Ltmp1:
0xbb: {  	[tilespmem:s21+$0xFFFFFFF0] =	vst v3;
	v5 =	vld [tilespmem:s21+$0x20];
	(pc) =	sbr.rel @p0 .LBB2_5-.Ltmp1, $4  }
0xbc: {  	[tilespmem:s21+$0xFFFFFFC0] =	vst v8;
	v6 =	vld [tilespmem:s21+$0x0]  }
0xbd: {  	v3 =	vld.idx.msk [tilespmem:v4+s31+$0x0], $0xffff  }
0xbe: {  	v4 =	vld [tilespmem:s21+$0x10]  }
0xbf: {  	v7 =	vld [tilespmem:s21+$0x30]  }
0xc0: {  	v8 =	vld [tilespmem:s30+$0x60];
	_ =	sdelay $0x1  }
0xc1: {  	v6 =	vmul.f32 v6, v3  }
0xc2: {  	v9 =	vld [tilespmem:s30+$0x50];
	v5 =	vmul.f32 v5, v3  }
0xc3: {  	v1 =	vmul.f32 v1, v3;
	[tilespmem:s30+$0x0] =	vst v6  }
0xc4: {  	[tilespmem:s30+$0x20] =	vst v5;
	v5 =	vmul.f32 v8, v3  }
0xc5: {  	v2 =	vmul.f32 v2, v3;
	[tilespmem:s30+$0x40] =	vst v1  }
0xc6: {  	v7 =	vmul.f32 v7, v3;
	[tilespmem:s30+$0x60] =	vst v5;
	v5 =	vmov s26  }
0xc7: {  	[tilespmem:s30+$0x70] =	vst v2;
	v6 =	vmul.f32 v9, v3  }
0xc8: {  	v3 =	vmul.f32 v4, v3;
	[tilespmem:s30+$0x30] =	vst v7  }
0xc9: {  	[tilespmem:s30+$0x50] =	vst v6  }
0xca: {  	v7 =	vld [tilespmem:s30+$0x80];
	[tilespmem:s30+$0x10] =	vst v3  }
0xcb: {  	v1 =	vld.idx.msk [tilespmem:v5+s31+$0x0], $0xffff  }
0xcc: {  	v2 =	vld [tilespmem:s30+$0x90]  }
0xcd: {  	v3 =	vld [tilespmem:s30+$0xA0]  }
0xce: {  	v4 =	vld [tilespmem:s30+$0xD0]  }
0xcf: {  	v5 =	vld [tilespmem:s30+$0xB0]  }
0xd0: {  	v6 =	vld [tilespmem:s30+$0xC0];
	v7 =	vmul.f32 v7, v1  }
0xd1: {  	v8 =	vld [tilespmem:s30+$0xE0];
	v2 =	vmul.f32 v2, v1  }
0xd2: {  	v61 =	vld [tilespmem:s30+$0xF0];
	v3 =	vmul.f32 v3, v1;
	[tilespmem:s30+$0x80] =	vst v7  }
0xd3: {  	v4 =	vmul.f32 v4, v1;
	[tilespmem:s30+$0x90] =	vst v2  }
0xd4: {  	v2 =	vmul.f32 v5, v1;
	[tilespmem:s30+$0xA0] =	vst v3  }
0xd5: {  	v3 =	vmul.f32 v6, v1;
	[tilespmem:s30+$0xD0] =	vst v4  }
0xd6: {  	v4 =	vmul.f32 v8, v1;
	[tilespmem:s30+$0xB0] =	vst v2  }
0xd7: {  	v1 =	vmul.f32 v61, v1;
	[tilespmem:s30+$0xC0] =	vst v3  }
0xd8: {  	[tilespmem:s30+$0xE0] =	vst v4  }
0xd9: {  	[tilespmem:s30+$0xF0] =	vst v1  }
0xda: {  	_ =	swait.ge [sflag:s14], $0x50  }
0xdb: {  	p0 =	seq.s32 s29, $0x0;
	s19 =	simm.s32 $0x13880;
	[sflag:s14] =	ssyncset.done $0x0  }
0xdc: {  	s21 =	simm.s32 $0x1D9C0;
	s30 =	smul.u32 @!p0 $0x140, s29;
	[sflag:s14] =	ssyncadd.s32 $0xFFFFFFB0  }
0xdd: {  	[spmem:s3] =	stream.indirect.scatter.add.f32 [tilespmem:s19], [sflag:$0x5], $0x80, s21, s11, $0xb8;
	[tilespmem:$0x1DC40] =	vst v63  }
0xde: {  	s19 =	sadd.s32 @!p0 $0xA0, s30  }
0xdf: {  	s21 =	simm.s32 @!p0 $0x7;
	s19 =	simm.s32 @p0 $0xA0  }
0xe0: {  	_ =	swait.ge @!p0 [sflag:s21], $0x2800;
	s19 =	sadd.s32 s8, s19  }
0xe1: {  	[sflag:s21] =	ssyncset.done @!p0 $0x0;
	s19 =	sshrl.u32 s19, $0x3  }
0xe2: {  	s24 =	simm.s32 $0x1D920;
	[sflag:s21] =	ssyncadd.s32 @!p0 $0xFFFFD800;
	s26 =	sadd.s32 s5, s19  }
0xe3: {  	[tilespmem:s24], [sflag:$0xB] =	stream.linear.gather [hbm4b:s26+s4], $0x50, $0x38;
	[tilespmem:$0x1DC40] =	vst v63  }
0xe4: {  	s25 =	simm.s32 $0x1DA60;
	s21 =	sadd.s32 $0x9C40, s26  }
0xe5: {  	[tilespmem:s25], [sflag:$0xF] =	stream.linear.gather [hbm4b:s21+s4], $0x50, $0x38;
	[tilespmem:$0x1DC40] =	vst v63  }
0xe6: {  	s19 =	sadd.s32 s6, s19;
	s26 =	simm.s32 $0xA  }
0xe7: {  	[tilespmem:s18], [sflag:$0x13] =	stream.linear.gather [hbm4b:s19+s4], $0x50, $0x38;
	[tilespmem:$0x1DC40] =	vst v63  }
0xe8: {  	_ =	swait.ge [sflag:s26], $0x50  }
0xe9: {  	s24 =	simm.s32 $0x16080;
	s21 =	simm.s32 $0x1D8D0;
	[sflag:s26] =	ssyncset.done $0x0  }
0xea: {  	s25 =	simm.s32 $0x0;
	[sflag:s26] =	ssyncadd.s32 $0xFFFFFFB0;
	s26 =	simm.s32 $0x2  }
0xeb: {  	v1 =	vmov s25;
	[tilespmem:s24], [sflag:$0x2] =	stream.indirect.gather [hbm4b:s1+s11], $0x80, s21, s11, $0xb8;
	[tilespmem:$0x1DC40] =	vst v63  }
0xec: {  	v1 =	vand.u32 $0xFFFFFFFC, v1;
	_ =	swait.ge [sflag:s26], $0x2800  }
0xed: {  	v1 =	vbroadcast v1, $0x0;
	[sflag:s26] =	ssyncset.done $0x0  }
0xee: {  	s21 =	simm.s32 $0x12;
	[sflag:s26] =	ssyncadd.s32 $0xFFFFD800  }
0xef: {  	_ =	swait.ge [sflag:s21], $0x50  }
0xf0: {  	[sflag:s21] =	ssyncset.done $0x0  }
0xf1: {  	s26 =	simm.s32 $0x16180;
	[sflag:s21] =	ssyncadd.s32 $0xFFFFFFB0  }
0xf2: {  	v3 =	vld [tilespmem:s26+$0xFFFFFF70]  }
0xf3: {  	v1 =	vld.idx.msk [tilespmem:v1+s9+$0x0], $0xffff  }
0xf4: {  	v4 =	vld [tilespmem:s26+$0xFFFFFF00]  }
0xf5: {  	v5 =	vld [tilespmem:s26+$0xFFFFFF20]  }
0xf6: {  	v6 =	vld [tilespmem:s26+$0xFFFFFF30]  }
0xf7: {  	v2 =	vld [tilespmem:s26+$0xFFFFFF50]  }
0xf8: {  	v8 =	vld [tilespmem:s26+$0xFFFFFF10];
	v3 =	vmul.f32 v3, v1  }
0xf9: {  	s24 =	simm.s32 $0x1;
	v7 =	vld [tilespmem:s26+$0xFFFFFF60];
	v4 =	vmul.f32 v4, v1  }
0xfa: {  	v62 =	vld [tilespmem:s26+$0xFFFFFF40];
	v5 =	vmul.f32 v5, v1;
	[tilespmem:s26+$0xFFFFFF70] =	vst v3;
	v3 =	vmov s24  }
0xfb: {  	v6 =	vmul.f32 v6, v1;
	[tilespmem:s26+$0xFFFFFF00] =	vst v4;
	v3 =	vand.u32 $0xFFFFFFFD, v3  }
0xfc: {  	v2 =	vmul.f32 v2, v1;
	[tilespmem:s26+$0xFFFFFF20] =	vst v5;
	v3 =	vbroadcast v3, $0x0  }
0xfd: {  	v4 =	vmul.f32 v8, v1;
	[tilespmem:s26+$0xFFFFFF30] =	vst v6  }
0xfe: {  	v5 =	vmul.f32 v7, v1;
	[tilespmem:s26+$0xFFFFFF50] =	vst v2  }
0xff: {  	v1 =	vmul.f32 v62, v1;
	[tilespmem:s26+$0xFFFFFF10] =	vst v4  }
0x100: {  	[tilespmem:s26+$0xFFFFFF60] =	vst v5  }
0x101: {  	[tilespmem:s26+$0xFFFFFF40] =	vst v1;
	v1 =	vld [tilespmem:s26+$0xFFFFFF80]  }
0x102: {  	v3 =	vld.idx.msk [tilespmem:v3+s9+$0x0], $0xffff  }
0x103: {  	v2 =	vld [tilespmem:s26+$0xFFFFFFA0]  }
0x104: {  	v4 =	vld [tilespmem:s26+$0xFFFFFF90]  }
0x105: {  	v5 =	vld [tilespmem:s26+$0xFFFFFFD0]  }
0x106: {  	v6 =	vld [tilespmem:s26+$0xFFFFFFE0]  }
0x107: {  	v7 =	vld [tilespmem:s26+$0xFFFFFFF0];
	v1 =	vmul.f32 v1, v3  }
0x108: {  	s25 =	simm.s32 $0x2;
	v8 =	vld [tilespmem:s26+$0xFFFFFFB0];
	v2 =	vmul.f32 v2, v3  }
0x109: {  	v63 =	vld [tilespmem:s26+$0xFFFFFFC0];
	v4 =	vmul.f32 v4, v3;
	[tilespmem:s26+$0xFFFFFF80] =	vst v1;
	v1 =	vmov s25  }
0x10a: {  	v5 =	vmul.f32 v5, v3;
	[tilespmem:s26+$0xFFFFFFA0] =	vst v2;
	v1 =	vand.u32 $0xFFFFFFFE, v1  }
0x10b: {  	v2 =	vmul.f32 v6, v3;
	[tilespmem:s26+$0xFFFFFF90] =	vst v4;
	v4 =	vbroadcast v1, $0x0  }
0x10c: {  	v6 =	vmul.f32 v7, v3;
	[tilespmem:s26+$0xFFFFFFD0] =	vst v5;
	v7 =	vld [tilespmem:s26+$0x30]  }
0x10d: {  	v5 =	vmul.f32 v8, v3;
	v1 =	vld [tilespmem:s26+$0x40];
	[tilespmem:s26+$0xFFFFFFE0] =	vst v2  }
0x10e: {  	v3 =	vmul.f32 v63, v3;
	v2 =	vld [tilespmem:s26+$0x70];
	[tilespmem:s26+$0xFFFFFFF0] =	vst v6  }
0x10f: {  	[tilespmem:s26+$0xFFFFFFB0] =	vst v5;
	v5 =	vld [tilespmem:s26+$0x20]  }
0x110: {  	[tilespmem:s26+$0xFFFFFFC0] =	vst v3;
	v6 =	vld [tilespmem:s26+$0x0]  }
0x111: {  	v3 =	vld.idx.msk [tilespmem:v4+s9+$0x0], $0xffff  }
0x112: {  	s19 =	simm.s32 $0x3;
	s21 =	simm.s32 $0x7;
	s24 =	simm.s32 $0x16180;
	v4 =	vld [tilespmem:s26+$0x10]  }
.LBB2_7:
0x113: {  	p1 =	sne.s32 s21, $0x4F  }
0x114: {  	v8 =	vld [tilespmem:s26+$0x50];
	s24 =	sadd.s32 $0x200, s24;
	s25 =	smov.u32 s21;
	s21 =	sadd.s32 $0x4, s21  }
0x115: {  	v9 =	vld [tilespmem:s26+$0x60];
	_ =	sdelay $0x1  }
0x116: {  	v6 =	vmul.f32 v6, v3;
	v4 =	vmul.f32 v4, v3  }
0x117: {  	v5 =	vmul.f32 v5, v3;
	v7 =	vmul.f32 v7, v3  }
0x118: {  	v1 =	vmul.f32 v1, v3;
	v2 =	vmul.f32 v2, v3;
	[tilespmem:s26+$0x0] =	vst v6  }
0x119: {  	[tilespmem:s26+$0x20] =	vst v5;
	v5 =	vmul.f32 v8, v3;
	v3 =	vmul.f32 v9, v3  }
0x11a: {  	[tilespmem:s26+$0x30] =	vst v7;
	v6 =	vld [tilespmem:s26+$0x80]  }
0x11b: {  	[tilespmem:s26+$0x60] =	vst v3;
	v3 =	vmov s19;
	v7 =	vld [tilespmem:s26+$0xD0];
	s19 =	smov.u32 s25  }
0x11c: {  	[tilespmem:s26+$0x50] =	vst v5;
	v5 =	vld [tilespmem:s26+$0xE0]  }
0x11d: {  	[tilespmem:s26+$0x40] =	vst v1;
	v8 =	vld [tilespmem:s26+$0xB0]  }
0x11e: {  	v1 =	vld [tilespmem:s24+$0x40];
	[tilespmem:s26+$0x70] =	vst v2  }
0x11f: {  	v2 =	vld [tilespmem:s24+$0x70];
	[tilespmem:s26+$0x10] =	vst v4  }
0x120: {  	v3 =	vld.idx.msk [tilespmem:v3+s9+$0x0], $0xffff  }
0x121: {  	v4 =	vld [tilespmem:s26+$0x90]  }
0x122: {  	v9 =	vld [tilespmem:s26+$0xA0]  }
0x123: {  	v10 =	vld [tilespmem:s26+$0xC0]  }
0x124: {  	v11 =	vld [tilespmem:s26+$0xF0];
	_ =	sdelay $0x1  }
0x125: {  	v6 =	vmul.f32 v6, v3;
	v4 =	vmul.f32 v4, v3  }
0x126: {  	s25 =	sadd.s32 $0xFFFFFFFD, s19;
	v8 =	vmul.f32 v8, v3;
	v9 =	vmul.f32 v9, v3  }
0x127: {  	v12 =	vmov s25;
	v7 =	vmul.f32 v7, v3;
	[tilespmem:s26+$0x80] =	vst v6;
	v6 =	vmul.f32 v10, v3  }
0x128: {  	v10 =	vand.u32 $0xFFFFFFFC, v12;
	[tilespmem:s26+$0x90] =	vst v4;
	v4 =	vmul.f32 v5, v3;
	v3 =	vmul.f32 v11, v3  }
0x129: {  	v5 =	vbroadcast v10, $0x0;
	[tilespmem:s26+$0xA0] =	vst v9  }
0x12a: {  	[tilespmem:s26+$0xD0] =	vst v7  }
0x12b: {  	v7 =	vld [tilespmem:s24+$0xFFFFFF50];
	[tilespmem:s26+$0xB0] =	vst v8  }
0x12c: {  	v8 =	vld [tilespmem:s24+$0xFFFFFF30];
	[tilespmem:s26+$0xC0] =	vst v6  }
0x12d: {  	v6 =	vld [tilespmem:s24+$0xFFFFFF60];
	[tilespmem:s26+$0xE0] =	vst v4  }
0x12e: {  	v4 =	vld [tilespmem:s24+$0xFFFFFF70];
	[tilespmem:s26+$0xF0] =	vst v3;
	s26 =	smov.u32 s24  }
0x12f: {  	v3 =	vld.idx.msk [tilespmem:v5+s9+$0x0], $0xffff  }
0x130: {  	v5 =	vld [tilespmem:s24+$0xFFFFFF00]  }
0x131: {  	v9 =	vld [tilespmem:s24+$0xFFFFFF20]  }
0x132: {  	v10 =	vld [tilespmem:s24+$0xFFFFFF10]  }
0x133: {  	v11 =	vld [tilespmem:s24+$0xFFFFFF40];
	_ =	sdelay $0x1  }
0x134: {  	v4 =	vmul.f32 v4, v3;
	v5 =	vmul.f32 v5, v3  }
0x135: {  	s25 =	sadd.s32 $0xFFFFFFFE, s19;
	v6 =	vmul.f32 v6, v3;
	v9 =	vmul.f32 v9, v3  }
0x136: {  	v8 =	vmul.f32 v8, v3;
	v10 =	vmul.f32 v10, v3;
	[tilespmem:s24+$0xFFFFFF70] =	vst v4;
	v4 =	vmov s25  }
0x137: {  	[tilespmem:s24+$0xFFFFFF00] =	vst v5;
	v5 =	vmul.f32 v11, v3;
	v3 =	vmul.f32 v7, v3;
	v4 =	vand.u32 $0xFFFFFFFD, v4  }
0x138: {  	[tilespmem:s24+$0xFFFFFF20] =	vst v9;
	v4 =	vbroadcast v4, $0x0  }
0x139: {  	[tilespmem:s24+$0xFFFFFF30] =	vst v8  }
0x13a: {  	[tilespmem:s24+$0xFFFFFF50] =	vst v3;
	v3 =	vld [tilespmem:s24+$0xFFFFFFF0]  }
0x13b: {  	[tilespmem:s24+$0xFFFFFF10] =	vst v10;
	v7 =	vld [tilespmem:s24+$0xFFFFFFD0]  }
0x13c: {  	[tilespmem:s24+$0xFFFFFF60] =	vst v6;
	v6 =	vld [tilespmem:s24+$0xFFFFFFB0]  }
0x13d: {  	[tilespmem:s24+$0xFFFFFF40] =	vst v5;
	v5 =	vld [tilespmem:s24+$0xFFFFFF90]  }
0x13e: {  	v4 =	vld.idx.msk [tilespmem:v4+s9+$0x0], $0xffff  }
0x13f: {  	v8 =	vld [tilespmem:s24+$0xFFFFFF80]  }
0x140: {  	v9 =	vld [tilespmem:s24+$0xFFFFFFA0]  }
0x141: {  	v10 =	vld [tilespmem:s24+$0xFFFFFFC0]  }
0x142: {  	v11 =	vld [tilespmem:s24+$0xFFFFFFE0];
	_ =	sdelay $0x1  }
0x143: {  	v5 =	vmul.f32 v5, v4;
	v8 =	vmul.f32 v8, v4  }
0x144: {  	s25 =	sadd.s32 $0xFFFFFFFF, s19;
	v6 =	vmul.f32 v6, v4;
	v9 =	vmul.f32 v9, v4  }
0x145: {  	v7 =	vmul.f32 v7, v4;
	[tilespmem:s24+$0xFFFFFF80] =	vst v8;
	v8 =	vmul.f32 v10, v4;
	v10 =	vmov s25  }
0x146: {  	v3 =	vmul.f32 v3, v4;
	[tilespmem:s24+$0xFFFFFFA0] =	vst v9;
	v9 =	vmul.f32 v11, v4;
	v4 =	vand.u32 $0xFFFFFFFE, v10  }
0x147: {  	[tilespmem:s24+$0xFFFFFF90] =	vst v5;
	v4 =	vbroadcast v4, $0x0  }
0x148: {  	[tilespmem:s24+$0xFFFFFFD0] =	vst v7  }
0x149: {  	[tilespmem:s24+$0xFFFFFFE0] =	vst v9  }
0x14a: {  	[tilespmem:s24+$0xFFFFFFB0] =	vst v6  }
.Ltmp2:
0x14b: {  	[tilespmem:s24+$0xFFFFFFF0] =	vst v3;
	v5 =	vld [tilespmem:s24+$0x20];
	(pc) =	sbr.rel @p1 .LBB2_7-.Ltmp2, $4  }
0x14c: {  	[tilespmem:s24+$0xFFFFFFC0] =	vst v8;
	v6 =	vld [tilespmem:s24+$0x0]  }
0x14d: {  	v3 =	vld.idx.msk [tilespmem:v4+s9+$0x0], $0xffff  }
0x14e: {  	v4 =	vld [tilespmem:s24+$0x10]  }
0x14f: {  	v7 =	vld [tilespmem:s24+$0x30]  }
0x150: {  	v8 =	vld [tilespmem:s26+$0x60];
	_ =	sdelay $0x1  }
0x151: {  	v6 =	vmul.f32 v6, v3  }
0x152: {  	v9 =	vld [tilespmem:s26+$0x50];
	v5 =	vmul.f32 v5, v3  }
0x153: {  	v1 =	vmul.f32 v1, v3;
	[tilespmem:s26+$0x0] =	vst v6  }
0x154: {  	[tilespmem:s26+$0x20] =	vst v5;
	v5 =	vmul.f32 v8, v3  }
0x155: {  	v2 =	vmul.f32 v2, v3;
	[tilespmem:s26+$0x40] =	vst v1  }
0x156: {  	v7 =	vmul.f32 v7, v3;
	[tilespmem:s26+$0x60] =	vst v5;
	v5 =	vmov s19  }
0x157: {  	[tilespmem:s26+$0x70] =	vst v2;
	v6 =	vmul.f32 v9, v3  }
0x158: {  	v3 =	vmul.f32 v4, v3;
	[tilespmem:s26+$0x30] =	vst v7  }
0x159: {  	[tilespmem:s26+$0x50] =	vst v6  }
0x15a: {  	v7 =	vld [tilespmem:s26+$0x80];
	[tilespmem:s26+$0x10] =	vst v3  }
0x15b: {  	v1 =	vld.idx.msk [tilespmem:v5+s9+$0x0], $0xffff  }
0x15c: {  	v2 =	vld [tilespmem:s26+$0x90]  }
0x15d: {  	v3 =	vld [tilespmem:s26+$0xA0]  }
0x15e: {  	v4 =	vld [tilespmem:s26+$0xD0]  }
0x15f: {  	v5 =	vld [tilespmem:s26+$0xB0]  }
0x160: {  	v6 =	vld [tilespmem:s26+$0xC0];
	v7 =	vmul.f32 v7, v1  }
0x161: {  	v8 =	vld [tilespmem:s26+$0xE0];
	v2 =	vmul.f32 v2, v1  }
0x162: {  	v61 =	vld [tilespmem:s26+$0xF0];
	v3 =	vmul.f32 v3, v1;
	[tilespmem:s26+$0x80] =	vst v7  }
0x163: {  	v4 =	vmul.f32 v4, v1;
	[tilespmem:s26+$0x90] =	vst v2  }
0x164: {  	v2 =	vmul.f32 v5, v1;
	[tilespmem:s26+$0xA0] =	vst v3  }
0x165: {  	v3 =	vmul.f32 v6, v1;
	[tilespmem:s26+$0xD0] =	vst v4  }
0x166: {  	v4 =	vmul.f32 v8, v1;
	[tilespmem:s26+$0xB0] =	vst v2  }
0x167: {  	v1 =	vmul.f32 v61, v1;
	[tilespmem:s26+$0xC0] =	vst v3  }
0x168: {  	[tilespmem:s26+$0xE0] =	vst v4  }
0x169: {  	s21 =	simm.s32 $0xE;
	[tilespmem:s26+$0xF0] =	vst v1  }
0x16a: {  	_ =	swait.ge [sflag:s21], $0x50  }
0x16b: {  	s24 =	simm.s32 $0x1DA10;
	[sflag:s21] =	ssyncset.done $0x0  }
0x16c: {  	s19 =	sadd.s32 @!p0 $0xF0, s30;
	[sflag:s21] =	ssyncadd.s32 $0xFFFFFFB0;
	s21 =	simm.s32 $0x16080  }
0x16d: {  	[spmem:s3] =	stream.indirect.scatter.add.f32 [tilespmem:s21], [sflag:$0x6], $0x80, s24, s11, $0xb8;
	[tilespmem:$0x1DC40] =	vst v63  }
0x16e: {  	s19 =	simm.s32 @p0 $0xF0;
	s21 =	simm.s32 @!p0 $0x8  }
0x16f: {  	s19 =	sadd.s32 s8, s19;
	_ =	swait.ge @!p0 [sflag:s21], $0x2800  }
0x170: {  	s19 =	sshrl.u32 s19, $0x3;
	[sflag:s21] =	ssyncset.done @!p0 $0x0  }
0x171: {  	s25 =	sadd.s32 s5, s19;
	s24 =	simm.s32 $0x1D970;
	[sflag:s21] =	ssyncadd.s32 @!p0 $0xFFFFD800  }
0x172: {  	[tilespmem:s24], [sflag:$0xC] =	stream.linear.gather [hbm4b:s25+s4], $0x50, $0x38;
	[tilespmem:$0x1DC40] =	vst v63  }
0x173: {  	s26 =	simm.s32 $0x1DAB0;
	s21 =	sadd.s32 $0x9C40, s25  }
0x174: {  	[tilespmem:s26], [sflag:$0x10] =	stream.linear.gather [hbm4b:s21+s4], $0x50, $0x38;
	[tilespmem:$0x1DC40] =	vst v63  }
0x175: {  	s19 =	sadd.s32 s6, s19  }
0x176: {  	[tilespmem:s28], [sflag:$0x14] =	stream.linear.gather [hbm4b:s19+s4], $0x50, $0x38;
	[tilespmem:$0x1DC40] =	vst v63  }
0x177: {  	_ =	swait.ge [sflag:s0], $0x50  }
0x178: {  	s30 =	simm.s32 $0x3;
	s25 =	simm.s32 $0x1D920;
	[sflag:s0] =	ssyncset.done $0x0  }
0x179: {  	s26 =	simm.s32 $0x18880;
	s21 =	simm.s32 $0x0;
	[sflag:s0] =	ssyncadd.s32 $0xFFFFFFB0  }
0x17a: {  	v1 =	vmov s21;
	[tilespmem:s26], [sflag:$0x3] =	stream.indirect.gather [hbm4b:s1+s11], $0x80, s25, s11, $0xb8;
	[tilespmem:$0x1DC40] =	vst v63  }
0x17b: {  	v1 =	vand.u32 $0xFFFFFFFC, v1;
	_ =	swait.ge [sflag:s30], $0x2800  }
0x17c: {  	v1 =	vbroadcast v1, $0x0;
	[sflag:s30] =	ssyncset.done $0x0  }
0x17d: {  	[sflag:s30] =	ssyncadd.s32 $0xFFFFD800  }
0x17e: {  	_ =	swait.ge [sflag:s22], $0x50  }
0x17f: {  	[sflag:s22] =	ssyncset.done $0x0  }
0x180: {  	s26 =	simm.s32 $0x18980;
	[sflag:s22] =	ssyncadd.s32 $0xFFFFFFB0  }
0x181: {  	v3 =	vld [tilespmem:s26+$0xFFFFFF70]  }
0x182: {  	v1 =	vld.idx.msk [tilespmem:v1+s18+$0x0], $0xffff  }
0x183: {  	v4 =	vld [tilespmem:s26+$0xFFFFFF00]  }
0x184: {  	v5 =	vld [tilespmem:s26+$0xFFFFFF20]  }
0x185: {  	v6 =	vld [tilespmem:s26+$0xFFFFFF30]  }
0x186: {  	v2 =	vld [tilespmem:s26+$0xFFFFFF50]  }
0x187: {  	v8 =	vld [tilespmem:s26+$0xFFFFFF10];
	v3 =	vmul.f32 v3, v1  }
0x188: {  	s24 =	simm.s32 $0x1;
	v7 =	vld [tilespmem:s26+$0xFFFFFF60];
	v4 =	vmul.f32 v4, v1  }
0x189: {  	v62 =	vld [tilespmem:s26+$0xFFFFFF40];
	v5 =	vmul.f32 v5, v1;
	[tilespmem:s26+$0xFFFFFF70] =	vst v3;
	v3 =	vmov s24  }
0x18a: {  	v6 =	vmul.f32 v6, v1;
	[tilespmem:s26+$0xFFFFFF00] =	vst v4;
	v3 =	vand.u32 $0xFFFFFFFD, v3  }
0x18b: {  	v2 =	vmul.f32 v2, v1;
	[tilespmem:s26+$0xFFFFFF20] =	vst v5;
	v3 =	vbroadcast v3, $0x0  }
0x18c: {  	v4 =	vmul.f32 v8, v1;
	[tilespmem:s26+$0xFFFFFF30] =	vst v6  }
0x18d: {  	v5 =	vmul.f32 v7, v1;
	[tilespmem:s26+$0xFFFFFF50] =	vst v2  }
0x18e: {  	v1 =	vmul.f32 v62, v1;
	[tilespmem:s26+$0xFFFFFF10] =	vst v4  }
0x18f: {  	[tilespmem:s26+$0xFFFFFF60] =	vst v5  }
0x190: {  	[tilespmem:s26+$0xFFFFFF40] =	vst v1;
	v1 =	vld [tilespmem:s26+$0xFFFFFF80]  }
0x191: {  	v3 =	vld.idx.msk [tilespmem:v3+s18+$0x0], $0xffff  }
0x192: {  	v2 =	vld [tilespmem:s26+$0xFFFFFFA0]  }
0x193: {  	v4 =	vld [tilespmem:s26+$0xFFFFFF90]  }
0x194: {  	v5 =	vld [tilespmem:s26+$0xFFFFFFD0]  }
0x195: {  	v6 =	vld [tilespmem:s26+$0xFFFFFFE0]  }
0x196: {  	v7 =	vld [tilespmem:s26+$0xFFFFFFF0];
	v1 =	vmul.f32 v1, v3  }
0x197: {  	s25 =	simm.s32 $0x2;
	v8 =	vld [tilespmem:s26+$0xFFFFFFB0];
	v2 =	vmul.f32 v2, v3  }
0x198: {  	v63 =	vld [tilespmem:s26+$0xFFFFFFC0];
	v4 =	vmul.f32 v4, v3;
	[tilespmem:s26+$0xFFFFFF80] =	vst v1;
	v1 =	vmov s25  }
0x199: {  	v5 =	vmul.f32 v5, v3;
	[tilespmem:s26+$0xFFFFFFA0] =	vst v2;
	v1 =	vand.u32 $0xFFFFFFFE, v1  }
0x19a: {  	v2 =	vmul.f32 v6, v3;
	[tilespmem:s26+$0xFFFFFF90] =	vst v4;
	v4 =	vbroadcast v1, $0x0  }
0x19b: {  	v6 =	vmul.f32 v7, v3;
	[tilespmem:s26+$0xFFFFFFD0] =	vst v5;
	v7 =	vld [tilespmem:s26+$0x30]  }
0x19c: {  	v5 =	vmul.f32 v8, v3;
	v1 =	vld [tilespmem:s26+$0x40];
	[tilespmem:s26+$0xFFFFFFE0] =	vst v2  }
0x19d: {  	v3 =	vmul.f32 v63, v3;
	v2 =	vld [tilespmem:s26+$0x70];
	[tilespmem:s26+$0xFFFFFFF0] =	vst v6  }
0x19e: {  	[tilespmem:s26+$0xFFFFFFB0] =	vst v5;
	v5 =	vld [tilespmem:s26+$0x20]  }
0x19f: {  	[tilespmem:s26+$0xFFFFFFC0] =	vst v3;
	v6 =	vld [tilespmem:s26+$0x0]  }
0x1a0: {  	v3 =	vld.idx.msk [tilespmem:v4+s18+$0x0], $0xffff  }
0x1a1: {  	s21 =	simm.s32 $0x18980;
	s19 =	simm.s32 $0x7;
	v4 =	vld [tilespmem:s26+$0x10]  }
.LBB2_9:
0x1a2: {  	p0 =	sne.s32 s19, $0x4F  }
0x1a3: {  	v8 =	vld [tilespmem:s26+$0x50];
	s21 =	sadd.s32 $0x200, s21;
	s24 =	smov.u32 s19;
	s19 =	sadd.s32 $0x4, s19  }
0x1a4: {  	v9 =	vld [tilespmem:s26+$0x60];
	_ =	sdelay $0x1  }
0x1a5: {  	v6 =	vmul.f32 v6, v3;
	v4 =	vmul.f32 v4, v3  }
0x1a6: {  	v5 =	vmul.f32 v5, v3;
	v7 =	vmul.f32 v7, v3  }
0x1a7: {  	v1 =	vmul.f32 v1, v3;
	v2 =	vmul.f32 v2, v3;
	[tilespmem:s26+$0x0] =	vst v6  }
0x1a8: {  	[tilespmem:s26+$0x20] =	vst v5;
	v5 =	vmul.f32 v8, v3;
	v3 =	vmul.f32 v9, v3  }
0x1a9: {  	[tilespmem:s26+$0x30] =	vst v7;
	v6 =	vld [tilespmem:s26+$0x80]  }
0x1aa: {  	[tilespmem:s26+$0x60] =	vst v3;
	v3 =	vmov s30;
	v7 =	vld [tilespmem:s26+$0xD0];
	s30 =	smov.u32 s24  }
0x1ab: {  	[tilespmem:s26+$0x50] =	vst v5;
	v5 =	vld [tilespmem:s26+$0xE0]  }
0x1ac: {  	[tilespmem:s26+$0x40] =	vst v1;
	v8 =	vld [tilespmem:s26+$0xB0]  }
0x1ad: {  	v1 =	vld [tilespmem:s21+$0x40];
	[tilespmem:s26+$0x70] =	vst v2  }
0x1ae: {  	v2 =	vld [tilespmem:s21+$0x70];
	[tilespmem:s26+$0x10] =	vst v4  }
0x1af: {  	v3 =	vld.idx.msk [tilespmem:v3+s18+$0x0], $0xffff  }
0x1b0: {  	v4 =	vld [tilespmem:s26+$0x90]  }
0x1b1: {  	v9 =	vld [tilespmem:s26+$0xA0]  }
0x1b2: {  	v10 =	vld [tilespmem:s26+$0xC0]  }
0x1b3: {  	v11 =	vld [tilespmem:s26+$0xF0];
	_ =	sdelay $0x1  }
0x1b4: {  	v6 =	vmul.f32 v6, v3;
	v4 =	vmul.f32 v4, v3  }
0x1b5: {  	s24 =	sadd.s32 $0xFFFFFFFD, s30;
	v8 =	vmul.f32 v8, v3;
	v9 =	vmul.f32 v9, v3  }
0x1b6: {  	v12 =	vmov s24;
	v7 =	vmul.f32 v7, v3;
	[tilespmem:s26+$0x80] =	vst v6;
	v6 =	vmul.f32 v10, v3  }
0x1b7: {  	v10 =	vand.u32 $0xFFFFFFFC, v12;
	[tilespmem:s26+$0x90] =	vst v4;
	v4 =	vmul.f32 v5, v3;
	v3 =	vmul.f32 v11, v3  }
0x1b8: {  	v5 =	vbroadcast v10, $0x0;
	[tilespmem:s26+$0xA0] =	vst v9  }
0x1b9: {  	[tilespmem:s26+$0xD0] =	vst v7  }
0x1ba: {  	v7 =	vld [tilespmem:s21+$0xFFFFFF50];
	[tilespmem:s26+$0xB0] =	vst v8  }
0x1bb: {  	v8 =	vld [tilespmem:s21+$0xFFFFFF30];
	[tilespmem:s26+$0xC0] =	vst v6  }
0x1bc: {  	v6 =	vld [tilespmem:s21+$0xFFFFFF60];
	[tilespmem:s26+$0xE0] =	vst v4  }
0x1bd: {  	v4 =	vld [tilespmem:s21+$0xFFFFFF70];
	[tilespmem:s26+$0xF0] =	vst v3;
	s26 =	smov.u32 s21  }
0x1be: {  	v3 =	vld.idx.msk [tilespmem:v5+s18+$0x0], $0xffff  }
0x1bf: {  	v5 =	vld [tilespmem:s21+$0xFFFFFF00]  }
0x1c0: {  	v9 =	vld [tilespmem:s21+$0xFFFFFF20]  }
0x1c1: {  	v10 =	vld [tilespmem:s21+$0xFFFFFF10]  }
0x1c2: {  	v11 =	vld [tilespmem:s21+$0xFFFFFF40];
	_ =	sdelay $0x1  }
0x1c3: {  	v4 =	vmul.f32 v4, v3;
	v5 =	vmul.f32 v5, v3  }
0x1c4: {  	s24 =	sadd.s32 $0xFFFFFFFE, s30;
	v6 =	vmul.f32 v6, v3;
	v9 =	vmul.f32 v9, v3  }
0x1c5: {  	v8 =	vmul.f32 v8, v3;
	v10 =	vmul.f32 v10, v3;
	[tilespmem:s21+$0xFFFFFF70] =	vst v4;
	v4 =	vmov s24  }
0x1c6: {  	[tilespmem:s21+$0xFFFFFF00] =	vst v5;
	v5 =	vmul.f32 v11, v3;
	v3 =	vmul.f32 v7, v3;
	v4 =	vand.u32 $0xFFFFFFFD, v4  }
0x1c7: {  	[tilespmem:s21+$0xFFFFFF20] =	vst v9;
	v4 =	vbroadcast v4, $0x0  }
0x1c8: {  	[tilespmem:s21+$0xFFFFFF30] =	vst v8  }
0x1c9: {  	[tilespmem:s21+$0xFFFFFF50] =	vst v3;
	v3 =	vld [tilespmem:s21+$0xFFFFFFF0]  }
0x1ca: {  	[tilespmem:s21+$0xFFFFFF10] =	vst v10;
	v7 =	vld [tilespmem:s21+$0xFFFFFFD0]  }
0x1cb: {  	[tilespmem:s21+$0xFFFFFF60] =	vst v6;
	v6 =	vld [tilespmem:s21+$0xFFFFFFB0]  }
0x1cc: {  	[tilespmem:s21+$0xFFFFFF40] =	vst v5;
	v5 =	vld [tilespmem:s21+$0xFFFFFF90]  }
0x1cd: {  	v4 =	vld.idx.msk [tilespmem:v4+s18+$0x0], $0xffff  }
0x1ce: {  	v8 =	vld [tilespmem:s21+$0xFFFFFF80]  }
0x1cf: {  	v9 =	vld [tilespmem:s21+$0xFFFFFFA0]  }
0x1d0: {  	v10 =	vld [tilespmem:s21+$0xFFFFFFC0]  }
0x1d1: {  	v11 =	vld [tilespmem:s21+$0xFFFFFFE0];
	_ =	sdelay $0x1  }
0x1d2: {  	v5 =	vmul.f32 v5, v4;
	v8 =	vmul.f32 v8, v4  }
0x1d3: {  	s24 =	sadd.s32 $0xFFFFFFFF, s30;
	v6 =	vmul.f32 v6, v4;
	v9 =	vmul.f32 v9, v4  }
0x1d4: {  	v7 =	vmul.f32 v7, v4;
	[tilespmem:s21+$0xFFFFFF80] =	vst v8;
	v8 =	vmul.f32 v10, v4;
	v10 =	vmov s24  }
0x1d5: {  	v3 =	vmul.f32 v3, v4;
	[tilespmem:s21+$0xFFFFFFA0] =	vst v9;
	v9 =	vmul.f32 v11, v4;
	v4 =	vand.u32 $0xFFFFFFFE, v10  }
0x1d6: {  	[tilespmem:s21+$0xFFFFFF90] =	vst v5;
	v4 =	vbroadcast v4, $0x0  }
0x1d7: {  	[tilespmem:s21+$0xFFFFFFD0] =	vst v7  }
0x1d8: {  	[tilespmem:s21+$0xFFFFFFE0] =	vst v9  }
0x1d9: {  	[tilespmem:s21+$0xFFFFFFB0] =	vst v6  }
.Ltmp3:
0x1da: {  	[tilespmem:s21+$0xFFFFFFF0] =	vst v3;
	v5 =	vld [tilespmem:s21+$0x20];
	(pc) =	sbr.rel @p0 .LBB2_9-.Ltmp3, $4  }
0x1db: {  	[tilespmem:s21+$0xFFFFFFC0] =	vst v8;
	v6 =	vld [tilespmem:s21+$0x0]  }
0x1dc: {  	v3 =	vld.idx.msk [tilespmem:v4+s18+$0x0], $0xffff  }
0x1dd: {  	v4 =	vld [tilespmem:s21+$0x10]  }
0x1de: {  	v7 =	vld [tilespmem:s21+$0x30]  }
0x1df: {  	v8 =	vld [tilespmem:s26+$0x60];
	_ =	sdelay $0x1  }
0x1e0: {  	v6 =	vmul.f32 v6, v3  }
0x1e1: {  	v9 =	vld [tilespmem:s26+$0x50];
	v5 =	vmul.f32 v5, v3  }
0x1e2: {  	v1 =	vmul.f32 v1, v3;
	[tilespmem:s26+$0x0] =	vst v6  }
0x1e3: {  	[tilespmem:s26+$0x20] =	vst v5;
	v5 =	vmul.f32 v8, v3  }
0x1e4: {  	v2 =	vmul.f32 v2, v3;
	[tilespmem:s26+$0x40] =	vst v1  }
0x1e5: {  	v7 =	vmul.f32 v7, v3;
	[tilespmem:s26+$0x60] =	vst v5;
	v5 =	vmov s30  }
0x1e6: {  	[tilespmem:s26+$0x70] =	vst v2;
	v6 =	vmul.f32 v9, v3  }
0x1e7: {  	v3 =	vmul.f32 v4, v3;
	[tilespmem:s26+$0x30] =	vst v7  }
0x1e8: {  	[tilespmem:s26+$0x50] =	vst v6  }
0x1e9: {  	v7 =	vld [tilespmem:s26+$0x80];
	[tilespmem:s26+$0x10] =	vst v3  }
0x1ea: {  	v1 =	vld.idx.msk [tilespmem:v5+s18+$0x0], $0xffff  }
0x1eb: {  	v2 =	vld [tilespmem:s26+$0x90]  }
0x1ec: {  	v3 =	vld [tilespmem:s26+$0xA0]  }
0x1ed: {  	v4 =	vld [tilespmem:s26+$0xD0]  }
0x1ee: {  	v5 =	vld [tilespmem:s26+$0xB0]  }
0x1ef: {  	v6 =	vld [tilespmem:s26+$0xC0];
	v7 =	vmul.f32 v7, v1  }
0x1f0: {  	v8 =	vld [tilespmem:s26+$0xE0];
	v2 =	vmul.f32 v2, v1  }
0x1f1: {  	v61 =	vld [tilespmem:s26+$0xF0];
	v3 =	vmul.f32 v3, v1;
	[tilespmem:s26+$0x80] =	vst v7  }
0x1f2: {  	v4 =	vmul.f32 v4, v1;
	[tilespmem:s26+$0x90] =	vst v2  }
0x1f3: {  	v2 =	vmul.f32 v5, v1;
	[tilespmem:s26+$0xA0] =	vst v3  }
0x1f4: {  	v3 =	vmul.f32 v6, v1;
	[tilespmem:s26+$0xD0] =	vst v4  }
0x1f5: {  	v4 =	vmul.f32 v8, v1;
	[tilespmem:s26+$0xB0] =	vst v2  }
0x1f6: {  	v1 =	vmul.f32 v61, v1;
	[tilespmem:s26+$0xC0] =	vst v3  }
0x1f7: {  	[tilespmem:s26+$0xE0] =	vst v4  }
0x1f8: {  	[tilespmem:s26+$0xF0] =	vst v1  }
0x1f9: {  	_ =	swait.ge [sflag:s23], $0x50  }
0x1fa: {  	[sflag:s23] =	ssyncset.done $0x0  }
0x1fb: {  	s19 =	simm.s32 $0x1DA60;
	s21 =	simm.s32 $0x18880;
	[sflag:s23] =	ssyncadd.s32 $0xFFFFFFB0  }
0x1fc: {  	[spmem:s3] =	stream.indirect.scatter.add.f32 [tilespmem:s21], [sflag:$0x7], $0x80, s19, s11, $0xb8;
	[tilespmem:$0x1DC40] =	vst v63  }
0x1fd: {  	s30 =	smul.u32 $0x140, s29;
	_ =	swait.ge [sflag:s15], $0x2800  }
0x1fe: {  	s24 =	rddreg [dreg:$0x12]  }
0x1ff: {  	s19 =	sadd.s32 s30, s24  }
0x200: {  	[sflag:s15] =	ssyncset.done $0x0;
	s19 =	sshrl.u32 s19, $0x3  }
0x201: {  	[sflag:s15] =	ssyncadd.s32 $0xFFFFD800;
	s24 =	simm.s32 $0x1D880;
	s25 =	sadd.s32 s5, s19  }
0x202: {  	[tilespmem:s24], [sflag:$0x9] =	stream.linear.gather [hbm4b:s25+s4], $0x50, $0x38;
	[tilespmem:$0x1DC40] =	vst v63  }
0x203: {  	s26 =	simm.s32 $0x1D9C0;
	s21 =	sadd.s32 $0x9C40, s25  }
0x204: {  	[tilespmem:s26], [sflag:$0xD] =	stream.linear.gather [hbm4b:s21+s4], $0x50, $0x38;
	[tilespmem:$0x1DC40] =	vst v63  }
0x205: {  	s19 =	sadd.s32 s6, s19  }
0x206: {  	[tilespmem:s31], [sflag:$0x11] =	stream.linear.gather [hbm4b:s19+s4], $0x50, $0x38;
	[tilespmem:$0x1DC40] =	vst v63  }
0x207: {  	_ =	swait.ge [sflag:s17], $0x50  }
0x208: {  	s25 =	simm.s32 $0x1D970;
	[sflag:s17] =	ssyncset.done $0x0  }
0x209: {  	s26 =	simm.s32 $0x1B080;
	s21 =	simm.s32 $0x0;
	[sflag:s17] =	ssyncadd.s32 $0xFFFFFFB0  }
0x20a: {  	v1 =	vmov s21;
	[tilespmem:s26], [sflag:$0x4] =	stream.indirect.gather [hbm4b:s1+s11], $0x80, s25, s11, $0xb8;
	[tilespmem:$0x1DC40] =	vst v63  }
0x20b: {  	v1 =	vand.u32 $0xFFFFFFFC, v1;
	_ =	swait.ge [sflag:s16], $0x2800  }
0x20c: {  	v1 =	vbroadcast v1, $0x0;
	[sflag:s16] =	ssyncset.done $0x0  }
0x20d: {  	[sflag:s16] =	ssyncadd.s32 $0xFFFFD800  }
0x20e: {  	_ =	swait.ge [sflag:s7], $0x50  }
0x20f: {  	[sflag:s7] =	ssyncset.done $0x0  }
0x210: {  	s26 =	simm.s32 $0x1B180;
	[sflag:s7] =	ssyncadd.s32 $0xFFFFFFB0  }
0x211: {  	v3 =	vld [tilespmem:s26+$0xFFFFFF70]  }
0x212: {  	v1 =	vld.idx.msk [tilespmem:v1+s28+$0x0], $0xffff  }
0x213: {  	v4 =	vld [tilespmem:s26+$0xFFFFFF00]  }
0x214: {  	v5 =	vld [tilespmem:s26+$0xFFFFFF20]  }
0x215: {  	v6 =	vld [tilespmem:s26+$0xFFFFFF30]  }
0x216: {  	v2 =	vld [tilespmem:s26+$0xFFFFFF50]  }
0x217: {  	v8 =	vld [tilespmem:s26+$0xFFFFFF10];
	v3 =	vmul.f32 v3, v1  }
0x218: {  	s24 =	simm.s32 $0x1;
	v7 =	vld [tilespmem:s26+$0xFFFFFF60];
	v4 =	vmul.f32 v4, v1  }
0x219: {  	v62 =	vld [tilespmem:s26+$0xFFFFFF40];
	v5 =	vmul.f32 v5, v1;
	[tilespmem:s26+$0xFFFFFF70] =	vst v3;
	v3 =	vmov s24  }
0x21a: {  	v6 =	vmul.f32 v6, v1;
	[tilespmem:s26+$0xFFFFFF00] =	vst v4;
	v3 =	vand.u32 $0xFFFFFFFD, v3  }
0x21b: {  	v2 =	vmul.f32 v2, v1;
	[tilespmem:s26+$0xFFFFFF20] =	vst v5;
	v3 =	vbroadcast v3, $0x0  }
0x21c: {  	v4 =	vmul.f32 v8, v1;
	[tilespmem:s26+$0xFFFFFF30] =	vst v6  }
0x21d: {  	v5 =	vmul.f32 v7, v1;
	[tilespmem:s26+$0xFFFFFF50] =	vst v2  }
0x21e: {  	v1 =	vmul.f32 v62, v1;
	[tilespmem:s26+$0xFFFFFF10] =	vst v4  }
0x21f: {  	[tilespmem:s26+$0xFFFFFF60] =	vst v5  }
0x220: {  	[tilespmem:s26+$0xFFFFFF40] =	vst v1;
	v1 =	vld [tilespmem:s26+$0xFFFFFF80]  }
0x221: {  	v3 =	vld.idx.msk [tilespmem:v3+s28+$0x0], $0xffff  }
0x222: {  	v2 =	vld [tilespmem:s26+$0xFFFFFFA0]  }
0x223: {  	v4 =	vld [tilespmem:s26+$0xFFFFFF90]  }
0x224: {  	v5 =	vld [tilespmem:s26+$0xFFFFFFD0]  }
0x225: {  	v6 =	vld [tilespmem:s26+$0xFFFFFFE0]  }
0x226: {  	v7 =	vld [tilespmem:s26+$0xFFFFFFF0];
	v1 =	vmul.f32 v1, v3  }
0x227: {  	s25 =	simm.s32 $0x2;
	v8 =	vld [tilespmem:s26+$0xFFFFFFB0];
	v2 =	vmul.f32 v2, v3  }
0x228: {  	v63 =	vld [tilespmem:s26+$0xFFFFFFC0];
	v4 =	vmul.f32 v4, v3;
	[tilespmem:s26+$0xFFFFFF80] =	vst v1;
	v1 =	vmov s25  }
0x229: {  	v5 =	vmul.f32 v5, v3;
	[tilespmem:s26+$0xFFFFFFA0] =	vst v2;
	v1 =	vand.u32 $0xFFFFFFFE, v1  }
0x22a: {  	v2 =	vmul.f32 v6, v3;
	[tilespmem:s26+$0xFFFFFF90] =	vst v4;
	v4 =	vbroadcast v1, $0x0  }
0x22b: {  	v6 =	vmul.f32 v7, v3;
	[tilespmem:s26+$0xFFFFFFD0] =	vst v5;
	v7 =	vld [tilespmem:s26+$0x30]  }
0x22c: {  	v5 =	vmul.f32 v8, v3;
	v1 =	vld [tilespmem:s26+$0x40];
	[tilespmem:s26+$0xFFFFFFE0] =	vst v2  }
0x22d: {  	v3 =	vmul.f32 v63, v3;
	v2 =	vld [tilespmem:s26+$0x70];
	[tilespmem:s26+$0xFFFFFFF0] =	vst v6  }
0x22e: {  	[tilespmem:s26+$0xFFFFFFB0] =	vst v5;
	v5 =	vld [tilespmem:s26+$0x20]  }
0x22f: {  	[tilespmem:s26+$0xFFFFFFC0] =	vst v3;
	v6 =	vld [tilespmem:s26+$0x0]  }
0x230: {  	v3 =	vld.idx.msk [tilespmem:v4+s28+$0x0], $0xffff  }
0x231: {  	s21 =	simm.s32 $0x7;
	s19 =	simm.s32 $0x3;
	s24 =	simm.s32 $0x1B180;
	v4 =	vld [tilespmem:s26+$0x10]  }
.LBB2_11:
0x232: {  	p0 =	sne.s32 s21, $0x4F  }
0x233: {  	v8 =	vld [tilespmem:s26+$0x50];
	s24 =	sadd.s32 $0x200, s24;
	s25 =	smov.u32 s21;
	s21 =	sadd.s32 $0x4, s21  }
0x234: {  	v9 =	vld [tilespmem:s26+$0x60];
	_ =	sdelay $0x1  }
0x235: {  	v6 =	vmul.f32 v6, v3;
	v4 =	vmul.f32 v4, v3  }
0x236: {  	v5 =	vmul.f32 v5, v3;
	v7 =	vmul.f32 v7, v3  }
0x237: {  	v1 =	vmul.f32 v1, v3;
	v2 =	vmul.f32 v2, v3;
	[tilespmem:s26+$0x0] =	vst v6  }
0x238: {  	[tilespmem:s26+$0x20] =	vst v5;
	v5 =	vmul.f32 v8, v3;
	v3 =	vmul.f32 v9, v3  }
0x239: {  	[tilespmem:s26+$0x30] =	vst v7;
	v6 =	vld [tilespmem:s26+$0x80]  }
0x23a: {  	[tilespmem:s26+$0x60] =	vst v3;
	v3 =	vmov s19;
	v7 =	vld [tilespmem:s26+$0xD0];
	s19 =	smov.u32 s25  }
0x23b: {  	[tilespmem:s26+$0x50] =	vst v5;
	v5 =	vld [tilespmem:s26+$0xE0]  }
0x23c: {  	[tilespmem:s26+$0x40] =	vst v1;
	v8 =	vld [tilespmem:s26+$0xB0]  }
0x23d: {  	v1 =	vld [tilespmem:s24+$0x40];
	[tilespmem:s26+$0x70] =	vst v2  }
0x23e: {  	v2 =	vld [tilespmem:s24+$0x70];
	[tilespmem:s26+$0x10] =	vst v4  }
0x23f: {  	v3 =	vld.idx.msk [tilespmem:v3+s28+$0x0], $0xffff  }
0x240: {  	v4 =	vld [tilespmem:s26+$0x90]  }
0x241: {  	v9 =	vld [tilespmem:s26+$0xA0]  }
0x242: {  	v10 =	vld [tilespmem:s26+$0xC0]  }
0x243: {  	v11 =	vld [tilespmem:s26+$0xF0];
	_ =	sdelay $0x1  }
0x244: {  	v6 =	vmul.f32 v6, v3;
	v4 =	vmul.f32 v4, v3  }
0x245: {  	s25 =	sadd.s32 $0xFFFFFFFD, s19;
	v8 =	vmul.f32 v8, v3;
	v9 =	vmul.f32 v9, v3  }
0x246: {  	v12 =	vmov s25;
	v7 =	vmul.f32 v7, v3;
	[tilespmem:s26+$0x80] =	vst v6;
	v6 =	vmul.f32 v10, v3  }
0x247: {  	v10 =	vand.u32 $0xFFFFFFFC, v12;
	[tilespmem:s26+$0x90] =	vst v4;
	v4 =	vmul.f32 v5, v3;
	v3 =	vmul.f32 v11, v3  }
0x248: {  	v5 =	vbroadcast v10, $0x0;
	[tilespmem:s26+$0xA0] =	vst v9  }
0x249: {  	[tilespmem:s26+$0xD0] =	vst v7  }
0x24a: {  	v7 =	vld [tilespmem:s24+$0xFFFFFF50];
	[tilespmem:s26+$0xB0] =	vst v8  }
0x24b: {  	v8 =	vld [tilespmem:s24+$0xFFFFFF30];
	[tilespmem:s26+$0xC0] =	vst v6  }
0x24c: {  	v6 =	vld [tilespmem:s24+$0xFFFFFF60];
	[tilespmem:s26+$0xE0] =	vst v4  }
0x24d: {  	v4 =	vld [tilespmem:s24+$0xFFFFFF70];
	[tilespmem:s26+$0xF0] =	vst v3;
	s26 =	smov.u32 s24  }
0x24e: {  	v3 =	vld.idx.msk [tilespmem:v5+s28+$0x0], $0xffff  }
0x24f: {  	v5 =	vld [tilespmem:s24+$0xFFFFFF00]  }
0x250: {  	v9 =	vld [tilespmem:s24+$0xFFFFFF20]  }
0x251: {  	v10 =	vld [tilespmem:s24+$0xFFFFFF10]  }
0x252: {  	v11 =	vld [tilespmem:s24+$0xFFFFFF40];
	_ =	sdelay $0x1  }
0x253: {  	v4 =	vmul.f32 v4, v3;
	v5 =	vmul.f32 v5, v3  }
0x254: {  	s25 =	sadd.s32 $0xFFFFFFFE, s19;
	v6 =	vmul.f32 v6, v3;
	v9 =	vmul.f32 v9, v3  }
0x255: {  	v8 =	vmul.f32 v8, v3;
	v10 =	vmul.f32 v10, v3;
	[tilespmem:s24+$0xFFFFFF70] =	vst v4;
	v4 =	vmov s25  }
0x256: {  	[tilespmem:s24+$0xFFFFFF00] =	vst v5;
	v5 =	vmul.f32 v11, v3;
	v3 =	vmul.f32 v7, v3;
	v4 =	vand.u32 $0xFFFFFFFD, v4  }
0x257: {  	[tilespmem:s24+$0xFFFFFF20] =	vst v9;
	v4 =	vbroadcast v4, $0x0  }
0x258: {  	[tilespmem:s24+$0xFFFFFF30] =	vst v8  }
0x259: {  	[tilespmem:s24+$0xFFFFFF50] =	vst v3;
	v3 =	vld [tilespmem:s24+$0xFFFFFFF0]  }
0x25a: {  	[tilespmem:s24+$0xFFFFFF10] =	vst v10;
	v7 =	vld [tilespmem:s24+$0xFFFFFFD0]  }
0x25b: {  	[tilespmem:s24+$0xFFFFFF60] =	vst v6;
	v6 =	vld [tilespmem:s24+$0xFFFFFFB0]  }
0x25c: {  	[tilespmem:s24+$0xFFFFFF40] =	vst v5;
	v5 =	vld [tilespmem:s24+$0xFFFFFF90]  }
0x25d: {  	v4 =	vld.idx.msk [tilespmem:v4+s28+$0x0], $0xffff  }
0x25e: {  	v8 =	vld [tilespmem:s24+$0xFFFFFF80]  }
0x25f: {  	v9 =	vld [tilespmem:s24+$0xFFFFFFA0]  }
0x260: {  	v10 =	vld [tilespmem:s24+$0xFFFFFFC0]  }
0x261: {  	v11 =	vld [tilespmem:s24+$0xFFFFFFE0];
	_ =	sdelay $0x1  }
0x262: {  	v5 =	vmul.f32 v5, v4;
	v8 =	vmul.f32 v8, v4  }
0x263: {  	s25 =	sadd.s32 $0xFFFFFFFF, s19;
	v6 =	vmul.f32 v6, v4;
	v9 =	vmul.f32 v9, v4  }
0x264: {  	v7 =	vmul.f32 v7, v4;
	[tilespmem:s24+$0xFFFFFF80] =	vst v8;
	v8 =	vmul.f32 v10, v4;
	v10 =	vmov s25  }
0x265: {  	v3 =	vmul.f32 v3, v4;
	[tilespmem:s24+$0xFFFFFFA0] =	vst v9;
	v9 =	vmul.f32 v11, v4;
	v4 =	vand.u32 $0xFFFFFFFE, v10  }
0x266: {  	[tilespmem:s24+$0xFFFFFF90] =	vst v5;
	v4 =	vbroadcast v4, $0x0  }
0x267: {  	[tilespmem:s24+$0xFFFFFFD0] =	vst v7  }
0x268: {  	[tilespmem:s24+$0xFFFFFFE0] =	vst v9  }
0x269: {  	[tilespmem:s24+$0xFFFFFFB0] =	vst v6  }
.Ltmp4:
0x26a: {  	[tilespmem:s24+$0xFFFFFFF0] =	vst v3;
	v5 =	vld [tilespmem:s24+$0x20];
	(pc) =	sbr.rel @p0 .LBB2_11-.Ltmp4, $4  }
0x26b: {  	[tilespmem:s24+$0xFFFFFFC0] =	vst v8;
	v6 =	vld [tilespmem:s24+$0x0]  }
0x26c: {  	v3 =	vld.idx.msk [tilespmem:v4+s28+$0x0], $0xffff  }
0x26d: {  	v4 =	vld [tilespmem:s24+$0x10]  }
0x26e: {  	v7 =	vld [tilespmem:s24+$0x30]  }
0x26f: {  	_ =	sdelay $0x1  }
0x270: {  	v8 =	vld [tilespmem:s26+$0x60];
	v6 =	vmul.f32 v6, v3  }
0x271: {  	v9 =	vld [tilespmem:s26+$0x50];
	v5 =	vmul.f32 v5, v3  }
0x272: {  	v1 =	vmul.f32 v1, v3;
	[tilespmem:s26+$0x0] =	vst v6  }
0x273: {  	v2 =	vmul.f32 v2, v3;
	[tilespmem:s26+$0x20] =	vst v5  }
0x274: {  	v7 =	vmul.f32 v7, v3;
	[tilespmem:s26+$0x40] =	vst v1  }
0x275: {  	v57 =	vmov s19;
	[tilespmem:s26+$0x70] =	vst v2;
	v54 =	vmul.f32 v8, v3  }
0x276: {  	v55 =	vmul.f32 v9, v3;
	[tilespmem:s26+$0x30] =	vst v7  }
0x277: {  	v3 =	vmul.f32 v4, v3;
	[tilespmem:s26+$0x60] =	vst v54  }
0x278: {  	[tilespmem:s26+$0x50] =	vst v55  }
0x279: {  	v56 =	vld [tilespmem:s26+$0x80];
	[tilespmem:s26+$0x10] =	vst v3  }
0x27a: {  	v1 =	vld.idx.msk [tilespmem:v57+s28+$0x0], $0xffff  }
0x27b: {  	v2 =	vld [tilespmem:s26+$0x90]  }
0x27c: {  	v3 =	vld [tilespmem:s26+$0xA0]  }
0x27d: {  	v58 =	vld [tilespmem:s26+$0xD0]  }
0x27e: {  	v61 =	vld [tilespmem:s26+$0xE0]  }
0x27f: {  	v59 =	vld [tilespmem:s26+$0xB0];
	v7 =	vmul.f32 v56, v1  }
0x280: {  	v60 =	vld [tilespmem:s26+$0xC0];
	v2 =	vmul.f32 v2, v1  }
0x281: {  	v62 =	vld [tilespmem:s26+$0xF0];
	v3 =	vmul.f32 v3, v1;
	[tilespmem:s26+$0x80] =	vst v7  }
0x282: {  	v4 =	vmul.f32 v58, v1;
	[tilespmem:s26+$0x90] =	vst v2  }
0x283: {  	v63 =	vmul.f32 v61, v1;
	[tilespmem:s26+$0xA0] =	vst v3  }
0x284: {  	v2 =	vmul.f32 v59, v1;
	[tilespmem:s26+$0xD0] =	vst v4  }
0x285: {  	v3 =	vmul.f32 v60, v1;
	[tilespmem:s26+$0xE0] =	vst v63  }
0x286: {  	v1 =	vmul.f32 v62, v1;
	[tilespmem:s26+$0xB0] =	vst v2  }
0x287: {  	[tilespmem:s26+$0xC0] =	vst v3  }
0x288: {  	[tilespmem:s26+$0xF0] =	vst v1  }
0x289: {  	_ =	swait.ge [sflag:s2], $0x50  }
0x28a: {  	[sflag:s2] =	ssyncset.done $0x0  }
0x28b: {  	s25 =	simm.s32 $0x1DAB0;
	s21 =	simm.s32 $0x1B080;
	[sflag:s2] =	ssyncadd.s32 $0xFFFFFFB0  }
0x28c: {  	[spmem:s3] =	stream.indirect.scatter.add.f32 [tilespmem:s21], [sflag:$0x8], $0x80, s25, s11, $0xb8;
	[tilespmem:$0x1DC40] =	vst v63  }
0x28d: {  	_ =	swait.ge [sflag:s20], $0x2800  }
0x28e: {  	p0 =	seq.s32 s29, $0x1E;
	s19 =	rddreg [dreg:$0x13]  }
0x28f: {  	s19 =	sadd.s32 @!p0 s30, s19  }
0x290: {  	s24 =	simm.s32 @!p0 $0x0;
	[sflag:s20] =	ssyncset.done $0x0;
	s19 =	sshrl.u32 @!p0 s19, $0x3  }
0x291: {  	s25 =	simm.s32 @!p0 $0x1D8D0;
	[sflag:s20] =	ssyncadd.s32 $0xFFFFD800;
	s21 =	sadd.s32 @!p0 s5, s19  }
0x292: {  	[tilespmem:s25], [sflag:$0xA] =	stream.linear.gather @!p0 [hbm4b:s21+s24], $0x50, $0x38;
	[tilespmem:$0x1DC40] =	vst v63  }
0x293: {  	s21 =	sadd.s32 @!p0 $0x9C40, s21;
	s25 =	simm.s32 @!p0 $0x1DA10  }
0x294: {  	[tilespmem:s25], [sflag:$0xE] =	stream.linear.gather @!p0 [hbm4b:s21+s24], $0x50, $0x38;
	[tilespmem:$0x1DC40] =	vst v63  }
0x295: {  	s29 =	sadd.s32 $0x1, s29;
	s19 =	sadd.s32 @!p0 s6, s19;
	s21 =	simm.s32 @!p0 $0x1DB50  }
0x296: {  	[tilespmem:s21], [sflag:$0x12] =	stream.linear.gather @!p0 [hbm4b:s19+s24], $0x50, $0x38;
	[tilespmem:$0x1DC40] =	vst v63  }
0x297: {  	p0 =	sne.s32 s29, $0x1F  }
.Ltmp5:
0x298: {  	_ = 	snop;
	(pc) =	sbr.rel @p0 .LBB2_4-.Ltmp5, $4  }
0x299: {  	_ =	swait.ge [sflag:s10], $0x50  }
0x29a: {  	[sflag:s10] =	ssyncset.done $0x0  }
0x29b: {  	s26 =	simm.s32 $0x13880;
	s30 =	simm.s32 $0x1D880;
	[sflag:s10] =	ssyncadd.s32 $0xFFFFFFB0  }
0x29c: {  	[tilespmem:s26], [sflag:$0x1] =	stream.indirect.gather [hbm4b:s1+s11], $0x80, s30, s11, $0xb8;
	[tilespmem:$0x1DC40] =	vst v63  }
0x29d: {  	s19 =	simm.s32 $0x0  }
0x29e: {  	v1 =	vmov s19  }
0x29f: {  	_ =	swait.ge [sflag:s12], $0x2800;
	v1 =	vand.u32 $0xFFFFFFFC, v1  }
0x2a0: {  	[sflag:s12] =	ssyncset.done $0x0;
	v1 =	vbroadcast v1, $0x0  }
0x2a1: {  	[sflag:s12] =	ssyncadd.s32 $0xFFFFD800  }
0x2a2: {  	_ =	swait.ge [sflag:s13], $0x50  }
0x2a3: {  	[sflag:s13] =	ssyncset.done $0x0  }
0x2a4: {  	s26 =	simm.s32 $0x13980;
	[sflag:s13] =	ssyncadd.s32 $0xFFFFFFB0  }
0x2a5: {  	v3 =	vld [tilespmem:s26+$0xFFFFFF70]  }
0x2a6: {  	v1 =	vld.idx.msk [tilespmem:v1+s31+$0x0], $0xffff  }
0x2a7: {  	v4 =	vld [tilespmem:s26+$0xFFFFFF00]  }
0x2a8: {  	v5 =	vld [tilespmem:s26+$0xFFFFFF20]  }
0x2a9: {  	v6 =	vld [tilespmem:s26+$0xFFFFFF30]  }
0x2aa: {  	v2 =	vld [tilespmem:s26+$0xFFFFFF50]  }
0x2ab: {  	v8 =	vld [tilespmem:s26+$0xFFFFFF10];
	v3 =	vmul.f32 v3, v1  }
0x2ac: {  	s29 =	simm.s32 $0x1;
	v7 =	vld [tilespmem:s26+$0xFFFFFF60];
	v4 =	vmul.f32 v4, v1  }
0x2ad: {  	v9 =	vld [tilespmem:s26+$0xFFFFFF40];
	v5 =	vmul.f32 v5, v1;
	[tilespmem:s26+$0xFFFFFF70] =	vst v3;
	v3 =	vmov s29  }
0x2ae: {  	v6 =	vmul.f32 v6, v1;
	[tilespmem:s26+$0xFFFFFF00] =	vst v4;
	v3 =	vand.u32 $0xFFFFFFFD, v3  }
0x2af: {  	v2 =	vmul.f32 v2, v1;
	[tilespmem:s26+$0xFFFFFF20] =	vst v5;
	v3 =	vbroadcast v3, $0x0  }
0x2b0: {  	v4 =	vmul.f32 v8, v1;
	[tilespmem:s26+$0xFFFFFF30] =	vst v6  }
0x2b1: {  	v5 =	vmul.f32 v7, v1;
	[tilespmem:s26+$0xFFFFFF50] =	vst v2  }
0x2b2: {  	v1 =	vmul.f32 v9, v1;
	[tilespmem:s26+$0xFFFFFF10] =	vst v4  }
0x2b3: {  	[tilespmem:s26+$0xFFFFFF60] =	vst v5  }
0x2b4: {  	[tilespmem:s26+$0xFFFFFF40] =	vst v1;
	v1 =	vld [tilespmem:s26+$0xFFFFFF80]  }
0x2b5: {  	v3 =	vld.idx.msk [tilespmem:v3+s31+$0x0], $0xffff  }
0x2b6: {  	v2 =	vld [tilespmem:s26+$0xFFFFFFA0]  }
0x2b7: {  	v4 =	vld [tilespmem:s26+$0xFFFFFF90]  }
0x2b8: {  	v5 =	vld [tilespmem:s26+$0xFFFFFFD0]  }
0x2b9: {  	v6 =	vld [tilespmem:s26+$0xFFFFFFE0]  }
0x2ba: {  	v7 =	vld [tilespmem:s26+$0xFFFFFFF0];
	v1 =	vmul.f32 v1, v3  }
0x2bb: {  	s30 =	simm.s32 $0x2;
	v8 =	vld [tilespmem:s26+$0xFFFFFFB0];
	v2 =	vmul.f32 v2, v3  }
0x2bc: {  	v63 =	vld [tilespmem:s26+$0xFFFFFFC0];
	v4 =	vmul.f32 v4, v3;
	[tilespmem:s26+$0xFFFFFF80] =	vst v1;
	v1 =	vmov s30  }
0x2bd: {  	v5 =	vmul.f32 v5, v3;
	[tilespmem:s26+$0xFFFFFFA0] =	vst v2;
	v1 =	vand.u32 $0xFFFFFFFE, v1  }
0x2be: {  	v2 =	vmul.f32 v6, v3;
	[tilespmem:s26+$0xFFFFFF90] =	vst v4;
	v4 =	vbroadcast v1, $0x0  }
0x2bf: {  	v6 =	vmul.f32 v7, v3;
	[tilespmem:s26+$0xFFFFFFD0] =	vst v5;
	v7 =	vld [tilespmem:s26+$0x30]  }
0x2c0: {  	v5 =	vmul.f32 v8, v3;
	v1 =	vld [tilespmem:s26+$0x40];
	[tilespmem:s26+$0xFFFFFFE0] =	vst v2  }
0x2c1: {  	v3 =	vmul.f32 v63, v3;
	v2 =	vld [tilespmem:s26+$0x70];
	[tilespmem:s26+$0xFFFFFFF0] =	vst v6  }
0x2c2: {  	[tilespmem:s26+$0xFFFFFFB0] =	vst v5;
	v5 =	vld [tilespmem:s26+$0x20]  }
0x2c3: {  	[tilespmem:s26+$0xFFFFFFC0] =	vst v3;
	v6 =	vld [tilespmem:s26+$0x0]  }
0x2c4: {  	v3 =	vld.idx.msk [tilespmem:v4+s31+$0x0], $0xffff  }
0x2c5: {  	s21 =	simm.s32 $0x7;
	s24 =	simm.s32 $0x13980;
	s19 =	simm.s32 $0x3;
	v4 =	vld [tilespmem:s26+$0x10]  }
.LBB2_14:
0x2c6: {  	p0 =	sne.s32 s21, $0x4F  }
0x2c7: {  	v8 =	vld [tilespmem:s26+$0x50];
	s24 =	sadd.s32 $0x200, s24;
	s25 =	smov.u32 s21;
	s21 =	sadd.s32 $0x4, s21  }
0x2c8: {  	v9 =	vld [tilespmem:s26+$0x60];
	_ =	sdelay $0x1  }
0x2c9: {  	v6 =	vmul.f32 v6, v3;
	v4 =	vmul.f32 v4, v3  }
0x2ca: {  	v5 =	vmul.f32 v5, v3;
	v7 =	vmul.f32 v7, v3  }
0x2cb: {  	v1 =	vmul.f32 v1, v3;
	v2 =	vmul.f32 v2, v3;
	[tilespmem:s26+$0x0] =	vst v6  }
0x2cc: {  	[tilespmem:s26+$0x20] =	vst v5;
	v5 =	vmul.f32 v8, v3;
	v3 =	vmul.f32 v9, v3  }
0x2cd: {  	[tilespmem:s26+$0x30] =	vst v7;
	v6 =	vld [tilespmem:s26+$0x80]  }
0x2ce: {  	[tilespmem:s26+$0x60] =	vst v3;
	v3 =	vmov s19;
	v7 =	vld [tilespmem:s26+$0xD0];
	s19 =	smov.u32 s25  }
0x2cf: {  	[tilespmem:s26+$0x50] =	vst v5;
	v5 =	vld [tilespmem:s26+$0xE0]  }
0x2d0: {  	[tilespmem:s26+$0x40] =	vst v1;
	v8 =	vld [tilespmem:s26+$0xB0]  }
0x2d1: {  	v1 =	vld [tilespmem:s24+$0x40];
	[tilespmem:s26+$0x70] =	vst v2  }
0x2d2: {  	v2 =	vld [tilespmem:s24+$0x70];
	[tilespmem:s26+$0x10] =	vst v4  }
0x2d3: {  	v3 =	vld.idx.msk [tilespmem:v3+s31+$0x0], $0xffff  }
0x2d4: {  	v4 =	vld [tilespmem:s26+$0x90]  }
0x2d5: {  	v9 =	vld [tilespmem:s26+$0xA0]  }
0x2d6: {  	v10 =	vld [tilespmem:s26+$0xC0]  }
0x2d7: {  	v11 =	vld [tilespmem:s26+$0xF0];
	_ =	sdelay $0x1  }
0x2d8: {  	v6 =	vmul.f32 v6, v3;
	v4 =	vmul.f32 v4, v3  }
0x2d9: {  	s25 =	sadd.s32 $0xFFFFFFFD, s19;
	v8 =	vmul.f32 v8, v3;
	v9 =	vmul.f32 v9, v3  }
0x2da: {  	v12 =	vmov s25;
	v7 =	vmul.f32 v7, v3;
	[tilespmem:s26+$0x80] =	vst v6;
	v6 =	vmul.f32 v10, v3  }
0x2db: {  	v10 =	vand.u32 $0xFFFFFFFC, v12;
	[tilespmem:s26+$0x90] =	vst v4;
	v4 =	vmul.f32 v5, v3;
	v3 =	vmul.f32 v11, v3  }
0x2dc: {  	v5 =	vbroadcast v10, $0x0;
	[tilespmem:s26+$0xA0] =	vst v9  }
0x2dd: {  	[tilespmem:s26+$0xD0] =	vst v7  }
0x2de: {  	v7 =	vld [tilespmem:s24+$0xFFFFFF50];
	[tilespmem:s26+$0xB0] =	vst v8  }
0x2df: {  	v8 =	vld [tilespmem:s24+$0xFFFFFF30];
	[tilespmem:s26+$0xC0] =	vst v6  }
0x2e0: {  	v6 =	vld [tilespmem:s24+$0xFFFFFF60];
	[tilespmem:s26+$0xE0] =	vst v4  }
0x2e1: {  	v4 =	vld [tilespmem:s24+$0xFFFFFF70];
	[tilespmem:s26+$0xF0] =	vst v3;
	s26 =	smov.u32 s24  }
0x2e2: {  	v3 =	vld.idx.msk [tilespmem:v5+s31+$0x0], $0xffff  }
0x2e3: {  	v5 =	vld [tilespmem:s24+$0xFFFFFF00]  }
0x2e4: {  	v9 =	vld [tilespmem:s24+$0xFFFFFF20]  }
0x2e5: {  	v10 =	vld [tilespmem:s24+$0xFFFFFF10]  }
0x2e6: {  	v11 =	vld [tilespmem:s24+$0xFFFFFF40];
	_ =	sdelay $0x1  }
0x2e7: {  	v4 =	vmul.f32 v4, v3;
	v5 =	vmul.f32 v5, v3  }
0x2e8: {  	s25 =	sadd.s32 $0xFFFFFFFE, s19;
	v6 =	vmul.f32 v6, v3;
	v9 =	vmul.f32 v9, v3  }
0x2e9: {  	v8 =	vmul.f32 v8, v3;
	v10 =	vmul.f32 v10, v3;
	[tilespmem:s24+$0xFFFFFF70] =	vst v4;
	v4 =	vmov s25  }
0x2ea: {  	[tilespmem:s24+$0xFFFFFF00] =	vst v5;
	v5 =	vmul.f32 v11, v3;
	v3 =	vmul.f32 v7, v3;
	v4 =	vand.u32 $0xFFFFFFFD, v4  }
0x2eb: {  	[tilespmem:s24+$0xFFFFFF20] =	vst v9;
	v4 =	vbroadcast v4, $0x0  }
0x2ec: {  	[tilespmem:s24+$0xFFFFFF30] =	vst v8  }
0x2ed: {  	[tilespmem:s24+$0xFFFFFF50] =	vst v3;
	v3 =	vld [tilespmem:s24+$0xFFFFFFF0]  }
0x2ee: {  	[tilespmem:s24+$0xFFFFFF10] =	vst v10;
	v7 =	vld [tilespmem:s24+$0xFFFFFFD0]  }
0x2ef: {  	[tilespmem:s24+$0xFFFFFF60] =	vst v6;
	v6 =	vld [tilespmem:s24+$0xFFFFFFB0]  }
0x2f0: {  	[tilespmem:s24+$0xFFFFFF40] =	vst v5;
	v5 =	vld [tilespmem:s24+$0xFFFFFF90]  }
0x2f1: {  	v4 =	vld.idx.msk [tilespmem:v4+s31+$0x0], $0xffff  }
0x2f2: {  	v8 =	vld [tilespmem:s24+$0xFFFFFF80]  }
0x2f3: {  	v9 =	vld [tilespmem:s24+$0xFFFFFFA0]  }
0x2f4: {  	v10 =	vld [tilespmem:s24+$0xFFFFFFC0]  }
0x2f5: {  	v11 =	vld [tilespmem:s24+$0xFFFFFFE0];
	_ =	sdelay $0x1  }
0x2f6: {  	v5 =	vmul.f32 v5, v4;
	v8 =	vmul.f32 v8, v4  }
0x2f7: {  	s25 =	sadd.s32 $0xFFFFFFFF, s19;
	v6 =	vmul.f32 v6, v4;
	v9 =	vmul.f32 v9, v4  }
0x2f8: {  	v7 =	vmul.f32 v7, v4;
	[tilespmem:s24+$0xFFFFFF80] =	vst v8;
	v8 =	vmul.f32 v10, v4;
	v10 =	vmov s25  }
0x2f9: {  	v3 =	vmul.f32 v3, v4;
	[tilespmem:s24+$0xFFFFFFA0] =	vst v9;
	v9 =	vmul.f32 v11, v4;
	v4 =	vand.u32 $0xFFFFFFFE, v10  }
0x2fa: {  	[tilespmem:s24+$0xFFFFFF90] =	vst v5;
	v4 =	vbroadcast v4, $0x0  }
0x2fb: {  	[tilespmem:s24+$0xFFFFFFD0] =	vst v7  }
0x2fc: {  	[tilespmem:s24+$0xFFFFFFE0] =	vst v9  }
0x2fd: {  	[tilespmem:s24+$0xFFFFFFB0] =	vst v6  }
.Ltmp6:
0x2fe: {  	[tilespmem:s24+$0xFFFFFFF0] =	vst v3;
	v5 =	vld [tilespmem:s24+$0x20];
	(pc) =	sbr.rel @p0 .LBB2_14-.Ltmp6, $4  }
0x2ff: {  	[tilespmem:s24+$0xFFFFFFC0] =	vst v8;
	v6 =	vld [tilespmem:s24+$0x0]  }
0x300: {  	v3 =	vld.idx.msk [tilespmem:v4+s31+$0x0], $0xffff  }
0x301: {  	v4 =	vld [tilespmem:s24+$0x10]  }
0x302: {  	v7 =	vld [tilespmem:s24+$0x30]  }
0x303: {  	_ =	sdelay $0x1  }
0x304: {  	v8 =	vld [tilespmem:s26+$0x60];
	v6 =	vmul.f32 v6, v3  }
0x305: {  	v9 =	vld [tilespmem:s26+$0x50];
	v5 =	vmul.f32 v5, v3  }
0x306: {  	v1 =	vmul.f32 v1, v3;
	[tilespmem:s26+$0x0] =	vst v6  }
0x307: {  	v2 =	vmul.f32 v2, v3;
	[tilespmem:s26+$0x20] =	vst v5  }
0x308: {  	v7 =	vmul.f32 v7, v3;
	[tilespmem:s26+$0x40] =	vst v1  }
0x309: {  	v57 =	vmov s19;
	[tilespmem:s26+$0x70] =	vst v2;
	v54 =	vmul.f32 v8, v3  }
0x30a: {  	v55 =	vmul.f32 v9, v3;
	[tilespmem:s26+$0x30] =	vst v7  }
0x30b: {  	v3 =	vmul.f32 v4, v3;
	[tilespmem:s26+$0x60] =	vst v54  }
0x30c: {  	[tilespmem:s26+$0x50] =	vst v55  }
0x30d: {  	v56 =	vld [tilespmem:s26+$0x80];
	[tilespmem:s26+$0x10] =	vst v3  }
0x30e: {  	v1 =	vld.idx.msk [tilespmem:v57+s31+$0x0], $0xffff  }
0x30f: {  	v2 =	vld [tilespmem:s26+$0x90]  }
0x310: {  	v3 =	vld [tilespmem:s26+$0xA0]  }
0x311: {  	v58 =	vld [tilespmem:s26+$0xD0]  }
0x312: {  	v61 =	vld [tilespmem:s26+$0xE0]  }
0x313: {  	v59 =	vld [tilespmem:s26+$0xB0];
	v7 =	vmul.f32 v56, v1  }
0x314: {  	v60 =	vld [tilespmem:s26+$0xC0];
	v2 =	vmul.f32 v2, v1  }
0x315: {  	v62 =	vld [tilespmem:s26+$0xF0];
	v3 =	vmul.f32 v3, v1;
	[tilespmem:s26+$0x80] =	vst v7  }
0x316: {  	v4 =	vmul.f32 v58, v1;
	[tilespmem:s26+$0x90] =	vst v2  }
0x317: {  	v63 =	vmul.f32 v61, v1;
	[tilespmem:s26+$0xA0] =	vst v3  }
0x318: {  	v2 =	vmul.f32 v59, v1;
	[tilespmem:s26+$0xD0] =	vst v4  }
0x319: {  	v3 =	vmul.f32 v60, v1;
	[tilespmem:s26+$0xE0] =	vst v63  }
0x31a: {  	v1 =	vmul.f32 v62, v1;
	[tilespmem:s26+$0xB0] =	vst v2  }
0x31b: {  	[tilespmem:s26+$0xC0] =	vst v3  }
0x31c: {  	[tilespmem:s26+$0xF0] =	vst v1  }
0x31d: {  	_ =	swait.ge [sflag:s14], $0x50  }
0x31e: {  	s30 =	simm.s32 $0x13880;
	[sflag:s14] =	ssyncset.done $0x0  }
0x31f: {  	s21 =	simm.s32 $0x1D9C0;
	s24 =	simm.s32 $0x7;
	[sflag:s14] =	ssyncadd.s32 $0xFFFFFFB0  }
0x320: {  	[spmem:s3] =	stream.indirect.scatter.add.f32 [tilespmem:s30], [sflag:$0x5], $0x80, s21, s11, $0xb8;
	[tilespmem:$0x1DC40] =	vst v63  }
0x321: {  	_ =	swait.ge [sflag:s24], $0x2800  }
0x322: {  	[sflag:s24] =	ssyncset.done $0x0  }
0x323: {  	s25 =	simm.s32 $0x8;
	[sflag:s24] =	ssyncadd.s32 $0xFFFFD800  }
0x324: {  	_ =	swait.ge [sflag:s25], $0x2800  }
0x325: {  	[sflag:s25] =	ssyncset.done $0x0  }
0x326: {  	[sflag:s25] =	ssyncadd.s32 $0xFFFFD800  }
0x327: {  	_ =	swait.ge [sflag:s15], $0x2800  }
0x328: {  	[sflag:s15] =	ssyncset.done $0x0  }
0x329: {  	[sflag:s15] =	ssyncadd.s32 $0xFFFFD800  }
0x32a: {  	s26 =	stileid.u32;
	[bflag:$0x0] =	sbarrier.arrive $0xFFFF  }
0x32b: {  	s29 =	simm.s32 $0x15;
	s19 =	sshll.u32 s26, $0x6;
	s25 =	rddreg [dreg:$0x4]  }
0x32c: {  	s19 =	sor.u32 $0x1C15, s19;
	s24 =	rddreg [dreg:$0x14];
	s30 =	sshrl.u32 s25, $0x3  }
0x32d: {  	[hbm:s24], [sflag:s19] =	dma.local [spmem:s30], $0x2710  }
0x32e: {  	_ =	swait.ge [sflag:s29], $0x2710  }
0x32f: {  	s26 =	rddreg [dreg:$0x16]  }
0x330: {  	s30 =	rddreg [dreg:$0x15];
	s21 =	sadd.s32 $0x1, s26  }
0x331: {  	p0 =	sne.s32 s21, s30  }
.Ltmp7:
0x332: {  	_ = 	snop;
	(pc) =	sbr.rel @p0 .LBB2_1-.Ltmp7, $3  }
0x333: {  	_ =	sdelay $0x1  }
0x334: {  	[sflag:s29] =	ssyncset.done $0x0  }
0x335: {  	[sflag:s29] =	ssyncadd.s32 $0xFFFFD8F0  }
0x336: {  	_ =	sfence.sel $0x180000  }
0x337: {  	[bflag:$0x0] =	sbarrier.arrive $0xFFFF  }
0x338: {  	_ =	strace $0x9000004A  }
0x339: {  	s0 =	stileid.u32;
	[bflag:$0x2] =	sbarrier.arrive $0xFFFF  }
0x33a: {  	p0 =	sne.s32 s0, $0x0;
	s0 =	rddreg [dreg:$0x3]  }
0x33b: {  	s0 =	sadd.s32 @!p0 $0x100000, s0  }
0x33c: {  	[sflag:s0] =	ssyncadd.tile.s32 @!p0 $0x1;
	_ =	shalt  }
.Lfunc_end2:
_tile_overlayer_lowered:
.L_overlay_start_2:
0x33d: {  	(tag) =	ssettag $0x2  }
0x33e: {  	s0 =	rddreg [dreg:$0x0];
	s2 =	stileid.u32  }
0x33f: {  	s1 =	rddreg [dreg:$0x1];
	p0 =	sne.s32 s2, $0x0  }
0x340: {  	s3 =	rddreg [dreg:$0x2];
	[bflag:$0x3] =	sbarrier.arrive $0xFFFF;
	s2 =	simm.s32 @!p0 $0x1C15  }
0x341: {  	[timem:s3], [sflag:s2] =	dma.local @!p0 [hbm:s0], s1  }
0x342: {  	s0 =	simm.s32 @!p0 $0x15  }
0x343: {  	_ =	swait.ge @!p0 [sflag:s0], s1  }
0x344: {  	s1 =	ssub.s32 @!p0 $0x0, s1;
	[sflag:s0] =	ssyncset.done @!p0 $0x0  }
0x345: {  	[sflag:s0] =	ssyncadd.s32 @!p0 s1  }
0x346: {  	[bflag:$0x3] =	sbarrier.arrive $0xFFFF  }
0x347: {  	_ =	shalt  }

// kernel: kernel.7.cloned.1.call-start
scs
__scs_entry_jumppad:
0x0: {  	(pc) =	sbr.rel $0x88, $3  }
0x1: {  	(tag) =	ssettag $0x0;
	lr =	simm.s32 $0x1  }
0x2: {  	[smem:$0x3F9C] =	sst lr;
	_ =	strace $0xD0000000  }
0x3: {  	_ = 	snop  }
0x4: {  	_ = 	snop  }
0x5: {  	_ = 	snop  }
0x6: {  	_ = 	snop  }
0x7: {  	_ = 	snop  }
__scs_overlays_trampoline_lowered:
0x8: {  	[smem:$0x3FAB] =	sst s0  }
0x9: {  	[smem:$0x3FAC] =	sst s1  }
0xa: {  	[smem:$0x3FAD] =	sst s2  }
0xb: {  	[smem:$0x3FAE] =	sst s3  }
0xc: {  	[smem:$0x3FAF] =	sst s4  }
0xd: {  	[smem:$0x3FB0] =	sst s5  }
0xe: {  	[smem:$0x3FB1] =	sst s6  }
0xf: {  	[smem:$0x3FB2] =	sst s7  }
0x10: {  	[smem:$0x3FB3] =	sst s8  }
0x11: {  	[smem:$0x3FB4] =	sst s9;
	s0 =	simm.s32 @!p0 $0x0  }
0x12: {  	s1 =	sld [smem:$0x3F9A];
	s0 =	simm.s32 @p0 $0x1  }
0x13: {  	[smem:$0x3FB5] =	sst s0;
	s0 =	simm.s32 @!p1 $0x0  }
0x14: {  	s2 =	sld [smem:$0x3F99];
	s0 =	simm.s32 @p1 $0x1  }
0x15: {  	[smem:$0x3FB6] =	sst s0;
	s0 =	simm.s32 @!p2 $0x0  }
0x16: {  	s3 =	sld [smem:$0x3FDB];
	s0 =	simm.s32 @p2 $0x1  }
0x17: {  	s4 =	simm.s32 $0x1BF5;
	[smem:$0x3FB8] =	sst s0  }
0x18: {  	s0 =	sld [smem:$0x3F9B];
	_ =	swait.ge [sflag:s4], $0x0  }
0x19: {  	s7 =	sld [smem:$0x3F9C]  }
0x1a: {  	s8 =	sadd.s32 $0xFFFFE003, lr  }
0x1b: {  	s9 =	sadd.s32 $0xFFFFFEF7, lr;
	s5 =	simm.s32 $0xFFFFFFFF;
	p2 =	slt.u32 s8, $0xFFFFF086  }
0x1c: {  	p1 =	slt.u32 s9, $0xF7A;
	s5 =	simm.s32 @!p2 $0x0  }
0x1d: {  	s5 =	simm.s32 @p1 $0x1;
	p0 =	seq.s32 s7, s2  }
0x1e: {  	s7 =	smul.u32 @!p0 $0xF7A, s2;
	p2 =	seq.s32 @!p0 s5, $0x0  }
0x1f: {  	s9 =	smul.u32 $0xF7A, s1;
	s8 =	simm.s32 @!p0 $0x1BF5;
	p2 =	por !p2, p0  }
0x20: {  	[sflag:s8] =	ssyncset.s32 @!p0 $0xFFFFF086;
	s6 =	sadd.s32 @!p0 s3, s7;
	s7 =	simm.s32 @!p0 $0x108  }
0x21: {  	s3 =	sadd.s32 s3, s9;
	s6 =	sadd.s32 @!p0 $0x88, s6;
	s7 =	simm.s32 @p2 $0x1082  }
0x22: {  	[simem:s7], [sflag:s8] =	dma.local @!p0 [hbm:s6], $0xF7A  }
0x23: {  	s9 =	sor.u32 $0xD0000000, s2;
	s6 =	simm.s32 $0x108;
	_ =	swait.ge @!p0 [sflag:s8], $0x0  }
0x24: {  	s3 =	sadd.s32 $0x88, s3;
	s6 =	simm.s32 @!p1 $0x1082;
	[sflag:s4] =	ssyncset.s32 $0xFFFFF086  }
0x25: {  	[simem:s6], [sflag:s4] =	dma.local [hbm:s3], $0xF7A  }
0x26: {  	[smem:$0x3F9C] =	sst s1;
	(tag) =	ssettag s2;
	_ =	strace s9  }
0x27: {  	s1 =	sld [smem:$0x3FAC]  }
0x28: {  	s2 =	sld [smem:$0x3FAD]  }
0x29: {  	s4 =	sld [smem:$0x3FAF]  }
0x2a: {  	p0 =	seq.s32 s5, $0x0;
	s5 =	sld [smem:$0x3FB0]  }
0x2b: {  	s6 =	sld [smem:$0x3FB1]  }
0x2c: {  	s7 =	sld [smem:$0x3FB2]  }
0x2d: {  	s3 =	simm.s32 $0x108;
	s8 =	sld [smem:$0x3FB3]  }
0x2e: {  	s3 =	simm.s32 @!p0 $0x1082;
	s9 =	sld [smem:$0x3FB4]  }
0x2f: {  	lr =	sadd.s32 s0, s3;
	s0 =	sld [smem:$0x3FAB]  }
0x30: {  	s3 =	sld [smem:$0x3FAE]  }
0x31: {  	[smem:$0x3FB7] =	sst s10  }
0x32: {  	s10 =	sld [smem:$0x3FB5];
	_ =	sdelay $0x3  }
0x33: {  	p0 =	seq.s32 s10, $0x1;
	s10 =	sld [smem:$0x3FB7];
	_ =	sdelay $0x3  }
0x34: {  	[smem:$0x3FB7] =	sst s10  }
0x35: {  	s10 =	sld [smem:$0x3FB6];
	_ =	sdelay $0x3  }
0x36: {  	p1 =	seq.s32 s10, $0x1;
	s10 =	sld [smem:$0x3FB7];
	_ =	sdelay $0x3  }
0x37: {  	[smem:$0x3FB7] =	sst s10  }
0x38: {  	s10 =	sld [smem:$0x3FB8]  }
0x39: {  	_ = 	snop;
	(pc) =	sbr.ind lr, $3  }
0x3a: {  	_ = 	snop  }
0x3b: {  	_ = 	snop  }
0x3c: {  	p2 =	seq.s32 s10, $0x1;
	s10 =	sld [smem:$0x3FB7]  }
0x3d: {  	_ =	shalt  }
0x3e: {  	_ =	shalt  }
0x3f: {  	_ =	shalt  }
0x40: {  	_ =	shalt  }
0x41: {  	_ =	shalt  }
0x42: {  	_ =	shalt  }
0x43: {  	_ =	shalt  }
0x44: {  	_ =	shalt  }
0x45: {  	_ =	shalt  }
0x46: {  	_ =	shalt  }
0x47: {  	_ =	shalt  }
0x48: {  	_ =	shalt  }
0x49: {  	_ =	shalt  }
0x4a: {  	_ =	shalt  }
0x4b: {  	_ =	shalt  }
0x4c: {  	_ =	shalt  }
0x4d: {  	_ =	shalt  }
0x4e: {  	_ =	shalt  }
0x4f: {  	_ =	shalt  }
0x50: {  	_ =	shalt  }
0x51: {  	_ =	shalt  }
0x52: {  	_ =	shalt  }
0x53: {  	_ =	shalt  }
0x54: {  	_ =	shalt  }
0x55: {  	_ =	shalt  }
0x56: {  	_ =	shalt  }
0x57: {  	_ =	shalt  }
0x58: {  	_ =	shalt  }
0x59: {  	_ =	shalt  }
0x5a: {  	_ =	shalt  }
0x5b: {  	_ =	shalt  }
0x5c: {  	_ =	shalt  }
0x5d: {  	_ =	shalt  }
0x5e: {  	_ =	shalt  }
0x5f: {  	_ =	shalt  }
0x60: {  	_ =	shalt  }
0x61: {  	_ =	shalt  }
0x62: {  	_ =	shalt  }
0x63: {  	_ =	shalt  }
0x64: {  	_ =	shalt  }
0x65: {  	_ =	shalt  }
0x66: {  	_ =	shalt  }
0x67: {  	_ =	shalt  }
0x68: {  	_ =	shalt  }
0x69: {  	_ =	shalt  }
0x6a: {  	_ =	shalt  }
0x6b: {  	_ =	shalt  }
0x6c: {  	_ =	shalt  }
0x6d: {  	_ =	shalt  }
0x6e: {  	_ =	shalt  }
0x6f: {  	_ =	shalt  }
0x70: {  	_ =	shalt  }
0x71: {  	_ =	shalt  }
0x72: {  	_ =	shalt  }
0x73: {  	_ =	shalt  }
0x74: {  	_ =	shalt  }
0x75: {  	_ =	shalt  }
0x76: {  	_ =	shalt  }
0x77: {  	_ =	shalt  }
0x78: {  	_ =	shalt  }
0x79: {  	_ =	shalt  }
0x7a: {  	_ =	shalt  }
0x7b: {  	_ =	shalt  }
0x7c: {  	_ =	shalt  }
0x7d: {  	_ =	shalt  }
0x7e: {  	_ =	shalt  }
0x7f: {  	_ =	shalt  }
0x80: {  	_ =	shalt  }
0x81: {  	_ =	shalt  }
0x82: {  	_ =	shalt  }
0x83: {  	_ =	shalt  }
0x84: {  	_ =	shalt  }
0x85: {  	_ =	shalt  }
0x86: {  	_ =	shalt  }
0x87: {  	_ =	shalt  }
.Lfunc_end0:
.L_simem_size_0:
called_computation_lowered:
.L_overlay_start_0:
0x88: {  	s2 =	sld [smem:$0x3FD9]  }
0x89: {  	s3 =	sld [smem:$0x3FFE];
	_ =	sdelay $0x1  }
0x8a: {  	s1 =	srdreg.scid  }
0x8b: {  	s0 =	sand.u32 $0x1, s1  }
0x8c: {  	s17 =	sshll.u32 s0, $0xA;
	s2 =	sadd.s32 s3, s2  }
0x8d: {  	s2 =	sadd.s32 s2, s17  }
0x8e: {  	[smem:$0x3FC3] =	sst s2  }
0x8f: {  	_ = 	snop  }
0x90: {  	s2 =	sld [smem:$0x3FD0];
	(tm) =	ssettm $0x1  }
0x91: {  	s18 =	sld [smem:$0x3FFB];
	_ =	sdelay $0x3  }
0x92: {  	_ =	strace s18  }
0x93: {  	s3 =	sld [smem:$0x3FFC];
	_ =	sdelay $0x3  }
0x94: {  	_ =	strace s3  }
0x95: {  	s3 =	sld [smem:$0x3FFD];
	_ =	sdelay $0x3  }
0x96: {  	_ =	strace s3  }
0x97: {  	_ =	strace $0x8FFFFFFF  }
0x98: {  	s19 =	sld [smem:$0x3FDB];
	_ =	sdelay $0x1  }
0x99: {  	s4 =	simm.s32 $_scs_section_size  }
0x9a: {  	s5 =	simm.s32 $_size__tile_overlayer_lowered;
	s6 =	simm.s32 $_tile_overlayer_lowered  }
0x9b: {  	s22 =	simm.s32 $0x1BFF;
	s21 =	sshll.u32 s6, $0x1;
	s3 =	sadd.s32 s4, s19  }
0x9c: {  	s7 =	simm.s32 $0x0;
	s20 =	sshll.u32 s5, $0x1;
	s5 =	sadd.s32 s21, s3  }
0x9d: {  	[timem:s7], [sflag:s22] =	dma.local [hbm:s5], s20  }
0x9e: {  	_ =	swait.ge [sflag:s22], s20  }
0x9f: {  	s4 =	ssub.s32 $0x0, s20;
	[sflag:s22] =	ssyncset.done $0x0  }
0xa0: {  	[sflag:s22] =	ssyncadd.s32 s4;
	_ =	sdelay $0x1  }
0xa1: {  	s23 =	simm.s32 $0x1B8B  }
0xa2: {  	_ =	swait.ge [sflag:s23], $0x1  }
0xa3: {  	[sflag:s23] =	ssyncset.done $0x0  }
0xa4: {  	s25 =	simm.s32 $0x1B8E;
	s24 =	sld [smem:$0x3FFE];
	[sflag:s23] =	ssyncadd.s32 $0xFFFFFFFF  }
0xa5: {  	s26 =	simm.s32 $execute0_lowered;
	[smem:$0x3FD2] =	sst s25  }
0xa6: {  	s5 =	sshll.u32 s26, $0x1;
	_ =	strace $0x80000046;
	[dreg:$0x1] =	wrdreg $0xFFFFFFFF  }
0xa7: {  	s28 =	simm.s32 $_size_execute0_lowered;
	s3 =	sadd.s32 s3, s5;
	[dreg:$0x0] =	wrdreg $0x0  }
0xa8: {  	s5 =	sshll.u32 s28, $0x1;
	[dreg:$0x2] =	wrdreg s3  }
0xa9: {  	[dreg:$0x3] =	wrdreg s5  }
0xaa: {  	[dreg:$0x4] =	wrdreg $0xC0  }
0xab: {  	_ =	task [dreg:s7], $0x5FFFF  }
0xac: {  	[dreg:$0x1] =	wrdreg $0xFFFFFFFF  }
0xad: {  	[dreg:$0x0] =	wrdreg $0x60  }
0xae: {  	[dreg:$0x2] =	wrdreg s24  }
0xaf: {  	[dreg:$0x3] =	wrdreg s2  }
0xb0: {  	[dreg:$0x4] =	wrdreg $0x9  }
0xb1: {  	_ =	task.clear_ibuf [dreg:s7], $0x5FFFF;
	_ =	strace $0x90000046  }
0xb2: {  	s29 =	simm.s32 $0x9;
	_ =	strace $0x80000048  }
0xb3: {  	_ =	swait.ge [sflag:s29], $0x1  }
0xb4: {  	[sflag:s29] =	ssyncadd.s32 $0xFFFFFFFF  }
0xb5: {  	_ =	strace $0x90000048  }
0xb6: {  	_ =	sfence  }
0xb7: {  	s30 =	sld [smem:$0x0];
	_ =	sdelay $0x2  }
0xb8: {  	s31 =	sshll.u32 s1, $0xD;
	s1 =	sshrl.u32 s1, $0x2  }
0xb9: {  	s3 =	sand.u32 $0x4000, s31;
	s1 =	sadd.s32 s1, s30  }
0xba: {  	s0 =	sor.u32 s3, s0;
	s1 =	sshll.u32 s1, $0x11  }
0xbb: {  	s0 =	sor.u32 s1, s0  }
0xbc: {  	s0 =	sadd.s32 $0x8F2B, s0  }
0xbd: {  	[sflag:s0] =	ssyncadd.remote.s32 $0x1  }
0xbe: {  	_ =	sfence.sel $0xFFFF  }
0xbf: {  	[dreg:$0x0] =	wrdreg $0xFFFFFFFF;
	(pc) =	sbr.abs _section_cstart, $3  }
0xc0: {  	[dreg:$0x1] =	wrdreg $0xFFFFFFFF  }
0xc1: {  	_ =	task.clear_ibuf [dreg:s7], $0x2FFFF;
	_ =	strace $0x9FFFFFFF  }
0xc2: {  	(tm) =	ssettm $0x7FFFFFFF  }
0xc3: {  	_ =	shalt  }
tec
execute0_lowered:
.L_overlay_start_1:
0x0: {  	(tag) =	ssettag $0x1  }
0x1: {  	s0 =	srdreg.scid;
	s3 =	rddreg [dreg:$0x0]  }
0x2: {  	s6 =	rddreg [dreg:$0x1];
	s4 =	sand.u32 $0x1, s0  }
0x3: {  	s1 =	stileid.u32;
	s2 =	simm.s32 $0x0;
	s5 =	sshll.u32 s4, $0x4  }
0x4: {  	s10 =	simm.s32 $0x4E20;
	s11 =	simm.s32 $0x7530;
	s5 =	sor.u32 s1, s5  }
0x5: {  	s12 =	simm.s32 $0x0;
	s0 =	rddreg [dreg:$0x2];
	s5 =	smul.u32 $0x2710, s5  }
0x6: {  	[smem:$0x7FF] =	sst s2;
	s7 =	sadd.s32 $0x1800, s3;
	s4 =	ssub.s32 $0x2, s4  }
0x7: {  	_ =	strace $0x80000047;
	s31 =	sshrl.u32 s4, $0x1;
	s5 =	sshrl.u32 s5, $0x3  }
0x8: {  	s8 =	ssub.s32 s4, s31;
	s3 =	sadd.s32 s7, s5;
	s9 =	sadd.s32 $0x9C40, s5  }
0x9: {  	s5 =	sadd.s32 s6, s5;
	s4 =	sadd.s32 s7, s9;
	s6 =	sadd.s32 s6, s9  }
0xa: {  	v0 =	vimm.f32 $0.0e+00;
	v1 =	vimm.f32 $1.000000000e+00;
	s7 =	smax.u32 s8, $0x1;
	s8 =	simm.s32 $0x1;
	s9 =	simm.s32 $0x2710  }
.LBB2_1:
0xb: {  	[tilespmem:s2], [sflag:$0x1] =	stream.linear.gather [hbm4b:s3+s2], $0x2710, $0x38;
	[tilespmem:$0x9C40] =	vst v63  }
0xc: {  	_ =	swait.ge [sflag:s8], $0x2710  }
0xd: {  	[sflag:s8] =	ssyncset.done $0x0  }
0xe: {  	[sflag:s8] =	ssyncadd.s32 $0xFFFFD8F0  }
0xf: {  	[tilespmem:s9], [sflag:$0x1] =	stream.linear.gather [hbm4b:s4+s2], $0x2710, $0x38;
	[tilespmem:$0x9C40] =	vst v63  }
0x10: {  	_ =	swait.ge [sflag:s8], $0x2710  }
0x11: {  	[sflag:s8] =	ssyncset.done $0x0  }
0x12: {  	s13 =	simm.s32 $0x0;
	[sflag:s8] =	ssyncadd.s32 $0xFFFFD8F0  }
.LBB2_2:
0x13: {  	p0 =	sne.s32 s13, $0x9C00  }
.Ltmp0:
0x14: {  	_ = 	snop;
	(pc) =	sbr.rel @p0 .LBB2_2-.Ltmp0, $4  }
0x15: {  	_ = 	snop  }
0x16: {  	s14 =	sshra.s32 s13, $0x2  }
0x17: {  	[tilespmem:s14+$0x4E20] =	vst v0  }
0x18: {  	s13 =	sadd.s32 $0x40, s13;
	[tilespmem:s14+$0x7530] =	vst v0  }
0x19: {  	s14 =	simm.s32 $0x0;
	s13 =	simm.s32 $0x40  }
.LBB2_4:
0x1a: {  	p0 =	sne.s32 s13, $0x9C00;
	v2 =	vld [tilespmem:s14+$0x0];
	_ =	sdelay $0x7  }
0x1b: {  	[tilespmem:v2+s10+$0x0] =	vst.idx.add.f32.msk $0xffff, v1  }
0x1c: {  	v2 =	vld [tilespmem:s14+$0x2710];
	_ =	sdelay $0x3  }
.Ltmp1:
0x1d: {  	(pc) =	sbr.rel @p0 .LBB2_4-.Ltmp1, $2  }
0x1e: {  	_ =	sdelay $0x2  }
0x1f: {  	s14 =	sshra.s32 s13, $0x2;
	s13 =	sadd.s32 $0x40, s13;
	[tilespmem:v2+s11+$0x0] =	vst.idx.add.f32.msk $0xffff, v1  }
0x20: {  	v2 =	vld [tilespmem:s14+$0x0];
	_ =	sdelay $0x7  }
0x21: {  	[tilespmem:v2+s10+$0x0] =	vst.idx.add.f32.msk $0xffff, v1  }
0x22: {  	v2 =	vld [tilespmem:s14+$0x2710];
	_ =	sdelay $0x7  }
0x23: {  	[tilespmem:v2+s11+$0x0] =	vst.idx.add.f32.msk $0xffff, v1  }
0x24: {  	[hbm4b:s5+s2] =	stream.linear.scatter [tilespmem:s10], [sflag:$0x1], $0x2710, $0x38;
	[tilespmem:$0x9C40] =	vst v63  }
0x25: {  	s12 =	sadd.s32 $0x1, s12;
	_ =	swait.ge [sflag:s8], $0x2710  }
0x26: {  	p0 =	sne.s32 s12, s7;
	[sflag:s8] =	ssyncset.done $0x0  }
.Ltmp2:
0x27: {  	[sflag:s8] =	ssyncadd.s32 $0xFFFFD8F0;
	(pc) =	sbr.rel @p0 .LBB2_1-.Ltmp2, $4  }
0x28: {  	[hbm4b:s6+s2] =	stream.linear.scatter [tilespmem:s11], [sflag:$0x1], $0x2710, $0x38;
	[tilespmem:$0x9C40] =	vst v63  }
0x29: {  	_ =	swait.ge [sflag:s8], $0x2710  }
0x2a: {  	[sflag:s8] =	ssyncset.done $0x0  }
0x2b: {  	[sflag:s8] =	ssyncadd.s32 $0xFFFFD8F0  }
0x2c: {  	_ =	sfence.sel $0x180000  }
0x2d: {  	[bflag:$0x0] =	sbarrier.arrive $0xFFFF  }
0x2e: {  	p0 =	sne.s32 s1, $0x0;
	_ =	strace $0x90000047  }
0x2f: {  	s0 =	sadd.s32 @!p0 $0x100000, s0;
	[bflag:$0x2] =	sbarrier.arrive $0xFFFF  }
0x30: {  	[sflag:s0] =	ssyncadd.tile.s32 @!p0 $0x1;
	_ =	shalt  }
.Lfunc_end2:
_tile_overlayer_lowered:
.L_overlay_start_2:
0x31: {  	(tag) =	ssettag $0x2  }
0x32: {  	s0 =	rddreg [dreg:$0x0];
	s2 =	stileid.u32  }
0x33: {  	s1 =	rddreg [dreg:$0x1];
	p0 =	sne.s32 s2, $0x0  }
0x34: {  	s3 =	rddreg [dreg:$0x2];
	[bflag:$0x3] =	sbarrier.arrive $0xFFFF;
	s2 =	simm.s32 @!p0 $0x1C01  }
0x35: {  	[timem:s3], [sflag:s2] =	dma.local @!p0 [hbm:s0], s1  }
0x36: {  	s0 =	simm.s32 @!p0 $0x1  }
0x37: {  	_ =	swait.ge @!p0 [sflag:s0], s1  }
0x38: {  	s1 =	ssub.s32 @!p0 $0x0, s1;
	[sflag:s0] =	ssyncset.done @!p0 $0x0  }
0x39: {  	[sflag:s0] =	ssyncadd.s32 @!p0 s1  }
0x3a: {  	[bflag:$0x3] =	sbarrier.arrive $0xFFFF  }
0x3b: {  	_ =	shalt  }

</sc_bundles>
